<compile_context>
chip_gen: v7x
topology: tpu7x:2x2x1
jax: 0.10.2.dev20260603
libtpu: 0.0.44.dev20260713+nightly
codegen_flags: <defaults>
</compile_context>

<pallas_src>
import jax
import jax.numpy as jnp
from jax import lax
from jax.experimental import pallas as pl
from jax.experimental.pallas import tpu as pltpu
from jax.experimental.pallas import tpu_sc as plsc

N = 10000
E = 320000
D = 128
HD = D // 2
NC = 2
NS = 16
CHUNK = 128
K = 160
SCN = 4
NSUP = K // SCN
E_PAD = NS * K * CHUNK
ACC_N = 10240
ROWS_PER_TILE = ACC_N // NS
STG = N // NS
CW = 16
CZ = 64
IDX_BITS = 14


def _agg_body(tabs, pk, out0, out1, cnt0,
              pkc, dstc, rows_v, ones_v, czbuf, tab_sh, acc_sh, cnt_sh, sem,
              sem_i, sem_s):
  cid = lax.axis_index("c")
  sid = lax.axis_index("s")
  rbase = sid * ROWS_PER_TILE

  def fill_rows(i, carry):
    for j in range(HD // 16):
      rows_v[0, i, pl.ds(16 * j, 16)] = jnp.zeros((16,), jnp.float32)
    ones_v[i, :] = jnp.ones((CW,), jnp.float32)
    return carry
  lax.fori_loop(0, CHUNK, fill_rows, 0)

  @pl.when(cid == 0)
  def _():
    def fill_cz(i, carry):
      czbuf[i, :] = jnp.zeros((CW,), jnp.float32)
      return carry
    lax.fori_loop(0, CZ, fill_cz, 0)
    for m in range(ROWS_PER_TILE // CZ):
      pltpu.sync_copy(czbuf, cnt_sh.at[pl.ds(rbase + m * CZ, CZ)])

  pltpu.sync_copy(tabs.at[cid, pl.ds(sid * STG, STG)],
                  tab_sh.at[pl.ds(sid * STG, STG)])

  for m in range(ROWS_PER_TILE // CHUNK):
    pltpu.sync_copy(rows_v.at[0], acc_sh.at[pl.ds(rbase + m * CHUNK, CHUNK)])

  def unpack(q):
    for jj in range(SCN):
      for i in range(CHUNK // 16):
        v = pkc[q, jj, pl.ds(16 * i, 16)]
        dstc[q, jj, pl.ds(16 * i, 16)] = jnp.right_shift(v, IDX_BITS)
        pkc[q, jj, pl.ds(16 * i, 16)] = v & ((1 << IDX_BITS) - 1)

  def start_idx(q, s):
    pltpu.async_copy(pk.at[sid, pl.ds(s * SCN, SCN)], pkc.at[q], sem_i)

  def wait_idx(q, s):
    pltpu.make_async_copy(pk.at[sid, pl.ds(s * SCN, SCN)], pkc.at[q],
                          sem_i).wait()

  start_idx(0, 0)
  wait_idx(0, 0)
  unpack(0)
  plsc.subcore_barrier()

  pltpu.async_copy(tab_sh.at[pkc.at[0, 0]], rows_v.at[0], sem)

  def superstep(s, carry):
    p = s % 2

    @pl.when(s < NSUP - 1)
    def _():
      start_idx(1 - p, s + 1)

    for jj in range(SCN):
      b = jj % 2
      pltpu.make_async_copy(tab_sh.at[pkc.at[p, jj]], rows_v.at[b],
                            sem).wait()
      if jj > 0:
        pltpu.make_async_copy(rows_v.at[1 - b],
                              acc_sh.at[dstc.at[p, jj - 1]], sem_s).wait()
      else:
        @pl.when(s > 0)
        def _():
          pltpu.make_async_copy(rows_v.at[1 - b],
                                acc_sh.at[dstc.at[1 - p, SCN - 1]],
                                sem_s).wait()
      pltpu.async_copy(rows_v.at[b], acc_sh.at[dstc.at[p, jj]], sem_s,
                       add=True)

      @pl.when(cid == 0)
      def _():
        pltpu.sync_copy(ones_v, cnt_sh.at[dstc.at[p, jj]], add=True)

      if jj < SCN - 1:
        pltpu.async_copy(tab_sh.at[pkc.at[p, jj + 1]], rows_v.at[1 - b], sem)
      else:
        @pl.when(s < NSUP - 1)
        def _():
          pltpu.async_copy(tab_sh.at[pkc.at[1 - p, 0]], rows_v.at[1 - b],
                           sem)

      if jj == SCN - 2:
        @pl.when(s < NSUP - 1)
        def _():
          wait_idx(1 - p, s + 1)
          unpack(1 - p)

    return carry

  lax.fori_loop(0, NSUP, superstep, 0)
  pltpu.make_async_copy(rows_v.at[1], acc_sh.at[dstc.at[(NSUP - 1) % 2,
                                                        SCN - 1]],
                        sem_s).wait()
  plsc.subcore_barrier()

  def write_out(dst_hbm, src_sh):
    @pl.when(sid < NS - 1)
    def _():
      pltpu.sync_copy(src_sh.at[pl.ds(rbase, ROWS_PER_TILE)],
                      dst_hbm.at[pl.ds(rbase, ROWS_PER_TILE)])

    @pl.when(sid == NS - 1)
    def _():
      last = N - (NS - 1) * ROWS_PER_TILE
      pltpu.sync_copy(src_sh.at[pl.ds((NS - 1) * ROWS_PER_TILE, last)],
                      dst_hbm.at[pl.ds((NS - 1) * ROWS_PER_TILE, last)])

  @pl.when(cid == 0)
  def _():
    write_out(out0, acc_sh)
    write_out(cnt0, cnt_sh)

  @pl.when(cid == 1)
  def _():
    write_out(out1, acc_sh)


_agg = pl.kernel(
    _agg_body,
    out_type=(
        jax.ShapeDtypeStruct((N, HD), jnp.float32),
        jax.ShapeDtypeStruct((N, HD), jnp.float32),
        jax.ShapeDtypeStruct((N, CW), jnp.float32),
    ),
    mesh=plsc.VectorSubcoreMesh(core_axis_name="c", subcore_axis_name="s"),
    scratch_types=[
        pltpu.VMEM((2, SCN, CHUNK), jnp.int32),
        pltpu.VMEM((2, SCN, CHUNK), jnp.int32),
        pltpu.VMEM((2, CHUNK, HD), jnp.float32),
        pltpu.VMEM((CHUNK, CW), jnp.float32),
        pltpu.VMEM((CZ, CW), jnp.float32),
        pltpu.VMEM_SHARED((N, HD), jnp.float32),
        pltpu.VMEM_SHARED((ACC_N, HD), jnp.float32),
        pltpu.VMEM_SHARED((ACC_N, CW), jnp.float32),
        pltpu.SemaphoreType.DMA,
        pltpu.SemaphoreType.DMA,
        pltpu.SemaphoreType.DMA,
    ],
    compiler_params=pltpu.CompilerParams(use_tc_tiling_on_sc=False),
)


def _tc_layer(pa, pb, cnt, x2, w_l, w_r, b_l, fl):
  nb = 10
  br = N // nb

  def body(pa_ref, pb_ref, c_ref, x2_ref, wl_ref, wr_ref, b_ref, f_ref,
           o_ref):
    c = jnp.maximum(c_ref[...], 1.0)
    mean = jnp.concatenate([pa_ref[...] / c, pb_ref[...] / c], axis=1)
    xin = jnp.concatenate([x2_ref[0], x2_ref[1]], axis=1)
    dn = (((1,), (1,)), ((), ()))
    r = (lax.dot_general(mean, wl_ref[...], dn,
                         preferred_element_type=jnp.float32)
         + lax.dot_general(xin, wr_ref[...], dn,
                           preferred_element_type=jnp.float32)
         + b_ref[...])
    r = jnp.where(f_ref[...] > 0.5, jnp.maximum(r, 0.0), r)
    o_ref[0] = r[:, :HD]
    o_ref[1] = r[:, HD:]

  half_spec = pl.BlockSpec((br, HD), lambda i: (i, 0))
  split_spec = pl.BlockSpec((2, br, HD), lambda i: (0, i, 0))
  return pl.pallas_call(
      body,
      grid=(nb,),
      in_specs=[
          half_spec, half_spec,
          pl.BlockSpec((br, 1), lambda i: (i, 0)),
          split_spec,
          pl.BlockSpec((D, D), lambda i: (0, 0)),
          pl.BlockSpec((D, D), lambda i: (0, 0)),
          pl.BlockSpec((1, D), lambda i: (0, 0)),
          pl.BlockSpec((1, 1), lambda i: (0, 0)),
      ],
      out_specs=split_spec,
      out_shape=jax.ShapeDtypeStruct((2, N, HD), jnp.float32),
  )(pa, pb, cnt, x2, w_l, w_r, b_l.reshape(1, D), fl)


def kernel(x, edge_index, W1_l, b1_l, W1_r, W2_l, b2_l, W2_r):
  src = edge_index[0].astype(jnp.int32)
  dst = edge_index[1].astype(jnp.int32)
  packed = src | (dst << IDX_BITS)
  pk = jnp.concatenate(
      [packed, jnp.full((E_PAD - E,), N << IDX_BITS, jnp.int32)]
  ).reshape(NS, K, CHUNK)

  x2 = jnp.stack([x[:, :HD], x[:, HD:]])
  wls = jnp.stack([W1_l, W2_l])
  wrs = jnp.stack([W1_r, W2_r])
  bs = jnp.stack([b1_l, b2_l])
  fls = jnp.array([[[1.0]], [[0.0]]], jnp.float32)

  def step(h2, ws):
    w_l, w_r, b_l, fl = ws
    pa, pb, cnt = _agg(h2, pk)
    h2n = _tc_layer(pa, pb, cnt[:, :1], h2, w_l, w_r, b_l, fl)
    return h2n, 0

  out2, _ = lax.scan(step, x2, (wls, wrs, bs, fls))
  return jnp.concatenate([out2[0], out2[1]], axis=1)

# --- scband reference (transcript-rebuilt; emitter-appended) ---
"""Pipeline reference for scband-hetero-gnn-17721035063558 (READ-ONLY COPY).

The authoritative reference and input builder live on the scoring server;
editing this copy changes nothing except your own understanding.
"""

import jax, jax.numpy as jnp
import numpy as np

N_NODES = 10000
N_EDGES = 320000
D = 128


def setup_inputs(seed: int = 0) -> dict:
    key = jax.random.key(seed)
    ks = jax.random.split(key, 10)
    x = jax.random.normal(ks[0], (N_NODES, D), dtype=jnp.float32)
    edge_index = jax.random.randint(ks[1], (2, N_EDGES), 0, N_NODES, dtype=jnp.int64)
    # SAGEConv params: lin_l (with bias) applied to mean-aggregated neighbors,
    # lin_r (no bias) applied to root/self features. Two layers, hidden=128.
    s = 1.0 / np.sqrt(D)
    W1_l = jax.random.uniform(ks[2], (D, D), jnp.float32, -s, s)
    b1_l = jax.random.uniform(ks[3], (D,), jnp.float32, -s, s)
    W1_r = jax.random.uniform(ks[4], (D, D), jnp.float32, -s, s)
    W2_l = jax.random.uniform(ks[5], (D, D), jnp.float32, -s, s)
    b2_l = jax.random.uniform(ks[6], (D,), jnp.float32, -s, s)
    W2_r = jax.random.uniform(ks[7], (D, D), jnp.float32, -s, s)
    return {"x": x, "edge_index": edge_index, "W1_l": W1_l, "b1_l": b1_l,
            "W1_r": W1_r, "W2_l": W2_l, "b2_l": b2_l, "W2_r": W2_r}


def _sage_conv(x, src, dst, W_l, b_l, W_r, num_nodes):
    # message: x_j gathered at source nodes
    msgs = jnp.take(x, src, axis=0)
    # mean aggregation over destination nodes
    summed = jax.ops.segment_sum(msgs, dst, num_segments=num_nodes)
    cnt = jax.ops.segment_sum(jnp.ones((src.shape[0],), dtype=x.dtype), dst,
                              num_segments=num_nodes)
    mean = summed / jnp.clip(cnt, 1.0, None)[:, None]
    return mean @ W_l.T + b_l + x @ W_r.T


def reference(x, edge_index, W1_l, b1_l, W1_r, W2_l, b2_l, W2_r):
    src = edge_index[0]
    dst = edge_index[1]
    n = x.shape[0]
    h = _sage_conv(x, src, dst, W1_l, b1_l, W1_r, n)
    h = jax.nn.relu(h)
    # dropout p=0.2 is identity in eval mode
    out = _sage_conv(h, src, dst, W2_l, b2_l, W2_r, n)
    return out

if __name__ == "__main__":
    import jax
    _d = setup_inputs()
    print(jax.jit(kernel)(*tuple(_d.values())))

</pallas_src>

<mosaic_0001>
#map = affine_map<(d0, d1) -> (0, 0, 0)>
#map1 = affine_map<(d0, d1) -> (0, 0)>
module attributes {stable_mosaic.version = 14 : i64} {
  func.func @_agg_body(%arg0: i32, %arg1: i32, %arg2: memref<2x10000x64xf32, #tpu.memory_space<hbm>>, %arg3: memref<16x160x128xi32, #tpu.memory_space<hbm>>, %arg4: memref<10000x64xf32, #tpu.memory_space<hbm>>, %arg5: memref<10000x64xf32, #tpu.memory_space<hbm>>, %arg6: memref<10000x16xf32, #tpu.memory_space<hbm>>, %arg7: memref<2x4x128xi32, #tpu.memory_space<vmem>>, %arg8: memref<2x4x128xi32, #tpu.memory_space<vmem>>, %arg9: memref<2x128x64xf32, #tpu.memory_space<vmem>>, %arg10: memref<128x16xf32, #tpu.memory_space<vmem>>, %arg11: memref<64x16xf32, #tpu.memory_space<vmem>>, %arg12: memref<10000x64xf32, #tpu.memory_space<vmem_shared>>, %arg13: memref<10240x64xf32, #tpu.memory_space<vmem_shared>>, %arg14: memref<10240x16xf32, #tpu.memory_space<vmem_shared>>, %arg15: memref<!tpu.dma_semaphore, #tpu.memory_space<semaphore_mem>>, %arg16: memref<!tpu.dma_semaphore, #tpu.memory_space<semaphore_mem>>, %arg17: memref<!tpu.dma_semaphore, #tpu.memory_space<semaphore_mem>>) attributes {dimension_semantics = [#tpu.dimension_semantics<core_parallel>, #tpu.dimension_semantics<subcore_parallel>], iteration_bounds = array<i64: 2, 16>, scalar_prefetch = 0 : i64, scratch_operands = 11 : i64, tpu.core_type = #tpu.core_type<sc_vector_subcore>, window_params = [{transform_indices = #map}, {transform_indices = #map}, {transform_indices = #map1}, {transform_indices = #map1}, {transform_indices = #map1}]} {
    %mul3A = arith.constant 640 : i32
    %mul3A_0 = arith.muli %arg1, %mul3A : i32
    %scan3A = arith.constant 0 : i32
    %scan3A_1 = arith.constant 0 : i32
    %scan3A_2 = arith.constant 128 : i32
    %scan3A_3 = arith.addi %scan3A_1, %scan3A_2 : i32
    %scan3A_4 = arith.constant 1 : i32
    scf.for %scan3A_1024 = %scan3A_1 to %scan3A_3 step %scan3A_4  : i32 {
      %broadcast_in_dim3A = arith.constant 0.000000e+00 : f32
      %broadcast_in_dim3A_1025 = vector.broadcast %broadcast_in_dim3A : f32 to vector<16xf32>
      %swap3A_1026 = arith.constant 0 : i32
      %swap3A_1027 = arith.index_cast %swap3A_1026 : i32 to index
      %swap3A_1028 = arith.index_cast %scan3A_1024 : i32 to index
      %swap3A_1029 = arith.constant 0 : index
      %swap3A_1030 = tpu.vector_load %arg9[%swap3A_1027, %swap3A_1028, %swap3A_1029] {strides = array<i32>} : memref<2x128x64xf32, #tpu.memory_space<vmem>>, vector<1x1x16xf32>,
      %swap3A_1031 = vector.shape_cast %swap3A_1030 : vector<1x1x16xf32> to vector<16xf32>
      %swap3A_1032 = vector.shape_cast %broadcast_in_dim3A_1025 : vector<16xf32> to vector<1x1x16xf32>
      tpu.vector_store %arg9[%swap3A_1027, %swap3A_1028, %swap3A_1029], %swap3A_1032 {strides = array<i32>} : memref<2x128x64xf32, #tpu.memory_space<vmem>>, vector<1x1x16xf32>,
      %broadcast_in_dim3A_1033 = arith.constant 0.000000e+00 : f32
      %broadcast_in_dim3A_1034 = vector.broadcast %broadcast_in_dim3A_1033 : f32 to vector<16xf32>
      %swap3A_1035 = arith.constant 0 : i32
      %swap3A_1036 = arith.index_cast %swap3A_1035 : i32 to index
      %swap3A_1037 = arith.index_cast %scan3A_1024 : i32 to index
      %swap3A_1038 = arith.constant 16 : index
      %swap3A_1039 = tpu.vector_load %arg9[%swap3A_1036, %swap3A_1037, %swap3A_1038] {strides = array<i32>} : memref<2x128x64xf32, #tpu.memory_space<vmem>>, vector<1x1x16xf32>,
      %swap3A_1040 = vector.shape_cast %swap3A_1039 : vector<1x1x16xf32> to vector<16xf32>
      %swap3A_1041 = vector.shape_cast %broadcast_in_dim3A_1034 : vector<16xf32> to vector<1x1x16xf32>
      tpu.vector_store %arg9[%swap3A_1036, %swap3A_1037, %swap3A_1038], %swap3A_1041 {strides = array<i32>} : memref<2x128x64xf32, #tpu.memory_space<vmem>>, vector<1x1x16xf32>,
      %broadcast_in_dim3A_1042 = arith.constant 0.000000e+00 : f32
      %broadcast_in_dim3A_1043 = vector.broadcast %broadcast_in_dim3A_1042 : f32 to vector<16xf32>
      %swap3A_1044 = arith.constant 0 : i32
      %swap3A_1045 = arith.index_cast %swap3A_1044 : i32 to index
      %swap3A_1046 = arith.index_cast %scan3A_1024 : i32 to index
      %swap3A_1047 = arith.constant 32 : index
      %swap3A_1048 = tpu.vector_load %arg9[%swap3A_1045, %swap3A_1046, %swap3A_1047] {strides = array<i32>} : memref<2x128x64xf32, #tpu.memory_space<vmem>>, vector<1x1x16xf32>,
      %swap3A_1049 = vector.shape_cast %swap3A_1048 : vector<1x1x16xf32> to vector<16xf32>
      %swap3A_1050 = vector.shape_cast %broadcast_in_dim3A_1043 : vector<16xf32> to vector<1x1x16xf32>
      tpu.vector_store %arg9[%swap3A_1045, %swap3A_1046, %swap3A_1047], %swap3A_1050 {strides = array<i32>} : memref<2x128x64xf32, #tpu.memory_space<vmem>>, vector<1x1x16xf32>,
      %broadcast_in_dim3A_1051 = arith.constant 0.000000e+00 : f32
      %broadcast_in_dim3A_1052 = vector.broadcast %broadcast_in_dim3A_1051 : f32 to vector<16xf32>
      %swap3A_1053 = arith.constant 0 : i32
      %swap3A_1054 = arith.index_cast %swap3A_1053 : i32 to index
      %swap3A_1055 = arith.index_cast %scan3A_1024 : i32 to index
      %swap3A_1056 = arith.constant 48 : index
      %swap3A_1057 = tpu.vector_load %arg9[%swap3A_1054, %swap3A_1055, %swap3A_1056] {strides = array<i32>} : memref<2x128x64xf32, #tpu.memory_space<vmem>>, vector<1x1x16xf32>,
      %swap3A_1058 = vector.shape_cast %swap3A_1057 : vector<1x1x16xf32> to vector<16xf32>
      %swap3A_1059 = vector.shape_cast %broadcast_in_dim3A_1052 : vector<16xf32> to vector<1x1x16xf32>
      tpu.vector_store %arg9[%swap3A_1054, %swap3A_1055, %swap3A_1056], %swap3A_1059 {strides = array<i32>} : memref<2x128x64xf32, #tpu.memory_space<vmem>>, vector<1x1x16xf32>,
      %broadcast_in_dim3A_1060 = arith.constant 1.000000e+00 : f32
      %broadcast_in_dim3A_1061 = vector.broadcast %broadcast_in_dim3A_1060 : f32 to vector<16xf32>
      %swap3A_1062 = arith.index_cast %scan3A_1024 : i32 to index
      %swap3A_1063 = arith.constant 0 : index
      %swap3A_1064 = tpu.vector_load %arg10[%swap3A_1062, %swap3A_1063] {strides = array<i32>} : memref<128x16xf32, #tpu.memory_space<vmem>>, vector<1x16xf32>,
      %swap3A_1065 = vector.shape_cast %swap3A_1064 : vector<1x16xf32> to vector<16xf32>
      %swap3A_1066 = vector.shape_cast %broadcast_in_dim3A_1061 : vector<16xf32> to vector<1x16xf32>
      tpu.vector_store %arg10[%swap3A_1062, %swap3A_1063], %swap3A_1066 {strides = array<i32>} : memref<128x16xf32, #tpu.memory_space<vmem>>, vector<1x16xf32>,
    }
    %scan3A_5 = arith.constant 128 : i32
    %eq3A = arith.constant 0 : i32
    %eq3A_6 = arith.cmpi eq, %arg0, %eq3A : i32
    %convert_element_type3A = arith.extui %eq3A_6 : i1 to i32
    %cond3A = arith.constant 0 : i32
    %cond3A_7 = arith.cmpi ne, %convert_element_type3A, %cond3A : i32
    scf.if %cond3A_7 {
      %scan3A_1024 = arith.constant 0 : i32
      %scan3A_1025 = arith.constant 0 : i32
      %scan3A_1026 = arith.constant 64 : i32
      %scan3A_1027 = arith.addi %scan3A_1025, %scan3A_1026 : i32
      %scan3A_1028 = arith.constant 1 : i32
      scf.for %scan3A_1050 = %scan3A_1025 to %scan3A_1027 step %scan3A_1028  : i32 {
        %broadcast_in_dim3A = arith.constant 0.000000e+00 : f32
        %broadcast_in_dim3A_1051 = vector.broadcast %broadcast_in_dim3A : f32 to vector<16xf32>
        %swap3A_1052 = arith.index_cast %scan3A_1050 : i32 to index
        %swap3A_1053 = arith.constant 0 : index
        %swap3A_1054 = tpu.vector_load %arg11[%swap3A_1052, %swap3A_1053] {strides = array<i32>} : memref<64x16xf32, #tpu.memory_space<vmem>>, vector<1x16xf32>,
        %swap3A_1055 = vector.shape_cast %swap3A_1054 : vector<1x16xf32> to vector<16xf32>
        %swap3A_1056 = vector.shape_cast %broadcast_in_dim3A_1051 : vector<16xf32> to vector<1x16xf32>
        tpu.vector_store %arg11[%swap3A_1052, %swap3A_1053], %swap3A_1056 {strides = array<i32>} : memref<64x16xf32, #tpu.memory_space<vmem>>, vector<1x16xf32>,
      }
      %scan3A_1029 = arith.constant 64 : i32
      %add3A_1030 = arith.constant 0 : i32
      %add3A_1031 = arith.addi %mul3A_0, %add3A_1030 : i32
      "tpu.region"() ({
        %run_scoped3A_1050 = tpu.sem_alloc : memref<!tpu.dma_semaphore, #tpu.memory_space<semaphore_mem>>
        %dma_start3A_1051 = arith.constant 0 : i32
        %dma_start3A_1052 = tpu.memref_slice %arg14[%add3A_1031, %dma_start3A_1051] : memref<10240x16xf32, #tpu.memory_space<vmem_shared>> -> memref<64x16xf32, #tpu.memory_space<vmem_shared>>
        %dma_start3A_1053 = arith.constant 0 : i32
        %dma_start3A_1054 = tpu.memref_slice %arg14[%add3A_1031, %dma_start3A_1053] : memref<10240x16xf32, #tpu.memory_space<vmem_shared>> -> memref<64x16xf32, #tpu.memory_space<vmem_shared>>
        tpu.enqueue_dma source(%arg11 : memref<64x16xf32, #tpu.memory_space<vmem>>) target(%dma_start3A_1054 : memref<64x16xf32, #tpu.memory_space<vmem_shared>>) target_semaphore(%run_scoped3A_1050 : memref<!tpu.dma_semaphore, #tpu.memory_space<semaphore_mem>>)
        %dma_wait3A_1055 = arith.constant 0 : i32
        %dma_wait3A_1056 = tpu.memref_slice %arg14[%add3A_1031, %dma_wait3A_1055] : memref<10240x16xf32, #tpu.memory_space<vmem_shared>> -> memref<64x16xf32, #tpu.memory_space<vmem_shared>>
        %dma_wait3A_1057 = arith.constant 0 : i32
        %dma_wait3A_1058 = tpu.memref_slice %arg14[%add3A_1031, %dma_wait3A_1057] : memref<10240x16xf32, #tpu.memory_space<vmem_shared>> -> memref<64x16xf32, #tpu.memory_space<vmem_shared>>
        tpu.wait_dma2 semaphore(%run_scoped3A_1050 : memref<!tpu.dma_semaphore, #tpu.memory_space<semaphore_mem>>) src(%arg11 : memref<64x16xf32, #tpu.memory_space<vmem>>) dst(%dma_wait3A_1058 : memref<64x16xf32, #tpu.memory_space<vmem_shared>>)
        tpu.yield
      }) : () -> ()
      %add3A_1032 = arith.constant 64 : i32
      %add3A_1033 = arith.addi %mul3A_0, %add3A_1032 : i32
      "tpu.region"() ({
        %run_scoped3A_1050 = tpu.sem_alloc : memref<!tpu.dma_semaphore, #tpu.memory_space<semaphore_mem>>
        %dma_start3A_1051 = arith.constant 0 : i32
        %dma_start3A_1052 = tpu.memref_slice %arg14[%add3A_1033, %dma_start3A_1051] : memref<10240x16xf32, #tpu.memory_space<vmem_shared>> -> memref<64x16xf32, #tpu.memory_space<vmem_shared>>
        %dma_start3A_1053 = arith.constant 0 : i32
        %dma_start3A_1054 = tpu.memref_slice %arg14[%add3A_1033, %dma_start3A_1053] : memref<10240x16xf32, #tpu.memory_space<vmem_shared>> -> memref<64x16xf32, #tpu.memory_space<vmem_shared>>
        tpu.enqueue_dma source(%arg11 : memref<64x16xf32, #tpu.memory_space<vmem>>) target(%dma_start3A_1054 : memref<64x16xf32, #tpu.memory_space<vmem_shared>>) target_semaphore(%run_scoped3A_1050 : memref<!tpu.dma_semaphore, #tpu.memory_space<semaphore_mem>>)
        %dma_wait3A_1055 = arith.constant 0 : i32
        %dma_wait3A_1056 = tpu.memref_slice %arg14[%add3A_1033, %dma_wait3A_1055] : memref<10240x16xf32, #tpu.memory_space<vmem_shared>> -> memref<64x16xf32, #tpu.memory_space<vmem_shared>>
        %dma_wait3A_1057 = arith.constant 0 : i32
        %dma_wait3A_1058 = tpu.memref_slice %arg14[%add3A_1033, %dma_wait3A_1057] : memref<10240x16xf32, #tpu.memory_space<vmem_shared>> -> memref<64x16xf32, #tpu.memory_space<vmem_shared>>
        tpu.wait_dma2 semaphore(%run_scoped3A_1050 : memref<!tpu.dma_semaphore, #tpu.memory_space<semaphore_mem>>) src(%arg11 : memref<64x16xf32, #tpu.memory_space<vmem>>) dst(%dma_wait3A_1058 : memref<64x16xf32, #tpu.memory_space<vmem_shared>>)
        tpu.yield
      }) : () -> ()
      %add3A_1034 = arith.constant 128 : i32
      %add3A_1035 = arith.addi %mul3A_0, %add3A_1034 : i32
      "tpu.region"() ({
        %run_scoped3A_1050 = tpu.sem_alloc : memref<!tpu.dma_semaphore, #tpu.memory_space<semaphore_mem>>
        %dma_start3A_1051 = arith.constant 0 : i32
        %dma_start3A_1052 = tpu.memref_slice %arg14[%add3A_1035, %dma_start3A_1051] : memref<10240x16xf32, #tpu.memory_space<vmem_shared>> -> memref<64x16xf32, #tpu.memory_space<vmem_shared>>
        %dma_start3A_1053 = arith.constant 0 : i32
        %dma_start3A_1054 = tpu.memref_slice %arg14[%add3A_1035, %dma_start3A_1053] : memref<10240x16xf32, #tpu.memory_space<vmem_shared>> -> memref<64x16xf32, #tpu.memory_space<vmem_shared>>
        tpu.enqueue_dma source(%arg11 : memref<64x16xf32, #tpu.memory_space<vmem>>) target(%dma_start3A_1054 : memref<64x16xf32, #tpu.memory_space<vmem_shared>>) target_semaphore(%run_scoped3A_1050 : memref<!tpu.dma_semaphore, #tpu.memory_space<semaphore_mem>>)
        %dma_wait3A_1055 = arith.constant 0 : i32
        %dma_wait3A_1056 = tpu.memref_slice %arg14[%add3A_1035, %dma_wait3A_1055] : memref<10240x16xf32, #tpu.memory_space<vmem_shared>> -> memref<64x16xf32, #tpu.memory_space<vmem_shared>>
        %dma_wait3A_1057 = arith.constant 0 : i32
        %dma_wait3A_1058 = tpu.memref_slice %arg14[%add3A_1035, %dma_wait3A_1057] : memref<10240x16xf32, #tpu.memory_space<vmem_shared>> -> memref<64x16xf32, #tpu.memory_space<vmem_shared>>
        tpu.wait_dma2 semaphore(%run_scoped3A_1050 : memref<!tpu.dma_semaphore, #tpu.memory_space<semaphore_mem>>) src(%arg11 : memref<64x16xf32, #tpu.memory_space<vmem>>) dst(%dma_wait3A_1058 : memref<64x16xf32, #tpu.memory_space<vmem_shared>>)
        tpu.yield
      }) : () -> ()
      %add3A_1036 = arith.constant 192 : i32
      %add3A_1037 = arith.addi %mul3A_0, %add3A_1036 : i32
      "tpu.region"() ({
        %run_scoped3A_1050 = tpu.sem_alloc : memref<!tpu.dma_semaphore, #tpu.memory_space<semaphore_mem>>
        %dma_start3A_1051 = arith.constant 0 : i32
        %dma_start3A_1052 = tpu.memref_slice %arg14[%add3A_1037, %dma_start3A_1051] : memref<10240x16xf32, #tpu.memory_space<vmem_shared>> -> memref<64x16xf32, #tpu.memory_space<vmem_shared>>
        %dma_start3A_1053 = arith.constant 0 : i32
        %dma_start3A_1054 = tpu.memref_slice %arg14[%add3A_1037, %dma_start3A_1053] : memref<10240x16xf32, #tpu.memory_space<vmem_shared>> -> memref<64x16xf32, #tpu.memory_space<vmem_shared>>
        tpu.enqueue_dma source(%arg11 : memref<64x16xf32, #tpu.memory_space<vmem>>) target(%dma_start3A_1054 : memref<64x16xf32, #tpu.memory_space<vmem_shared>>) target_semaphore(%run_scoped3A_1050 : memref<!tpu.dma_semaphore, #tpu.memory_space<semaphore_mem>>)
        %dma_wait3A_1055 = arith.constant 0 : i32
        %dma_wait3A_1056 = tpu.memref_slice %arg14[%add3A_1037, %dma_wait3A_1055] : memref<10240x16xf32, #tpu.memory_space<vmem_shared>> -> memref<64x16xf32, #tpu.memory_space<vmem_shared>>
        %dma_wait3A_1057 = arith.constant 0 : i32
        %dma_wait3A_1058 = tpu.memref_slice %arg14[%add3A_1037, %dma_wait3A_1057] : memref<10240x16xf32, #tpu.memory_space<vmem_shared>> -> memref<64x16xf32, #tpu.memory_space<vmem_shared>>
        tpu.wait_dma2 semaphore(%run_scoped3A_1050 : memref<!tpu.dma_semaphore, #tpu.memory_space<semaphore_mem>>) src(%arg11 : memref<64x16xf32, #tpu.memory_space<vmem>>) dst(%dma_wait3A_1058 : memref<64x16xf32, #tpu.memory_space<vmem_shared>>)
        tpu.yield
      }) : () -> ()
      %add3A_1038 = arith.constant 256 : i32
      %add3A_1039 = arith.addi %mul3A_0, %add3A_1038 : i32
      "tpu.region"() ({
        %run_scoped3A_1050 = tpu.sem_alloc : memref<!tpu.dma_semaphore, #tpu.memory_space<semaphore_mem>>
        %dma_start3A_1051 = arith.constant 0 : i32
        %dma_start3A_1052 = tpu.memref_slice %arg14[%add3A_1039, %dma_start3A_1051] : memref<10240x16xf32, #tpu.memory_space<vmem_shared>> -> memref<64x16xf32, #tpu.memory_space<vmem_shared>>
        %dma_start3A_1053 = arith.constant 0 : i32
        %dma_start3A_1054 = tpu.memref_slice %arg14[%add3A_1039, %dma_start3A_1053] : memref<10240x16xf32, #tpu.memory_space<vmem_shared>> -> memref<64x16xf32, #tpu.memory_space<vmem_shared>>
        tpu.enqueue_dma source(%arg11 : memref<64x16xf32, #tpu.memory_space<vmem>>) target(%dma_start3A_1054 : memref<64x16xf32, #tpu.memory_space<vmem_shared>>) target_semaphore(%run_scoped3A_1050 : memref<!tpu.dma_semaphore, #tpu.memory_space<semaphore_mem>>)
        %dma_wait3A_1055 = arith.constant 0 : i32
        %dma_wait3A_1056 = tpu.memref_slice %arg14[%add3A_1039, %dma_wait3A_1055] : memref<10240x16xf32, #tpu.memory_space<vmem_shared>> -> memref<64x16xf32, #tpu.memory_space<vmem_shared>>
        %dma_wait3A_1057 = arith.constant 0 : i32
        %dma_wait3A_1058 = tpu.memref_slice %arg14[%add3A_1039, %dma_wait3A_1057] : memref<10240x16xf32, #tpu.memory_space<vmem_shared>> -> memref<64x16xf32, #tpu.memory_space<vmem_shared>>
        tpu.wait_dma2 semaphore(%run_scoped3A_1050 : memref<!tpu.dma_semaphore, #tpu.memory_space<semaphore_mem>>) src(%arg11 : memref<64x16xf32, #tpu.memory_space<vmem>>) dst(%dma_wait3A_1058 : memref<64x16xf32, #tpu.memory_space<vmem_shared>>)
        tpu.yield
      }) : () -> ()
      %add3A_1040 = arith.constant 320 : i32
      %add3A_1041 = arith.addi %mul3A_0, %add3A_1040 : i32
      "tpu.region"() ({
        %run_scoped3A_1050 = tpu.sem_alloc : memref<!tpu.dma_semaphore, #tpu.memory_space<semaphore_mem>>
        %dma_start3A_1051 = arith.constant 0 : i32
        %dma_start3A_1052 = tpu.memref_slice %arg14[%add3A_1041, %dma_start3A_1051] : memref<10240x16xf32, #tpu.memory_space<vmem_shared>> -> memref<64x16xf32, #tpu.memory_space<vmem_shared>>
        %dma_start3A_1053 = arith.constant 0 : i32
        %dma_start3A_1054 = tpu.memref_slice %arg14[%add3A_1041, %dma_start3A_1053] : memref<10240x16xf32, #tpu.memory_space<vmem_shared>> -> memref<64x16xf32, #tpu.memory_space<vmem_shared>>
        tpu.enqueue_dma source(%arg11 : memref<64x16xf32, #tpu.memory_space<vmem>>) target(%dma_start3A_1054 : memref<64x16xf32, #tpu.memory_space<vmem_shared>>) target_semaphore(%run_scoped3A_1050 : memref<!tpu.dma_semaphore, #tpu.memory_space<semaphore_mem>>)
        %dma_wait3A_1055 = arith.constant 0 : i32
        %dma_wait3A_1056 = tpu.memref_slice %arg14[%add3A_1041, %dma_wait3A_1055] : memref<10240x16xf32, #tpu.memory_space<vmem_shared>> -> memref<64x16xf32, #tpu.memory_space<vmem_shared>>
        %dma_wait3A_1057 = arith.constant 0 : i32
        %dma_wait3A_1058 = tpu.memref_slice %arg14[%add3A_1041, %dma_wait3A_1057] : memref<10240x16xf32, #tpu.memory_space<vmem_shared>> -> memref<64x16xf32, #tpu.memory_space<vmem_shared>>
        tpu.wait_dma2 semaphore(%run_scoped3A_1050 : memref<!tpu.dma_semaphore, #tpu.memory_space<semaphore_mem>>) src(%arg11 : memref<64x16xf32, #tpu.memory_space<vmem>>) dst(%dma_wait3A_1058 : memref<64x16xf32, #tpu.memory_space<vmem_shared>>)
        tpu.yield
      }) : () -> ()
      %add3A_1042 = arith.constant 384 : i32
      %add3A_1043 = arith.addi %mul3A_0, %add3A_1042 : i32
      "tpu.region"() ({
        %run_scoped3A_1050 = tpu.sem_alloc : memref<!tpu.dma_semaphore, #tpu.memory_space<semaphore_mem>>
        %dma_start3A_1051 = arith.constant 0 : i32
        %dma_start3A_1052 = tpu.memref_slice %arg14[%add3A_1043, %dma_start3A_1051] : memref<10240x16xf32, #tpu.memory_space<vmem_shared>> -> memref<64x16xf32, #tpu.memory_space<vmem_shared>>
        %dma_start3A_1053 = arith.constant 0 : i32
        %dma_start3A_1054 = tpu.memref_slice %arg14[%add3A_1043, %dma_start3A_1053] : memref<10240x16xf32, #tpu.memory_space<vmem_shared>> -> memref<64x16xf32, #tpu.memory_space<vmem_shared>>
        tpu.enqueue_dma source(%arg11 : memref<64x16xf32, #tpu.memory_space<vmem>>) target(%dma_start3A_1054 : memref<64x16xf32, #tpu.memory_space<vmem_shared>>) target_semaphore(%run_scoped3A_1050 : memref<!tpu.dma_semaphore, #tpu.memory_space<semaphore_mem>>)
        %dma_wait3A_1055 = arith.constant 0 : i32
        %dma_wait3A_1056 = tpu.memref_slice %arg14[%add3A_1043, %dma_wait3A_1055] : memref<10240x16xf32, #tpu.memory_space<vmem_shared>> -> memref<64x16xf32, #tpu.memory_space<vmem_shared>>
        %dma_wait3A_1057 = arith.constant 0 : i32
        %dma_wait3A_1058 = tpu.memref_slice %arg14[%add3A_1043, %dma_wait3A_1057] : memref<10240x16xf32, #tpu.memory_space<vmem_shared>> -> memref<64x16xf32, #tpu.memory_space<vmem_shared>>
        tpu.wait_dma2 semaphore(%run_scoped3A_1050 : memref<!tpu.dma_semaphore, #tpu.memory_space<semaphore_mem>>) src(%arg11 : memref<64x16xf32, #tpu.memory_space<vmem>>) dst(%dma_wait3A_1058 : memref<64x16xf32, #tpu.memory_space<vmem_shared>>)
        tpu.yield
      }) : () -> ()
      %add3A_1044 = arith.constant 448 : i32
      %add3A_1045 = arith.addi %mul3A_0, %add3A_1044 : i32
      "tpu.region"() ({
        %run_scoped3A_1050 = tpu.sem_alloc : memref<!tpu.dma_semaphore, #tpu.memory_space<semaphore_mem>>
        %dma_start3A_1051 = arith.constant 0 : i32
        %dma_start3A_1052 = tpu.memref_slice %arg14[%add3A_1045, %dma_start3A_1051] : memref<10240x16xf32, #tpu.memory_space<vmem_shared>> -> memref<64x16xf32, #tpu.memory_space<vmem_shared>>
        %dma_start3A_1053 = arith.constant 0 : i32
        %dma_start3A_1054 = tpu.memref_slice %arg14[%add3A_1045, %dma_start3A_1053] : memref<10240x16xf32, #tpu.memory_space<vmem_shared>> -> memref<64x16xf32, #tpu.memory_space<vmem_shared>>
        tpu.enqueue_dma source(%arg11 : memref<64x16xf32, #tpu.memory_space<vmem>>) target(%dma_start3A_1054 : memref<64x16xf32, #tpu.memory_space<vmem_shared>>) target_semaphore(%run_scoped3A_1050 : memref<!tpu.dma_semaphore, #tpu.memory_space<semaphore_mem>>)
        %dma_wait3A_1055 = arith.constant 0 : i32
        %dma_wait3A_1056 = tpu.memref_slice %arg14[%add3A_1045, %dma_wait3A_1055] : memref<10240x16xf32, #tpu.memory_space<vmem_shared>> -> memref<64x16xf32, #tpu.memory_space<vmem_shared>>
        %dma_wait3A_1057 = arith.constant 0 : i32
        %dma_wait3A_1058 = tpu.memref_slice %arg14[%add3A_1045, %dma_wait3A_1057] : memref<10240x16xf32, #tpu.memory_space<vmem_shared>> -> memref<64x16xf32, #tpu.memory_space<vmem_shared>>
        tpu.wait_dma2 semaphore(%run_scoped3A_1050 : memref<!tpu.dma_semaphore, #tpu.memory_space<semaphore_mem>>) src(%arg11 : memref<64x16xf32, #tpu.memory_space<vmem>>) dst(%dma_wait3A_1058 : memref<64x16xf32, #tpu.memory_space<vmem_shared>>)
        tpu.yield
      }) : () -> ()
      %add3A_1046 = arith.constant 512 : i32
      %add3A_1047 = arith.addi %mul3A_0, %add3A_1046 : i32
      "tpu.region"() ({
        %run_scoped3A_1050 = tpu.sem_alloc : memref<!tpu.dma_semaphore, #tpu.memory_space<semaphore_mem>>
        %dma_start3A_1051 = arith.constant 0 : i32
        %dma_start3A_1052 = tpu.memref_slice %arg14[%add3A_1047, %dma_start3A_1051] : memref<10240x16xf32, #tpu.memory_space<vmem_shared>> -> memref<64x16xf32, #tpu.memory_space<vmem_shared>>
        %dma_start3A_1053 = arith.constant 0 : i32
        %dma_start3A_1054 = tpu.memref_slice %arg14[%add3A_1047, %dma_start3A_1053] : memref<10240x16xf32, #tpu.memory_space<vmem_shared>> -> memref<64x16xf32, #tpu.memory_space<vmem_shared>>
        tpu.enqueue_dma source(%arg11 : memref<64x16xf32, #tpu.memory_space<vmem>>) target(%dma_start3A_1054 : memref<64x16xf32, #tpu.memory_space<vmem_shared>>) target_semaphore(%run_scoped3A_1050 : memref<!tpu.dma_semaphore, #tpu.memory_space<semaphore_mem>>)
        %dma_wait3A_1055 = arith.constant 0 : i32
        %dma_wait3A_1056 = tpu.memref_slice %arg14[%add3A_1047, %dma_wait3A_1055] : memref<10240x16xf32, #tpu.memory_space<vmem_shared>> -> memref<64x16xf32, #tpu.memory_space<vmem_shared>>
        %dma_wait3A_1057 = arith.constant 0 : i32
        %dma_wait3A_1058 = tpu.memref_slice %arg14[%add3A_1047, %dma_wait3A_1057] : memref<10240x16xf32, #tpu.memory_space<vmem_shared>> -> memref<64x16xf32, #tpu.memory_space<vmem_shared>>
        tpu.wait_dma2 semaphore(%run_scoped3A_1050 : memref<!tpu.dma_semaphore, #tpu.memory_space<semaphore_mem>>) src(%arg11 : memref<64x16xf32, #tpu.memory_space<vmem>>) dst(%dma_wait3A_1058 : memref<64x16xf32, #tpu.memory_space<vmem_shared>>)
        tpu.yield
      }) : () -> ()
      %add3A_1048 = arith.constant 576 : i32
      %add3A_1049 = arith.addi %mul3A_0, %add3A_1048 : i32
      "tpu.region"() ({
        %run_scoped3A_1050 = tpu.sem_alloc : memref<!tpu.dma_semaphore, #tpu.memory_space<semaphore_mem>>
        %dma_start3A_1051 = arith.constant 0 : i32
        %dma_start3A_1052 = tpu.memref_slice %arg14[%add3A_1049, %dma_start3A_1051] : memref<10240x16xf32, #tpu.memory_space<vmem_shared>> -> memref<64x16xf32, #tpu.memory_space<vmem_shared>>
        %dma_start3A_1053 = arith.constant 0 : i32
        %dma_start3A_1054 = tpu.memref_slice %arg14[%add3A_1049, %dma_start3A_1053] : memref<10240x16xf32, #tpu.memory_space<vmem_shared>> -> memref<64x16xf32, #tpu.memory_space<vmem_shared>>
        tpu.enqueue_dma source(%arg11 : memref<64x16xf32, #tpu.memory_space<vmem>>) target(%dma_start3A_1054 : memref<64x16xf32, #tpu.memory_space<vmem_shared>>) target_semaphore(%run_scoped3A_1050 : memref<!tpu.dma_semaphore, #tpu.memory_space<semaphore_mem>>)
        %dma_wait3A_1055 = arith.constant 0 : i32
        %dma_wait3A_1056 = tpu.memref_slice %arg14[%add3A_1049, %dma_wait3A_1055] : memref<10240x16xf32, #tpu.memory_space<vmem_shared>> -> memref<64x16xf32, #tpu.memory_space<vmem_shared>>
        %dma_wait3A_1057 = arith.constant 0 : i32
        %dma_wait3A_1058 = tpu.memref_slice %arg14[%add3A_1049, %dma_wait3A_1057] : memref<10240x16xf32, #tpu.memory_space<vmem_shared>> -> memref<64x16xf32, #tpu.memory_space<vmem_shared>>
        tpu.wait_dma2 semaphore(%run_scoped3A_1050 : memref<!tpu.dma_semaphore, #tpu.memory_space<semaphore_mem>>) src(%arg11 : memref<64x16xf32, #tpu.memory_space<vmem>>) dst(%dma_wait3A_1058 : memref<64x16xf32, #tpu.memory_space<vmem_shared>>)
        tpu.yield
      }) : () -> ()
    } else {
    }
    %mul3A_8 = arith.constant 625 : i32
    %mul3A_9 = arith.muli %arg1, %mul3A_8 : i32
    %mul3A_10 = arith.constant 625 : i32
    %mul3A_11 = arith.muli %arg1, %mul3A_10 : i32
    "tpu.region"() ({
      %run_scoped3A_1024 = tpu.sem_alloc : memref<!tpu.dma_semaphore, #tpu.memory_space<semaphore_mem>>
      %dma_start3A_1025 = arith.constant 0 : i32
      %dma_start3A_1026 = tpu.memref_slice %arg12[%mul3A_11, %dma_start3A_1025] : memref<10000x64xf32, #tpu.memory_space<vmem_shared>> -> memref<625x64xf32, #tpu.memory_space<vmem_shared>>
      %dma_start3A_1027 = arith.constant 0 : i32
      %dma_start3A_1028 = tpu.memref_slice %arg2[%arg0, %mul3A_9, %dma_start3A_1027] : memref<2x10000x64xf32, #tpu.memory_space<hbm>> -> memref<1x625x64xf32, #tpu.memory_space<hbm>>
      %dma_start3A_1029 = tpu.memref_squeeze %dma_start3A_1028 : memref<1x625x64xf32, #tpu.memory_space<hbm>> -> memref<625x64xf32, #tpu.memory_space<hbm>>
      tpu.enqueue_dma source(%dma_start3A_1029 : memref<625x64xf32, #tpu.memory_space<hbm>>) target(%dma_start3A_1026 : memref<625x64xf32, #tpu.memory_space<vmem_shared>>) target_semaphore(%run_scoped3A_1024 : memref<!tpu.dma_semaphore, #tpu.memory_space<semaphore_mem>>)
      %dma_wait3A_1030 = arith.constant 0 : i32
      %dma_wait3A_1031 = tpu.memref_slice %arg12[%mul3A_11, %dma_wait3A_1030] : memref<10000x64xf32, #tpu.memory_space<vmem_shared>> -> memref<625x64xf32, #tpu.memory_space<vmem_shared>>
      %dma_wait3A_1032 = arith.constant 0 : i32
      %dma_wait3A_1033 = tpu.memref_slice %arg2[%arg0, %mul3A_9, %dma_wait3A_1032] : memref<2x10000x64xf32, #tpu.memory_space<hbm>> -> memref<1x625x64xf32, #tpu.memory_space<hbm>>
      %dma_wait3A_1034 = tpu.memref_squeeze %dma_wait3A_1033 : memref<1x625x64xf32, #tpu.memory_space<hbm>> -> memref<625x64xf32, #tpu.memory_space<hbm>>
      tpu.wait_dma2 semaphore(%run_scoped3A_1024 : memref<!tpu.dma_semaphore, #tpu.memory_space<semaphore_mem>>) src(%dma_wait3A_1034 : memref<625x64xf32, #tpu.memory_space<hbm>>) dst(%dma_wait3A_1031 : memref<625x64xf32, #tpu.memory_space<vmem_shared>>)
      tpu.yield
    }) : () -> ()
    %add3A = arith.constant 0 : i32
    %add3A_12 = arith.addi %mul3A_0, %add3A : i32
    %run_scoped3A = arith.constant 0 : i32
    "tpu.region"() ({
      %run_scoped3A_1024 = tpu.sem_alloc : memref<!tpu.dma_semaphore, #tpu.memory_space<semaphore_mem>>
      %dma_start3A_1025 = arith.constant 0 : i32
      %dma_start3A_1026 = arith.constant 0 : i32
      %dma_start3A_1027 = tpu.memref_slice %arg9[%run_scoped3A, %dma_start3A_1025, %dma_start3A_1026] : memref<2x128x64xf32, #tpu.memory_space<vmem>> -> memref<1x128x64xf32, #tpu.memory_space<vmem>>
      %dma_start3A_1028 = tpu.memref_squeeze %dma_start3A_1027 : memref<1x128x64xf32, #tpu.memory_space<vmem>> -> memref<128x64xf32, #tpu.memory_space<vmem>>
      %dma_start3A_1029 = arith.constant 0 : i32
      %dma_start3A_1030 = tpu.memref_slice %arg13[%add3A_12, %dma_start3A_1029] : memref<10240x64xf32, #tpu.memory_space<vmem_shared>> -> memref<128x64xf32, #tpu.memory_space<vmem_shared>>
      %dma_start3A_1031 = arith.constant 0 : i32
      %dma_start3A_1032 = tpu.memref_slice %arg13[%add3A_12, %dma_start3A_1031] : memref<10240x64xf32, #tpu.memory_space<vmem_shared>> -> memref<128x64xf32, #tpu.memory_space<vmem_shared>>
      %dma_start3A_1033 = arith.constant 0 : i32
      %dma_start3A_1034 = arith.constant 0 : i32
      %dma_start3A_1035 = tpu.memref_slice %arg9[%run_scoped3A, %dma_start3A_1033, %dma_start3A_1034] : memref<2x128x64xf32, #tpu.memory_space<vmem>> -> memref<1x128x64xf32, #tpu.memory_space<vmem>>
      %dma_start3A_1036 = tpu.memref_squeeze %dma_start3A_1035 : memref<1x128x64xf32, #tpu.memory_space<vmem>> -> memref<128x64xf32, #tpu.memory_space<vmem>>
      tpu.enqueue_dma source(%dma_start3A_1036 : memref<128x64xf32, #tpu.memory_space<vmem>>) target(%dma_start3A_1032 : memref<128x64xf32, #tpu.memory_space<vmem_shared>>) target_semaphore(%run_scoped3A_1024 : memref<!tpu.dma_semaphore, #tpu.memory_space<semaphore_mem>>)
      %dma_wait3A_1037 = arith.constant 0 : i32
      %dma_wait3A_1038 = arith.constant 0 : i32
      %dma_wait3A_1039 = tpu.memref_slice %arg9[%run_scoped3A, %dma_wait3A_1037, %dma_wait3A_1038] : memref<2x128x64xf32, #tpu.memory_space<vmem>> -> memref<1x128x64xf32, #tpu.memory_space<vmem>>
      %dma_wait3A_1040 = tpu.memref_squeeze %dma_wait3A_1039 : memref<1x128x64xf32, #tpu.memory_space<vmem>> -> memref<128x64xf32, #tpu.memory_space<vmem>>
      %dma_wait3A_1041 = arith.constant 0 : i32
      %dma_wait3A_1042 = tpu.memref_slice %arg13[%add3A_12, %dma_wait3A_1041] : memref<10240x64xf32, #tpu.memory_space<vmem_shared>> -> memref<128x64xf32, #tpu.memory_space<vmem_shared>>
      %dma_wait3A_1043 = arith.constant 0 : i32
      %dma_wait3A_1044 = tpu.memref_slice %arg13[%add3A_12, %dma_wait3A_1043] : memref<10240x64xf32, #tpu.memory_space<vmem_shared>> -> memref<128x64xf32, #tpu.memory_space<vmem_shared>>
      %dma_wait3A_1045 = arith.constant 0 : i32
      %dma_wait3A_1046 = arith.constant 0 : i32
      %dma_wait3A_1047 = tpu.memref_slice %arg9[%run_scoped3A, %dma_wait3A_1045, %dma_wait3A_1046] : memref<2x128x64xf32, #tpu.memory_space<vmem>> -> memref<1x128x64xf32, #tpu.memory_space<vmem>>
      %dma_wait3A_1048 = tpu.memref_squeeze %dma_wait3A_1047 : memref<1x128x64xf32, #tpu.memory_space<vmem>> -> memref<128x64xf32, #tpu.memory_space<vmem>>
      tpu.wait_dma2 semaphore(%run_scoped3A_1024 : memref<!tpu.dma_semaphore, #tpu.memory_space<semaphore_mem>>) src(%dma_wait3A_1048 : memref<128x64xf32, #tpu.memory_space<vmem>>) dst(%dma_wait3A_1044 : memref<128x64xf32, #tpu.memory_space<vmem_shared>>)
      tpu.yield
    }) : () -> ()
    %add3A_13 = arith.constant 128 : i32
    %add3A_14 = arith.addi %mul3A_0, %add3A_13 : i32
    %run_scoped3A_15 = arith.constant 0 : i32
    "tpu.region"() ({
      %run_scoped3A_1024 = tpu.sem_alloc : memref<!tpu.dma_semaphore, #tpu.memory_space<semaphore_mem>>
      %dma_start3A_1025 = arith.constant 0 : i32
      %dma_start3A_1026 = arith.constant 0 : i32
      %dma_start3A_1027 = tpu.memref_slice %arg9[%run_scoped3A_15, %dma_start3A_1025, %dma_start3A_1026] : memref<2x128x64xf32, #tpu.memory_space<vmem>> -> memref<1x128x64xf32, #tpu.memory_space<vmem>>
      %dma_start3A_1028 = tpu.memref_squeeze %dma_start3A_1027 : memref<1x128x64xf32, #tpu.memory_space<vmem>> -> memref<128x64xf32, #tpu.memory_space<vmem>>
      %dma_start3A_1029 = arith.constant 0 : i32
      %dma_start3A_1030 = tpu.memref_slice %arg13[%add3A_14, %dma_start3A_1029] : memref<10240x64xf32, #tpu.memory_space<vmem_shared>> -> memref<128x64xf32, #tpu.memory_space<vmem_shared>>
      %dma_start3A_1031 = arith.constant 0 : i32
      %dma_start3A_1032 = tpu.memref_slice %arg13[%add3A_14, %dma_start3A_1031] : memref<10240x64xf32, #tpu.memory_space<vmem_shared>> -> memref<128x64xf32, #tpu.memory_space<vmem_shared>>
      %dma_start3A_1033 = arith.constant 0 : i32
      %dma_start3A_1034 = arith.constant 0 : i32
      %dma_start3A_1035 = tpu.memref_slice %arg9[%run_scoped3A_15, %dma_start3A_1033, %dma_start3A_1034] : memref<2x128x64xf32, #tpu.memory_space<vmem>> -> memref<1x128x64xf32, #tpu.memory_space<vmem>>
      %dma_start3A_1036 = tpu.memref_squeeze %dma_start3A_1035 : memref<1x128x64xf32, #tpu.memory_space<vmem>> -> memref<128x64xf32, #tpu.memory_space<vmem>>
      tpu.enqueue_dma source(%dma_start3A_1036 : memref<128x64xf32, #tpu.memory_space<vmem>>) target(%dma_start3A_1032 : memref<128x64xf32, #tpu.memory_space<vmem_shared>>) target_semaphore(%run_scoped3A_1024 : memref<!tpu.dma_semaphore, #tpu.memory_space<semaphore_mem>>)
      %dma_wait3A_1037 = arith.constant 0 : i32
      %dma_wait3A_1038 = arith.constant 0 : i32
      %dma_wait3A_1039 = tpu.memref_slice %arg9[%run_scoped3A_15, %dma_wait3A_1037, %dma_wait3A_1038] : memref<2x128x64xf32, #tpu.memory_space<vmem>> -> memref<1x128x64xf32, #tpu.memory_space<vmem>>
      %dma_wait3A_1040 = tpu.memref_squeeze %dma_wait3A_1039 : memref<1x128x64xf32, #tpu.memory_space<vmem>> -> memref<128x64xf32, #tpu.memory_space<vmem>>
      %dma_wait3A_1041 = arith.constant 0 : i32
      %dma_wait3A_1042 = tpu.memref_slice %arg13[%add3A_14, %dma_wait3A_1041] : memref<10240x64xf32, #tpu.memory_space<vmem_shared>> -> memref<128x64xf32, #tpu.memory_space<vmem_shared>>
      %dma_wait3A_1043 = arith.constant 0 : i32
      %dma_wait3A_1044 = tpu.memref_slice %arg13[%add3A_14, %dma_wait3A_1043] : memref<10240x64xf32, #tpu.memory_space<vmem_shared>> -> memref<128x64xf32, #tpu.memory_space<vmem_shared>>
      %dma_wait3A_1045 = arith.constant 0 : i32
      %dma_wait3A_1046 = arith.constant 0 : i32
      %dma_wait3A_1047 = tpu.memref_slice %arg9[%run_scoped3A_15, %dma_wait3A_1045, %dma_wait3A_1046] : memref<2x128x64xf32, #tpu.memory_space<vmem>> -> memref<1x128x64xf32, #tpu.memory_space<vmem>>
      %dma_wait3A_1048 = tpu.memref_squeeze %dma_wait3A_1047 : memref<1x128x64xf32, #tpu.memory_space<vmem>> -> memref<128x64xf32, #tpu.memory_space<vmem>>
      tpu.wait_dma2 semaphore(%run_scoped3A_1024 : memref<!tpu.dma_semaphore, #tpu.memory_space<semaphore_mem>>) src(%dma_wait3A_1048 : memref<128x64xf32, #tpu.memory_space<vmem>>) dst(%dma_wait3A_1044 : memref<128x64xf32, #tpu.memory_space<vmem_shared>>)
      tpu.yield
    }) : () -> ()
    %add3A_16 = arith.constant 256 : i32
    %add3A_17 = arith.addi %mul3A_0, %add3A_16 : i32
    %run_scoped3A_18 = arith.constant 0 : i32
    "tpu.region"() ({
      %run_scoped3A_1024 = tpu.sem_alloc : memref<!tpu.dma_semaphore, #tpu.memory_space<semaphore_mem>>
      %dma_start3A_1025 = arith.constant 0 : i32
      %dma_start3A_1026 = arith.constant 0 : i32
      %dma_start3A_1027 = tpu.memref_slice %arg9[%run_scoped3A_18, %dma_start3A_1025, %dma_start3A_1026] : memref<2x128x64xf32, #tpu.memory_space<vmem>> -> memref<1x128x64xf32, #tpu.memory_space<vmem>>
      %dma_start3A_1028 = tpu.memref_squeeze %dma_start3A_1027 : memref<1x128x64xf32, #tpu.memory_space<vmem>> -> memref<128x64xf32, #tpu.memory_space<vmem>>
      %dma_start3A_1029 = arith.constant 0 : i32
      %dma_start3A_1030 = tpu.memref_slice %arg13[%add3A_17, %dma_start3A_1029] : memref<10240x64xf32, #tpu.memory_space<vmem_shared>> -> memref<128x64xf32, #tpu.memory_space<vmem_shared>>
      %dma_start3A_1031 = arith.constant 0 : i32
      %dma_start3A_1032 = tpu.memref_slice %arg13[%add3A_17, %dma_start3A_1031] : memref<10240x64xf32, #tpu.memory_space<vmem_shared>> -> memref<128x64xf32, #tpu.memory_space<vmem_shared>>
      %dma_start3A_1033 = arith.constant 0 : i32
      %dma_start3A_1034 = arith.constant 0 : i32
      %dma_start3A_1035 = tpu.memref_slice %arg9[%run_scoped3A_18, %dma_start3A_1033, %dma_start3A_1034] : memref<2x128x64xf32, #tpu.memory_space<vmem>> -> memref<1x128x64xf32, #tpu.memory_space<vmem>>
      %dma_start3A_1036 = tpu.memref_squeeze %dma_start3A_1035 : memref<1x128x64xf32, #tpu.memory_space<vmem>> -> memref<128x64xf32, #tpu.memory_space<vmem>>
      tpu.enqueue_dma source(%dma_start3A_1036 : memref<128x64xf32, #tpu.memory_space<vmem>>) target(%dma_start3A_1032 : memref<128x64xf32, #tpu.memory_space<vmem_shared>>) target_semaphore(%run_scoped3A_1024 : memref<!tpu.dma_semaphore, #tpu.memory_space<semaphore_mem>>)
      %dma_wait3A_1037 = arith.constant 0 : i32
      %dma_wait3A_1038 = arith.constant 0 : i32
      %dma_wait3A_1039 = tpu.memref_slice %arg9[%run_scoped3A_18, %dma_wait3A_1037, %dma_wait3A_1038] : memref<2x128x64xf32, #tpu.memory_space<vmem>> -> memref<1x128x64xf32, #tpu.memory_space<vmem>>
      %dma_wait3A_1040 = tpu.memref_squeeze %dma_wait3A_1039 : memref<1x128x64xf32, #tpu.memory_space<vmem>> -> memref<128x64xf32, #tpu.memory_space<vmem>>
      %dma_wait3A_1041 = arith.constant 0 : i32
      %dma_wait3A_1042 = tpu.memref_slice %arg13[%add3A_17, %dma_wait3A_1041] : memref<10240x64xf32, #tpu.memory_space<vmem_shared>> -> memref<128x64xf32, #tpu.memory_space<vmem_shared>>
      %dma_wait3A_1043 = arith.constant 0 : i32
      %dma_wait3A_1044 = tpu.memref_slice %arg13[%add3A_17, %dma_wait3A_1043] : memref<10240x64xf32, #tpu.memory_space<vmem_shared>> -> memref<128x64xf32, #tpu.memory_space<vmem_shared>>
      %dma_wait3A_1045 = arith.constant 0 : i32
      %dma_wait3A_1046 = arith.constant 0 : i32
      %dma_wait3A_1047 = tpu.memref_slice %arg9[%run_scoped3A_18, %dma_wait3A_1045, %dma_wait3A_1046] : memref<2x128x64xf32, #tpu.memory_space<vmem>> -> memref<1x128x64xf32, #tpu.memory_space<vmem>>
      %dma_wait3A_1048 = tpu.memref_squeeze %dma_wait3A_1047 : memref<1x128x64xf32, #tpu.memory_space<vmem>> -> memref<128x64xf32, #tpu.memory_space<vmem>>
      tpu.wait_dma2 semaphore(%run_scoped3A_1024 : memref<!tpu.dma_semaphore, #tpu.memory_space<semaphore_mem>>) src(%dma_wait3A_1048 : memref<128x64xf32, #tpu.memory_space<vmem>>) dst(%dma_wait3A_1044 : memref<128x64xf32, #tpu.memory_space<vmem_shared>>)
      tpu.yield
    }) : () -> ()
    %add3A_19 = arith.constant 384 : i32
    %add3A_20 = arith.addi %mul3A_0, %add3A_19 : i32
    %run_scoped3A_21 = arith.constant 0 : i32
    "tpu.region"() ({
      %run_scoped3A_1024 = tpu.sem_alloc : memref<!tpu.dma_semaphore, #tpu.memory_space<semaphore_mem>>
      %dma_start3A_1025 = arith.constant 0 : i32
      %dma_start3A_1026 = arith.constant 0 : i32
      %dma_start3A_1027 = tpu.memref_slice %arg9[%run_scoped3A_21, %dma_start3A_1025, %dma_start3A_1026] : memref<2x128x64xf32, #tpu.memory_space<vmem>> -> memref<1x128x64xf32, #tpu.memory_space<vmem>>
      %dma_start3A_1028 = tpu.memref_squeeze %dma_start3A_1027 : memref<1x128x64xf32, #tpu.memory_space<vmem>> -> memref<128x64xf32, #tpu.memory_space<vmem>>
      %dma_start3A_1029 = arith.constant 0 : i32
      %dma_start3A_1030 = tpu.memref_slice %arg13[%add3A_20, %dma_start3A_1029] : memref<10240x64xf32, #tpu.memory_space<vmem_shared>> -> memref<128x64xf32, #tpu.memory_space<vmem_shared>>
      %dma_start3A_1031 = arith.constant 0 : i32
      %dma_start3A_1032 = tpu.memref_slice %arg13[%add3A_20, %dma_start3A_1031] : memref<10240x64xf32, #tpu.memory_space<vmem_shared>> -> memref<128x64xf32, #tpu.memory_space<vmem_shared>>
      %dma_start3A_1033 = arith.constant 0 : i32
      %dma_start3A_1034 = arith.constant 0 : i32
      %dma_start3A_1035 = tpu.memref_slice %arg9[%run_scoped3A_21, %dma_start3A_1033, %dma_start3A_1034] : memref<2x128x64xf32, #tpu.memory_space<vmem>> -> memref<1x128x64xf32, #tpu.memory_space<vmem>>
      %dma_start3A_1036 = tpu.memref_squeeze %dma_start3A_1035 : memref<1x128x64xf32, #tpu.memory_space<vmem>> -> memref<128x64xf32, #tpu.memory_space<vmem>>
      tpu.enqueue_dma source(%dma_start3A_1036 : memref<128x64xf32, #tpu.memory_space<vmem>>) target(%dma_start3A_1032 : memref<128x64xf32, #tpu.memory_space<vmem_shared>>) target_semaphore(%run_scoped3A_1024 : memref<!tpu.dma_semaphore, #tpu.memory_space<semaphore_mem>>)
      %dma_wait3A_1037 = arith.constant 0 : i32
      %dma_wait3A_1038 = arith.constant 0 : i32
      %dma_wait3A_1039 = tpu.memref_slice %arg9[%run_scoped3A_21, %dma_wait3A_1037, %dma_wait3A_1038] : memref<2x128x64xf32, #tpu.memory_space<vmem>> -> memref<1x128x64xf32, #tpu.memory_space<vmem>>
      %dma_wait3A_1040 = tpu.memref_squeeze %dma_wait3A_1039 : memref<1x128x64xf32, #tpu.memory_space<vmem>> -> memref<128x64xf32, #tpu.memory_space<vmem>>
      %dma_wait3A_1041 = arith.constant 0 : i32
      %dma_wait3A_1042 = tpu.memref_slice %arg13[%add3A_20, %dma_wait3A_1041] : memref<10240x64xf32, #tpu.memory_space<vmem_shared>> -> memref<128x64xf32, #tpu.memory_space<vmem_shared>>
      %dma_wait3A_1043 = arith.constant 0 : i32
      %dma_wait3A_1044 = tpu.memref_slice %arg13[%add3A_20, %dma_wait3A_1043] : memref<10240x64xf32, #tpu.memory_space<vmem_shared>> -> memref<128x64xf32, #tpu.memory_space<vmem_shared>>
      %dma_wait3A_1045 = arith.constant 0 : i32
      %dma_wait3A_1046 = arith.constant 0 : i32
      %dma_wait3A_1047 = tpu.memref_slice %arg9[%run_scoped3A_21, %dma_wait3A_1045, %dma_wait3A_1046] : memref<2x128x64xf32, #tpu.memory_space<vmem>> -> memref<1x128x64xf32, #tpu.memory_space<vmem>>
      %dma_wait3A_1048 = tpu.memref_squeeze %dma_wait3A_1047 : memref<1x128x64xf32, #tpu.memory_space<vmem>> -> memref<128x64xf32, #tpu.memory_space<vmem>>
      tpu.wait_dma2 semaphore(%run_scoped3A_1024 : memref<!tpu.dma_semaphore, #tpu.memory_space<semaphore_mem>>) src(%dma_wait3A_1048 : memref<128x64xf32, #tpu.memory_space<vmem>>) dst(%dma_wait3A_1044 : memref<128x64xf32, #tpu.memory_space<vmem_shared>>)
      tpu.yield
    }) : () -> ()
    %add3A_22 = arith.constant 512 : i32
    %add3A_23 = arith.addi %mul3A_0, %add3A_22 : i32
    %run_scoped3A_24 = arith.constant 0 : i32
    "tpu.region"() ({
      %run_scoped3A_1024 = tpu.sem_alloc : memref<!tpu.dma_semaphore, #tpu.memory_space<semaphore_mem>>
      %dma_start3A_1025 = arith.constant 0 : i32
      %dma_start3A_1026 = arith.constant 0 : i32
      %dma_start3A_1027 = tpu.memref_slice %arg9[%run_scoped3A_24, %dma_start3A_1025, %dma_start3A_1026] : memref<2x128x64xf32, #tpu.memory_space<vmem>> -> memref<1x128x64xf32, #tpu.memory_space<vmem>>
      %dma_start3A_1028 = tpu.memref_squeeze %dma_start3A_1027 : memref<1x128x64xf32, #tpu.memory_space<vmem>> -> memref<128x64xf32, #tpu.memory_space<vmem>>
      %dma_start3A_1029 = arith.constant 0 : i32
      %dma_start3A_1030 = tpu.memref_slice %arg13[%add3A_23, %dma_start3A_1029] : memref<10240x64xf32, #tpu.memory_space<vmem_shared>> -> memref<128x64xf32, #tpu.memory_space<vmem_shared>>
      %dma_start3A_1031 = arith.constant 0 : i32
      %dma_start3A_1032 = tpu.memref_slice %arg13[%add3A_23, %dma_start3A_1031] : memref<10240x64xf32, #tpu.memory_space<vmem_shared>> -> memref<128x64xf32, #tpu.memory_space<vmem_shared>>
      %dma_start3A_1033 = arith.constant 0 : i32
      %dma_start3A_1034 = arith.constant 0 : i32
      %dma_start3A_1035 = tpu.memref_slice %arg9[%run_scoped3A_24, %dma_start3A_1033, %dma_start3A_1034] : memref<2x128x64xf32, #tpu.memory_space<vmem>> -> memref<1x128x64xf32, #tpu.memory_space<vmem>>
      %dma_start3A_1036 = tpu.memref_squeeze %dma_start3A_1035 : memref<1x128x64xf32, #tpu.memory_space<vmem>> -> memref<128x64xf32, #tpu.memory_space<vmem>>
      tpu.enqueue_dma source(%dma_start3A_1036 : memref<128x64xf32, #tpu.memory_space<vmem>>) target(%dma_start3A_1032 : memref<128x64xf32, #tpu.memory_space<vmem_shared>>) target_semaphore(%run_scoped3A_1024 : memref<!tpu.dma_semaphore, #tpu.memory_space<semaphore_mem>>)
      %dma_wait3A_1037 = arith.constant 0 : i32
      %dma_wait3A_1038 = arith.constant 0 : i32
      %dma_wait3A_1039 = tpu.memref_slice %arg9[%run_scoped3A_24, %dma_wait3A_1037, %dma_wait3A_1038] : memref<2x128x64xf32, #tpu.memory_space<vmem>> -> memref<1x128x64xf32, #tpu.memory_space<vmem>>
      %dma_wait3A_1040 = tpu.memref_squeeze %dma_wait3A_1039 : memref<1x128x64xf32, #tpu.memory_space<vmem>> -> memref<128x64xf32, #tpu.memory_space<vmem>>
      %dma_wait3A_1041 = arith.constant 0 : i32
      %dma_wait3A_1042 = tpu.memref_slice %arg13[%add3A_23, %dma_wait3A_1041] : memref<10240x64xf32, #tpu.memory_space<vmem_shared>> -> memref<128x64xf32, #tpu.memory_space<vmem_shared>>
      %dma_wait3A_1043 = arith.constant 0 : i32
      %dma_wait3A_1044 = tpu.memref_slice %arg13[%add3A_23, %dma_wait3A_1043] : memref<10240x64xf32, #tpu.memory_space<vmem_shared>> -> memref<128x64xf32, #tpu.memory_space<vmem_shared>>
      %dma_wait3A_1045 = arith.constant 0 : i32
      %dma_wait3A_1046 = arith.constant 0 : i32
      %dma_wait3A_1047 = tpu.memref_slice %arg9[%run_scoped3A_24, %dma_wait3A_1045, %dma_wait3A_1046] : memref<2x128x64xf32, #tpu.memory_space<vmem>> -> memref<1x128x64xf32, #tpu.memory_space<vmem>>
      %dma_wait3A_1048 = tpu.memref_squeeze %dma_wait3A_1047 : memref<1x128x64xf32, #tpu.memory_space<vmem>> -> memref<128x64xf32, #tpu.memory_space<vmem>>
      tpu.wait_dma2 semaphore(%run_scoped3A_1024 : memref<!tpu.dma_semaphore, #tpu.memory_space<semaphore_mem>>) src(%dma_wait3A_1048 : memref<128x64xf32, #tpu.memory_space<vmem>>) dst(%dma_wait3A_1044 : memref<128x64xf32, #tpu.memory_space<vmem_shared>>)
      tpu.yield
    }) : () -> ()
    %dma_start3A = arith.constant 0 : i32
    %dma_start3A_25 = arith.constant 0 : i32
    %dma_start3A_26 = arith.constant 0 : i32
    %dma_start3A_27 = tpu.memref_slice %arg7[%dma_start3A, %dma_start3A_25, %dma_start3A_26] : memref<2x4x128xi32, #tpu.memory_space<vmem>> -> memref<1x4x128xi32, #tpu.memory_space<vmem>>
    %dma_start3A_28 = tpu.memref_squeeze %dma_start3A_27 : memref<1x4x128xi32, #tpu.memory_space<vmem>> -> memref<4x128xi32, #tpu.memory_space<vmem>>
    %dma_start3A_29 = arith.constant 0 : i32
    %dma_start3A_30 = arith.constant 0 : i32
    %dma_start3A_31 = tpu.memref_slice %arg3[%arg1, %dma_start3A_29, %dma_start3A_30] : memref<16x160x128xi32, #tpu.memory_space<hbm>> -> memref<1x4x128xi32, #tpu.memory_space<hbm>>
    %dma_start3A_32 = tpu.memref_squeeze %dma_start3A_31 : memref<1x4x128xi32, #tpu.memory_space<hbm>> -> memref<4x128xi32, #tpu.memory_space<hbm>>
    %dma_start3A_33 = arith.constant 0 : i32
    %dma_start3A_34 = arith.constant 0 : i32
    %dma_start3A_35 = tpu.memref_slice %arg7[%dma_start3A, %dma_start3A_33, %dma_start3A_34] : memref<2x4x128xi32, #tpu.memory_space<vmem>> -> memref<1x4x128xi32, #tpu.memory_space<vmem>>
    %dma_start3A_36 = tpu.memref_squeeze %dma_start3A_35 : memref<1x4x128xi32, #tpu.memory_space<vmem>> -> memref<4x128xi32, #tpu.memory_space<vmem>>
    %dma_start3A_37 = arith.constant 0 : i32
    %dma_start3A_38 = arith.constant 0 : i32
    %dma_start3A_39 = tpu.memref_slice %arg3[%arg1, %dma_start3A_37, %dma_start3A_38] : memref<16x160x128xi32, #tpu.memory_space<hbm>> -> memref<1x4x128xi32, #tpu.memory_space<hbm>>
    %dma_start3A_40 = tpu.memref_squeeze %dma_start3A_39 : memref<1x4x128xi32, #tpu.memory_space<hbm>> -> memref<4x128xi32, #tpu.memory_space<hbm>>
    tpu.enqueue_dma source(%dma_start3A_40 : memref<4x128xi32, #tpu.memory_space<hbm>>) target(%dma_start3A_36 : memref<4x128xi32, #tpu.memory_space<vmem>>) target_semaphore(%arg16 : memref<!tpu.dma_semaphore, #tpu.memory_space<semaphore_mem>>)
    %dma_wait3A = arith.constant 0 : i32
    %dma_wait3A_41 = arith.constant 0 : i32
    %dma_wait3A_42 = arith.constant 0 : i32
    %dma_wait3A_43 = tpu.memref_slice %arg7[%dma_wait3A, %dma_wait3A_41, %dma_wait3A_42] : memref<2x4x128xi32, #tpu.memory_space<vmem>> -> memref<1x4x128xi32, #tpu.memory_space<vmem>>
    %dma_wait3A_44 = tpu.memref_squeeze %dma_wait3A_43 : memref<1x4x128xi32, #tpu.memory_space<vmem>> -> memref<4x128xi32, #tpu.memory_space<vmem>>
    %dma_wait3A_45 = arith.constant 0 : i32
    %dma_wait3A_46 = arith.constant 0 : i32
    %dma_wait3A_47 = tpu.memref_slice %arg3[%arg1, %dma_wait3A_45, %dma_wait3A_46] : memref<16x160x128xi32, #tpu.memory_space<hbm>> -> memref<1x4x128xi32, #tpu.memory_space<hbm>>
    %dma_wait3A_48 = tpu.memref_squeeze %dma_wait3A_47 : memref<1x4x128xi32, #tpu.memory_space<hbm>> -> memref<4x128xi32, #tpu.memory_space<hbm>>
    %dma_wait3A_49 = arith.constant 0 : i32
    %dma_wait3A_50 = arith.constant 0 : i32
    %dma_wait3A_51 = tpu.memref_slice %arg7[%dma_wait3A, %dma_wait3A_49, %dma_wait3A_50] : memref<2x4x128xi32, #tpu.memory_space<vmem>> -> memref<1x4x128xi32, #tpu.memory_space<vmem>>
    %dma_wait3A_52 = tpu.memref_squeeze %dma_wait3A_51 : memref<1x4x128xi32, #tpu.memory_space<vmem>> -> memref<4x128xi32, #tpu.memory_space<vmem>>
    %dma_wait3A_53 = arith.constant 0 : i32
    %dma_wait3A_54 = arith.constant 0 : i32
    %dma_wait3A_55 = tpu.memref_slice %arg3[%arg1, %dma_wait3A_53, %dma_wait3A_54] : memref<16x160x128xi32, #tpu.memory_space<hbm>> -> memref<1x4x128xi32, #tpu.memory_space<hbm>>
    %dma_wait3A_56 = tpu.memref_squeeze %dma_wait3A_55 : memref<1x4x128xi32, #tpu.memory_space<hbm>> -> memref<4x128xi32, #tpu.memory_space<hbm>>
    tpu.wait_dma2 semaphore(%arg16 : memref<!tpu.dma_semaphore, #tpu.memory_space<semaphore_mem>>) src(%dma_wait3A_56 : memref<4x128xi32, #tpu.memory_space<hbm>>) dst(%dma_wait3A_52 : memref<4x128xi32, #tpu.memory_space<vmem>>)
    %get3A = arith.constant 0 : i32
    %get3A_57 = arith.constant 0 : i32
    %get3A_58 = arith.index_cast %get3A : i32 to index
    %get3A_59 = arith.index_cast %get3A_57 : i32 to index
    %get3A_60 = arith.constant 0 : index
    %get3A_61 = tpu.vector_load %arg7[%get3A_58, %get3A_59, %get3A_60] {strides = array<i32>} : memref<2x4x128xi32, #tpu.memory_space<vmem>>, vector<1x1x16xi32>,
    %get3A_62 = vector.shape_cast %get3A_61 : vector<1x1x16xi32> to vector<16xi32>
    %shift_right_arithmetic3A = arith.constant 14 : i32
    %shift_right_arithmetic3A_63 = vector.broadcast %shift_right_arithmetic3A : i32 to vector<16xi32>
    %shift_right_arithmetic3A_64 = arith.shrsi %get3A_62, %shift_right_arithmetic3A_63 : vector<16xi32>
    %swap3A = arith.constant 0 : i32
    %swap3A_65 = arith.constant 0 : i32
    %swap3A_66 = arith.index_cast %swap3A : i32 to index
    %swap3A_67 = arith.index_cast %swap3A_65 : i32 to index
    %swap3A_68 = arith.constant 0 : index
    %swap3A_69 = tpu.vector_load %arg8[%swap3A_66, %swap3A_67, %swap3A_68] {strides = array<i32>} : memref<2x4x128xi32, #tpu.memory_space<vmem>>, vector<1x1x16xi32>,
    %swap3A_70 = vector.shape_cast %swap3A_69 : vector<1x1x16xi32> to vector<16xi32>
    %swap3A_71 = vector.shape_cast %shift_right_arithmetic3A_64 : vector<16xi32> to vector<1x1x16xi32>
    tpu.vector_store %arg8[%swap3A_66, %swap3A_67, %swap3A_68], %swap3A_71 {strides = array<i32>} : memref<2x4x128xi32, #tpu.memory_space<vmem>>, vector<1x1x16xi32>,
    %and3A = arith.constant 16383 : i32
    %and3A_72 = vector.broadcast %and3A : i32 to vector<16xi32>
    %and3A_73 = arith.andi %get3A_62, %and3A_72 : vector<16xi32>
    %swap3A_74 = arith.constant 0 : i32
    %swap3A_75 = arith.constant 0 : i32
    %swap3A_76 = arith.index_cast %swap3A_74 : i32 to index
    %swap3A_77 = arith.index_cast %swap3A_75 : i32 to index
    %swap3A_78 = arith.constant 0 : index
    %swap3A_79 = tpu.vector_load %arg7[%swap3A_76, %swap3A_77, %swap3A_78] {strides = array<i32>} : memref<2x4x128xi32, #tpu.memory_space<vmem>>, vector<1x1x16xi32>,
    %swap3A_80 = vector.shape_cast %swap3A_79 : vector<1x1x16xi32> to vector<16xi32>
    %swap3A_81 = vector.shape_cast %and3A_73 : vector<16xi32> to vector<1x1x16xi32>
    tpu.vector_store %arg7[%swap3A_76, %swap3A_77, %swap3A_78], %swap3A_81 {strides = array<i32>} : memref<2x4x128xi32, #tpu.memory_space<vmem>>, vector<1x1x16xi32>,
    %get3A_82 = arith.constant 0 : i32
    %get3A_83 = arith.constant 0 : i32
    %get3A_84 = arith.index_cast %get3A_82 : i32 to index
    %get3A_85 = arith.index_cast %get3A_83 : i32 to index
    %get3A_86 = arith.constant 16 : index
    %get3A_87 = tpu.vector_load %arg7[%get3A_84, %get3A_85, %get3A_86] {strides = array<i32>} : memref<2x4x128xi32, #tpu.memory_space<vmem>>, vector<1x1x16xi32>,
    %get3A_88 = vector.shape_cast %get3A_87 : vector<1x1x16xi32> to vector<16xi32>
    %shift_right_arithmetic3A_89 = arith.constant 14 : i32
    %shift_right_arithmetic3A_90 = vector.broadcast %shift_right_arithmetic3A_89 : i32 to vector<16xi32>
    %shift_right_arithmetic3A_91 = arith.shrsi %get3A_88, %shift_right_arithmetic3A_90 : vector<16xi32>
    %swap3A_92 = arith.constant 0 : i32
    %swap3A_93 = arith.constant 0 : i32
    %swap3A_94 = arith.index_cast %swap3A_92 : i32 to index
    %swap3A_95 = arith.index_cast %swap3A_93 : i32 to index
    %swap3A_96 = arith.constant 16 : index
    %swap3A_97 = tpu.vector_load %arg8[%swap3A_94, %swap3A_95, %swap3A_96] {strides = array<i32>} : memref<2x4x128xi32, #tpu.memory_space<vmem>>, vector<1x1x16xi32>,
    %swap3A_98 = vector.shape_cast %swap3A_97 : vector<1x1x16xi32> to vector<16xi32>
    %swap3A_99 = vector.shape_cast %shift_right_arithmetic3A_91 : vector<16xi32> to vector<1x1x16xi32>
    tpu.vector_store %arg8[%swap3A_94, %swap3A_95, %swap3A_96], %swap3A_99 {strides = array<i32>} : memref<2x4x128xi32, #tpu.memory_space<vmem>>, vector<1x1x16xi32>,
    %and3A_100 = arith.constant 16383 : i32
    %and3A_101 = vector.broadcast %and3A_100 : i32 to vector<16xi32>
    %and3A_102 = arith.andi %get3A_88, %and3A_101 : vector<16xi32>
    %swap3A_103 = arith.constant 0 : i32
    %swap3A_104 = arith.constant 0 : i32
    %swap3A_105 = arith.index_cast %swap3A_103 : i32 to index
    %swap3A_106 = arith.index_cast %swap3A_104 : i32 to index
    %swap3A_107 = arith.constant 16 : index
    %swap3A_108 = tpu.vector_load %arg7[%swap3A_105, %swap3A_106, %swap3A_107] {strides = array<i32>} : memref<2x4x128xi32, #tpu.memory_space<vmem>>, vector<1x1x16xi32>,
    %swap3A_109 = vector.shape_cast %swap3A_108 : vector<1x1x16xi32> to vector<16xi32>
    %swap3A_110 = vector.shape_cast %and3A_102 : vector<16xi32> to vector<1x1x16xi32>
    tpu.vector_store %arg7[%swap3A_105, %swap3A_106, %swap3A_107], %swap3A_110 {strides = array<i32>} : memref<2x4x128xi32, #tpu.memory_space<vmem>>, vector<1x1x16xi32>,
    %get3A_111 = arith.constant 0 : i32
    %get3A_112 = arith.constant 0 : i32
    %get3A_113 = arith.index_cast %get3A_111 : i32 to index
    %get3A_114 = arith.index_cast %get3A_112 : i32 to index
    %get3A_115 = arith.constant 32 : index
    %get3A_116 = tpu.vector_load %arg7[%get3A_113, %get3A_114, %get3A_115] {strides = array<i32>} : memref<2x4x128xi32, #tpu.memory_space<vmem>>, vector<1x1x16xi32>,
    %get3A_117 = vector.shape_cast %get3A_116 : vector<1x1x16xi32> to vector<16xi32>
    %shift_right_arithmetic3A_118 = arith.constant 14 : i32
    %shift_right_arithmetic3A_119 = vector.broadcast %shift_right_arithmetic3A_118 : i32 to vector<16xi32>
    %shift_right_arithmetic3A_120 = arith.shrsi %get3A_117, %shift_right_arithmetic3A_119 : vector<16xi32>
    %swap3A_121 = arith.constant 0 : i32
    %swap3A_122 = arith.constant 0 : i32
    %swap3A_123 = arith.index_cast %swap3A_121 : i32 to index
    %swap3A_124 = arith.index_cast %swap3A_122 : i32 to index
    %swap3A_125 = arith.constant 32 : index
    %swap3A_126 = tpu.vector_load %arg8[%swap3A_123, %swap3A_124, %swap3A_125] {strides = array<i32>} : memref<2x4x128xi32, #tpu.memory_space<vmem>>, vector<1x1x16xi32>,
    %swap3A_127 = vector.shape_cast %swap3A_126 : vector<1x1x16xi32> to vector<16xi32>
    %swap3A_128 = vector.shape_cast %shift_right_arithmetic3A_120 : vector<16xi32> to vector<1x1x16xi32>
    tpu.vector_store %arg8[%swap3A_123, %swap3A_124, %swap3A_125], %swap3A_128 {strides = array<i32>} : memref<2x4x128xi32, #tpu.memory_space<vmem>>, vector<1x1x16xi32>,
    %and3A_129 = arith.constant 16383 : i32
    %and3A_130 = vector.broadcast %and3A_129 : i32 to vector<16xi32>
    %and3A_131 = arith.andi %get3A_117, %and3A_130 : vector<16xi32>
    %swap3A_132 = arith.constant 0 : i32
    %swap3A_133 = arith.constant 0 : i32
    %swap3A_134 = arith.index_cast %swap3A_132 : i32 to index
    %swap3A_135 = arith.index_cast %swap3A_133 : i32 to index
    %swap3A_136 = arith.constant 32 : index
    %swap3A_137 = tpu.vector_load %arg7[%swap3A_134, %swap3A_135, %swap3A_136] {strides = array<i32>} : memref<2x4x128xi32, #tpu.memory_space<vmem>>, vector<1x1x16xi32>,
    %swap3A_138 = vector.shape_cast %swap3A_137 : vector<1x1x16xi32> to vector<16xi32>
    %swap3A_139 = vector.shape_cast %and3A_131 : vector<16xi32> to vector<1x1x16xi32>
    tpu.vector_store %arg7[%swap3A_134, %swap3A_135, %swap3A_136], %swap3A_139 {strides = array<i32>} : memref<2x4x128xi32, #tpu.memory_space<vmem>>, vector<1x1x16xi32>,
    %get3A_140 = arith.constant 0 : i32
    %get3A_141 = arith.constant 0 : i32
    %get3A_142 = arith.index_cast %get3A_140 : i32 to index
    %get3A_143 = arith.index_cast %get3A_141 : i32 to index
    %get3A_144 = arith.constant 48 : index
    %get3A_145 = tpu.vector_load %arg7[%get3A_142, %get3A_143, %get3A_144] {strides = array<i32>} : memref<2x4x128xi32, #tpu.memory_space<vmem>>, vector<1x1x16xi32>,
    %get3A_146 = vector.shape_cast %get3A_145 : vector<1x1x16xi32> to vector<16xi32>
    %shift_right_arithmetic3A_147 = arith.constant 14 : i32
    %shift_right_arithmetic3A_148 = vector.broadcast %shift_right_arithmetic3A_147 : i32 to vector<16xi32>
    %shift_right_arithmetic3A_149 = arith.shrsi %get3A_146, %shift_right_arithmetic3A_148 : vector<16xi32>
    %swap3A_150 = arith.constant 0 : i32
    %swap3A_151 = arith.constant 0 : i32
    %swap3A_152 = arith.index_cast %swap3A_150 : i32 to index
    %swap3A_153 = arith.index_cast %swap3A_151 : i32 to index
    %swap3A_154 = arith.constant 48 : index
    %swap3A_155 = tpu.vector_load %arg8[%swap3A_152, %swap3A_153, %swap3A_154] {strides = array<i32>} : memref<2x4x128xi32, #tpu.memory_space<vmem>>, vector<1x1x16xi32>,
    %swap3A_156 = vector.shape_cast %swap3A_155 : vector<1x1x16xi32> to vector<16xi32>
    %swap3A_157 = vector.shape_cast %shift_right_arithmetic3A_149 : vector<16xi32> to vector<1x1x16xi32>
    tpu.vector_store %arg8[%swap3A_152, %swap3A_153, %swap3A_154], %swap3A_157 {strides = array<i32>} : memref<2x4x128xi32, #tpu.memory_space<vmem>>, vector<1x1x16xi32>,
    %and3A_158 = arith.constant 16383 : i32
    %and3A_159 = vector.broadcast %and3A_158 : i32 to vector<16xi32>
    %and3A_160 = arith.andi %get3A_146, %and3A_159 : vector<16xi32>
    %swap3A_161 = arith.constant 0 : i32
    %swap3A_162 = arith.constant 0 : i32
    %swap3A_163 = arith.index_cast %swap3A_161 : i32 to index
    %swap3A_164 = arith.index_cast %swap3A_162 : i32 to index
    %swap3A_165 = arith.constant 48 : index
    %swap3A_166 = tpu.vector_load %arg7[%swap3A_163, %swap3A_164, %swap3A_165] {strides = array<i32>} : memref<2x4x128xi32, #tpu.memory_space<vmem>>, vector<1x1x16xi32>,
    %swap3A_167 = vector.shape_cast %swap3A_166 : vector<1x1x16xi32> to vector<16xi32>
    %swap3A_168 = vector.shape_cast %and3A_160 : vector<16xi32> to vector<1x1x16xi32>
    tpu.vector_store %arg7[%swap3A_163, %swap3A_164, %swap3A_165], %swap3A_168 {strides = array<i32>} : memref<2x4x128xi32, #tpu.memory_space<vmem>>, vector<1x1x16xi32>,
    %get3A_169 = arith.constant 0 : i32
    %get3A_170 = arith.constant 0 : i32
    %get3A_171 = arith.index_cast %get3A_169 : i32 to index
    %get3A_172 = arith.index_cast %get3A_170 : i32 to index
    %get3A_173 = arith.constant 64 : index
    %get3A_174 = tpu.vector_load %arg7[%get3A_171, %get3A_172, %get3A_173] {strides = array<i32>} : memref<2x4x128xi32, #tpu.memory_space<vmem>>, vector<1x1x16xi32>,
    %get3A_175 = vector.shape_cast %get3A_174 : vector<1x1x16xi32> to vector<16xi32>
    %shift_right_arithmetic3A_176 = arith.constant 14 : i32
    %shift_right_arithmetic3A_177 = vector.broadcast %shift_right_arithmetic3A_176 : i32 to vector<16xi32>
    %shift_right_arithmetic3A_178 = arith.shrsi %get3A_175, %shift_right_arithmetic3A_177 : vector<16xi32>
    %swap3A_179 = arith.constant 0 : i32
    %swap3A_180 = arith.constant 0 : i32
    %swap3A_181 = arith.index_cast %swap3A_179 : i32 to index
    %swap3A_182 = arith.index_cast %swap3A_180 : i32 to index
    %swap3A_183 = arith.constant 64 : index
    %swap3A_184 = tpu.vector_load %arg8[%swap3A_181, %swap3A_182, %swap3A_183] {strides = array<i32>} : memref<2x4x128xi32, #tpu.memory_space<vmem>>, vector<1x1x16xi32>,
    %swap3A_185 = vector.shape_cast %swap3A_184 : vector<1x1x16xi32> to vector<16xi32>
    %swap3A_186 = vector.shape_cast %shift_right_arithmetic3A_178 : vector<16xi32> to vector<1x1x16xi32>
    tpu.vector_store %arg8[%swap3A_181, %swap3A_182, %swap3A_183], %swap3A_186 {strides = array<i32>} : memref<2x4x128xi32, #tpu.memory_space<vmem>>, vector<1x1x16xi32>,
    %and3A_187 = arith.constant 16383 : i32
    %and3A_188 = vector.broadcast %and3A_187 : i32 to vector<16xi32>
    %and3A_189 = arith.andi %get3A_175, %and3A_188 : vector<16xi32>
    %swap3A_190 = arith.constant 0 : i32
    %swap3A_191 = arith.constant 0 : i32
    %swap3A_192 = arith.index_cast %swap3A_190 : i32 to index
    %swap3A_193 = arith.index_cast %swap3A_191 : i32 to index
    %swap3A_194 = arith.constant 64 : index
    %swap3A_195 = tpu.vector_load %arg7[%swap3A_192, %swap3A_193, %swap3A_194] {strides = array<i32>} : memref<2x4x128xi32, #tpu.memory_space<vmem>>, vector<1x1x16xi32>,
    %swap3A_196 = vector.shape_cast %swap3A_195 : vector<1x1x16xi32> to vector<16xi32>
    %swap3A_197 = vector.shape_cast %and3A_189 : vector<16xi32> to vector<1x1x16xi32>
    tpu.vector_store %arg7[%swap3A_192, %swap3A_193, %swap3A_194], %swap3A_197 {strides = array<i32>} : memref<2x4x128xi32, #tpu.memory_space<vmem>>, vector<1x1x16xi32>,
    %get3A_198 = arith.constant 0 : i32
    %get3A_199 = arith.constant 0 : i32
    %get3A_200 = arith.index_cast %get3A_198 : i32 to index
    %get3A_201 = arith.index_cast %get3A_199 : i32 to index
    %get3A_202 = arith.constant 80 : index
    %get3A_203 = tpu.vector_load %arg7[%get3A_200, %get3A_201, %get3A_202] {strides = array<i32>} : memref<2x4x128xi32, #tpu.memory_space<vmem>>, vector<1x1x16xi32>,
    %get3A_204 = vector.shape_cast %get3A_203 : vector<1x1x16xi32> to vector<16xi32>
    %shift_right_arithmetic3A_205 = arith.constant 14 : i32
    %shift_right_arithmetic3A_206 = vector.broadcast %shift_right_arithmetic3A_205 : i32 to vector<16xi32>
    %shift_right_arithmetic3A_207 = arith.shrsi %get3A_204, %shift_right_arithmetic3A_206 : vector<16xi32>
    %swap3A_208 = arith.constant 0 : i32
    %swap3A_209 = arith.constant 0 : i32
    %swap3A_210 = arith.index_cast %swap3A_208 : i32 to index
    %swap3A_211 = arith.index_cast %swap3A_209 : i32 to index
    %swap3A_212 = arith.constant 80 : index
    %swap3A_213 = tpu.vector_load %arg8[%swap3A_210, %swap3A_211, %swap3A_212] {strides = array<i32>} : memref<2x4x128xi32, #tpu.memory_space<vmem>>, vector<1x1x16xi32>,
    %swap3A_214 = vector.shape_cast %swap3A_213 : vector<1x1x16xi32> to vector<16xi32>
    %swap3A_215 = vector.shape_cast %shift_right_arithmetic3A_207 : vector<16xi32> to vector<1x1x16xi32>
    tpu.vector_store %arg8[%swap3A_210, %swap3A_211, %swap3A_212], %swap3A_215 {strides = array<i32>} : memref<2x4x128xi32, #tpu.memory_space<vmem>>, vector<1x1x16xi32>,
    %and3A_216 = arith.constant 16383 : i32
    %and3A_217 = vector.broadcast %and3A_216 : i32 to vector<16xi32>
    %and3A_218 = arith.andi %get3A_204, %and3A_217 : vector<16xi32>
    %swap3A_219 = arith.constant 0 : i32
    %swap3A_220 = arith.constant 0 : i32
    %swap3A_221 = arith.index_cast %swap3A_219 : i32 to index
    %swap3A_222 = arith.index_cast %swap3A_220 : i32 to index
    %swap3A_223 = arith.constant 80 : index
    %swap3A_224 = tpu.vector_load %arg7[%swap3A_221, %swap3A_222, %swap3A_223] {strides = array<i32>} : memref<2x4x128xi32, #tpu.memory_space<vmem>>, vector<1x1x16xi32>,
    %swap3A_225 = vector.shape_cast %swap3A_224 : vector<1x1x16xi32> to vector<16xi32>
    %swap3A_226 = vector.shape_cast %and3A_218 : vector<16xi32> to vector<1x1x16xi32>
    tpu.vector_store %arg7[%swap3A_221, %swap3A_222, %swap3A_223], %swap3A_226 {strides = array<i32>} : memref<2x4x128xi32, #tpu.memory_space<vmem>>, vector<1x1x16xi32>,
    %get3A_227 = arith.constant 0 : i32
    %get3A_228 = arith.constant 0 : i32
    %get3A_229 = arith.index_cast %get3A_227 : i32 to index
    %get3A_230 = arith.index_cast %get3A_228 : i32 to index
    %get3A_231 = arith.constant 96 : index
    %get3A_232 = tpu.vector_load %arg7[%get3A_229, %get3A_230, %get3A_231] {strides = array<i32>} : memref<2x4x128xi32, #tpu.memory_space<vmem>>, vector<1x1x16xi32>,
    %get3A_233 = vector.shape_cast %get3A_232 : vector<1x1x16xi32> to vector<16xi32>
    %shift_right_arithmetic3A_234 = arith.constant 14 : i32
    %shift_right_arithmetic3A_235 = vector.broadcast %shift_right_arithmetic3A_234 : i32 to vector<16xi32>
    %shift_right_arithmetic3A_236 = arith.shrsi %get3A_233, %shift_right_arithmetic3A_235 : vector<16xi32>
    %swap3A_237 = arith.constant 0 : i32
    %swap3A_238 = arith.constant 0 : i32
    %swap3A_239 = arith.index_cast %swap3A_237 : i32 to index
    %swap3A_240 = arith.index_cast %swap3A_238 : i32 to index
    %swap3A_241 = arith.constant 96 : index
    %swap3A_242 = tpu.vector_load %arg8[%swap3A_239, %swap3A_240, %swap3A_241] {strides = array<i32>} : memref<2x4x128xi32, #tpu.memory_space<vmem>>, vector<1x1x16xi32>,
    %swap3A_243 = vector.shape_cast %swap3A_242 : vector<1x1x16xi32> to vector<16xi32>
    %swap3A_244 = vector.shape_cast %shift_right_arithmetic3A_236 : vector<16xi32> to vector<1x1x16xi32>
    tpu.vector_store %arg8[%swap3A_239, %swap3A_240, %swap3A_241], %swap3A_244 {strides = array<i32>} : memref<2x4x128xi32, #tpu.memory_space<vmem>>, vector<1x1x16xi32>,
    %and3A_245 = arith.constant 16383 : i32
    %and3A_246 = vector.broadcast %and3A_245 : i32 to vector<16xi32>
    %and3A_247 = arith.andi %get3A_233, %and3A_246 : vector<16xi32>
    %swap3A_248 = arith.constant 0 : i32
    %swap3A_249 = arith.constant 0 : i32
    %swap3A_250 = arith.index_cast %swap3A_248 : i32 to index
    %swap3A_251 = arith.index_cast %swap3A_249 : i32 to index
    %swap3A_252 = arith.constant 96 : index
    %swap3A_253 = tpu.vector_load %arg7[%swap3A_250, %swap3A_251, %swap3A_252] {strides = array<i32>} : memref<2x4x128xi32, #tpu.memory_space<vmem>>, vector<1x1x16xi32>,
    %swap3A_254 = vector.shape_cast %swap3A_253 : vector<1x1x16xi32> to vector<16xi32>
    %swap3A_255 = vector.shape_cast %and3A_247 : vector<16xi32> to vector<1x1x16xi32>
    tpu.vector_store %arg7[%swap3A_250, %swap3A_251, %swap3A_252], %swap3A_255 {strides = array<i32>} : memref<2x4x128xi32, #tpu.memory_space<vmem>>, vector<1x1x16xi32>,
    %get3A_256 = arith.constant 0 : i32
    %get3A_257 = arith.constant 0 : i32
    %get3A_258 = arith.index_cast %get3A_256 : i32 to index
    %get3A_259 = arith.index_cast %get3A_257 : i32 to index
    %get3A_260 = arith.constant 112 : index
    %get3A_261 = tpu.vector_load %arg7[%get3A_258, %get3A_259, %get3A_260] {strides = array<i32>} : memref<2x4x128xi32, #tpu.memory_space<vmem>>, vector<1x1x16xi32>,
    %get3A_262 = vector.shape_cast %get3A_261 : vector<1x1x16xi32> to vector<16xi32>
    %shift_right_arithmetic3A_263 = arith.constant 14 : i32
    %shift_right_arithmetic3A_264 = vector.broadcast %shift_right_arithmetic3A_263 : i32 to vector<16xi32>
    %shift_right_arithmetic3A_265 = arith.shrsi %get3A_262, %shift_right_arithmetic3A_264 : vector<16xi32>
    %swap3A_266 = arith.constant 0 : i32
    %swap3A_267 = arith.constant 0 : i32
    %swap3A_268 = arith.index_cast %swap3A_266 : i32 to index
    %swap3A_269 = arith.index_cast %swap3A_267 : i32 to index
    %swap3A_270 = arith.constant 112 : index
    %swap3A_271 = tpu.vector_load %arg8[%swap3A_268, %swap3A_269, %swap3A_270] {strides = array<i32>} : memref<2x4x128xi32, #tpu.memory_space<vmem>>, vector<1x1x16xi32>,
    %swap3A_272 = vector.shape_cast %swap3A_271 : vector<1x1x16xi32> to vector<16xi32>
    %swap3A_273 = vector.shape_cast %shift_right_arithmetic3A_265 : vector<16xi32> to vector<1x1x16xi32>
    tpu.vector_store %arg8[%swap3A_268, %swap3A_269, %swap3A_270], %swap3A_273 {strides = array<i32>} : memref<2x4x128xi32, #tpu.memory_space<vmem>>, vector<1x1x16xi32>,
    %and3A_274 = arith.constant 16383 : i32
    %and3A_275 = vector.broadcast %and3A_274 : i32 to vector<16xi32>
    %and3A_276 = arith.andi %get3A_262, %and3A_275 : vector<16xi32>
    %swap3A_277 = arith.constant 0 : i32
    %swap3A_278 = arith.constant 0 : i32
    %swap3A_279 = arith.index_cast %swap3A_277 : i32 to index
    %swap3A_280 = arith.index_cast %swap3A_278 : i32 to index
    %swap3A_281 = arith.constant 112 : index
    %swap3A_282 = tpu.vector_load %arg7[%swap3A_279, %swap3A_280, %swap3A_281] {strides = array<i32>} : memref<2x4x128xi32, #tpu.memory_space<vmem>>, vector<1x1x16xi32>,
    %swap3A_283 = vector.shape_cast %swap3A_282 : vector<1x1x16xi32> to vector<16xi32>
    %swap3A_284 = vector.shape_cast %and3A_276 : vector<16xi32> to vector<1x1x16xi32>
    tpu.vector_store %arg7[%swap3A_279, %swap3A_280, %swap3A_281], %swap3A_284 {strides = array<i32>} : memref<2x4x128xi32, #tpu.memory_space<vmem>>, vector<1x1x16xi32>,
    %get3A_285 = arith.constant 0 : i32
    %get3A_286 = arith.constant 1 : i32
    %get3A_287 = arith.index_cast %get3A_285 : i32 to index
    %get3A_288 = arith.index_cast %get3A_286 : i32 to index
    %get3A_289 = arith.constant 0 : index
    %get3A_290 = tpu.vector_load %arg7[%get3A_287, %get3A_288, %get3A_289] {strides = array<i32>} : memref<2x4x128xi32, #tpu.memory_space<vmem>>, vector<1x1x16xi32>,
    %get3A_291 = vector.shape_cast %get3A_290 : vector<1x1x16xi32> to vector<16xi32>
    %shift_right_arithmetic3A_292 = arith.constant 14 : i32
    %shift_right_arithmetic3A_293 = vector.broadcast %shift_right_arithmetic3A_292 : i32 to vector<16xi32>
    %shift_right_arithmetic3A_294 = arith.shrsi %get3A_291, %shift_right_arithmetic3A_293 : vector<16xi32>
    %swap3A_295 = arith.constant 0 : i32
    %swap3A_296 = arith.constant 1 : i32
    %swap3A_297 = arith.index_cast %swap3A_295 : i32 to index
    %swap3A_298 = arith.index_cast %swap3A_296 : i32 to index
    %swap3A_299 = arith.constant 0 : index
    %swap3A_300 = tpu.vector_load %arg8[%swap3A_297, %swap3A_298, %swap3A_299] {strides = array<i32>} : memref<2x4x128xi32, #tpu.memory_space<vmem>>, vector<1x1x16xi32>,
    %swap3A_301 = vector.shape_cast %swap3A_300 : vector<1x1x16xi32> to vector<16xi32>
    %swap3A_302 = vector.shape_cast %shift_right_arithmetic3A_294 : vector<16xi32> to vector<1x1x16xi32>
    tpu.vector_store %arg8[%swap3A_297, %swap3A_298, %swap3A_299], %swap3A_302 {strides = array<i32>} : memref<2x4x128xi32, #tpu.memory_space<vmem>>, vector<1x1x16xi32>,
    %and3A_303 = arith.constant 16383 : i32
    %and3A_304 = vector.broadcast %and3A_303 : i32 to vector<16xi32>
    %and3A_305 = arith.andi %get3A_291, %and3A_304 : vector<16xi32>
    %swap3A_306 = arith.constant 0 : i32
    %swap3A_307 = arith.constant 1 : i32
    %swap3A_308 = arith.index_cast %swap3A_306 : i32 to index
    %swap3A_309 = arith.index_cast %swap3A_307 : i32 to index
    %swap3A_310 = arith.constant 0 : index
    %swap3A_311 = tpu.vector_load %arg7[%swap3A_308, %swap3A_309, %swap3A_310] {strides = array<i32>} : memref<2x4x128xi32, #tpu.memory_space<vmem>>, vector<1x1x16xi32>,
    %swap3A_312 = vector.shape_cast %swap3A_311 : vector<1x1x16xi32> to vector<16xi32>
    %swap3A_313 = vector.shape_cast %and3A_305 : vector<16xi32> to vector<1x1x16xi32>
    tpu.vector_store %arg7[%swap3A_308, %swap3A_309, %swap3A_310], %swap3A_313 {strides = array<i32>} : memref<2x4x128xi32, #tpu.memory_space<vmem>>, vector<1x1x16xi32>,
    %get3A_314 = arith.constant 0 : i32
    %get3A_315 = arith.constant 1 : i32
    %get3A_316 = arith.index_cast %get3A_314 : i32 to index
    %get3A_317 = arith.index_cast %get3A_315 : i32 to index
    %get3A_318 = arith.constant 16 : index
    %get3A_319 = tpu.vector_load %arg7[%get3A_316, %get3A_317, %get3A_318] {strides = array<i32>} : memref<2x4x128xi32, #tpu.memory_space<vmem>>, vector<1x1x16xi32>,
    %get3A_320 = vector.shape_cast %get3A_319 : vector<1x1x16xi32> to vector<16xi32>
    %shift_right_arithmetic3A_321 = arith.constant 14 : i32
    %shift_right_arithmetic3A_322 = vector.broadcast %shift_right_arithmetic3A_321 : i32 to vector<16xi32>
    %shift_right_arithmetic3A_323 = arith.shrsi %get3A_320, %shift_right_arithmetic3A_322 : vector<16xi32>
    %swap3A_324 = arith.constant 0 : i32
    %swap3A_325 = arith.constant 1 : i32
    %swap3A_326 = arith.index_cast %swap3A_324 : i32 to index
    %swap3A_327 = arith.index_cast %swap3A_325 : i32 to index
    %swap3A_328 = arith.constant 16 : index
    %swap3A_329 = tpu.vector_load %arg8[%swap3A_326, %swap3A_327, %swap3A_328] {strides = array<i32>} : memref<2x4x128xi32, #tpu.memory_space<vmem>>, vector<1x1x16xi32>,
    %swap3A_330 = vector.shape_cast %swap3A_329 : vector<1x1x16xi32> to vector<16xi32>
    %swap3A_331 = vector.shape_cast %shift_right_arithmetic3A_323 : vector<16xi32> to vector<1x1x16xi32>
    tpu.vector_store %arg8[%swap3A_326, %swap3A_327, %swap3A_328], %swap3A_331 {strides = array<i32>} : memref<2x4x128xi32, #tpu.memory_space<vmem>>, vector<1x1x16xi32>,
    %and3A_332 = arith.constant 16383 : i32
    %and3A_333 = vector.broadcast %and3A_332 : i32 to vector<16xi32>
    %and3A_334 = arith.andi %get3A_320, %and3A_333 : vector<16xi32>
    %swap3A_335 = arith.constant 0 : i32
    %swap3A_336 = arith.constant 1 : i32
    %swap3A_337 = arith.index_cast %swap3A_335 : i32 to index
    %swap3A_338 = arith.index_cast %swap3A_336 : i32 to index
    %swap3A_339 = arith.constant 16 : index
    %swap3A_340 = tpu.vector_load %arg7[%swap3A_337, %swap3A_338, %swap3A_339] {strides = array<i32>} : memref<2x4x128xi32, #tpu.memory_space<vmem>>, vector<1x1x16xi32>,
    %swap3A_341 = vector.shape_cast %swap3A_340 : vector<1x1x16xi32> to vector<16xi32>
    %swap3A_342 = vector.shape_cast %and3A_334 : vector<16xi32> to vector<1x1x16xi32>
    tpu.vector_store %arg7[%swap3A_337, %swap3A_338, %swap3A_339], %swap3A_342 {strides = array<i32>} : memref<2x4x128xi32, #tpu.memory_space<vmem>>, vector<1x1x16xi32>,
    %get3A_343 = arith.constant 0 : i32
    %get3A_344 = arith.constant 1 : i32
    %get3A_345 = arith.index_cast %get3A_343 : i32 to index
    %get3A_346 = arith.index_cast %get3A_344 : i32 to index
    %get3A_347 = arith.constant 32 : index
    %get3A_348 = tpu.vector_load %arg7[%get3A_345, %get3A_346, %get3A_347] {strides = array<i32>} : memref<2x4x128xi32, #tpu.memory_space<vmem>>, vector<1x1x16xi32>,
    %get3A_349 = vector.shape_cast %get3A_348 : vector<1x1x16xi32> to vector<16xi32>
    %shift_right_arithmetic3A_350 = arith.constant 14 : i32
    %shift_right_arithmetic3A_351 = vector.broadcast %shift_right_arithmetic3A_350 : i32 to vector<16xi32>
    %shift_right_arithmetic3A_352 = arith.shrsi %get3A_349, %shift_right_arithmetic3A_351 : vector<16xi32>
    %swap3A_353 = arith.constant 0 : i32
    %swap3A_354 = arith.constant 1 : i32
    %swap3A_355 = arith.index_cast %swap3A_353 : i32 to index
    %swap3A_356 = arith.index_cast %swap3A_354 : i32 to index
    %swap3A_357 = arith.constant 32 : index
    %swap3A_358 = tpu.vector_load %arg8[%swap3A_355, %swap3A_356, %swap3A_357] {strides = array<i32>} : memref<2x4x128xi32, #tpu.memory_space<vmem>>, vector<1x1x16xi32>,
    %swap3A_359 = vector.shape_cast %swap3A_358 : vector<1x1x16xi32> to vector<16xi32>
    %swap3A_360 = vector.shape_cast %shift_right_arithmetic3A_352 : vector<16xi32> to vector<1x1x16xi32>
    tpu.vector_store %arg8[%swap3A_355, %swap3A_356, %swap3A_357], %swap3A_360 {strides = array<i32>} : memref<2x4x128xi32, #tpu.memory_space<vmem>>, vector<1x1x16xi32>,
    %and3A_361 = arith.constant 16383 : i32
    %and3A_362 = vector.broadcast %and3A_361 : i32 to vector<16xi32>
    %and3A_363 = arith.andi %get3A_349, %and3A_362 : vector<16xi32>
    %swap3A_364 = arith.constant 0 : i32
    %swap3A_365 = arith.constant 1 : i32
    %swap3A_366 = arith.index_cast %swap3A_364 : i32 to index
    %swap3A_367 = arith.index_cast %swap3A_365 : i32 to index
    %swap3A_368 = arith.constant 32 : index
    %swap3A_369 = tpu.vector_load %arg7[%swap3A_366, %swap3A_367, %swap3A_368] {strides = array<i32>} : memref<2x4x128xi32, #tpu.memory_space<vmem>>, vector<1x1x16xi32>,
    %swap3A_370 = vector.shape_cast %swap3A_369 : vector<1x1x16xi32> to vector<16xi32>
    %swap3A_371 = vector.shape_cast %and3A_363 : vector<16xi32> to vector<1x1x16xi32>
    tpu.vector_store %arg7[%swap3A_366, %swap3A_367, %swap3A_368], %swap3A_371 {strides = array<i32>} : memref<2x4x128xi32, #tpu.memory_space<vmem>>, vector<1x1x16xi32>,
    %get3A_372 = arith.constant 0 : i32
    %get3A_373 = arith.constant 1 : i32
    %get3A_374 = arith.index_cast %get3A_372 : i32 to index
    %get3A_375 = arith.index_cast %get3A_373 : i32 to index
    %get3A_376 = arith.constant 48 : index
    %get3A_377 = tpu.vector_load %arg7[%get3A_374, %get3A_375, %get3A_376] {strides = array<i32>} : memref<2x4x128xi32, #tpu.memory_space<vmem>>, vector<1x1x16xi32>,
    %get3A_378 = vector.shape_cast %get3A_377 : vector<1x1x16xi32> to vector<16xi32>
    %shift_right_arithmetic3A_379 = arith.constant 14 : i32
    %shift_right_arithmetic3A_380 = vector.broadcast %shift_right_arithmetic3A_379 : i32 to vector<16xi32>
    %shift_right_arithmetic3A_381 = arith.shrsi %get3A_378, %shift_right_arithmetic3A_380 : vector<16xi32>
    %swap3A_382 = arith.constant 0 : i32
    %swap3A_383 = arith.constant 1 : i32
    %swap3A_384 = arith.index_cast %swap3A_382 : i32 to index
    %swap3A_385 = arith.index_cast %swap3A_383 : i32 to index
    %swap3A_386 = arith.constant 48 : index
    %swap3A_387 = tpu.vector_load %arg8[%swap3A_384, %swap3A_385, %swap3A_386] {strides = array<i32>} : memref<2x4x128xi32, #tpu.memory_space<vmem>>, vector<1x1x16xi32>,
    %swap3A_388 = vector.shape_cast %swap3A_387 : vector<1x1x16xi32> to vector<16xi32>
    %swap3A_389 = vector.shape_cast %shift_right_arithmetic3A_381 : vector<16xi32> to vector<1x1x16xi32>
    tpu.vector_store %arg8[%swap3A_384, %swap3A_385, %swap3A_386], %swap3A_389 {strides = array<i32>} : memref<2x4x128xi32, #tpu.memory_space<vmem>>, vector<1x1x16xi32>,
    %and3A_390 = arith.constant 16383 : i32
    %and3A_391 = vector.broadcast %and3A_390 : i32 to vector<16xi32>
    %and3A_392 = arith.andi %get3A_378, %and3A_391 : vector<16xi32>
    %swap3A_393 = arith.constant 0 : i32
    %swap3A_394 = arith.constant 1 : i32
    %swap3A_395 = arith.index_cast %swap3A_393 : i32 to index
    %swap3A_396 = arith.index_cast %swap3A_394 : i32 to index
    %swap3A_397 = arith.constant 48 : index
    %swap3A_398 = tpu.vector_load %arg7[%swap3A_395, %swap3A_396, %swap3A_397] {strides = array<i32>} : memref<2x4x128xi32, #tpu.memory_space<vmem>>, vector<1x1x16xi32>,
    %swap3A_399 = vector.shape_cast %swap3A_398 : vector<1x1x16xi32> to vector<16xi32>
    %swap3A_400 = vector.shape_cast %and3A_392 : vector<16xi32> to vector<1x1x16xi32>
    tpu.vector_store %arg7[%swap3A_395, %swap3A_396, %swap3A_397], %swap3A_400 {strides = array<i32>} : memref<2x4x128xi32, #tpu.memory_space<vmem>>, vector<1x1x16xi32>,
    %get3A_401 = arith.constant 0 : i32
    %get3A_402 = arith.constant 1 : i32
    %get3A_403 = arith.index_cast %get3A_401 : i32 to index
    %get3A_404 = arith.index_cast %get3A_402 : i32 to index
    %get3A_405 = arith.constant 64 : index
    %get3A_406 = tpu.vector_load %arg7[%get3A_403, %get3A_404, %get3A_405] {strides = array<i32>} : memref<2x4x128xi32, #tpu.memory_space<vmem>>, vector<1x1x16xi32>,
    %get3A_407 = vector.shape_cast %get3A_406 : vector<1x1x16xi32> to vector<16xi32>
    %shift_right_arithmetic3A_408 = arith.constant 14 : i32
    %shift_right_arithmetic3A_409 = vector.broadcast %shift_right_arithmetic3A_408 : i32 to vector<16xi32>
    %shift_right_arithmetic3A_410 = arith.shrsi %get3A_407, %shift_right_arithmetic3A_409 : vector<16xi32>
    %swap3A_411 = arith.constant 0 : i32
    %swap3A_412 = arith.constant 1 : i32
    %swap3A_413 = arith.index_cast %swap3A_411 : i32 to index
    %swap3A_414 = arith.index_cast %swap3A_412 : i32 to index
    %swap3A_415 = arith.constant 64 : index
    %swap3A_416 = tpu.vector_load %arg8[%swap3A_413, %swap3A_414, %swap3A_415] {strides = array<i32>} : memref<2x4x128xi32, #tpu.memory_space<vmem>>, vector<1x1x16xi32>,
    %swap3A_417 = vector.shape_cast %swap3A_416 : vector<1x1x16xi32> to vector<16xi32>
    %swap3A_418 = vector.shape_cast %shift_right_arithmetic3A_410 : vector<16xi32> to vector<1x1x16xi32>
    tpu.vector_store %arg8[%swap3A_413, %swap3A_414, %swap3A_415], %swap3A_418 {strides = array<i32>} : memref<2x4x128xi32, #tpu.memory_space<vmem>>, vector<1x1x16xi32>,
    %and3A_419 = arith.constant 16383 : i32
    %and3A_420 = vector.broadcast %and3A_419 : i32 to vector<16xi32>
    %and3A_421 = arith.andi %get3A_407, %and3A_420 : vector<16xi32>
    %swap3A_422 = arith.constant 0 : i32
    %swap3A_423 = arith.constant 1 : i32
    %swap3A_424 = arith.index_cast %swap3A_422 : i32 to index
    %swap3A_425 = arith.index_cast %swap3A_423 : i32 to index
    %swap3A_426 = arith.constant 64 : index
    %swap3A_427 = tpu.vector_load %arg7[%swap3A_424, %swap3A_425, %swap3A_426] {strides = array<i32>} : memref<2x4x128xi32, #tpu.memory_space<vmem>>, vector<1x1x16xi32>,
    %swap3A_428 = vector.shape_cast %swap3A_427 : vector<1x1x16xi32> to vector<16xi32>
    %swap3A_429 = vector.shape_cast %and3A_421 : vector<16xi32> to vector<1x1x16xi32>
    tpu.vector_store %arg7[%swap3A_424, %swap3A_425, %swap3A_426], %swap3A_429 {strides = array<i32>} : memref<2x4x128xi32, #tpu.memory_space<vmem>>, vector<1x1x16xi32>,
    %get3A_430 = arith.constant 0 : i32
    %get3A_431 = arith.constant 1 : i32
    %get3A_432 = arith.index_cast %get3A_430 : i32 to index
    %get3A_433 = arith.index_cast %get3A_431 : i32 to index
    %get3A_434 = arith.constant 80 : index
    %get3A_435 = tpu.vector_load %arg7[%get3A_432, %get3A_433, %get3A_434] {strides = array<i32>} : memref<2x4x128xi32, #tpu.memory_space<vmem>>, vector<1x1x16xi32>,
    %get3A_436 = vector.shape_cast %get3A_435 : vector<1x1x16xi32> to vector<16xi32>
    %shift_right_arithmetic3A_437 = arith.constant 14 : i32
    %shift_right_arithmetic3A_438 = vector.broadcast %shift_right_arithmetic3A_437 : i32 to vector<16xi32>
    %shift_right_arithmetic3A_439 = arith.shrsi %get3A_436, %shift_right_arithmetic3A_438 : vector<16xi32>
    %swap3A_440 = arith.constant 0 : i32
    %swap3A_441 = arith.constant 1 : i32
    %swap3A_442 = arith.index_cast %swap3A_440 : i32 to index
    %swap3A_443 = arith.index_cast %swap3A_441 : i32 to index
    %swap3A_444 = arith.constant 80 : index
    %swap3A_445 = tpu.vector_load %arg8[%swap3A_442, %swap3A_443, %swap3A_444] {strides = array<i32>} : memref<2x4x128xi32, #tpu.memory_space<vmem>>, vector<1x1x16xi32>,
    %swap3A_446 = vector.shape_cast %swap3A_445 : vector<1x1x16xi32> to vector<16xi32>
    %swap3A_447 = vector.shape_cast %shift_right_arithmetic3A_439 : vector<16xi32> to vector<1x1x16xi32>
    tpu.vector_store %arg8[%swap3A_442, %swap3A_443, %swap3A_444], %swap3A_447 {strides = array<i32>} : memref<2x4x128xi32, #tpu.memory_space<vmem>>, vector<1x1x16xi32>,
    %and3A_448 = arith.constant 16383 : i32
    %and3A_449 = vector.broadcast %and3A_448 : i32 to vector<16xi32>
    %and3A_450 = arith.andi %get3A_436, %and3A_449 : vector<16xi32>
    %swap3A_451 = arith.constant 0 : i32
    %swap3A_452 = arith.constant 1 : i32
    %swap3A_453 = arith.index_cast %swap3A_451 : i32 to index
    %swap3A_454 = arith.index_cast %swap3A_452 : i32 to index
    %swap3A_455 = arith.constant 80 : index
    %swap3A_456 = tpu.vector_load %arg7[%swap3A_453, %swap3A_454, %swap3A_455] {strides = array<i32>} : memref<2x4x128xi32, #tpu.memory_space<vmem>>, vector<1x1x16xi32>,
    %swap3A_457 = vector.shape_cast %swap3A_456 : vector<1x1x16xi32> to vector<16xi32>
    %swap3A_458 = vector.shape_cast %and3A_450 : vector<16xi32> to vector<1x1x16xi32>
    tpu.vector_store %arg7[%swap3A_453, %swap3A_454, %swap3A_455], %swap3A_458 {strides = array<i32>} : memref<2x4x128xi32, #tpu.memory_space<vmem>>, vector<1x1x16xi32>,
    %get3A_459 = arith.constant 0 : i32
    %get3A_460 = arith.constant 1 : i32
    %get3A_461 = arith.index_cast %get3A_459 : i32 to index
    %get3A_462 = arith.index_cast %get3A_460 : i32 to index
    %get3A_463 = arith.constant 96 : index
    %get3A_464 = tpu.vector_load %arg7[%get3A_461, %get3A_462, %get3A_463] {strides = array<i32>} : memref<2x4x128xi32, #tpu.memory_space<vmem>>, vector<1x1x16xi32>,
    %get3A_465 = vector.shape_cast %get3A_464 : vector<1x1x16xi32> to vector<16xi32>
    %shift_right_arithmetic3A_466 = arith.constant 14 : i32
    %shift_right_arithmetic3A_467 = vector.broadcast %shift_right_arithmetic3A_466 : i32 to vector<16xi32>
    %shift_right_arithmetic3A_468 = arith.shrsi %get3A_465, %shift_right_arithmetic3A_467 : vector<16xi32>
    %swap3A_469 = arith.constant 0 : i32
    %swap3A_470 = arith.constant 1 : i32
    %swap3A_471 = arith.index_cast %swap3A_469 : i32 to index
    %swap3A_472 = arith.index_cast %swap3A_470 : i32 to index
    %swap3A_473 = arith.constant 96 : index
    %swap3A_474 = tpu.vector_load %arg8[%swap3A_471, %swap3A_472, %swap3A_473] {strides = array<i32>} : memref<2x4x128xi32, #tpu.memory_space<vmem>>, vector<1x1x16xi32>,
    %swap3A_475 = vector.shape_cast %swap3A_474 : vector<1x1x16xi32> to vector<16xi32>
    %swap3A_476 = vector.shape_cast %shift_right_arithmetic3A_468 : vector<16xi32> to vector<1x1x16xi32>
    tpu.vector_store %arg8[%swap3A_471, %swap3A_472, %swap3A_473], %swap3A_476 {strides = array<i32>} : memref<2x4x128xi32, #tpu.memory_space<vmem>>, vector<1x1x16xi32>,
    %and3A_477 = arith.constant 16383 : i32
    %and3A_478 = vector.broadcast %and3A_477 : i32 to vector<16xi32>
    %and3A_479 = arith.andi %get3A_465, %and3A_478 : vector<16xi32>
    %swap3A_480 = arith.constant 0 : i32
    %swap3A_481 = arith.constant 1 : i32
    %swap3A_482 = arith.index_cast %swap3A_480 : i32 to index
    %swap3A_483 = arith.index_cast %swap3A_481 : i32 to index
    %swap3A_484 = arith.constant 96 : index
    %swap3A_485 = tpu.vector_load %arg7[%swap3A_482, %swap3A_483, %swap3A_484] {strides = array<i32>} : memref<2x4x128xi32, #tpu.memory_space<vmem>>, vector<1x1x16xi32>,
    %swap3A_486 = vector.shape_cast %swap3A_485 : vector<1x1x16xi32> to vector<16xi32>
    %swap3A_487 = vector.shape_cast %and3A_479 : vector<16xi32> to vector<1x1x16xi32>
    tpu.vector_store %arg7[%swap3A_482, %swap3A_483, %swap3A_484], %swap3A_487 {strides = array<i32>} : memref<2x4x128xi32, #tpu.memory_space<vmem>>, vector<1x1x16xi32>,
    %get3A_488 = arith.constant 0 : i32
    %get3A_489 = arith.constant 1 : i32
    %get3A_490 = arith.index_cast %get3A_488 : i32 to index
    %get3A_491 = arith.index_cast %get3A_489 : i32 to index
    %get3A_492 = arith.constant 112 : index
    %get3A_493 = tpu.vector_load %arg7[%get3A_490, %get3A_491, %get3A_492] {strides = array<i32>} : memref<2x4x128xi32, #tpu.memory_space<vmem>>, vector<1x1x16xi32>,
    %get3A_494 = vector.shape_cast %get3A_493 : vector<1x1x16xi32> to vector<16xi32>
    %shift_right_arithmetic3A_495 = arith.constant 14 : i32
    %shift_right_arithmetic3A_496 = vector.broadcast %shift_right_arithmetic3A_495 : i32 to vector<16xi32>
    %shift_right_arithmetic3A_497 = arith.shrsi %get3A_494, %shift_right_arithmetic3A_496 : vector<16xi32>
    %swap3A_498 = arith.constant 0 : i32
    %swap3A_499 = arith.constant 1 : i32
    %swap3A_500 = arith.index_cast %swap3A_498 : i32 to index
    %swap3A_501 = arith.index_cast %swap3A_499 : i32 to index
    %swap3A_502 = arith.constant 112 : index
    %swap3A_503 = tpu.vector_load %arg8[%swap3A_500, %swap3A_501, %swap3A_502] {strides = array<i32>} : memref<2x4x128xi32, #tpu.memory_space<vmem>>, vector<1x1x16xi32>,
    %swap3A_504 = vector.shape_cast %swap3A_503 : vector<1x1x16xi32> to vector<16xi32>
    %swap3A_505 = vector.shape_cast %shift_right_arithmetic3A_497 : vector<16xi32> to vector<1x1x16xi32>
    tpu.vector_store %arg8[%swap3A_500, %swap3A_501, %swap3A_502], %swap3A_505 {strides = array<i32>} : memref<2x4x128xi32, #tpu.memory_space<vmem>>, vector<1x1x16xi32>,
    %and3A_506 = arith.constant 16383 : i32
    %and3A_507 = vector.broadcast %and3A_506 : i32 to vector<16xi32>
    %and3A_508 = arith.andi %get3A_494, %and3A_507 : vector<16xi32>
    %swap3A_509 = arith.constant 0 : i32
    %swap3A_510 = arith.constant 1 : i32
    %swap3A_511 = arith.index_cast %swap3A_509 : i32 to index
    %swap3A_512 = arith.index_cast %swap3A_510 : i32 to index
    %swap3A_513 = arith.constant 112 : index
    %swap3A_514 = tpu.vector_load %arg7[%swap3A_511, %swap3A_512, %swap3A_513] {strides = array<i32>} : memref<2x4x128xi32, #tpu.memory_space<vmem>>, vector<1x1x16xi32>,
    %swap3A_515 = vector.shape_cast %swap3A_514 : vector<1x1x16xi32> to vector<16xi32>
    %swap3A_516 = vector.shape_cast %and3A_508 : vector<16xi32> to vector<1x1x16xi32>
    tpu.vector_store %arg7[%swap3A_511, %swap3A_512, %swap3A_513], %swap3A_516 {strides = array<i32>} : memref<2x4x128xi32, #tpu.memory_space<vmem>>, vector<1x1x16xi32>,
    %get3A_517 = arith.constant 0 : i32
    %get3A_518 = arith.constant 2 : i32
    %get3A_519 = arith.index_cast %get3A_517 : i32 to index
    %get3A_520 = arith.index_cast %get3A_518 : i32 to index
    %get3A_521 = arith.constant 0 : index
    %get3A_522 = tpu.vector_load %arg7[%get3A_519, %get3A_520, %get3A_521] {strides = array<i32>} : memref<2x4x128xi32, #tpu.memory_space<vmem>>, vector<1x1x16xi32>,
    %get3A_523 = vector.shape_cast %get3A_522 : vector<1x1x16xi32> to vector<16xi32>
    %shift_right_arithmetic3A_524 = arith.constant 14 : i32
    %shift_right_arithmetic3A_525 = vector.broadcast %shift_right_arithmetic3A_524 : i32 to vector<16xi32>
    %shift_right_arithmetic3A_526 = arith.shrsi %get3A_523, %shift_right_arithmetic3A_525 : vector<16xi32>
    %swap3A_527 = arith.constant 0 : i32
    %swap3A_528 = arith.constant 2 : i32
    %swap3A_529 = arith.index_cast %swap3A_527 : i32 to index
    %swap3A_530 = arith.index_cast %swap3A_528 : i32 to index
    %swap3A_531 = arith.constant 0 : index
    %swap3A_532 = tpu.vector_load %arg8[%swap3A_529, %swap3A_530, %swap3A_531] {strides = array<i32>} : memref<2x4x128xi32, #tpu.memory_space<vmem>>, vector<1x1x16xi32>,
    %swap3A_533 = vector.shape_cast %swap3A_532 : vector<1x1x16xi32> to vector<16xi32>
    %swap3A_534 = vector.shape_cast %shift_right_arithmetic3A_526 : vector<16xi32> to vector<1x1x16xi32>
    tpu.vector_store %arg8[%swap3A_529, %swap3A_530, %swap3A_531], %swap3A_534 {strides = array<i32>} : memref<2x4x128xi32, #tpu.memory_space<vmem>>, vector<1x1x16xi32>,
    %and3A_535 = arith.constant 16383 : i32
    %and3A_536 = vector.broadcast %and3A_535 : i32 to vector<16xi32>
    %and3A_537 = arith.andi %get3A_523, %and3A_536 : vector<16xi32>
    %swap3A_538 = arith.constant 0 : i32
    %swap3A_539 = arith.constant 2 : i32
    %swap3A_540 = arith.index_cast %swap3A_538 : i32 to index
    %swap3A_541 = arith.index_cast %swap3A_539 : i32 to index
    %swap3A_542 = arith.constant 0 : index
    %swap3A_543 = tpu.vector_load %arg7[%swap3A_540, %swap3A_541, %swap3A_542] {strides = array<i32>} : memref<2x4x128xi32, #tpu.memory_space<vmem>>, vector<1x1x16xi32>,
    %swap3A_544 = vector.shape_cast %swap3A_543 : vector<1x1x16xi32> to vector<16xi32>
    %swap3A_545 = vector.shape_cast %and3A_537 : vector<16xi32> to vector<1x1x16xi32>
    tpu.vector_store %arg7[%swap3A_540, %swap3A_541, %swap3A_542], %swap3A_545 {strides = array<i32>} : memref<2x4x128xi32, #tpu.memory_space<vmem>>, vector<1x1x16xi32>,
    %get3A_546 = arith.constant 0 : i32
    %get3A_547 = arith.constant 2 : i32
    %get3A_548 = arith.index_cast %get3A_546 : i32 to index
    %get3A_549 = arith.index_cast %get3A_547 : i32 to index
    %get3A_550 = arith.constant 16 : index
    %get3A_551 = tpu.vector_load %arg7[%get3A_548, %get3A_549, %get3A_550] {strides = array<i32>} : memref<2x4x128xi32, #tpu.memory_space<vmem>>, vector<1x1x16xi32>,
    %get3A_552 = vector.shape_cast %get3A_551 : vector<1x1x16xi32> to vector<16xi32>
    %shift_right_arithmetic3A_553 = arith.constant 14 : i32
    %shift_right_arithmetic3A_554 = vector.broadcast %shift_right_arithmetic3A_553 : i32 to vector<16xi32>
    %shift_right_arithmetic3A_555 = arith.shrsi %get3A_552, %shift_right_arithmetic3A_554 : vector<16xi32>
    %swap3A_556 = arith.constant 0 : i32
    %swap3A_557 = arith.constant 2 : i32
    %swap3A_558 = arith.index_cast %swap3A_556 : i32 to index
    %swap3A_559 = arith.index_cast %swap3A_557 : i32 to index
    %swap3A_560 = arith.constant 16 : index
    %swap3A_561 = tpu.vector_load %arg8[%swap3A_558, %swap3A_559, %swap3A_560] {strides = array<i32>} : memref<2x4x128xi32, #tpu.memory_space<vmem>>, vector<1x1x16xi32>,
    %swap3A_562 = vector.shape_cast %swap3A_561 : vector<1x1x16xi32> to vector<16xi32>
    %swap3A_563 = vector.shape_cast %shift_right_arithmetic3A_555 : vector<16xi32> to vector<1x1x16xi32>
    tpu.vector_store %arg8[%swap3A_558, %swap3A_559, %swap3A_560], %swap3A_563 {strides = array<i32>} : memref<2x4x128xi32, #tpu.memory_space<vmem>>, vector<1x1x16xi32>,
    %and3A_564 = arith.constant 16383 : i32
    %and3A_565 = vector.broadcast %and3A_564 : i32 to vector<16xi32>
    %and3A_566 = arith.andi %get3A_552, %and3A_565 : vector<16xi32>
    %swap3A_567 = arith.constant 0 : i32
    %swap3A_568 = arith.constant 2 : i32
    %swap3A_569 = arith.index_cast %swap3A_567 : i32 to index
    %swap3A_570 = arith.index_cast %swap3A_568 : i32 to index
    %swap3A_571 = arith.constant 16 : index
    %swap3A_572 = tpu.vector_load %arg7[%swap3A_569, %swap3A_570, %swap3A_571] {strides = array<i32>} : memref<2x4x128xi32, #tpu.memory_space<vmem>>, vector<1x1x16xi32>,
    %swap3A_573 = vector.shape_cast %swap3A_572 : vector<1x1x16xi32> to vector<16xi32>
    %swap3A_574 = vector.shape_cast %and3A_566 : vector<16xi32> to vector<1x1x16xi32>
    tpu.vector_store %arg7[%swap3A_569, %swap3A_570, %swap3A_571], %swap3A_574 {strides = array<i32>} : memref<2x4x128xi32, #tpu.memory_space<vmem>>, vector<1x1x16xi32>,
    %get3A_575 = arith.constant 0 : i32
    %get3A_576 = arith.constant 2 : i32
    %get3A_577 = arith.index_cast %get3A_575 : i32 to index
    %get3A_578 = arith.index_cast %get3A_576 : i32 to index
    %get3A_579 = arith.constant 32 : index
    %get3A_580 = tpu.vector_load %arg7[%get3A_577, %get3A_578, %get3A_579] {strides = array<i32>} : memref<2x4x128xi32, #tpu.memory_space<vmem>>, vector<1x1x16xi32>,
    %get3A_581 = vector.shape_cast %get3A_580 : vector<1x1x16xi32> to vector<16xi32>
    %shift_right_arithmetic3A_582 = arith.constant 14 : i32
    %shift_right_arithmetic3A_583 = vector.broadcast %shift_right_arithmetic3A_582 : i32 to vector<16xi32>
    %shift_right_arithmetic3A_584 = arith.shrsi %get3A_581, %shift_right_arithmetic3A_583 : vector<16xi32>
    %swap3A_585 = arith.constant 0 : i32
    %swap3A_586 = arith.constant 2 : i32
    %swap3A_587 = arith.index_cast %swap3A_585 : i32 to index
    %swap3A_588 = arith.index_cast %swap3A_586 : i32 to index
    %swap3A_589 = arith.constant 32 : index
    %swap3A_590 = tpu.vector_load %arg8[%swap3A_587, %swap3A_588, %swap3A_589] {strides = array<i32>} : memref<2x4x128xi32, #tpu.memory_space<vmem>>, vector<1x1x16xi32>,
    %swap3A_591 = vector.shape_cast %swap3A_590 : vector<1x1x16xi32> to vector<16xi32>
    %swap3A_592 = vector.shape_cast %shift_right_arithmetic3A_584 : vector<16xi32> to vector<1x1x16xi32>
    tpu.vector_store %arg8[%swap3A_587, %swap3A_588, %swap3A_589], %swap3A_592 {strides = array<i32>} : memref<2x4x128xi32, #tpu.memory_space<vmem>>, vector<1x1x16xi32>,
    %and3A_593 = arith.constant 16383 : i32
    %and3A_594 = vector.broadcast %and3A_593 : i32 to vector<16xi32>
    %and3A_595 = arith.andi %get3A_581, %and3A_594 : vector<16xi32>
    %swap3A_596 = arith.constant 0 : i32
    %swap3A_597 = arith.constant 2 : i32
    %swap3A_598 = arith.index_cast %swap3A_596 : i32 to index
    %swap3A_599 = arith.index_cast %swap3A_597 : i32 to index
    %swap3A_600 = arith.constant 32 : index
    %swap3A_601 = tpu.vector_load %arg7[%swap3A_598, %swap3A_599, %swap3A_600] {strides = array<i32>} : memref<2x4x128xi32, #tpu.memory_space<vmem>>, vector<1x1x16xi32>,
    %swap3A_602 = vector.shape_cast %swap3A_601 : vector<1x1x16xi32> to vector<16xi32>
    %swap3A_603 = vector.shape_cast %and3A_595 : vector<16xi32> to vector<1x1x16xi32>
    tpu.vector_store %arg7[%swap3A_598, %swap3A_599, %swap3A_600], %swap3A_603 {strides = array<i32>} : memref<2x4x128xi32, #tpu.memory_space<vmem>>, vector<1x1x16xi32>,
    %get3A_604 = arith.constant 0 : i32
    %get3A_605 = arith.constant 2 : i32
    %get3A_606 = arith.index_cast %get3A_604 : i32 to index
    %get3A_607 = arith.index_cast %get3A_605 : i32 to index
    %get3A_608 = arith.constant 48 : index
    %get3A_609 = tpu.vector_load %arg7[%get3A_606, %get3A_607, %get3A_608] {strides = array<i32>} : memref<2x4x128xi32, #tpu.memory_space<vmem>>, vector<1x1x16xi32>,
    %get3A_610 = vector.shape_cast %get3A_609 : vector<1x1x16xi32> to vector<16xi32>
    %shift_right_arithmetic3A_611 = arith.constant 14 : i32
    %shift_right_arithmetic3A_612 = vector.broadcast %shift_right_arithmetic3A_611 : i32 to vector<16xi32>
    %shift_right_arithmetic3A_613 = arith.shrsi %get3A_610, %shift_right_arithmetic3A_612 : vector<16xi32>
    %swap3A_614 = arith.constant 0 : i32
    %swap3A_615 = arith.constant 2 : i32
    %swap3A_616 = arith.index_cast %swap3A_614 : i32 to index
    %swap3A_617 = arith.index_cast %swap3A_615 : i32 to index
    %swap3A_618 = arith.constant 48 : index
    %swap3A_619 = tpu.vector_load %arg8[%swap3A_616, %swap3A_617, %swap3A_618] {strides = array<i32>} : memref<2x4x128xi32, #tpu.memory_space<vmem>>, vector<1x1x16xi32>,
    %swap3A_620 = vector.shape_cast %swap3A_619 : vector<1x1x16xi32> to vector<16xi32>
    %swap3A_621 = vector.shape_cast %shift_right_arithmetic3A_613 : vector<16xi32> to vector<1x1x16xi32>
    tpu.vector_store %arg8[%swap3A_616, %swap3A_617, %swap3A_618], %swap3A_621 {strides = array<i32>} : memref<2x4x128xi32, #tpu.memory_space<vmem>>, vector<1x1x16xi32>,
    %and3A_622 = arith.constant 16383 : i32
    %and3A_623 = vector.broadcast %and3A_622 : i32 to vector<16xi32>
    %and3A_624 = arith.andi %get3A_610, %and3A_623 : vector<16xi32>
    %swap3A_625 = arith.constant 0 : i32
    %swap3A_626 = arith.constant 2 : i32
    %swap3A_627 = arith.index_cast %swap3A_625 : i32 to index
    %swap3A_628 = arith.index_cast %swap3A_626 : i32 to index
    %swap3A_629 = arith.constant 48 : index
    %swap3A_630 = tpu.vector_load %arg7[%swap3A_627, %swap3A_628, %swap3A_629] {strides = array<i32>} : memref<2x4x128xi32, #tpu.memory_space<vmem>>, vector<1x1x16xi32>,
    %swap3A_631 = vector.shape_cast %swap3A_630 : vector<1x1x16xi32> to vector<16xi32>
    %swap3A_632 = vector.shape_cast %and3A_624 : vector<16xi32> to vector<1x1x16xi32>
    tpu.vector_store %arg7[%swap3A_627, %swap3A_628, %swap3A_629], %swap3A_632 {strides = array<i32>} : memref<2x4x128xi32, #tpu.memory_space<vmem>>, vector<1x1x16xi32>,
    %get3A_633 = arith.constant 0 : i32
    %get3A_634 = arith.constant 2 : i32
    %get3A_635 = arith.index_cast %get3A_633 : i32 to index
    %get3A_636 = arith.index_cast %get3A_634 : i32 to index
    %get3A_637 = arith.constant 64 : index
    %get3A_638 = tpu.vector_load %arg7[%get3A_635, %get3A_636, %get3A_637] {strides = array<i32>} : memref<2x4x128xi32, #tpu.memory_space<vmem>>, vector<1x1x16xi32>,
    %get3A_639 = vector.shape_cast %get3A_638 : vector<1x1x16xi32> to vector<16xi32>
    %shift_right_arithmetic3A_640 = arith.constant 14 : i32
    %shift_right_arithmetic3A_641 = vector.broadcast %shift_right_arithmetic3A_640 : i32 to vector<16xi32>
    %shift_right_arithmetic3A_642 = arith.shrsi %get3A_639, %shift_right_arithmetic3A_641 : vector<16xi32>
    %swap3A_643 = arith.constant 0 : i32
    %swap3A_644 = arith.constant 2 : i32
    %swap3A_645 = arith.index_cast %swap3A_643 : i32 to index
    %swap3A_646 = arith.index_cast %swap3A_644 : i32 to index
    %swap3A_647 = arith.constant 64 : index
    %swap3A_648 = tpu.vector_load %arg8[%swap3A_645, %swap3A_646, %swap3A_647] {strides = array<i32>} : memref<2x4x128xi32, #tpu.memory_space<vmem>>, vector<1x1x16xi32>,
    %swap3A_649 = vector.shape_cast %swap3A_648 : vector<1x1x16xi32> to vector<16xi32>
    %swap3A_650 = vector.shape_cast %shift_right_arithmetic3A_642 : vector<16xi32> to vector<1x1x16xi32>
    tpu.vector_store %arg8[%swap3A_645, %swap3A_646, %swap3A_647], %swap3A_650 {strides = array<i32>} : memref<2x4x128xi32, #tpu.memory_space<vmem>>, vector<1x1x16xi32>,
    %and3A_651 = arith.constant 16383 : i32
    %and3A_652 = vector.broadcast %and3A_651 : i32 to vector<16xi32>
    %and3A_653 = arith.andi %get3A_639, %and3A_652 : vector<16xi32>
    %swap3A_654 = arith.constant 0 : i32
    %swap3A_655 = arith.constant 2 : i32
    %swap3A_656 = arith.index_cast %swap3A_654 : i32 to index
    %swap3A_657 = arith.index_cast %swap3A_655 : i32 to index
    %swap3A_658 = arith.constant 64 : index
    %swap3A_659 = tpu.vector_load %arg7[%swap3A_656, %swap3A_657, %swap3A_658] {strides = array<i32>} : memref<2x4x128xi32, #tpu.memory_space<vmem>>, vector<1x1x16xi32>,
    %swap3A_660 = vector.shape_cast %swap3A_659 : vector<1x1x16xi32> to vector<16xi32>
    %swap3A_661 = vector.shape_cast %and3A_653 : vector<16xi32> to vector<1x1x16xi32>
    tpu.vector_store %arg7[%swap3A_656, %swap3A_657, %swap3A_658], %swap3A_661 {strides = array<i32>} : memref<2x4x128xi32, #tpu.memory_space<vmem>>, vector<1x1x16xi32>,
    %get3A_662 = arith.constant 0 : i32
    %get3A_663 = arith.constant 2 : i32
    %get3A_664 = arith.index_cast %get3A_662 : i32 to index
    %get3A_665 = arith.index_cast %get3A_663 : i32 to index
    %get3A_666 = arith.constant 80 : index
    %get3A_667 = tpu.vector_load %arg7[%get3A_664, %get3A_665, %get3A_666] {strides = array<i32>} : memref<2x4x128xi32, #tpu.memory_space<vmem>>, vector<1x1x16xi32>,
    %get3A_668 = vector.shape_cast %get3A_667 : vector<1x1x16xi32> to vector<16xi32>
    %shift_right_arithmetic3A_669 = arith.constant 14 : i32
    %shift_right_arithmetic3A_670 = vector.broadcast %shift_right_arithmetic3A_669 : i32 to vector<16xi32>
    %shift_right_arithmetic3A_671 = arith.shrsi %get3A_668, %shift_right_arithmetic3A_670 : vector<16xi32>
    %swap3A_672 = arith.constant 0 : i32
    %swap3A_673 = arith.constant 2 : i32
    %swap3A_674 = arith.index_cast %swap3A_672 : i32 to index
    %swap3A_675 = arith.index_cast %swap3A_673 : i32 to index
    %swap3A_676 = arith.constant 80 : index
    %swap3A_677 = tpu.vector_load %arg8[%swap3A_674, %swap3A_675, %swap3A_676] {strides = array<i32>} : memref<2x4x128xi32, #tpu.memory_space<vmem>>, vector<1x1x16xi32>,
    %swap3A_678 = vector.shape_cast %swap3A_677 : vector<1x1x16xi32> to vector<16xi32>
    %swap3A_679 = vector.shape_cast %shift_right_arithmetic3A_671 : vector<16xi32> to vector<1x1x16xi32>
    tpu.vector_store %arg8[%swap3A_674, %swap3A_675, %swap3A_676], %swap3A_679 {strides = array<i32>} : memref<2x4x128xi32, #tpu.memory_space<vmem>>, vector<1x1x16xi32>,
    %and3A_680 = arith.constant 16383 : i32
    %and3A_681 = vector.broadcast %and3A_680 : i32 to vector<16xi32>
    %and3A_682 = arith.andi %get3A_668, %and3A_681 : vector<16xi32>
    %swap3A_683 = arith.constant 0 : i32
    %swap3A_684 = arith.constant 2 : i32
    %swap3A_685 = arith.index_cast %swap3A_683 : i32 to index
    %swap3A_686 = arith.index_cast %swap3A_684 : i32 to index
    %swap3A_687 = arith.constant 80 : index
    %swap3A_688 = tpu.vector_load %arg7[%swap3A_685, %swap3A_686, %swap3A_687] {strides = array<i32>} : memref<2x4x128xi32, #tpu.memory_space<vmem>>, vector<1x1x16xi32>,
    %swap3A_689 = vector.shape_cast %swap3A_688 : vector<1x1x16xi32> to vector<16xi32>
    %swap3A_690 = vector.shape_cast %and3A_682 : vector<16xi32> to vector<1x1x16xi32>
    tpu.vector_store %arg7[%swap3A_685, %swap3A_686, %swap3A_687], %swap3A_690 {strides = array<i32>} : memref<2x4x128xi32, #tpu.memory_space<vmem>>, vector<1x1x16xi32>,
    %get3A_691 = arith.constant 0 : i32
    %get3A_692 = arith.constant 2 : i32
    %get3A_693 = arith.index_cast %get3A_691 : i32 to index
    %get3A_694 = arith.index_cast %get3A_692 : i32 to index
    %get3A_695 = arith.constant 96 : index
    %get3A_696 = tpu.vector_load %arg7[%get3A_693, %get3A_694, %get3A_695] {strides = array<i32>} : memref<2x4x128xi32, #tpu.memory_space<vmem>>, vector<1x1x16xi32>,
    %get3A_697 = vector.shape_cast %get3A_696 : vector<1x1x16xi32> to vector<16xi32>
    %shift_right_arithmetic3A_698 = arith.constant 14 : i32
    %shift_right_arithmetic3A_699 = vector.broadcast %shift_right_arithmetic3A_698 : i32 to vector<16xi32>
    %shift_right_arithmetic3A_700 = arith.shrsi %get3A_697, %shift_right_arithmetic3A_699 : vector<16xi32>
    %swap3A_701 = arith.constant 0 : i32
    %swap3A_702 = arith.constant 2 : i32
    %swap3A_703 = arith.index_cast %swap3A_701 : i32 to index
    %swap3A_704 = arith.index_cast %swap3A_702 : i32 to index
    %swap3A_705 = arith.constant 96 : index
    %swap3A_706 = tpu.vector_load %arg8[%swap3A_703, %swap3A_704, %swap3A_705] {strides = array<i32>} : memref<2x4x128xi32, #tpu.memory_space<vmem>>, vector<1x1x16xi32>,
    %swap3A_707 = vector.shape_cast %swap3A_706 : vector<1x1x16xi32> to vector<16xi32>
    %swap3A_708 = vector.shape_cast %shift_right_arithmetic3A_700 : vector<16xi32> to vector<1x1x16xi32>
    tpu.vector_store %arg8[%swap3A_703, %swap3A_704, %swap3A_705], %swap3A_708 {strides = array<i32>} : memref<2x4x128xi32, #tpu.memory_space<vmem>>, vector<1x1x16xi32>,
    %and3A_709 = arith.constant 16383 : i32
    %and3A_710 = vector.broadcast %and3A_709 : i32 to vector<16xi32>
    %and3A_711 = arith.andi %get3A_697, %and3A_710 : vector<16xi32>
    %swap3A_712 = arith.constant 0 : i32
    %swap3A_713 = arith.constant 2 : i32
    %swap3A_714 = arith.index_cast %swap3A_712 : i32 to index
    %swap3A_715 = arith.index_cast %swap3A_713 : i32 to index
    %swap3A_716 = arith.constant 96 : index
    %swap3A_717 = tpu.vector_load %arg7[%swap3A_714, %swap3A_715, %swap3A_716] {strides = array<i32>} : memref<2x4x128xi32, #tpu.memory_space<vmem>>, vector<1x1x16xi32>,
    %swap3A_718 = vector.shape_cast %swap3A_717 : vector<1x1x16xi32> to vector<16xi32>
    %swap3A_719 = vector.shape_cast %and3A_711 : vector<16xi32> to vector<1x1x16xi32>
    tpu.vector_store %arg7[%swap3A_714, %swap3A_715, %swap3A_716], %swap3A_719 {strides = array<i32>} : memref<2x4x128xi32, #tpu.memory_space<vmem>>, vector<1x1x16xi32>,
    %get3A_720 = arith.constant 0 : i32
    %get3A_721 = arith.constant 2 : i32
    %get3A_722 = arith.index_cast %get3A_720 : i32 to index
    %get3A_723 = arith.index_cast %get3A_721 : i32 to index
    %get3A_724 = arith.constant 112 : index
    %get3A_725 = tpu.vector_load %arg7[%get3A_722, %get3A_723, %get3A_724] {strides = array<i32>} : memref<2x4x128xi32, #tpu.memory_space<vmem>>, vector<1x1x16xi32>,
    %get3A_726 = vector.shape_cast %get3A_725 : vector<1x1x16xi32> to vector<16xi32>
    %shift_right_arithmetic3A_727 = arith.constant 14 : i32
    %shift_right_arithmetic3A_728 = vector.broadcast %shift_right_arithmetic3A_727 : i32 to vector<16xi32>
    %shift_right_arithmetic3A_729 = arith.shrsi %get3A_726, %shift_right_arithmetic3A_728 : vector<16xi32>
    %swap3A_730 = arith.constant 0 : i32
    %swap3A_731 = arith.constant 2 : i32
    %swap3A_732 = arith.index_cast %swap3A_730 : i32 to index
    %swap3A_733 = arith.index_cast %swap3A_731 : i32 to index
    %swap3A_734 = arith.constant 112 : index
    %swap3A_735 = tpu.vector_load %arg8[%swap3A_732, %swap3A_733, %swap3A_734] {strides = array<i32>} : memref<2x4x128xi32, #tpu.memory_space<vmem>>, vector<1x1x16xi32>,
    %swap3A_736 = vector.shape_cast %swap3A_735 : vector<1x1x16xi32> to vector<16xi32>
    %swap3A_737 = vector.shape_cast %shift_right_arithmetic3A_729 : vector<16xi32> to vector<1x1x16xi32>
    tpu.vector_store %arg8[%swap3A_732, %swap3A_733, %swap3A_734], %swap3A_737 {strides = array<i32>} : memref<2x4x128xi32, #tpu.memory_space<vmem>>, vector<1x1x16xi32>,
    %and3A_738 = arith.constant 16383 : i32
    %and3A_739 = vector.broadcast %and3A_738 : i32 to vector<16xi32>
    %and3A_740 = arith.andi %get3A_726, %and3A_739 : vector<16xi32>
    %swap3A_741 = arith.constant 0 : i32
    %swap3A_742 = arith.constant 2 : i32
    %swap3A_743 = arith.index_cast %swap3A_741 : i32 to index
    %swap3A_744 = arith.index_cast %swap3A_742 : i32 to index
    %swap3A_745 = arith.constant 112 : index
    %swap3A_746 = tpu.vector_load %arg7[%swap3A_743, %swap3A_744, %swap3A_745] {strides = array<i32>} : memref<2x4x128xi32, #tpu.memory_space<vmem>>, vector<1x1x16xi32>,
    %swap3A_747 = vector.shape_cast %swap3A_746 : vector<1x1x16xi32> to vector<16xi32>
    %swap3A_748 = vector.shape_cast %and3A_740 : vector<16xi32> to vector<1x1x16xi32>
    tpu.vector_store %arg7[%swap3A_743, %swap3A_744, %swap3A_745], %swap3A_748 {strides = array<i32>} : memref<2x4x128xi32, #tpu.memory_space<vmem>>, vector<1x1x16xi32>,
    %get3A_749 = arith.constant 0 : i32
    %get3A_750 = arith.constant 3 : i32
    %get3A_751 = arith.index_cast %get3A_749 : i32 to index
    %get3A_752 = arith.index_cast %get3A_750 : i32 to index
    %get3A_753 = arith.constant 0 : index
    %get3A_754 = tpu.vector_load %arg7[%get3A_751, %get3A_752, %get3A_753] {strides = array<i32>} : memref<2x4x128xi32, #tpu.memory_space<vmem>>, vector<1x1x16xi32>,
    %get3A_755 = vector.shape_cast %get3A_754 : vector<1x1x16xi32> to vector<16xi32>
    %shift_right_arithmetic3A_756 = arith.constant 14 : i32
    %shift_right_arithmetic3A_757 = vector.broadcast %shift_right_arithmetic3A_756 : i32 to vector<16xi32>
    %shift_right_arithmetic3A_758 = arith.shrsi %get3A_755, %shift_right_arithmetic3A_757 : vector<16xi32>
    %swap3A_759 = arith.constant 0 : i32
    %swap3A_760 = arith.constant 3 : i32
    %swap3A_761 = arith.index_cast %swap3A_759 : i32 to index
    %swap3A_762 = arith.index_cast %swap3A_760 : i32 to index
    %swap3A_763 = arith.constant 0 : index
    %swap3A_764 = tpu.vector_load %arg8[%swap3A_761, %swap3A_762, %swap3A_763] {strides = array<i32>} : memref<2x4x128xi32, #tpu.memory_space<vmem>>, vector<1x1x16xi32>,
    %swap3A_765 = vector.shape_cast %swap3A_764 : vector<1x1x16xi32> to vector<16xi32>
    %swap3A_766 = vector.shape_cast %shift_right_arithmetic3A_758 : vector<16xi32> to vector<1x1x16xi32>
    tpu.vector_store %arg8[%swap3A_761, %swap3A_762, %swap3A_763], %swap3A_766 {strides = array<i32>} : memref<2x4x128xi32, #tpu.memory_space<vmem>>, vector<1x1x16xi32>,
    %and3A_767 = arith.constant 16383 : i32
    %and3A_768 = vector.broadcast %and3A_767 : i32 to vector<16xi32>
    %and3A_769 = arith.andi %get3A_755, %and3A_768 : vector<16xi32>
    %swap3A_770 = arith.constant 0 : i32
    %swap3A_771 = arith.constant 3 : i32
    %swap3A_772 = arith.index_cast %swap3A_770 : i32 to index
    %swap3A_773 = arith.index_cast %swap3A_771 : i32 to index
    %swap3A_774 = arith.constant 0 : index
    %swap3A_775 = tpu.vector_load %arg7[%swap3A_772, %swap3A_773, %swap3A_774] {strides = array<i32>} : memref<2x4x128xi32, #tpu.memory_space<vmem>>, vector<1x1x16xi32>,
    %swap3A_776 = vector.shape_cast %swap3A_775 : vector<1x1x16xi32> to vector<16xi32>
    %swap3A_777 = vector.shape_cast %and3A_769 : vector<16xi32> to vector<1x1x16xi32>
    tpu.vector_store %arg7[%swap3A_772, %swap3A_773, %swap3A_774], %swap3A_777 {strides = array<i32>} : memref<2x4x128xi32, #tpu.memory_space<vmem>>, vector<1x1x16xi32>,
    %get3A_778 = arith.constant 0 : i32
    %get3A_779 = arith.constant 3 : i32
    %get3A_780 = arith.index_cast %get3A_778 : i32 to index
    %get3A_781 = arith.index_cast %get3A_779 : i32 to index
    %get3A_782 = arith.constant 16 : index
    %get3A_783 = tpu.vector_load %arg7[%get3A_780, %get3A_781, %get3A_782] {strides = array<i32>} : memref<2x4x128xi32, #tpu.memory_space<vmem>>, vector<1x1x16xi32>,
    %get3A_784 = vector.shape_cast %get3A_783 : vector<1x1x16xi32> to vector<16xi32>
    %shift_right_arithmetic3A_785 = arith.constant 14 : i32
    %shift_right_arithmetic3A_786 = vector.broadcast %shift_right_arithmetic3A_785 : i32 to vector<16xi32>
    %shift_right_arithmetic3A_787 = arith.shrsi %get3A_784, %shift_right_arithmetic3A_786 : vector<16xi32>
    %swap3A_788 = arith.constant 0 : i32
    %swap3A_789 = arith.constant 3 : i32
    %swap3A_790 = arith.index_cast %swap3A_788 : i32 to index
    %swap3A_791 = arith.index_cast %swap3A_789 : i32 to index
    %swap3A_792 = arith.constant 16 : index
    %swap3A_793 = tpu.vector_load %arg8[%swap3A_790, %swap3A_791, %swap3A_792] {strides = array<i32>} : memref<2x4x128xi32, #tpu.memory_space<vmem>>, vector<1x1x16xi32>,
    %swap3A_794 = vector.shape_cast %swap3A_793 : vector<1x1x16xi32> to vector<16xi32>
    %swap3A_795 = vector.shape_cast %shift_right_arithmetic3A_787 : vector<16xi32> to vector<1x1x16xi32>
    tpu.vector_store %arg8[%swap3A_790, %swap3A_791, %swap3A_792], %swap3A_795 {strides = array<i32>} : memref<2x4x128xi32, #tpu.memory_space<vmem>>, vector<1x1x16xi32>,
    %and3A_796 = arith.constant 16383 : i32
    %and3A_797 = vector.broadcast %and3A_796 : i32 to vector<16xi32>
    %and3A_798 = arith.andi %get3A_784, %and3A_797 : vector<16xi32>
    %swap3A_799 = arith.constant 0 : i32
    %swap3A_800 = arith.constant 3 : i32
    %swap3A_801 = arith.index_cast %swap3A_799 : i32 to index
    %swap3A_802 = arith.index_cast %swap3A_800 : i32 to index
    %swap3A_803 = arith.constant 16 : index
    %swap3A_804 = tpu.vector_load %arg7[%swap3A_801, %swap3A_802, %swap3A_803] {strides = array<i32>} : memref<2x4x128xi32, #tpu.memory_space<vmem>>, vector<1x1x16xi32>,
    %swap3A_805 = vector.shape_cast %swap3A_804 : vector<1x1x16xi32> to vector<16xi32>
    %swap3A_806 = vector.shape_cast %and3A_798 : vector<16xi32> to vector<1x1x16xi32>
    tpu.vector_store %arg7[%swap3A_801, %swap3A_802, %swap3A_803], %swap3A_806 {strides = array<i32>} : memref<2x4x128xi32, #tpu.memory_space<vmem>>, vector<1x1x16xi32>,
    %get3A_807 = arith.constant 0 : i32
    %get3A_808 = arith.constant 3 : i32
    %get3A_809 = arith.index_cast %get3A_807 : i32 to index
    %get3A_810 = arith.index_cast %get3A_808 : i32 to index
    %get3A_811 = arith.constant 32 : index
    %get3A_812 = tpu.vector_load %arg7[%get3A_809, %get3A_810, %get3A_811] {strides = array<i32>} : memref<2x4x128xi32, #tpu.memory_space<vmem>>, vector<1x1x16xi32>,
    %get3A_813 = vector.shape_cast %get3A_812 : vector<1x1x16xi32> to vector<16xi32>
    %shift_right_arithmetic3A_814 = arith.constant 14 : i32
    %shift_right_arithmetic3A_815 = vector.broadcast %shift_right_arithmetic3A_814 : i32 to vector<16xi32>
    %shift_right_arithmetic3A_816 = arith.shrsi %get3A_813, %shift_right_arithmetic3A_815 : vector<16xi32>
    %swap3A_817 = arith.constant 0 : i32
    %swap3A_818 = arith.constant 3 : i32
    %swap3A_819 = arith.index_cast %swap3A_817 : i32 to index
    %swap3A_820 = arith.index_cast %swap3A_818 : i32 to index
    %swap3A_821 = arith.constant 32 : index
    %swap3A_822 = tpu.vector_load %arg8[%swap3A_819, %swap3A_820, %swap3A_821] {strides = array<i32>} : memref<2x4x128xi32, #tpu.memory_space<vmem>>, vector<1x1x16xi32>,
    %swap3A_823 = vector.shape_cast %swap3A_822 : vector<1x1x16xi32> to vector<16xi32>
    %swap3A_824 = vector.shape_cast %shift_right_arithmetic3A_816 : vector<16xi32> to vector<1x1x16xi32>
    tpu.vector_store %arg8[%swap3A_819, %swap3A_820, %swap3A_821], %swap3A_824 {strides = array<i32>} : memref<2x4x128xi32, #tpu.memory_space<vmem>>, vector<1x1x16xi32>,
    %and3A_825 = arith.constant 16383 : i32
    %and3A_826 = vector.broadcast %and3A_825 : i32 to vector<16xi32>
    %and3A_827 = arith.andi %get3A_813, %and3A_826 : vector<16xi32>
    %swap3A_828 = arith.constant 0 : i32
    %swap3A_829 = arith.constant 3 : i32
    %swap3A_830 = arith.index_cast %swap3A_828 : i32 to index
    %swap3A_831 = arith.index_cast %swap3A_829 : i32 to index
    %swap3A_832 = arith.constant 32 : index
    %swap3A_833 = tpu.vector_load %arg7[%swap3A_830, %swap3A_831, %swap3A_832] {strides = array<i32>} : memref<2x4x128xi32, #tpu.memory_space<vmem>>, vector<1x1x16xi32>,
    %swap3A_834 = vector.shape_cast %swap3A_833 : vector<1x1x16xi32> to vector<16xi32>
    %swap3A_835 = vector.shape_cast %and3A_827 : vector<16xi32> to vector<1x1x16xi32>
    tpu.vector_store %arg7[%swap3A_830, %swap3A_831, %swap3A_832], %swap3A_835 {strides = array<i32>} : memref<2x4x128xi32, #tpu.memory_space<vmem>>, vector<1x1x16xi32>,
    %get3A_836 = arith.constant 0 : i32
    %get3A_837 = arith.constant 3 : i32
    %get3A_838 = arith.index_cast %get3A_836 : i32 to index
    %get3A_839 = arith.index_cast %get3A_837 : i32 to index
    %get3A_840 = arith.constant 48 : index
    %get3A_841 = tpu.vector_load %arg7[%get3A_838, %get3A_839, %get3A_840] {strides = array<i32>} : memref<2x4x128xi32, #tpu.memory_space<vmem>>, vector<1x1x16xi32>,
    %get3A_842 = vector.shape_cast %get3A_841 : vector<1x1x16xi32> to vector<16xi32>
    %shift_right_arithmetic3A_843 = arith.constant 14 : i32
    %shift_right_arithmetic3A_844 = vector.broadcast %shift_right_arithmetic3A_843 : i32 to vector<16xi32>
    %shift_right_arithmetic3A_845 = arith.shrsi %get3A_842, %shift_right_arithmetic3A_844 : vector<16xi32>
    %swap3A_846 = arith.constant 0 : i32
    %swap3A_847 = arith.constant 3 : i32
    %swap3A_848 = arith.index_cast %swap3A_846 : i32 to index
    %swap3A_849 = arith.index_cast %swap3A_847 : i32 to index
    %swap3A_850 = arith.constant 48 : index
    %swap3A_851 = tpu.vector_load %arg8[%swap3A_848, %swap3A_849, %swap3A_850] {strides = array<i32>} : memref<2x4x128xi32, #tpu.memory_space<vmem>>, vector<1x1x16xi32>,
    %swap3A_852 = vector.shape_cast %swap3A_851 : vector<1x1x16xi32> to vector<16xi32>
    %swap3A_853 = vector.shape_cast %shift_right_arithmetic3A_845 : vector<16xi32> to vector<1x1x16xi32>
    tpu.vector_store %arg8[%swap3A_848, %swap3A_849, %swap3A_850], %swap3A_853 {strides = array<i32>} : memref<2x4x128xi32, #tpu.memory_space<vmem>>, vector<1x1x16xi32>,
    %and3A_854 = arith.constant 16383 : i32
    %and3A_855 = vector.broadcast %and3A_854 : i32 to vector<16xi32>
    %and3A_856 = arith.andi %get3A_842, %and3A_855 : vector<16xi32>
    %swap3A_857 = arith.constant 0 : i32
    %swap3A_858 = arith.constant 3 : i32
    %swap3A_859 = arith.index_cast %swap3A_857 : i32 to index
    %swap3A_860 = arith.index_cast %swap3A_858 : i32 to index
    %swap3A_861 = arith.constant 48 : index
    %swap3A_862 = tpu.vector_load %arg7[%swap3A_859, %swap3A_860, %swap3A_861] {strides = array<i32>} : memref<2x4x128xi32, #tpu.memory_space<vmem>>, vector<1x1x16xi32>,
    %swap3A_863 = vector.shape_cast %swap3A_862 : vector<1x1x16xi32> to vector<16xi32>
    %swap3A_864 = vector.shape_cast %and3A_856 : vector<16xi32> to vector<1x1x16xi32>
    tpu.vector_store %arg7[%swap3A_859, %swap3A_860, %swap3A_861], %swap3A_864 {strides = array<i32>} : memref<2x4x128xi32, #tpu.memory_space<vmem>>, vector<1x1x16xi32>,
    %get3A_865 = arith.constant 0 : i32
    %get3A_866 = arith.constant 3 : i32
    %get3A_867 = arith.index_cast %get3A_865 : i32 to index
    %get3A_868 = arith.index_cast %get3A_866 : i32 to index
    %get3A_869 = arith.constant 64 : index
    %get3A_870 = tpu.vector_load %arg7[%get3A_867, %get3A_868, %get3A_869] {strides = array<i32>} : memref<2x4x128xi32, #tpu.memory_space<vmem>>, vector<1x1x16xi32>,
    %get3A_871 = vector.shape_cast %get3A_870 : vector<1x1x16xi32> to vector<16xi32>
    %shift_right_arithmetic3A_872 = arith.constant 14 : i32
    %shift_right_arithmetic3A_873 = vector.broadcast %shift_right_arithmetic3A_872 : i32 to vector<16xi32>
    %shift_right_arithmetic3A_874 = arith.shrsi %get3A_871, %shift_right_arithmetic3A_873 : vector<16xi32>
    %swap3A_875 = arith.constant 0 : i32
    %swap3A_876 = arith.constant 3 : i32
    %swap3A_877 = arith.index_cast %swap3A_875 : i32 to index
    %swap3A_878 = arith.index_cast %swap3A_876 : i32 to index
    %swap3A_879 = arith.constant 64 : index
    %swap3A_880 = tpu.vector_load %arg8[%swap3A_877, %swap3A_878, %swap3A_879] {strides = array<i32>} : memref<2x4x128xi32, #tpu.memory_space<vmem>>, vector<1x1x16xi32>,
    %swap3A_881 = vector.shape_cast %swap3A_880 : vector<1x1x16xi32> to vector<16xi32>
    %swap3A_882 = vector.shape_cast %shift_right_arithmetic3A_874 : vector<16xi32> to vector<1x1x16xi32>
    tpu.vector_store %arg8[%swap3A_877, %swap3A_878, %swap3A_879], %swap3A_882 {strides = array<i32>} : memref<2x4x128xi32, #tpu.memory_space<vmem>>, vector<1x1x16xi32>,
    %and3A_883 = arith.constant 16383 : i32
    %and3A_884 = vector.broadcast %and3A_883 : i32 to vector<16xi32>
    %and3A_885 = arith.andi %get3A_871, %and3A_884 : vector<16xi32>
    %swap3A_886 = arith.constant 0 : i32
    %swap3A_887 = arith.constant 3 : i32
    %swap3A_888 = arith.index_cast %swap3A_886 : i32 to index
    %swap3A_889 = arith.index_cast %swap3A_887 : i32 to index
    %swap3A_890 = arith.constant 64 : index
    %swap3A_891 = tpu.vector_load %arg7[%swap3A_888, %swap3A_889, %swap3A_890] {strides = array<i32>} : memref<2x4x128xi32, #tpu.memory_space<vmem>>, vector<1x1x16xi32>,
    %swap3A_892 = vector.shape_cast %swap3A_891 : vector<1x1x16xi32> to vector<16xi32>
    %swap3A_893 = vector.shape_cast %and3A_885 : vector<16xi32> to vector<1x1x16xi32>
    tpu.vector_store %arg7[%swap3A_888, %swap3A_889, %swap3A_890], %swap3A_893 {strides = array<i32>} : memref<2x4x128xi32, #tpu.memory_space<vmem>>, vector<1x1x16xi32>,
    %get3A_894 = arith.constant 0 : i32
    %get3A_895 = arith.constant 3 : i32
    %get3A_896 = arith.index_cast %get3A_894 : i32 to index
    %get3A_897 = arith.index_cast %get3A_895 : i32 to index
    %get3A_898 = arith.constant 80 : index
    %get3A_899 = tpu.vector_load %arg7[%get3A_896, %get3A_897, %get3A_898] {strides = array<i32>} : memref<2x4x128xi32, #tpu.memory_space<vmem>>, vector<1x1x16xi32>,
    %get3A_900 = vector.shape_cast %get3A_899 : vector<1x1x16xi32> to vector<16xi32>
    %shift_right_arithmetic3A_901 = arith.constant 14 : i32
    %shift_right_arithmetic3A_902 = vector.broadcast %shift_right_arithmetic3A_901 : i32 to vector<16xi32>
    %shift_right_arithmetic3A_903 = arith.shrsi %get3A_900, %shift_right_arithmetic3A_902 : vector<16xi32>
    %swap3A_904 = arith.constant 0 : i32
    %swap3A_905 = arith.constant 3 : i32
    %swap3A_906 = arith.index_cast %swap3A_904 : i32 to index
    %swap3A_907 = arith.index_cast %swap3A_905 : i32 to index
    %swap3A_908 = arith.constant 80 : index
    %swap3A_909 = tpu.vector_load %arg8[%swap3A_906, %swap3A_907, %swap3A_908] {strides = array<i32>} : memref<2x4x128xi32, #tpu.memory_space<vmem>>, vector<1x1x16xi32>,
    %swap3A_910 = vector.shape_cast %swap3A_909 : vector<1x1x16xi32> to vector<16xi32>
    %swap3A_911 = vector.shape_cast %shift_right_arithmetic3A_903 : vector<16xi32> to vector<1x1x16xi32>
    tpu.vector_store %arg8[%swap3A_906, %swap3A_907, %swap3A_908], %swap3A_911 {strides = array<i32>} : memref<2x4x128xi32, #tpu.memory_space<vmem>>, vector<1x1x16xi32>,
    %and3A_912 = arith.constant 16383 : i32
    %and3A_913 = vector.broadcast %and3A_912 : i32 to vector<16xi32>
    %and3A_914 = arith.andi %get3A_900, %and3A_913 : vector<16xi32>
    %swap3A_915 = arith.constant 0 : i32
    %swap3A_916 = arith.constant 3 : i32
    %swap3A_917 = arith.index_cast %swap3A_915 : i32 to index
    %swap3A_918 = arith.index_cast %swap3A_916 : i32 to index
    %swap3A_919 = arith.constant 80 : index
    %swap3A_920 = tpu.vector_load %arg7[%swap3A_917, %swap3A_918, %swap3A_919] {strides = array<i32>} : memref<2x4x128xi32, #tpu.memory_space<vmem>>, vector<1x1x16xi32>,
    %swap3A_921 = vector.shape_cast %swap3A_920 : vector<1x1x16xi32> to vector<16xi32>
    %swap3A_922 = vector.shape_cast %and3A_914 : vector<16xi32> to vector<1x1x16xi32>
    tpu.vector_store %arg7[%swap3A_917, %swap3A_918, %swap3A_919], %swap3A_922 {strides = array<i32>} : memref<2x4x128xi32, #tpu.memory_space<vmem>>, vector<1x1x16xi32>,
    %get3A_923 = arith.constant 0 : i32
    %get3A_924 = arith.constant 3 : i32
    %get3A_925 = arith.index_cast %get3A_923 : i32 to index
    %get3A_926 = arith.index_cast %get3A_924 : i32 to index
    %get3A_927 = arith.constant 96 : index
    %get3A_928 = tpu.vector_load %arg7[%get3A_925, %get3A_926, %get3A_927] {strides = array<i32>} : memref<2x4x128xi32, #tpu.memory_space<vmem>>, vector<1x1x16xi32>,
    %get3A_929 = vector.shape_cast %get3A_928 : vector<1x1x16xi32> to vector<16xi32>
    %shift_right_arithmetic3A_930 = arith.constant 14 : i32
    %shift_right_arithmetic3A_931 = vector.broadcast %shift_right_arithmetic3A_930 : i32 to vector<16xi32>
    %shift_right_arithmetic3A_932 = arith.shrsi %get3A_929, %shift_right_arithmetic3A_931 : vector<16xi32>
    %swap3A_933 = arith.constant 0 : i32
    %swap3A_934 = arith.constant 3 : i32
    %swap3A_935 = arith.index_cast %swap3A_933 : i32 to index
    %swap3A_936 = arith.index_cast %swap3A_934 : i32 to index
    %swap3A_937 = arith.constant 96 : index
    %swap3A_938 = tpu.vector_load %arg8[%swap3A_935, %swap3A_936, %swap3A_937] {strides = array<i32>} : memref<2x4x128xi32, #tpu.memory_space<vmem>>, vector<1x1x16xi32>,
    %swap3A_939 = vector.shape_cast %swap3A_938 : vector<1x1x16xi32> to vector<16xi32>
    %swap3A_940 = vector.shape_cast %shift_right_arithmetic3A_932 : vector<16xi32> to vector<1x1x16xi32>
    tpu.vector_store %arg8[%swap3A_935, %swap3A_936, %swap3A_937], %swap3A_940 {strides = array<i32>} : memref<2x4x128xi32, #tpu.memory_space<vmem>>, vector<1x1x16xi32>,
    %and3A_941 = arith.constant 16383 : i32
    %and3A_942 = vector.broadcast %and3A_941 : i32 to vector<16xi32>
    %and3A_943 = arith.andi %get3A_929, %and3A_942 : vector<16xi32>
    %swap3A_944 = arith.constant 0 : i32
    %swap3A_945 = arith.constant 3 : i32
    %swap3A_946 = arith.index_cast %swap3A_944 : i32 to index
    %swap3A_947 = arith.index_cast %swap3A_945 : i32 to index
    %swap3A_948 = arith.constant 96 : index
    %swap3A_949 = tpu.vector_load %arg7[%swap3A_946, %swap3A_947, %swap3A_948] {strides = array<i32>} : memref<2x4x128xi32, #tpu.memory_space<vmem>>, vector<1x1x16xi32>,
    %swap3A_950 = vector.shape_cast %swap3A_949 : vector<1x1x16xi32> to vector<16xi32>
    %swap3A_951 = vector.shape_cast %and3A_943 : vector<16xi32> to vector<1x1x16xi32>
    tpu.vector_store %arg7[%swap3A_946, %swap3A_947, %swap3A_948], %swap3A_951 {strides = array<i32>} : memref<2x4x128xi32, #tpu.memory_space<vmem>>, vector<1x1x16xi32>,
    %get3A_952 = arith.constant 0 : i32
    %get3A_953 = arith.constant 3 : i32
    %get3A_954 = arith.index_cast %get3A_952 : i32 to index
    %get3A_955 = arith.index_cast %get3A_953 : i32 to index
    %get3A_956 = arith.constant 112 : index
    %get3A_957 = tpu.vector_load %arg7[%get3A_954, %get3A_955, %get3A_956] {strides = array<i32>} : memref<2x4x128xi32, #tpu.memory_space<vmem>>, vector<1x1x16xi32>,
    %get3A_958 = vector.shape_cast %get3A_957 : vector<1x1x16xi32> to vector<16xi32>
    %shift_right_arithmetic3A_959 = arith.constant 14 : i32
    %shift_right_arithmetic3A_960 = vector.broadcast %shift_right_arithmetic3A_959 : i32 to vector<16xi32>
    %shift_right_arithmetic3A_961 = arith.shrsi %get3A_958, %shift_right_arithmetic3A_960 : vector<16xi32>
    %swap3A_962 = arith.constant 0 : i32
    %swap3A_963 = arith.constant 3 : i32
    %swap3A_964 = arith.index_cast %swap3A_962 : i32 to index
    %swap3A_965 = arith.index_cast %swap3A_963 : i32 to index
    %swap3A_966 = arith.constant 112 : index
    %swap3A_967 = tpu.vector_load %arg8[%swap3A_964, %swap3A_965, %swap3A_966] {strides = array<i32>} : memref<2x4x128xi32, #tpu.memory_space<vmem>>, vector<1x1x16xi32>,
    %swap3A_968 = vector.shape_cast %swap3A_967 : vector<1x1x16xi32> to vector<16xi32>
    %swap3A_969 = vector.shape_cast %shift_right_arithmetic3A_961 : vector<16xi32> to vector<1x1x16xi32>
    tpu.vector_store %arg8[%swap3A_964, %swap3A_965, %swap3A_966], %swap3A_969 {strides = array<i32>} : memref<2x4x128xi32, #tpu.memory_space<vmem>>, vector<1x1x16xi32>,
    %and3A_970 = arith.constant 16383 : i32
    %and3A_971 = vector.broadcast %and3A_970 : i32 to vector<16xi32>
    %and3A_972 = arith.andi %get3A_958, %and3A_971 : vector<16xi32>
    %swap3A_973 = arith.constant 0 : i32
    %swap3A_974 = arith.constant 3 : i32
    %swap3A_975 = arith.index_cast %swap3A_973 : i32 to index
    %swap3A_976 = arith.index_cast %swap3A_974 : i32 to index
    %swap3A_977 = arith.constant 112 : index
    %swap3A_978 = tpu.vector_load %arg7[%swap3A_975, %swap3A_976, %swap3A_977] {strides = array<i32>} : memref<2x4x128xi32, #tpu.memory_space<vmem>>, vector<1x1x16xi32>,
    %swap3A_979 = vector.shape_cast %swap3A_978 : vector<1x1x16xi32> to vector<16xi32>
    %swap3A_980 = vector.shape_cast %and3A_972 : vector<16xi32> to vector<1x1x16xi32>
    tpu.vector_store %arg7[%swap3A_975, %swap3A_976, %swap3A_977], %swap3A_980 {strides = array<i32>} : memref<2x4x128xi32, #tpu.memory_space<vmem>>, vector<1x1x16xi32>,
    %barrier3A = arith.constant 0 : index
    tpu.barrier barrier_id(%barrier3A)
    %dma_start3A_981 = arith.constant 0 : i32
    %dma_start3A_982 = arith.constant 0 : i32
    %dma_start3A_983 = arith.constant 0 : i32
    %dma_start3A_984 = arith.constant 0 : i32
    %dma_start3A_985 = arith.constant 0 : i32
    %dma_start3A_986 = tpu.memref_slice %arg9[%dma_start3A_983, %dma_start3A_984, %dma_start3A_985] : memref<2x128x64xf32, #tpu.memory_space<vmem>> -> memref<1x128x64xf32, #tpu.memory_space<vmem>>
    %dma_start3A_987 = tpu.memref_squeeze %dma_start3A_986 : memref<1x128x64xf32, #tpu.memory_space<vmem>> -> memref<128x64xf32, #tpu.memory_space<vmem>>
    %dma_start3A_988 = arith.constant 0 : i32
    %dma_start3A_989 = tpu.memref_slice %arg7[%dma_start3A_981, %dma_start3A_982, %dma_start3A_988] : memref<2x4x128xi32, #tpu.memory_space<vmem>> -> memref<1x1x128xi32, #tpu.memory_space<vmem>>
    %dma_start3A_990 = tpu.memref_squeeze %dma_start3A_989 : memref<1x1x128xi32, #tpu.memory_space<vmem>> -> memref<128xi32, #tpu.memory_space<vmem>>
    %dma_start3A_991 = arith.constant 0 : i32
    %dma_start3A_992 = arith.constant 0 : i32
    %dma_start3A_993 = tpu.memref_slice %arg12[%dma_start3A_991, %dma_start3A_992] : memref<10000x64xf32, #tpu.memory_space<vmem_shared>> -> memref<10000x64xf32, #tpu.memory_space<vmem_shared>>
    tpu.enqueue_indirect_dma source(%dma_start3A_993 : memref<10000x64xf32, #tpu.memory_space<vmem_shared>>) target(%dma_start3A_987 : memref<128x64xf32, #tpu.memory_space<vmem>>) offsets(%dma_start3A_990 : memref<128xi32, #tpu.memory_space<vmem>>) semaphore(%arg15 : memref<!tpu.dma_semaphore, #tpu.memory_space<semaphore_mem>>)
    %scan3A_994 = arith.constant 0 : i32
    %scan3A_995 = arith.constant 0 : i32
    %scan3A_996 = arith.constant 40 : i32
    %scan3A_997 = arith.addi %scan3A_995, %scan3A_996 : i32
    %scan3A_998 = arith.constant 1 : i32
    scf.for %scan3A_1024 = %scan3A_995 to %scan3A_997 step %scan3A_998  : i32 {
      %jit3A = arith.constant 2 : i32
      %eq3A_1025 = arith.constant 0 : i32
      %eq3A_1026 = arith.cmpi eq, %jit3A, %eq3A_1025 : i32
      %jit3A_1027 = arith.constant 1 : i32
      %select_n3A = arith.select %eq3A_1026, %jit3A_1027, %jit3A : i32
      %rem3A = arith.remsi %scan3A_1024, %select_n3A : i32
      %ne3A = arith.constant 0 : i32
      %ne3A_1028 = arith.cmpi ne, %rem3A, %ne3A : i32
      %lt3A = arith.constant 0 : i32
      %lt3A_1029 = arith.cmpi slt, %rem3A, %lt3A : i32
      %lt3A_1030 = arith.constant 0 : i32
      %lt3A_1031 = arith.cmpi slt, %select_n3A, %lt3A_1030 : i32
      %ne3A_1032 = arith.xori %lt3A_1029, %lt3A_1031 : i1
      %and3A_1033 = arith.andi %ne3A_1032, %ne3A_1028 : i1
      %add3A_1034 = arith.addi %rem3A, %select_n3A : i32
      %select_n3A_1035 = arith.select %and3A_1033, %add3A_1034, %rem3A : i32
      %lt3A_1036 = arith.constant 39 : i32
      %lt3A_1037 = arith.cmpi slt, %scan3A_1024, %lt3A_1036 : i32
      %convert_element_type3A_1038 = arith.extui %lt3A_1037 : i1 to i32
      %cond3A_1039 = arith.constant 0 : i32
      %cond3A_1040 = arith.cmpi ne, %convert_element_type3A_1038, %cond3A_1039 : i32
      scf.if %cond3A_1040 {
        %sub3A = arith.constant 1 : i32
        %sub3A_1243 = arith.subi %sub3A, %select_n3A_1035 : i32
        %add3A_1244 = arith.constant 1 : i32
        %add3A_1245 = arith.addi %scan3A_1024, %add3A_1244 : i32
        %mul3A_1246 = arith.constant 4 : i32
        %mul3A_1247 = arith.muli %add3A_1245, %mul3A_1246 : i32
        %dma_start3A_1248 = arith.constant 0 : i32
        %dma_start3A_1249 = arith.constant 0 : i32
        %dma_start3A_1250 = tpu.memref_slice %arg7[%sub3A_1243, %dma_start3A_1248, %dma_start3A_1249] : memref<2x4x128xi32, #tpu.memory_space<vmem>> -> memref<1x4x128xi32, #tpu.memory_space<vmem>>
        %dma_start3A_1251 = tpu.memref_squeeze %dma_start3A_1250 : memref<1x4x128xi32, #tpu.memory_space<vmem>> -> memref<4x128xi32, #tpu.memory_space<vmem>>
        %dma_start3A_1252 = arith.constant 0 : i32
        %dma_start3A_1253 = tpu.memref_slice %arg3[%arg1, %mul3A_1247, %dma_start3A_1252] : memref<16x160x128xi32, #tpu.memory_space<hbm>> -> memref<1x4x128xi32, #tpu.memory_space<hbm>>
        %dma_start3A_1254 = tpu.memref_squeeze %dma_start3A_1253 : memref<1x4x128xi32, #tpu.memory_space<hbm>> -> memref<4x128xi32, #tpu.memory_space<hbm>>
        %dma_start3A_1255 = arith.constant 0 : i32
        %dma_start3A_1256 = arith.constant 0 : i32
        %dma_start3A_1257 = tpu.memref_slice %arg7[%sub3A_1243, %dma_start3A_1255, %dma_start3A_1256] : memref<2x4x128xi32, #tpu.memory_space<vmem>> -> memref<1x4x128xi32, #tpu.memory_space<vmem>>
        %dma_start3A_1258 = tpu.memref_squeeze %dma_start3A_1257 : memref<1x4x128xi32, #tpu.memory_space<vmem>> -> memref<4x128xi32, #tpu.memory_space<vmem>>
        %dma_start3A_1259 = arith.constant 0 : i32
        %dma_start3A_1260 = tpu.memref_slice %arg3[%arg1, %mul3A_1247, %dma_start3A_1259] : memref<16x160x128xi32, #tpu.memory_space<hbm>> -> memref<1x4x128xi32, #tpu.memory_space<hbm>>
        %dma_start3A_1261 = tpu.memref_squeeze %dma_start3A_1260 : memref<1x4x128xi32, #tpu.memory_space<hbm>> -> memref<4x128xi32, #tpu.memory_space<hbm>>
        tpu.enqueue_dma source(%dma_start3A_1261 : memref<4x128xi32, #tpu.memory_space<hbm>>) target(%dma_start3A_1258 : memref<4x128xi32, #tpu.memory_space<vmem>>) target_semaphore(%arg16 : memref<!tpu.dma_semaphore, #tpu.memory_space<semaphore_mem>>)
      } else {
      }
      %dma_wait3A_1041 = arith.constant 0 : i32
      %dma_wait3A_1042 = arith.constant 0 : i32
      %dma_wait3A_1043 = arith.constant 0 : i32
      %dma_wait3A_1044 = arith.constant 0 : i32
      %dma_wait3A_1045 = tpu.memref_slice %arg9[%dma_wait3A_1042, %dma_wait3A_1043, %dma_wait3A_1044] : memref<2x128x64xf32, #tpu.memory_space<vmem>> -> memref<1x128x64xf32, #tpu.memory_space<vmem>>
      %dma_wait3A_1046 = tpu.memref_squeeze %dma_wait3A_1045 : memref<1x128x64xf32, #tpu.memory_space<vmem>> -> memref<128x64xf32, #tpu.memory_space<vmem>>
      %dma_wait3A_1047 = arith.constant 0 : i32
      %dma_wait3A_1048 = tpu.memref_slice %arg7[%select_n3A_1035, %dma_wait3A_1041, %dma_wait3A_1047] : memref<2x4x128xi32, #tpu.memory_space<vmem>> -> memref<1x1x128xi32, #tpu.memory_space<vmem>>
      %dma_wait3A_1049 = tpu.memref_squeeze %dma_wait3A_1048 : memref<1x1x128xi32, #tpu.memory_space<vmem>> -> memref<128xi32, #tpu.memory_space<vmem>>
      %dma_wait3A_1050 = arith.constant 0 : i32
      %dma_wait3A_1051 = arith.constant 0 : i32
      %dma_wait3A_1052 = tpu.memref_slice %arg12[%dma_wait3A_1050, %dma_wait3A_1051] : memref<10000x64xf32, #tpu.memory_space<vmem_shared>> -> memref<10000x64xf32, #tpu.memory_space<vmem_shared>>
      tpu.wait_indirect_dma semaphore(%arg15 : memref<!tpu.dma_semaphore, #tpu.memory_space<semaphore_mem>>) src(%dma_wait3A_1052 : memref<10000x64xf32, #tpu.memory_space<vmem_shared>>) dst(%dma_wait3A_1046 : memref<128x64xf32, #tpu.memory_space<vmem>>)
      %gt3A = arith.constant 0 : i32
      %gt3A_1053 = arith.cmpi sgt, %scan3A_1024, %gt3A : i32
      %convert_element_type3A_1054 = arith.extui %gt3A_1053 : i1 to i32
      %cond3A_1055 = arith.constant 0 : i32
      %cond3A_1056 = arith.cmpi ne, %convert_element_type3A_1054, %cond3A_1055 : i32
      scf.if %cond3A_1056 {
        %sub3A = arith.constant 1 : i32
        %sub3A_1243 = arith.subi %sub3A, %select_n3A_1035 : i32
        %dma_wait3A_1244 = arith.constant 1 : i32
        %dma_wait3A_1245 = arith.constant 3 : i32
        %dma_wait3A_1246 = arith.constant 0 : i32
        %dma_wait3A_1247 = arith.constant 0 : i32
        %dma_wait3A_1248 = tpu.memref_slice %arg9[%dma_wait3A_1244, %dma_wait3A_1246, %dma_wait3A_1247] : memref<2x128x64xf32, #tpu.memory_space<vmem>> -> memref<1x128x64xf32, #tpu.memory_space<vmem>>
        %dma_wait3A_1249 = tpu.memref_squeeze %dma_wait3A_1248 : memref<1x128x64xf32, #tpu.memory_space<vmem>> -> memref<128x64xf32, #tpu.memory_space<vmem>>
        %dma_wait3A_1250 = arith.constant 0 : i32
        %dma_wait3A_1251 = tpu.memref_slice %arg8[%sub3A_1243, %dma_wait3A_1245, %dma_wait3A_1250] : memref<2x4x128xi32, #tpu.memory_space<vmem>> -> memref<1x1x128xi32, #tpu.memory_space<vmem>>
        %dma_wait3A_1252 = tpu.memref_squeeze %dma_wait3A_1251 : memref<1x1x128xi32, #tpu.memory_space<vmem>> -> memref<128xi32, #tpu.memory_space<vmem>>
        %dma_wait3A_1253 = arith.constant 0 : i32
        %dma_wait3A_1254 = arith.constant 0 : i32
        %dma_wait3A_1255 = tpu.memref_slice %arg13[%dma_wait3A_1253, %dma_wait3A_1254] : memref<10240x64xf32, #tpu.memory_space<vmem_shared>> -> memref<10240x64xf32, #tpu.memory_space<vmem_shared>>
        tpu.wait_indirect_dma semaphore(%arg17 : memref<!tpu.dma_semaphore, #tpu.memory_space<semaphore_mem>>) src(%dma_wait3A_1249 : memref<128x64xf32, #tpu.memory_space<vmem>>) dst(%dma_wait3A_1255 : memref<10240x64xf32, #tpu.memory_space<vmem_shared>>)
      } else {
      }
      %dma_start3A_1057 = arith.constant 0 : i32
      %dma_start3A_1058 = arith.constant 0 : i32
      %dma_start3A_1059 = arith.constant 0 : i32
      %dma_start3A_1060 = arith.constant 0 : i32
      %dma_start3A_1061 = tpu.memref_slice %arg9[%dma_start3A_1057, %dma_start3A_1059, %dma_start3A_1060] : memref<2x128x64xf32, #tpu.memory_space<vmem>> -> memref<1x128x64xf32, #tpu.memory_space<vmem>>
      %dma_start3A_1062 = tpu.memref_squeeze %dma_start3A_1061 : memref<1x128x64xf32, #tpu.memory_space<vmem>> -> memref<128x64xf32, #tpu.memory_space<vmem>>
      %dma_start3A_1063 = arith.constant 0 : i32
      %dma_start3A_1064 = tpu.memref_slice %arg8[%select_n3A_1035, %dma_start3A_1058, %dma_start3A_1063] : memref<2x4x128xi32, #tpu.memory_space<vmem>> -> memref<1x1x128xi32, #tpu.memory_space<vmem>>
      %dma_start3A_1065 = tpu.memref_squeeze %dma_start3A_1064 : memref<1x1x128xi32, #tpu.memory_space<vmem>> -> memref<128xi32, #tpu.memory_space<vmem>>
      %dma_start3A_1066 = arith.constant 0 : i32
      %dma_start3A_1067 = arith.constant 0 : i32
      %dma_start3A_1068 = tpu.memref_slice %arg13[%dma_start3A_1066, %dma_start3A_1067] : memref<10240x64xf32, #tpu.memory_space<vmem_shared>> -> memref<10240x64xf32, #tpu.memory_space<vmem_shared>>
      tpu.enqueue_indirect_dma source(%dma_start3A_1062 : memref<128x64xf32, #tpu.memory_space<vmem>>) target(%dma_start3A_1068 : memref<10240x64xf32, #tpu.memory_space<vmem_shared>>) offsets(%dma_start3A_1065 : memref<128xi32, #tpu.memory_space<vmem>>) semaphore(%arg17 : memref<!tpu.dma_semaphore, #tpu.memory_space<semaphore_mem>>) {add = true}
      %eq3A_1069 = arith.constant 0 : i32
      %eq3A_1070 = arith.cmpi eq, %arg0, %eq3A_1069 : i32
      %convert_element_type3A_1071 = arith.extui %eq3A_1070 : i1 to i32
      %cond3A_1072 = arith.constant 0 : i32
      %cond3A_1073 = arith.cmpi ne, %convert_element_type3A_1071, %cond3A_1072 : i32
      scf.if %cond3A_1073 {
        %run_scoped3A_1243 = arith.constant 0 : i32
        "tpu.region"() ({
          %run_scoped3A_1244 = tpu.sem_alloc : memref<!tpu.dma_semaphore, #tpu.memory_space<semaphore_mem>>
          %dma_start3A_1245 = arith.constant 0 : i32
          %dma_start3A_1246 = tpu.memref_slice %arg8[%select_n3A_1035, %run_scoped3A_1243, %dma_start3A_1245] : memref<2x4x128xi32, #tpu.memory_space<vmem>> -> memref<1x1x128xi32, #tpu.memory_space<vmem>>
          %dma_start3A_1247 = tpu.memref_squeeze %dma_start3A_1246 : memref<1x1x128xi32, #tpu.memory_space<vmem>> -> memref<128xi32, #tpu.memory_space<vmem>>
          %dma_start3A_1248 = arith.constant 0 : i32
          %dma_start3A_1249 = arith.constant 0 : i32
          %dma_start3A_1250 = tpu.memref_slice %arg14[%dma_start3A_1248, %dma_start3A_1249] : memref<10240x16xf32, #tpu.memory_space<vmem_shared>> -> memref<10240x16xf32, #tpu.memory_space<vmem_shared>>
          tpu.enqueue_indirect_dma source(%arg10 : memref<128x16xf32, #tpu.memory_space<vmem>>) target(%dma_start3A_1250 : memref<10240x16xf32, #tpu.memory_space<vmem_shared>>) offsets(%dma_start3A_1247 : memref<128xi32, #tpu.memory_space<vmem>>) semaphore(%run_scoped3A_1244 : memref<!tpu.dma_semaphore, #tpu.memory_space<semaphore_mem>>) {add = true}
          %dma_wait3A_1251 = arith.constant 0 : i32
          %dma_wait3A_1252 = tpu.memref_slice %arg8[%select_n3A_1035, %run_scoped3A_1243, %dma_wait3A_1251] : memref<2x4x128xi32, #tpu.memory_space<vmem>> -> memref<1x1x128xi32, #tpu.memory_space<vmem>>
          %dma_wait3A_1253 = tpu.memref_squeeze %dma_wait3A_1252 : memref<1x1x128xi32, #tpu.memory_space<vmem>> -> memref<128xi32, #tpu.memory_space<vmem>>
          %dma_wait3A_1254 = arith.constant 0 : i32
          %dma_wait3A_1255 = arith.constant 0 : i32
          %dma_wait3A_1256 = tpu.memref_slice %arg14[%dma_wait3A_1254, %dma_wait3A_1255] : memref<10240x16xf32, #tpu.memory_space<vmem_shared>> -> memref<10240x16xf32, #tpu.memory_space<vmem_shared>>
          tpu.wait_indirect_dma semaphore(%run_scoped3A_1244 : memref<!tpu.dma_semaphore, #tpu.memory_space<semaphore_mem>>) src(%arg10 : memref<128x16xf32, #tpu.memory_space<vmem>>) dst(%dma_wait3A_1256 : memref<10240x16xf32, #tpu.memory_space<vmem_shared>>)
          tpu.yield
        }) : () -> ()
      } else {
      }
      %dma_start3A_1074 = arith.constant 1 : i32
      %dma_start3A_1075 = arith.constant 1 : i32
      %dma_start3A_1076 = arith.constant 0 : i32
      %dma_start3A_1077 = arith.constant 0 : i32
      %dma_start3A_1078 = tpu.memref_slice %arg9[%dma_start3A_1075, %dma_start3A_1076, %dma_start3A_1077] : memref<2x128x64xf32, #tpu.memory_space<vmem>> -> memref<1x128x64xf32, #tpu.memory_space<vmem>>
      %dma_start3A_1079 = tpu.memref_squeeze %dma_start3A_1078 : memref<1x128x64xf32, #tpu.memory_space<vmem>> -> memref<128x64xf32, #tpu.memory_space<vmem>>
      %dma_start3A_1080 = arith.constant 0 : i32
      %dma_start3A_1081 = tpu.memref_slice %arg7[%select_n3A_1035, %dma_start3A_1074, %dma_start3A_1080] : memref<2x4x128xi32, #tpu.memory_space<vmem>> -> memref<1x1x128xi32, #tpu.memory_space<vmem>>
      %dma_start3A_1082 = tpu.memref_squeeze %dma_start3A_1081 : memref<1x1x128xi32, #tpu.memory_space<vmem>> -> memref<128xi32, #tpu.memory_space<vmem>>
      %dma_start3A_1083 = arith.constant 0 : i32
      %dma_start3A_1084 = arith.constant 0 : i32
      %dma_start3A_1085 = tpu.memref_slice %arg12[%dma_start3A_1083, %dma_start3A_1084] : memref<10000x64xf32, #tpu.memory_space<vmem_shared>> -> memref<10000x64xf32, #tpu.memory_space<vmem_shared>>
      tpu.enqueue_indirect_dma source(%dma_start3A_1085 : memref<10000x64xf32, #tpu.memory_space<vmem_shared>>) target(%dma_start3A_1079 : memref<128x64xf32, #tpu.memory_space<vmem>>) offsets(%dma_start3A_1082 : memref<128xi32, #tpu.memory_space<vmem>>) semaphore(%arg15 : memref<!tpu.dma_semaphore, #tpu.memory_space<semaphore_mem>>)
      %dma_wait3A_1086 = arith.constant 1 : i32
      %dma_wait3A_1087 = arith.constant 1 : i32
      %dma_wait3A_1088 = arith.constant 0 : i32
      %dma_wait3A_1089 = arith.constant 0 : i32
      %dma_wait3A_1090 = tpu.memref_slice %arg9[%dma_wait3A_1087, %dma_wait3A_1088, %dma_wait3A_1089] : memref<2x128x64xf32, #tpu.memory_space<vmem>> -> memref<1x128x64xf32, #tpu.memory_space<vmem>>
      %dma_wait3A_1091 = tpu.memref_squeeze %dma_wait3A_1090 : memref<1x128x64xf32, #tpu.memory_space<vmem>> -> memref<128x64xf32, #tpu.memory_space<vmem>>
      %dma_wait3A_1092 = arith.constant 0 : i32
      %dma_wait3A_1093 = tpu.memref_slice %arg7[%select_n3A_1035, %dma_wait3A_1086, %dma_wait3A_1092] : memref<2x4x128xi32, #tpu.memory_space<vmem>> -> memref<1x1x128xi32, #tpu.memory_space<vmem>>
      %dma_wait3A_1094 = tpu.memref_squeeze %dma_wait3A_1093 : memref<1x1x128xi32, #tpu.memory_space<vmem>> -> memref<128xi32, #tpu.memory_space<vmem>>
      %dma_wait3A_1095 = arith.constant 0 : i32
      %dma_wait3A_1096 = arith.constant 0 : i32
      %dma_wait3A_1097 = tpu.memref_slice %arg12[%dma_wait3A_1095, %dma_wait3A_1096] : memref<10000x64xf32, #tpu.memory_space<vmem_shared>> -> memref<10000x64xf32, #tpu.memory_space<vmem_shared>>
      tpu.wait_indirect_dma semaphore(%arg15 : memref<!tpu.dma_semaphore, #tpu.memory_space<semaphore_mem>>) src(%dma_wait3A_1097 : memref<10000x64xf32, #tpu.memory_space<vmem_shared>>) dst(%dma_wait3A_1091 : memref<128x64xf32, #tpu.memory_space<vmem>>)
      %dma_wait3A_1098 = arith.constant 0 : i32
      %dma_wait3A_1099 = arith.constant 0 : i32
      %dma_wait3A_1100 = arith.constant 0 : i32
      %dma_wait3A_1101 = arith.constant 0 : i32
      %dma_wait3A_1102 = tpu.memref_slice %arg9[%dma_wait3A_1098, %dma_wait3A_1100, %dma_wait3A_1101] : memref<2x128x64xf32, #tpu.memory_space<vmem>> -> memref<1x128x64xf32, #tpu.memory_space<vmem>>
      %dma_wait3A_1103 = tpu.memref_squeeze %dma_wait3A_1102 : memref<1x128x64xf32, #tpu.memory_space<vmem>> -> memref<128x64xf32, #tpu.memory_space<vmem>>
      %dma_wait3A_1104 = arith.constant 0 : i32
      %dma_wait3A_1105 = tpu.memref_slice %arg8[%select_n3A_1035, %dma_wait3A_1099, %dma_wait3A_1104] : memref<2x4x128xi32, #tpu.memory_space<vmem>> -> memref<1x1x128xi32, #tpu.memory_space<vmem>>
      %dma_wait3A_1106 = tpu.memref_squeeze %dma_wait3A_1105 : memref<1x1x128xi32, #tpu.memory_space<vmem>> -> memref<128xi32, #tpu.memory_space<vmem>>
      %dma_wait3A_1107 = arith.constant 0 : i32
      %dma_wait3A_1108 = arith.constant 0 : i32
      %dma_wait3A_1109 = tpu.memref_slice %arg13[%dma_wait3A_1107, %dma_wait3A_1108] : memref<10240x64xf32, #tpu.memory_space<vmem_shared>> -> memref<10240x64xf32, #tpu.memory_space<vmem_shared>>
      tpu.wait_indirect_dma semaphore(%arg17 : memref<!tpu.dma_semaphore, #tpu.memory_space<semaphore_mem>>) src(%dma_wait3A_1103 : memref<128x64xf32, #tpu.memory_space<vmem>>) dst(%dma_wait3A_1109 : memref<10240x64xf32, #tpu.memory_space<vmem_shared>>)
      %dma_start3A_1110 = arith.constant 1 : i32
      %dma_start3A_1111 = arith.constant 1 : i32
      %dma_start3A_1112 = arith.constant 0 : i32
      %dma_start3A_1113 = arith.constant 0 : i32
      %dma_start3A_1114 = tpu.memref_slice %arg9[%dma_start3A_1110, %dma_start3A_1112, %dma_start3A_1113] : memref<2x128x64xf32, #tpu.memory_space<vmem>> -> memref<1x128x64xf32, #tpu.memory_space<vmem>>
      %dma_start3A_1115 = tpu.memref_squeeze %dma_start3A_1114 : memref<1x128x64xf32, #tpu.memory_space<vmem>> -> memref<128x64xf32, #tpu.memory_space<vmem>>
      %dma_start3A_1116 = arith.constant 0 : i32
      %dma_start3A_1117 = tpu.memref_slice %arg8[%select_n3A_1035, %dma_start3A_1111, %dma_start3A_1116] : memref<2x4x128xi32, #tpu.memory_space<vmem>> -> memref<1x1x128xi32, #tpu.memory_space<vmem>>
      %dma_start3A_1118 = tpu.memref_squeeze %dma_start3A_1117 : memref<1x1x128xi32, #tpu.memory_space<vmem>> -> memref<128xi32, #tpu.memory_space<vmem>>
      %dma_start3A_1119 = arith.constant 0 : i32
      %dma_start3A_1120 = arith.constant 0 : i32
      %dma_start3A_1121 = tpu.memref_slice %arg13[%dma_start3A_1119, %dma_start3A_1120] : memref<10240x64xf32, #tpu.memory_space<vmem_shared>> -> memref<10240x64xf32, #tpu.memory_space<vmem_shared>>
      tpu.enqueue_indirect_dma source(%dma_start3A_1115 : memref<128x64xf32, #tpu.memory_space<vmem>>) target(%dma_start3A_1121 : memref<10240x64xf32, #tpu.memory_space<vmem_shared>>) offsets(%dma_start3A_1118 : memref<128xi32, #tpu.memory_space<vmem>>) semaphore(%arg17 : memref<!tpu.dma_semaphore, #tpu.memory_space<semaphore_mem>>) {add = true}
      %eq3A_1122 = arith.constant 0 : i32
      %eq3A_1123 = arith.cmpi eq, %arg0, %eq3A_1122 : i32
      %convert_element_type3A_1124 = arith.extui %eq3A_1123 : i1 to i32
      %cond3A_1125 = arith.constant 0 : i32
      %cond3A_1126 = arith.cmpi ne, %convert_element_type3A_1124, %cond3A_1125 : i32
      scf.if %cond3A_1126 {
        %run_scoped3A_1243 = arith.constant 1 : i32
        "tpu.region"() ({
          %run_scoped3A_1244 = tpu.sem_alloc : memref<!tpu.dma_semaphore, #tpu.memory_space<semaphore_mem>>
          %dma_start3A_1245 = arith.constant 0 : i32
          %dma_start3A_1246 = tpu.memref_slice %arg8[%select_n3A_1035, %run_scoped3A_1243, %dma_start3A_1245] : memref<2x4x128xi32, #tpu.memory_space<vmem>> -> memref<1x1x128xi32, #tpu.memory_space<vmem>>
          %dma_start3A_1247 = tpu.memref_squeeze %dma_start3A_1246 : memref<1x1x128xi32, #tpu.memory_space<vmem>> -> memref<128xi32, #tpu.memory_space<vmem>>
          %dma_start3A_1248 = arith.constant 0 : i32
          %dma_start3A_1249 = arith.constant 0 : i32
          %dma_start3A_1250 = tpu.memref_slice %arg14[%dma_start3A_1248, %dma_start3A_1249] : memref<10240x16xf32, #tpu.memory_space<vmem_shared>> -> memref<10240x16xf32, #tpu.memory_space<vmem_shared>>
          tpu.enqueue_indirect_dma source(%arg10 : memref<128x16xf32, #tpu.memory_space<vmem>>) target(%dma_start3A_1250 : memref<10240x16xf32, #tpu.memory_space<vmem_shared>>) offsets(%dma_start3A_1247 : memref<128xi32, #tpu.memory_space<vmem>>) semaphore(%run_scoped3A_1244 : memref<!tpu.dma_semaphore, #tpu.memory_space<semaphore_mem>>) {add = true}
          %dma_wait3A_1251 = arith.constant 0 : i32
          %dma_wait3A_1252 = tpu.memref_slice %arg8[%select_n3A_1035, %run_scoped3A_1243, %dma_wait3A_1251] : memref<2x4x128xi32, #tpu.memory_space<vmem>> -> memref<1x1x128xi32, #tpu.memory_space<vmem>>
          %dma_wait3A_1253 = tpu.memref_squeeze %dma_wait3A_1252 : memref<1x1x128xi32, #tpu.memory_space<vmem>> -> memref<128xi32, #tpu.memory_space<vmem>>
          %dma_wait3A_1254 = arith.constant 0 : i32
          %dma_wait3A_1255 = arith.constant 0 : i32
          %dma_wait3A_1256 = tpu.memref_slice %arg14[%dma_wait3A_1254, %dma_wait3A_1255] : memref<10240x16xf32, #tpu.memory_space<vmem_shared>> -> memref<10240x16xf32, #tpu.memory_space<vmem_shared>>
          tpu.wait_indirect_dma semaphore(%run_scoped3A_1244 : memref<!tpu.dma_semaphore, #tpu.memory_space<semaphore_mem>>) src(%arg10 : memref<128x16xf32, #tpu.memory_space<vmem>>) dst(%dma_wait3A_1256 : memref<10240x16xf32, #tpu.memory_space<vmem_shared>>)
          tpu.yield
        }) : () -> ()
      } else {
      }
      %dma_start3A_1127 = arith.constant 2 : i32
      %dma_start3A_1128 = arith.constant 0 : i32
      %dma_start3A_1129 = arith.constant 0 : i32
      %dma_start3A_1130 = arith.constant 0 : i32
      %dma_start3A_1131 = tpu.memref_slice %arg9[%dma_start3A_1128, %dma_start3A_1129, %dma_start3A_1130] : memref<2x128x64xf32, #tpu.memory_space<vmem>> -> memref<1x128x64xf32, #tpu.memory_space<vmem>>
      %dma_start3A_1132 = tpu.memref_squeeze %dma_start3A_1131 : memref<1x128x64xf32, #tpu.memory_space<vmem>> -> memref<128x64xf32, #tpu.memory_space<vmem>>
      %dma_start3A_1133 = arith.constant 0 : i32
      %dma_start3A_1134 = tpu.memref_slice %arg7[%select_n3A_1035, %dma_start3A_1127, %dma_start3A_1133] : memref<2x4x128xi32, #tpu.memory_space<vmem>> -> memref<1x1x128xi32, #tpu.memory_space<vmem>>
      %dma_start3A_1135 = tpu.memref_squeeze %dma_start3A_1134 : memref<1x1x128xi32, #tpu.memory_space<vmem>> -> memref<128xi32, #tpu.memory_space<vmem>>
      %dma_start3A_1136 = arith.constant 0 : i32
      %dma_start3A_1137 = arith.constant 0 : i32
      %dma_start3A_1138 = tpu.memref_slice %arg12[%dma_start3A_1136, %dma_start3A_1137] : memref<10000x64xf32, #tpu.memory_space<vmem_shared>> -> memref<10000x64xf32, #tpu.memory_space<vmem_shared>>
      tpu.enqueue_indirect_dma source(%dma_start3A_1138 : memref<10000x64xf32, #tpu.memory_space<vmem_shared>>) target(%dma_start3A_1132 : memref<128x64xf32, #tpu.memory_space<vmem>>) offsets(%dma_start3A_1135 : memref<128xi32, #tpu.memory_space<vmem>>) semaphore(%arg15 : memref<!tpu.dma_semaphore, #tpu.memory_space<semaphore_mem>>)
      %dma_wait3A_1139 = arith.constant 2 : i32
      %dma_wait3A_1140 = arith.constant 0 : i32
      %dma_wait3A_1141 = arith.constant 0 : i32
      %dma_wait3A_1142 = arith.constant 0 : i32
      %dma_wait3A_1143 = tpu.memref_slice %arg9[%dma_wait3A_1140, %dma_wait3A_1141, %dma_wait3A_1142] : memref<2x128x64xf32, #tpu.memory_space<vmem>> -> memref<1x128x64xf32, #tpu.memory_space<vmem>>
      %dma_wait3A_1144 = tpu.memref_squeeze %dma_wait3A_1143 : memref<1x128x64xf32, #tpu.memory_space<vmem>> -> memref<128x64xf32, #tpu.memory_space<vmem>>
      %dma_wait3A_1145 = arith.constant 0 : i32
      %dma_wait3A_1146 = tpu.memref_slice %arg7[%select_n3A_1035, %dma_wait3A_1139, %dma_wait3A_1145] : memref<2x4x128xi32, #tpu.memory_space<vmem>> -> memref<1x1x128xi32, #tpu.memory_space<vmem>>
      %dma_wait3A_1147 = tpu.memref_squeeze %dma_wait3A_1146 : memref<1x1x128xi32, #tpu.memory_space<vmem>> -> memref<128xi32, #tpu.memory_space<vmem>>
      %dma_wait3A_1148 = arith.constant 0 : i32
      %dma_wait3A_1149 = arith.constant 0 : i32
      %dma_wait3A_1150 = tpu.memref_slice %arg12[%dma_wait3A_1148, %dma_wait3A_1149] : memref<10000x64xf32, #tpu.memory_space<vmem_shared>> -> memref<10000x64xf32, #tpu.memory_space<vmem_shared>>
      tpu.wait_indirect_dma semaphore(%arg15 : memref<!tpu.dma_semaphore, #tpu.memory_space<semaphore_mem>>) src(%dma_wait3A_1150 : memref<10000x64xf32, #tpu.memory_space<vmem_shared>>) dst(%dma_wait3A_1144 : memref<128x64xf32, #tpu.memory_space<vmem>>)
      %dma_wait3A_1151 = arith.constant 1 : i32
      %dma_wait3A_1152 = arith.constant 1 : i32
      %dma_wait3A_1153 = arith.constant 0 : i32
      %dma_wait3A_1154 = arith.constant 0 : i32
      %dma_wait3A_1155 = tpu.memref_slice %arg9[%dma_wait3A_1151, %dma_wait3A_1153, %dma_wait3A_1154] : memref<2x128x64xf32, #tpu.memory_space<vmem>> -> memref<1x128x64xf32, #tpu.memory_space<vmem>>
      %dma_wait3A_1156 = tpu.memref_squeeze %dma_wait3A_1155 : memref<1x128x64xf32, #tpu.memory_space<vmem>> -> memref<128x64xf32, #tpu.memory_space<vmem>>
      %dma_wait3A_1157 = arith.constant 0 : i32
      %dma_wait3A_1158 = tpu.memref_slice %arg8[%select_n3A_1035, %dma_wait3A_1152, %dma_wait3A_1157] : memref<2x4x128xi32, #tpu.memory_space<vmem>> -> memref<1x1x128xi32, #tpu.memory_space<vmem>>
      %dma_wait3A_1159 = tpu.memref_squeeze %dma_wait3A_1158 : memref<1x1x128xi32, #tpu.memory_space<vmem>> -> memref<128xi32, #tpu.memory_space<vmem>>
      %dma_wait3A_1160 = arith.constant 0 : i32
      %dma_wait3A_1161 = arith.constant 0 : i32
      %dma_wait3A_1162 = tpu.memref_slice %arg13[%dma_wait3A_1160, %dma_wait3A_1161] : memref<10240x64xf32, #tpu.memory_space<vmem_shared>> -> memref<10240x64xf32, #tpu.memory_space<vmem_shared>>
      tpu.wait_indirect_dma semaphore(%arg17 : memref<!tpu.dma_semaphore, #tpu.memory_space<semaphore_mem>>) src(%dma_wait3A_1156 : memref<128x64xf32, #tpu.memory_space<vmem>>) dst(%dma_wait3A_1162 : memref<10240x64xf32, #tpu.memory_space<vmem_shared>>)
      %dma_start3A_1163 = arith.constant 0 : i32
      %dma_start3A_1164 = arith.constant 2 : i32
      %dma_start3A_1165 = arith.constant 0 : i32
      %dma_start3A_1166 = arith.constant 0 : i32
      %dma_start3A_1167 = tpu.memref_slice %arg9[%dma_start3A_1163, %dma_start3A_1165, %dma_start3A_1166] : memref<2x128x64xf32, #tpu.memory_space<vmem>> -> memref<1x128x64xf32, #tpu.memory_space<vmem>>
      %dma_start3A_1168 = tpu.memref_squeeze %dma_start3A_1167 : memref<1x128x64xf32, #tpu.memory_space<vmem>> -> memref<128x64xf32, #tpu.memory_space<vmem>>
      %dma_start3A_1169 = arith.constant 0 : i32
      %dma_start3A_1170 = tpu.memref_slice %arg8[%select_n3A_1035, %dma_start3A_1164, %dma_start3A_1169] : memref<2x4x128xi32, #tpu.memory_space<vmem>> -> memref<1x1x128xi32, #tpu.memory_space<vmem>>
      %dma_start3A_1171 = tpu.memref_squeeze %dma_start3A_1170 : memref<1x1x128xi32, #tpu.memory_space<vmem>> -> memref<128xi32, #tpu.memory_space<vmem>>
      %dma_start3A_1172 = arith.constant 0 : i32
      %dma_start3A_1173 = arith.constant 0 : i32
      %dma_start3A_1174 = tpu.memref_slice %arg13[%dma_start3A_1172, %dma_start3A_1173] : memref<10240x64xf32, #tpu.memory_space<vmem_shared>> -> memref<10240x64xf32, #tpu.memory_space<vmem_shared>>
      tpu.enqueue_indirect_dma source(%dma_start3A_1168 : memref<128x64xf32, #tpu.memory_space<vmem>>) target(%dma_start3A_1174 : memref<10240x64xf32, #tpu.memory_space<vmem_shared>>) offsets(%dma_start3A_1171 : memref<128xi32, #tpu.memory_space<vmem>>) semaphore(%arg17 : memref<!tpu.dma_semaphore, #tpu.memory_space<semaphore_mem>>) {add = true}
      %eq3A_1175 = arith.constant 0 : i32
      %eq3A_1176 = arith.cmpi eq, %arg0, %eq3A_1175 : i32
      %convert_element_type3A_1177 = arith.extui %eq3A_1176 : i1 to i32
      %cond3A_1178 = arith.constant 0 : i32
      %cond3A_1179 = arith.cmpi ne, %convert_element_type3A_1177, %cond3A_1178 : i32
      scf.if %cond3A_1179 {
        %run_scoped3A_1243 = arith.constant 2 : i32
        "tpu.region"() ({
          %run_scoped3A_1244 = tpu.sem_alloc : memref<!tpu.dma_semaphore, #tpu.memory_space<semaphore_mem>>
          %dma_start3A_1245 = arith.constant 0 : i32
          %dma_start3A_1246 = tpu.memref_slice %arg8[%select_n3A_1035, %run_scoped3A_1243, %dma_start3A_1245] : memref<2x4x128xi32, #tpu.memory_space<vmem>> -> memref<1x1x128xi32, #tpu.memory_space<vmem>>
          %dma_start3A_1247 = tpu.memref_squeeze %dma_start3A_1246 : memref<1x1x128xi32, #tpu.memory_space<vmem>> -> memref<128xi32, #tpu.memory_space<vmem>>
          %dma_start3A_1248 = arith.constant 0 : i32
          %dma_start3A_1249 = arith.constant 0 : i32
          %dma_start3A_1250 = tpu.memref_slice %arg14[%dma_start3A_1248, %dma_start3A_1249] : memref<10240x16xf32, #tpu.memory_space<vmem_shared>> -> memref<10240x16xf32, #tpu.memory_space<vmem_shared>>
          tpu.enqueue_indirect_dma source(%arg10 : memref<128x16xf32, #tpu.memory_space<vmem>>) target(%dma_start3A_1250 : memref<10240x16xf32, #tpu.memory_space<vmem_shared>>) offsets(%dma_start3A_1247 : memref<128xi32, #tpu.memory_space<vmem>>) semaphore(%run_scoped3A_1244 : memref<!tpu.dma_semaphore, #tpu.memory_space<semaphore_mem>>) {add = true}
          %dma_wait3A_1251 = arith.constant 0 : i32
          %dma_wait3A_1252 = tpu.memref_slice %arg8[%select_n3A_1035, %run_scoped3A_1243, %dma_wait3A_1251] : memref<2x4x128xi32, #tpu.memory_space<vmem>> -> memref<1x1x128xi32, #tpu.memory_space<vmem>>
          %dma_wait3A_1253 = tpu.memref_squeeze %dma_wait3A_1252 : memref<1x1x128xi32, #tpu.memory_space<vmem>> -> memref<128xi32, #tpu.memory_space<vmem>>
          %dma_wait3A_1254 = arith.constant 0 : i32
          %dma_wait3A_1255 = arith.constant 0 : i32
          %dma_wait3A_1256 = tpu.memref_slice %arg14[%dma_wait3A_1254, %dma_wait3A_1255] : memref<10240x16xf32, #tpu.memory_space<vmem_shared>> -> memref<10240x16xf32, #tpu.memory_space<vmem_shared>>
          tpu.wait_indirect_dma semaphore(%run_scoped3A_1244 : memref<!tpu.dma_semaphore, #tpu.memory_space<semaphore_mem>>) src(%arg10 : memref<128x16xf32, #tpu.memory_space<vmem>>) dst(%dma_wait3A_1256 : memref<10240x16xf32, #tpu.memory_space<vmem_shared>>)
          tpu.yield
        }) : () -> ()
      } else {
      }
      %dma_start3A_1180 = arith.constant 3 : i32
      %dma_start3A_1181 = arith.constant 1 : i32
      %dma_start3A_1182 = arith.constant 0 : i32
      %dma_start3A_1183 = arith.constant 0 : i32
      %dma_start3A_1184 = tpu.memref_slice %arg9[%dma_start3A_1181, %dma_start3A_1182, %dma_start3A_1183] : memref<2x128x64xf32, #tpu.memory_space<vmem>> -> memref<1x128x64xf32, #tpu.memory_space<vmem>>
      %dma_start3A_1185 = tpu.memref_squeeze %dma_start3A_1184 : memref<1x128x64xf32, #tpu.memory_space<vmem>> -> memref<128x64xf32, #tpu.memory_space<vmem>>
      %dma_start3A_1186 = arith.constant 0 : i32
      %dma_start3A_1187 = tpu.memref_slice %arg7[%select_n3A_1035, %dma_start3A_1180, %dma_start3A_1186] : memref<2x4x128xi32, #tpu.memory_space<vmem>> -> memref<1x1x128xi32, #tpu.memory_space<vmem>>
      %dma_start3A_1188 = tpu.memref_squeeze %dma_start3A_1187 : memref<1x1x128xi32, #tpu.memory_space<vmem>> -> memref<128xi32, #tpu.memory_space<vmem>>
      %dma_start3A_1189 = arith.constant 0 : i32
      %dma_start3A_1190 = arith.constant 0 : i32
      %dma_start3A_1191 = tpu.memref_slice %arg12[%dma_start3A_1189, %dma_start3A_1190] : memref<10000x64xf32, #tpu.memory_space<vmem_shared>> -> memref<10000x64xf32, #tpu.memory_space<vmem_shared>>
      tpu.enqueue_indirect_dma source(%dma_start3A_1191 : memref<10000x64xf32, #tpu.memory_space<vmem_shared>>) target(%dma_start3A_1185 : memref<128x64xf32, #tpu.memory_space<vmem>>) offsets(%dma_start3A_1188 : memref<128xi32, #tpu.memory_space<vmem>>) semaphore(%arg15 : memref<!tpu.dma_semaphore, #tpu.memory_space<semaphore_mem>>)
      %lt3A_1192 = arith.constant 39 : i32
      %lt3A_1193 = arith.cmpi slt, %scan3A_1024, %lt3A_1192 : i32
      %convert_element_type3A_1194 = arith.extui %lt3A_1193 : i1 to i32
      %cond3A_1195 = arith.constant 0 : i32
      %cond3A_1196 = arith.cmpi ne, %convert_element_type3A_1194, %cond3A_1195 : i32
      scf.if %cond3A_1196 {
        %sub3A = arith.constant 1 : i32
        %sub3A_1243 = arith.subi %sub3A, %select_n3A_1035 : i32
        %add3A_1244 = arith.constant 1 : i32
        %add3A_1245 = arith.addi %scan3A_1024, %add3A_1244 : i32
        %mul3A_1246 = arith.constant 4 : i32
        %mul3A_1247 = arith.muli %add3A_1245, %mul3A_1246 : i32
        %dma_wait3A_1248 = arith.constant 0 : i32
        %dma_wait3A_1249 = arith.constant 0 : i32
        %dma_wait3A_1250 = tpu.memref_slice %arg7[%sub3A_1243, %dma_wait3A_1248, %dma_wait3A_1249] : memref<2x4x128xi32, #tpu.memory_space<vmem>> -> memref<1x4x128xi32, #tpu.memory_space<vmem>>
        %dma_wait3A_1251 = tpu.memref_squeeze %dma_wait3A_1250 : memref<1x4x128xi32, #tpu.memory_space<vmem>> -> memref<4x128xi32, #tpu.memory_space<vmem>>
        %dma_wait3A_1252 = arith.constant 0 : i32
        %dma_wait3A_1253 = tpu.memref_slice %arg3[%arg1, %mul3A_1247, %dma_wait3A_1252] : memref<16x160x128xi32, #tpu.memory_space<hbm>> -> memref<1x4x128xi32, #tpu.memory_space<hbm>>
        %dma_wait3A_1254 = tpu.memref_squeeze %dma_wait3A_1253 : memref<1x4x128xi32, #tpu.memory_space<hbm>> -> memref<4x128xi32, #tpu.memory_space<hbm>>
        %dma_wait3A_1255 = arith.constant 0 : i32
        %dma_wait3A_1256 = arith.constant 0 : i32
        %dma_wait3A_1257 = tpu.memref_slice %arg7[%sub3A_1243, %dma_wait3A_1255, %dma_wait3A_1256] : memref<2x4x128xi32, #tpu.memory_space<vmem>> -> memref<1x4x128xi32, #tpu.memory_space<vmem>>
        %dma_wait3A_1258 = tpu.memref_squeeze %dma_wait3A_1257 : memref<1x4x128xi32, #tpu.memory_space<vmem>> -> memref<4x128xi32, #tpu.memory_space<vmem>>
        %dma_wait3A_1259 = arith.constant 0 : i32
        %dma_wait3A_1260 = tpu.memref_slice %arg3[%arg1, %mul3A_1247, %dma_wait3A_1259] : memref<16x160x128xi32, #tpu.memory_space<hbm>> -> memref<1x4x128xi32, #tpu.memory_space<hbm>>
        %dma_wait3A_1261 = tpu.memref_squeeze %dma_wait3A_1260 : memref<1x4x128xi32, #tpu.memory_space<hbm>> -> memref<4x128xi32, #tpu.memory_space<hbm>>
        tpu.wait_dma2 semaphore(%arg16 : memref<!tpu.dma_semaphore, #tpu.memory_space<semaphore_mem>>) src(%dma_wait3A_1261 : memref<4x128xi32, #tpu.memory_space<hbm>>) dst(%dma_wait3A_1258 : memref<4x128xi32, #tpu.memory_space<vmem>>)
        %sub3A_1262 = arith.constant 1 : i32
        %sub3A_1263 = arith.subi %sub3A_1262, %select_n3A_1035 : i32
        %get3A_1264 = arith.constant 0 : i32
        %get3A_1265 = arith.index_cast %sub3A_1263 : i32 to index
        %get3A_1266 = arith.index_cast %get3A_1264 : i32 to index
        %get3A_1267 = arith.constant 0 : index
        %get3A_1268 = tpu.vector_load %arg7[%get3A_1265, %get3A_1266, %get3A_1267] {strides = array<i32>} : memref<2x4x128xi32, #tpu.memory_space<vmem>>, vector<1x1x16xi32>,
        %get3A_1269 = vector.shape_cast %get3A_1268 : vector<1x1x16xi32> to vector<16xi32>
        %shift_right_arithmetic3A_1270 = arith.constant 14 : i32
        %shift_right_arithmetic3A_1271 = vector.broadcast %shift_right_arithmetic3A_1270 : i32 to vector<16xi32>
        %shift_right_arithmetic3A_1272 = arith.shrsi %get3A_1269, %shift_right_arithmetic3A_1271 : vector<16xi32>
        %swap3A_1273 = arith.constant 0 : i32
        %swap3A_1274 = arith.index_cast %sub3A_1263 : i32 to index
        %swap3A_1275 = arith.index_cast %swap3A_1273 : i32 to index
        %swap3A_1276 = arith.constant 0 : index
        %swap3A_1277 = tpu.vector_load %arg8[%swap3A_1274, %swap3A_1275, %swap3A_1276] {strides = array<i32>} : memref<2x4x128xi32, #tpu.memory_space<vmem>>, vector<1x1x16xi32>,
        %swap3A_1278 = vector.shape_cast %swap3A_1277 : vector<1x1x16xi32> to vector<16xi32>
        %swap3A_1279 = vector.shape_cast %shift_right_arithmetic3A_1272 : vector<16xi32> to vector<1x1x16xi32>
        tpu.vector_store %arg8[%swap3A_1274, %swap3A_1275, %swap3A_1276], %swap3A_1279 {strides = array<i32>} : memref<2x4x128xi32, #tpu.memory_space<vmem>>, vector<1x1x16xi32>,
        %and3A_1280 = arith.constant 16383 : i32
        %and3A_1281 = vector.broadcast %and3A_1280 : i32 to vector<16xi32>
        %and3A_1282 = arith.andi %get3A_1269, %and3A_1281 : vector<16xi32>
        %swap3A_1283 = arith.constant 0 : i32
        %swap3A_1284 = arith.index_cast %sub3A_1263 : i32 to index
        %swap3A_1285 = arith.index_cast %swap3A_1283 : i32 to index
        %swap3A_1286 = arith.constant 0 : index
        %swap3A_1287 = tpu.vector_load %arg7[%swap3A_1284, %swap3A_1285, %swap3A_1286] {strides = array<i32>} : memref<2x4x128xi32, #tpu.memory_space<vmem>>, vector<1x1x16xi32>,
        %swap3A_1288 = vector.shape_cast %swap3A_1287 : vector<1x1x16xi32> to vector<16xi32>
        %swap3A_1289 = vector.shape_cast %and3A_1282 : vector<16xi32> to vector<1x1x16xi32>
        tpu.vector_store %arg7[%swap3A_1284, %swap3A_1285, %swap3A_1286], %swap3A_1289 {strides = array<i32>} : memref<2x4x128xi32, #tpu.memory_space<vmem>>, vector<1x1x16xi32>,
        %get3A_1290 = arith.constant 0 : i32
        %get3A_1291 = arith.index_cast %sub3A_1263 : i32 to index
        %get3A_1292 = arith.index_cast %get3A_1290 : i32 to index
        %get3A_1293 = arith.constant 16 : index
        %get3A_1294 = tpu.vector_load %arg7[%get3A_1291, %get3A_1292, %get3A_1293] {strides = array<i32>} : memref<2x4x128xi32, #tpu.memory_space<vmem>>, vector<1x1x16xi32>,
        %get3A_1295 = vector.shape_cast %get3A_1294 : vector<1x1x16xi32> to vector<16xi32>
        %shift_right_arithmetic3A_1296 = arith.constant 14 : i32
        %shift_right_arithmetic3A_1297 = vector.broadcast %shift_right_arithmetic3A_1296 : i32 to vector<16xi32>
        %shift_right_arithmetic3A_1298 = arith.shrsi %get3A_1295, %shift_right_arithmetic3A_1297 : vector<16xi32>
        %swap3A_1299 = arith.constant 0 : i32
        %swap3A_1300 = arith.index_cast %sub3A_1263 : i32 to index
        %swap3A_1301 = arith.index_cast %swap3A_1299 : i32 to index
        %swap3A_1302 = arith.constant 16 : index
        %swap3A_1303 = tpu.vector_load %arg8[%swap3A_1300, %swap3A_1301, %swap3A_1302] {strides = array<i32>} : memref<2x4x128xi32, #tpu.memory_space<vmem>>, vector<1x1x16xi32>,
        %swap3A_1304 = vector.shape_cast %swap3A_1303 : vector<1x1x16xi32> to vector<16xi32>
        %swap3A_1305 = vector.shape_cast %shift_right_arithmetic3A_1298 : vector<16xi32> to vector<1x1x16xi32>
        tpu.vector_store %arg8[%swap3A_1300, %swap3A_1301, %swap3A_1302], %swap3A_1305 {strides = array<i32>} : memref<2x4x128xi32, #tpu.memory_space<vmem>>, vector<1x1x16xi32>,
        %and3A_1306 = arith.constant 16383 : i32
        %and3A_1307 = vector.broadcast %and3A_1306 : i32 to vector<16xi32>
        %and3A_1308 = arith.andi %get3A_1295, %and3A_1307 : vector<16xi32>
        %swap3A_1309 = arith.constant 0 : i32
        %swap3A_1310 = arith.index_cast %sub3A_1263 : i32 to index
        %swap3A_1311 = arith.index_cast %swap3A_1309 : i32 to index
        %swap3A_1312 = arith.constant 16 : index
        %swap3A_1313 = tpu.vector_load %arg7[%swap3A_1310, %swap3A_1311, %swap3A_1312] {strides = array<i32>} : memref<2x4x128xi32, #tpu.memory_space<vmem>>, vector<1x1x16xi32>,
        %swap3A_1314 = vector.shape_cast %swap3A_1313 : vector<1x1x16xi32> to vector<16xi32>
        %swap3A_1315 = vector.shape_cast %and3A_1308 : vector<16xi32> to vector<1x1x16xi32>
        tpu.vector_store %arg7[%swap3A_1310, %swap3A_1311, %swap3A_1312], %swap3A_1315 {strides = array<i32>} : memref<2x4x128xi32, #tpu.memory_space<vmem>>, vector<1x1x16xi32>,
        %get3A_1316 = arith.constant 0 : i32
        %get3A_1317 = arith.index_cast %sub3A_1263 : i32 to index
        %get3A_1318 = arith.index_cast %get3A_1316 : i32 to index
        %get3A_1319 = arith.constant 32 : index
        %get3A_1320 = tpu.vector_load %arg7[%get3A_1317, %get3A_1318, %get3A_1319] {strides = array<i32>} : memref<2x4x128xi32, #tpu.memory_space<vmem>>, vector<1x1x16xi32>,
        %get3A_1321 = vector.shape_cast %get3A_1320 : vector<1x1x16xi32> to vector<16xi32>
        %shift_right_arithmetic3A_1322 = arith.constant 14 : i32
        %shift_right_arithmetic3A_1323 = vector.broadcast %shift_right_arithmetic3A_1322 : i32 to vector<16xi32>
        %shift_right_arithmetic3A_1324 = arith.shrsi %get3A_1321, %shift_right_arithmetic3A_1323 : vector<16xi32>
        %swap3A_1325 = arith.constant 0 : i32
        %swap3A_1326 = arith.index_cast %sub3A_1263 : i32 to index
        %swap3A_1327 = arith.index_cast %swap3A_1325 : i32 to index
        %swap3A_1328 = arith.constant 32 : index
        %swap3A_1329 = tpu.vector_load %arg8[%swap3A_1326, %swap3A_1327, %swap3A_1328] {strides = array<i32>} : memref<2x4x128xi32, #tpu.memory_space<vmem>>, vector<1x1x16xi32>,
        %swap3A_1330 = vector.shape_cast %swap3A_1329 : vector<1x1x16xi32> to vector<16xi32>
        %swap3A_1331 = vector.shape_cast %shift_right_arithmetic3A_1324 : vector<16xi32> to vector<1x1x16xi32>
        tpu.vector_store %arg8[%swap3A_1326, %swap3A_1327, %swap3A_1328], %swap3A_1331 {strides = array<i32>} : memref<2x4x128xi32, #tpu.memory_space<vmem>>, vector<1x1x16xi32>,
        %and3A_1332 = arith.constant 16383 : i32
        %and3A_1333 = vector.broadcast %and3A_1332 : i32 to vector<16xi32>
        %and3A_1334 = arith.andi %get3A_1321, %and3A_1333 : vector<16xi32>
        %swap3A_1335 = arith.constant 0 : i32
        %swap3A_1336 = arith.index_cast %sub3A_1263 : i32 to index
        %swap3A_1337 = arith.index_cast %swap3A_1335 : i32 to index
        %swap3A_1338 = arith.constant 32 : index
        %swap3A_1339 = tpu.vector_load %arg7[%swap3A_1336, %swap3A_1337, %swap3A_1338] {strides = array<i32>} : memref<2x4x128xi32, #tpu.memory_space<vmem>>, vector<1x1x16xi32>,
        %swap3A_1340 = vector.shape_cast %swap3A_1339 : vector<1x1x16xi32> to vector<16xi32>
        %swap3A_1341 = vector.shape_cast %and3A_1334 : vector<16xi32> to vector<1x1x16xi32>
        tpu.vector_store %arg7[%swap3A_1336, %swap3A_1337, %swap3A_1338], %swap3A_1341 {strides = array<i32>} : memref<2x4x128xi32, #tpu.memory_space<vmem>>, vector<1x1x16xi32>,
        %get3A_1342 = arith.constant 0 : i32
        %get3A_1343 = arith.index_cast %sub3A_1263 : i32 to index
        %get3A_1344 = arith.index_cast %get3A_1342 : i32 to index
        %get3A_1345 = arith.constant 48 : index
        %get3A_1346 = tpu.vector_load %arg7[%get3A_1343, %get3A_1344, %get3A_1345] {strides = array<i32>} : memref<2x4x128xi32, #tpu.memory_space<vmem>>, vector<1x1x16xi32>,
        %get3A_1347 = vector.shape_cast %get3A_1346 : vector<1x1x16xi32> to vector<16xi32>
        %shift_right_arithmetic3A_1348 = arith.constant 14 : i32
        %shift_right_arithmetic3A_1349 = vector.broadcast %shift_right_arithmetic3A_1348 : i32 to vector<16xi32>
        %shift_right_arithmetic3A_1350 = arith.shrsi %get3A_1347, %shift_right_arithmetic3A_1349 : vector<16xi32>
        %swap3A_1351 = arith.constant 0 : i32
        %swap3A_1352 = arith.index_cast %sub3A_1263 : i32 to index
        %swap3A_1353 = arith.index_cast %swap3A_1351 : i32 to index
        %swap3A_1354 = arith.constant 48 : index
        %swap3A_1355 = tpu.vector_load %arg8[%swap3A_1352, %swap3A_1353, %swap3A_1354] {strides = array<i32>} : memref<2x4x128xi32, #tpu.memory_space<vmem>>, vector<1x1x16xi32>,
        %swap3A_1356 = vector.shape_cast %swap3A_1355 : vector<1x1x16xi32> to vector<16xi32>
        %swap3A_1357 = vector.shape_cast %shift_right_arithmetic3A_1350 : vector<16xi32> to vector<1x1x16xi32>
        tpu.vector_store %arg8[%swap3A_1352, %swap3A_1353, %swap3A_1354], %swap3A_1357 {strides = array<i32>} : memref<2x4x128xi32, #tpu.memory_space<vmem>>, vector<1x1x16xi32>,
        %and3A_1358 = arith.constant 16383 : i32
        %and3A_1359 = vector.broadcast %and3A_1358 : i32 to vector<16xi32>
        %and3A_1360 = arith.andi %get3A_1347, %and3A_1359 : vector<16xi32>
        %swap3A_1361 = arith.constant 0 : i32
        %swap3A_1362 = arith.index_cast %sub3A_1263 : i32 to index
        %swap3A_1363 = arith.index_cast %swap3A_1361 : i32 to index
        %swap3A_1364 = arith.constant 48 : index
        %swap3A_1365 = tpu.vector_load %arg7[%swap3A_1362, %swap3A_1363, %swap3A_1364] {strides = array<i32>} : memref<2x4x128xi32, #tpu.memory_space<vmem>>, vector<1x1x16xi32>,
        %swap3A_1366 = vector.shape_cast %swap3A_1365 : vector<1x1x16xi32> to vector<16xi32>
        %swap3A_1367 = vector.shape_cast %and3A_1360 : vector<16xi32> to vector<1x1x16xi32>
        tpu.vector_store %arg7[%swap3A_1362, %swap3A_1363, %swap3A_1364], %swap3A_1367 {strides = array<i32>} : memref<2x4x128xi32, #tpu.memory_space<vmem>>, vector<1x1x16xi32>,
        %get3A_1368 = arith.constant 0 : i32
        %get3A_1369 = arith.index_cast %sub3A_1263 : i32 to index
        %get3A_1370 = arith.index_cast %get3A_1368 : i32 to index
        %get3A_1371 = arith.constant 64 : index
        %get3A_1372 = tpu.vector_load %arg7[%get3A_1369, %get3A_1370, %get3A_1371] {strides = array<i32>} : memref<2x4x128xi32, #tpu.memory_space<vmem>>, vector<1x1x16xi32>,
        %get3A_1373 = vector.shape_cast %get3A_1372 : vector<1x1x16xi32> to vector<16xi32>
        %shift_right_arithmetic3A_1374 = arith.constant 14 : i32
        %shift_right_arithmetic3A_1375 = vector.broadcast %shift_right_arithmetic3A_1374 : i32 to vector<16xi32>
        %shift_right_arithmetic3A_1376 = arith.shrsi %get3A_1373, %shift_right_arithmetic3A_1375 : vector<16xi32>
        %swap3A_1377 = arith.constant 0 : i32
        %swap3A_1378 = arith.index_cast %sub3A_1263 : i32 to index
        %swap3A_1379 = arith.index_cast %swap3A_1377 : i32 to index
        %swap3A_1380 = arith.constant 64 : index
        %swap3A_1381 = tpu.vector_load %arg8[%swap3A_1378, %swap3A_1379, %swap3A_1380] {strides = array<i32>} : memref<2x4x128xi32, #tpu.memory_space<vmem>>, vector<1x1x16xi32>,
        %swap3A_1382 = vector.shape_cast %swap3A_1381 : vector<1x1x16xi32> to vector<16xi32>
        %swap3A_1383 = vector.shape_cast %shift_right_arithmetic3A_1376 : vector<16xi32> to vector<1x1x16xi32>
        tpu.vector_store %arg8[%swap3A_1378, %swap3A_1379, %swap3A_1380], %swap3A_1383 {strides = array<i32>} : memref<2x4x128xi32, #tpu.memory_space<vmem>>, vector<1x1x16xi32>,
        %and3A_1384 = arith.constant 16383 : i32
        %and3A_1385 = vector.broadcast %and3A_1384 : i32 to vector<16xi32>
        %and3A_1386 = arith.andi %get3A_1373, %and3A_1385 : vector<16xi32>
        %swap3A_1387 = arith.constant 0 : i32
        %swap3A_1388 = arith.index_cast %sub3A_1263 : i32 to index
        %swap3A_1389 = arith.index_cast %swap3A_1387 : i32 to index
        %swap3A_1390 = arith.constant 64 : index
        %swap3A_1391 = tpu.vector_load %arg7[%swap3A_1388, %swap3A_1389, %swap3A_1390] {strides = array<i32>} : memref<2x4x128xi32, #tpu.memory_space<vmem>>, vector<1x1x16xi32>,
        %swap3A_1392 = vector.shape_cast %swap3A_1391 : vector<1x1x16xi32> to vector<16xi32>
        %swap3A_1393 = vector.shape_cast %and3A_1386 : vector<16xi32> to vector<1x1x16xi32>
        tpu.vector_store %arg7[%swap3A_1388, %swap3A_1389, %swap3A_1390], %swap3A_1393 {strides = array<i32>} : memref<2x4x128xi32, #tpu.memory_space<vmem>>, vector<1x1x16xi32>,
        %get3A_1394 = arith.constant 0 : i32
        %get3A_1395 = arith.index_cast %sub3A_1263 : i32 to index
        %get3A_1396 = arith.index_cast %get3A_1394 : i32 to index
        %get3A_1397 = arith.constant 80 : index
        %get3A_1398 = tpu.vector_load %arg7[%get3A_1395, %get3A_1396, %get3A_1397] {strides = array<i32>} : memref<2x4x128xi32, #tpu.memory_space<vmem>>, vector<1x1x16xi32>,
        %get3A_1399 = vector.shape_cast %get3A_1398 : vector<1x1x16xi32> to vector<16xi32>
        %shift_right_arithmetic3A_1400 = arith.constant 14 : i32
        %shift_right_arithmetic3A_1401 = vector.broadcast %shift_right_arithmetic3A_1400 : i32 to vector<16xi32>
        %shift_right_arithmetic3A_1402 = arith.shrsi %get3A_1399, %shift_right_arithmetic3A_1401 : vector<16xi32>
        %swap3A_1403 = arith.constant 0 : i32
        %swap3A_1404 = arith.index_cast %sub3A_1263 : i32 to index
        %swap3A_1405 = arith.index_cast %swap3A_1403 : i32 to index
        %swap3A_1406 = arith.constant 80 : index
        %swap3A_1407 = tpu.vector_load %arg8[%swap3A_1404, %swap3A_1405, %swap3A_1406] {strides = array<i32>} : memref<2x4x128xi32, #tpu.memory_space<vmem>>, vector<1x1x16xi32>,
        %swap3A_1408 = vector.shape_cast %swap3A_1407 : vector<1x1x16xi32> to vector<16xi32>
        %swap3A_1409 = vector.shape_cast %shift_right_arithmetic3A_1402 : vector<16xi32> to vector<1x1x16xi32>
        tpu.vector_store %arg8[%swap3A_1404, %swap3A_1405, %swap3A_1406], %swap3A_1409 {strides = array<i32>} : memref<2x4x128xi32, #tpu.memory_space<vmem>>, vector<1x1x16xi32>,
        %and3A_1410 = arith.constant 16383 : i32
        %and3A_1411 = vector.broadcast %and3A_1410 : i32 to vector<16xi32>
        %and3A_1412 = arith.andi %get3A_1399, %and3A_1411 : vector<16xi32>
        %swap3A_1413 = arith.constant 0 : i32
        %swap3A_1414 = arith.index_cast %sub3A_1263 : i32 to index
        %swap3A_1415 = arith.index_cast %swap3A_1413 : i32 to index
        %swap3A_1416 = arith.constant 80 : index
        %swap3A_1417 = tpu.vector_load %arg7[%swap3A_1414, %swap3A_1415, %swap3A_1416] {strides = array<i32>} : memref<2x4x128xi32, #tpu.memory_space<vmem>>, vector<1x1x16xi32>,
        %swap3A_1418 = vector.shape_cast %swap3A_1417 : vector<1x1x16xi32> to vector<16xi32>
        %swap3A_1419 = vector.shape_cast %and3A_1412 : vector<16xi32> to vector<1x1x16xi32>
        tpu.vector_store %arg7[%swap3A_1414, %swap3A_1415, %swap3A_1416], %swap3A_1419 {strides = array<i32>} : memref<2x4x128xi32, #tpu.memory_space<vmem>>, vector<1x1x16xi32>,
        %get3A_1420 = arith.constant 0 : i32
        %get3A_1421 = arith.index_cast %sub3A_1263 : i32 to index
        %get3A_1422 = arith.index_cast %get3A_1420 : i32 to index
        %get3A_1423 = arith.constant 96 : index
        %get3A_1424 = tpu.vector_load %arg7[%get3A_1421, %get3A_1422, %get3A_1423] {strides = array<i32>} : memref<2x4x128xi32, #tpu.memory_space<vmem>>, vector<1x1x16xi32>,
        %get3A_1425 = vector.shape_cast %get3A_1424 : vector<1x1x16xi32> to vector<16xi32>
        %shift_right_arithmetic3A_1426 = arith.constant 14 : i32
        %shift_right_arithmetic3A_1427 = vector.broadcast %shift_right_arithmetic3A_1426 : i32 to vector<16xi32>
        %shift_right_arithmetic3A_1428 = arith.shrsi %get3A_1425, %shift_right_arithmetic3A_1427 : vector<16xi32>
        %swap3A_1429 = arith.constant 0 : i32
        %swap3A_1430 = arith.index_cast %sub3A_1263 : i32 to index
        %swap3A_1431 = arith.index_cast %swap3A_1429 : i32 to index
        %swap3A_1432 = arith.constant 96 : index
        %swap3A_1433 = tpu.vector_load %arg8[%swap3A_1430, %swap3A_1431, %swap3A_1432] {strides = array<i32>} : memref<2x4x128xi32, #tpu.memory_space<vmem>>, vector<1x1x16xi32>,
        %swap3A_1434 = vector.shape_cast %swap3A_1433 : vector<1x1x16xi32> to vector<16xi32>
        %swap3A_1435 = vector.shape_cast %shift_right_arithmetic3A_1428 : vector<16xi32> to vector<1x1x16xi32>
        tpu.vector_store %arg8[%swap3A_1430, %swap3A_1431, %swap3A_1432], %swap3A_1435 {strides = array<i32>} : memref<2x4x128xi32, #tpu.memory_space<vmem>>, vector<1x1x16xi32>,
        %and3A_1436 = arith.constant 16383 : i32
        %and3A_1437 = vector.broadcast %and3A_1436 : i32 to vector<16xi32>
        %and3A_1438 = arith.andi %get3A_1425, %and3A_1437 : vector<16xi32>
        %swap3A_1439 = arith.constant 0 : i32
        %swap3A_1440 = arith.index_cast %sub3A_1263 : i32 to index
        %swap3A_1441 = arith.index_cast %swap3A_1439 : i32 to index
        %swap3A_1442 = arith.constant 96 : index
        %swap3A_1443 = tpu.vector_load %arg7[%swap3A_1440, %swap3A_1441, %swap3A_1442] {strides = array<i32>} : memref<2x4x128xi32, #tpu.memory_space<vmem>>, vector<1x1x16xi32>,
        %swap3A_1444 = vector.shape_cast %swap3A_1443 : vector<1x1x16xi32> to vector<16xi32>
        %swap3A_1445 = vector.shape_cast %and3A_1438 : vector<16xi32> to vector<1x1x16xi32>
        tpu.vector_store %arg7[%swap3A_1440, %swap3A_1441, %swap3A_1442], %swap3A_1445 {strides = array<i32>} : memref<2x4x128xi32, #tpu.memory_space<vmem>>, vector<1x1x16xi32>,
        %get3A_1446 = arith.constant 0 : i32
        %get3A_1447 = arith.index_cast %sub3A_1263 : i32 to index
        %get3A_1448 = arith.index_cast %get3A_1446 : i32 to index
        %get3A_1449 = arith.constant 112 : index
        %get3A_1450 = tpu.vector_load %arg7[%get3A_1447, %get3A_1448, %get3A_1449] {strides = array<i32>} : memref<2x4x128xi32, #tpu.memory_space<vmem>>, vector<1x1x16xi32>,
        %get3A_1451 = vector.shape_cast %get3A_1450 : vector<1x1x16xi32> to vector<16xi32>
        %shift_right_arithmetic3A_1452 = arith.constant 14 : i32
        %shift_right_arithmetic3A_1453 = vector.broadcast %shift_right_arithmetic3A_1452 : i32 to vector<16xi32>
        %shift_right_arithmetic3A_1454 = arith.shrsi %get3A_1451, %shift_right_arithmetic3A_1453 : vector<16xi32>
        %swap3A_1455 = arith.constant 0 : i32
        %swap3A_1456 = arith.index_cast %sub3A_1263 : i32 to index
        %swap3A_1457 = arith.index_cast %swap3A_1455 : i32 to index
        %swap3A_1458 = arith.constant 112 : index
        %swap3A_1459 = tpu.vector_load %arg8[%swap3A_1456, %swap3A_1457, %swap3A_1458] {strides = array<i32>} : memref<2x4x128xi32, #tpu.memory_space<vmem>>, vector<1x1x16xi32>,
        %swap3A_1460 = vector.shape_cast %swap3A_1459 : vector<1x1x16xi32> to vector<16xi32>
        %swap3A_1461 = vector.shape_cast %shift_right_arithmetic3A_1454 : vector<16xi32> to vector<1x1x16xi32>
        tpu.vector_store %arg8[%swap3A_1456, %swap3A_1457, %swap3A_1458], %swap3A_1461 {strides = array<i32>} : memref<2x4x128xi32, #tpu.memory_space<vmem>>, vector<1x1x16xi32>,
        %and3A_1462 = arith.constant 16383 : i32
        %and3A_1463 = vector.broadcast %and3A_1462 : i32 to vector<16xi32>
        %and3A_1464 = arith.andi %get3A_1451, %and3A_1463 : vector<16xi32>
        %swap3A_1465 = arith.constant 0 : i32
        %swap3A_1466 = arith.index_cast %sub3A_1263 : i32 to index
        %swap3A_1467 = arith.index_cast %swap3A_1465 : i32 to index
        %swap3A_1468 = arith.constant 112 : index
        %swap3A_1469 = tpu.vector_load %arg7[%swap3A_1466, %swap3A_1467, %swap3A_1468] {strides = array<i32>} : memref<2x4x128xi32, #tpu.memory_space<vmem>>, vector<1x1x16xi32>,
        %swap3A_1470 = vector.shape_cast %swap3A_1469 : vector<1x1x16xi32> to vector<16xi32>
        %swap3A_1471 = vector.shape_cast %and3A_1464 : vector<16xi32> to vector<1x1x16xi32>
        tpu.vector_store %arg7[%swap3A_1466, %swap3A_1467, %swap3A_1468], %swap3A_1471 {strides = array<i32>} : memref<2x4x128xi32, #tpu.memory_space<vmem>>, vector<1x1x16xi32>,
        %get3A_1472 = arith.constant 1 : i32
        %get3A_1473 = arith.index_cast %sub3A_1263 : i32 to index
        %get3A_1474 = arith.index_cast %get3A_1472 : i32 to index
        %get3A_1475 = arith.constant 0 : index
        %get3A_1476 = tpu.vector_load %arg7[%get3A_1473, %get3A_1474, %get3A_1475] {strides = array<i32>} : memref<2x4x128xi32, #tpu.memory_space<vmem>>, vector<1x1x16xi32>,
        %get3A_1477 = vector.shape_cast %get3A_1476 : vector<1x1x16xi32> to vector<16xi32>
        %shift_right_arithmetic3A_1478 = arith.constant 14 : i32
        %shift_right_arithmetic3A_1479 = vector.broadcast %shift_right_arithmetic3A_1478 : i32 to vector<16xi32>
        %shift_right_arithmetic3A_1480 = arith.shrsi %get3A_1477, %shift_right_arithmetic3A_1479 : vector<16xi32>
        %swap3A_1481 = arith.constant 1 : i32
        %swap3A_1482 = arith.index_cast %sub3A_1263 : i32 to index
        %swap3A_1483 = arith.index_cast %swap3A_1481 : i32 to index
        %swap3A_1484 = arith.constant 0 : index
        %swap3A_1485 = tpu.vector_load %arg8[%swap3A_1482, %swap3A_1483, %swap3A_1484] {strides = array<i32>} : memref<2x4x128xi32, #tpu.memory_space<vmem>>, vector<1x1x16xi32>,
        %swap3A_1486 = vector.shape_cast %swap3A_1485 : vector<1x1x16xi32> to vector<16xi32>
        %swap3A_1487 = vector.shape_cast %shift_right_arithmetic3A_1480 : vector<16xi32> to vector<1x1x16xi32>
        tpu.vector_store %arg8[%swap3A_1482, %swap3A_1483, %swap3A_1484], %swap3A_1487 {strides = array<i32>} : memref<2x4x128xi32, #tpu.memory_space<vmem>>, vector<1x1x16xi32>,
        %and3A_1488 = arith.constant 16383 : i32
        %and3A_1489 = vector.broadcast %and3A_1488 : i32 to vector<16xi32>
        %and3A_1490 = arith.andi %get3A_1477, %and3A_1489 : vector<16xi32>
        %swap3A_1491 = arith.constant 1 : i32
        %swap3A_1492 = arith.index_cast %sub3A_1263 : i32 to index
        %swap3A_1493 = arith.index_cast %swap3A_1491 : i32 to index
        %swap3A_1494 = arith.constant 0 : index
        %swap3A_1495 = tpu.vector_load %arg7[%swap3A_1492, %swap3A_1493, %swap3A_1494] {strides = array<i32>} : memref<2x4x128xi32, #tpu.memory_space<vmem>>, vector<1x1x16xi32>,
        %swap3A_1496 = vector.shape_cast %swap3A_1495 : vector<1x1x16xi32> to vector<16xi32>
        %swap3A_1497 = vector.shape_cast %and3A_1490 : vector<16xi32> to vector<1x1x16xi32>
        tpu.vector_store %arg7[%swap3A_1492, %swap3A_1493, %swap3A_1494], %swap3A_1497 {strides = array<i32>} : memref<2x4x128xi32, #tpu.memory_space<vmem>>, vector<1x1x16xi32>,
        %get3A_1498 = arith.constant 1 : i32
        %get3A_1499 = arith.index_cast %sub3A_1263 : i32 to index
        %get3A_1500 = arith.index_cast %get3A_1498 : i32 to index
        %get3A_1501 = arith.constant 16 : index
        %get3A_1502 = tpu.vector_load %arg7[%get3A_1499, %get3A_1500, %get3A_1501] {strides = array<i32>} : memref<2x4x128xi32, #tpu.memory_space<vmem>>, vector<1x1x16xi32>,
        %get3A_1503 = vector.shape_cast %get3A_1502 : vector<1x1x16xi32> to vector<16xi32>
        %shift_right_arithmetic3A_1504 = arith.constant 14 : i32
        %shift_right_arithmetic3A_1505 = vector.broadcast %shift_right_arithmetic3A_1504 : i32 to vector<16xi32>
        %shift_right_arithmetic3A_1506 = arith.shrsi %get3A_1503, %shift_right_arithmetic3A_1505 : vector<16xi32>
        %swap3A_1507 = arith.constant 1 : i32
        %swap3A_1508 = arith.index_cast %sub3A_1263 : i32 to index
        %swap3A_1509 = arith.index_cast %swap3A_1507 : i32 to index
        %swap3A_1510 = arith.constant 16 : index
        %swap3A_1511 = tpu.vector_load %arg8[%swap3A_1508, %swap3A_1509, %swap3A_1510] {strides = array<i32>} : memref<2x4x128xi32, #tpu.memory_space<vmem>>, vector<1x1x16xi32>,
        %swap3A_1512 = vector.shape_cast %swap3A_1511 : vector<1x1x16xi32> to vector<16xi32>
        %swap3A_1513 = vector.shape_cast %shift_right_arithmetic3A_1506 : vector<16xi32> to vector<1x1x16xi32>
        tpu.vector_store %arg8[%swap3A_1508, %swap3A_1509, %swap3A_1510], %swap3A_1513 {strides = array<i32>} : memref<2x4x128xi32, #tpu.memory_space<vmem>>, vector<1x1x16xi32>,
        %and3A_1514 = arith.constant 16383 : i32
        %and3A_1515 = vector.broadcast %and3A_1514 : i32 to vector<16xi32>
        %and3A_1516 = arith.andi %get3A_1503, %and3A_1515 : vector<16xi32>
        %swap3A_1517 = arith.constant 1 : i32
        %swap3A_1518 = arith.index_cast %sub3A_1263 : i32 to index
        %swap3A_1519 = arith.index_cast %swap3A_1517 : i32 to index
        %swap3A_1520 = arith.constant 16 : index
        %swap3A_1521 = tpu.vector_load %arg7[%swap3A_1518, %swap3A_1519, %swap3A_1520] {strides = array<i32>} : memref<2x4x128xi32, #tpu.memory_space<vmem>>, vector<1x1x16xi32>,
        %swap3A_1522 = vector.shape_cast %swap3A_1521 : vector<1x1x16xi32> to vector<16xi32>
        %swap3A_1523 = vector.shape_cast %and3A_1516 : vector<16xi32> to vector<1x1x16xi32>
        tpu.vector_store %arg7[%swap3A_1518, %swap3A_1519, %swap3A_1520], %swap3A_1523 {strides = array<i32>} : memref<2x4x128xi32, #tpu.memory_space<vmem>>, vector<1x1x16xi32>,
        %get3A_1524 = arith.constant 1 : i32
        %get3A_1525 = arith.index_cast %sub3A_1263 : i32 to index
        %get3A_1526 = arith.index_cast %get3A_1524 : i32 to index
        %get3A_1527 = arith.constant 32 : index
        %get3A_1528 = tpu.vector_load %arg7[%get3A_1525, %get3A_1526, %get3A_1527] {strides = array<i32>} : memref<2x4x128xi32, #tpu.memory_space<vmem>>, vector<1x1x16xi32>,
        %get3A_1529 = vector.shape_cast %get3A_1528 : vector<1x1x16xi32> to vector<16xi32>
        %shift_right_arithmetic3A_1530 = arith.constant 14 : i32
        %shift_right_arithmetic3A_1531 = vector.broadcast %shift_right_arithmetic3A_1530 : i32 to vector<16xi32>
        %shift_right_arithmetic3A_1532 = arith.shrsi %get3A_1529, %shift_right_arithmetic3A_1531 : vector<16xi32>
        %swap3A_1533 = arith.constant 1 : i32
        %swap3A_1534 = arith.index_cast %sub3A_1263 : i32 to index
        %swap3A_1535 = arith.index_cast %swap3A_1533 : i32 to index
        %swap3A_1536 = arith.constant 32 : index
        %swap3A_1537 = tpu.vector_load %arg8[%swap3A_1534, %swap3A_1535, %swap3A_1536] {strides = array<i32>} : memref<2x4x128xi32, #tpu.memory_space<vmem>>, vector<1x1x16xi32>,
        %swap3A_1538 = vector.shape_cast %swap3A_1537 : vector<1x1x16xi32> to vector<16xi32>
        %swap3A_1539 = vector.shape_cast %shift_right_arithmetic3A_1532 : vector<16xi32> to vector<1x1x16xi32>
        tpu.vector_store %arg8[%swap3A_1534, %swap3A_1535, %swap3A_1536], %swap3A_1539 {strides = array<i32>} : memref<2x4x128xi32, #tpu.memory_space<vmem>>, vector<1x1x16xi32>,
        %and3A_1540 = arith.constant 16383 : i32
        %and3A_1541 = vector.broadcast %and3A_1540 : i32 to vector<16xi32>
        %and3A_1542 = arith.andi %get3A_1529, %and3A_1541 : vector<16xi32>
        %swap3A_1543 = arith.constant 1 : i32
        %swap3A_1544 = arith.index_cast %sub3A_1263 : i32 to index
        %swap3A_1545 = arith.index_cast %swap3A_1543 : i32 to index
        %swap3A_1546 = arith.constant 32 : index
        %swap3A_1547 = tpu.vector_load %arg7[%swap3A_1544, %swap3A_1545, %swap3A_1546] {strides = array<i32>} : memref<2x4x128xi32, #tpu.memory_space<vmem>>, vector<1x1x16xi32>,
        %swap3A_1548 = vector.shape_cast %swap3A_1547 : vector<1x1x16xi32> to vector<16xi32>
        %swap3A_1549 = vector.shape_cast %and3A_1542 : vector<16xi32> to vector<1x1x16xi32>
        tpu.vector_store %arg7[%swap3A_1544, %swap3A_1545, %swap3A_1546], %swap3A_1549 {strides = array<i32>} : memref<2x4x128xi32, #tpu.memory_space<vmem>>, vector<1x1x16xi32>,
        %get3A_1550 = arith.constant 1 : i32
        %get3A_1551 = arith.index_cast %sub3A_1263 : i32 to index
        %get3A_1552 = arith.index_cast %get3A_1550 : i32 to index
        %get3A_1553 = arith.constant 48 : index
        %get3A_1554 = tpu.vector_load %arg7[%get3A_1551, %get3A_1552, %get3A_1553] {strides = array<i32>} : memref<2x4x128xi32, #tpu.memory_space<vmem>>, vector<1x1x16xi32>,
        %get3A_1555 = vector.shape_cast %get3A_1554 : vector<1x1x16xi32> to vector<16xi32>
        %shift_right_arithmetic3A_1556 = arith.constant 14 : i32
        %shift_right_arithmetic3A_1557 = vector.broadcast %shift_right_arithmetic3A_1556 : i32 to vector<16xi32>
        %shift_right_arithmetic3A_1558 = arith.shrsi %get3A_1555, %shift_right_arithmetic3A_1557 : vector<16xi32>
        %swap3A_1559 = arith.constant 1 : i32
        %swap3A_1560 = arith.index_cast %sub3A_1263 : i32 to index
        %swap3A_1561 = arith.index_cast %swap3A_1559 : i32 to index
        %swap3A_1562 = arith.constant 48 : index
        %swap3A_1563 = tpu.vector_load %arg8[%swap3A_1560, %swap3A_1561, %swap3A_1562] {strides = array<i32>} : memref<2x4x128xi32, #tpu.memory_space<vmem>>, vector<1x1x16xi32>,
        %swap3A_1564 = vector.shape_cast %swap3A_1563 : vector<1x1x16xi32> to vector<16xi32>
        %swap3A_1565 = vector.shape_cast %shift_right_arithmetic3A_1558 : vector<16xi32> to vector<1x1x16xi32>
        tpu.vector_store %arg8[%swap3A_1560, %swap3A_1561, %swap3A_1562], %swap3A_1565 {strides = array<i32>} : memref<2x4x128xi32, #tpu.memory_space<vmem>>, vector<1x1x16xi32>,
        %and3A_1566 = arith.constant 16383 : i32
        %and3A_1567 = vector.broadcast %and3A_1566 : i32 to vector<16xi32>
        %and3A_1568 = arith.andi %get3A_1555, %and3A_1567 : vector<16xi32>
        %swap3A_1569 = arith.constant 1 : i32
        %swap3A_1570 = arith.index_cast %sub3A_1263 : i32 to index
        %swap3A_1571 = arith.index_cast %swap3A_1569 : i32 to index
        %swap3A_1572 = arith.constant 48 : index
        %swap3A_1573 = tpu.vector_load %arg7[%swap3A_1570, %swap3A_1571, %swap3A_1572] {strides = array<i32>} : memref<2x4x128xi32, #tpu.memory_space<vmem>>, vector<1x1x16xi32>,
        %swap3A_1574 = vector.shape_cast %swap3A_1573 : vector<1x1x16xi32> to vector<16xi32>
        %swap3A_1575 = vector.shape_cast %and3A_1568 : vector<16xi32> to vector<1x1x16xi32>
        tpu.vector_store %arg7[%swap3A_1570, %swap3A_1571, %swap3A_1572], %swap3A_1575 {strides = array<i32>} : memref<2x4x128xi32, #tpu.memory_space<vmem>>, vector<1x1x16xi32>,
        %get3A_1576 = arith.constant 1 : i32
        %get3A_1577 = arith.index_cast %sub3A_1263 : i32 to index
        %get3A_1578 = arith.index_cast %get3A_1576 : i32 to index
        %get3A_1579 = arith.constant 64 : index
        %get3A_1580 = tpu.vector_load %arg7[%get3A_1577, %get3A_1578, %get3A_1579] {strides = array<i32>} : memref<2x4x128xi32, #tpu.memory_space<vmem>>, vector<1x1x16xi32>,
        %get3A_1581 = vector.shape_cast %get3A_1580 : vector<1x1x16xi32> to vector<16xi32>
        %shift_right_arithmetic3A_1582 = arith.constant 14 : i32
        %shift_right_arithmetic3A_1583 = vector.broadcast %shift_right_arithmetic3A_1582 : i32 to vector<16xi32>
        %shift_right_arithmetic3A_1584 = arith.shrsi %get3A_1581, %shift_right_arithmetic3A_1583 : vector<16xi32>
        %swap3A_1585 = arith.constant 1 : i32
        %swap3A_1586 = arith.index_cast %sub3A_1263 : i32 to index
        %swap3A_1587 = arith.index_cast %swap3A_1585 : i32 to index
        %swap3A_1588 = arith.constant 64 : index
        %swap3A_1589 = tpu.vector_load %arg8[%swap3A_1586, %swap3A_1587, %swap3A_1588] {strides = array<i32>} : memref<2x4x128xi32, #tpu.memory_space<vmem>>, vector<1x1x16xi32>,
        %swap3A_1590 = vector.shape_cast %swap3A_1589 : vector<1x1x16xi32> to vector<16xi32>
        %swap3A_1591 = vector.shape_cast %shift_right_arithmetic3A_1584 : vector<16xi32> to vector<1x1x16xi32>
        tpu.vector_store %arg8[%swap3A_1586, %swap3A_1587, %swap3A_1588], %swap3A_1591 {strides = array<i32>} : memref<2x4x128xi32, #tpu.memory_space<vmem>>, vector<1x1x16xi32>,
        %and3A_1592 = arith.constant 16383 : i32
        %and3A_1593 = vector.broadcast %and3A_1592 : i32 to vector<16xi32>
        %and3A_1594 = arith.andi %get3A_1581, %and3A_1593 : vector<16xi32>
        %swap3A_1595 = arith.constant 1 : i32
        %swap3A_1596 = arith.index_cast %sub3A_1263 : i32 to index
        %swap3A_1597 = arith.index_cast %swap3A_1595 : i32 to index
        %swap3A_1598 = arith.constant 64 : index
        %swap3A_1599 = tpu.vector_load %arg7[%swap3A_1596, %swap3A_1597, %swap3A_1598] {strides = array<i32>} : memref<2x4x128xi32, #tpu.memory_space<vmem>>, vector<1x1x16xi32>,
        %swap3A_1600 = vector.shape_cast %swap3A_1599 : vector<1x1x16xi32> to vector<16xi32>
        %swap3A_1601 = vector.shape_cast %and3A_1594 : vector<16xi32> to vector<1x1x16xi32>
        tpu.vector_store %arg7[%swap3A_1596, %swap3A_1597, %swap3A_1598], %swap3A_1601 {strides = array<i32>} : memref<2x4x128xi32, #tpu.memory_space<vmem>>, vector<1x1x16xi32>,
        %get3A_1602 = arith.constant 1 : i32
        %get3A_1603 = arith.index_cast %sub3A_1263 : i32 to index
        %get3A_1604 = arith.index_cast %get3A_1602 : i32 to index
        %get3A_1605 = arith.constant 80 : index
        %get3A_1606 = tpu.vector_load %arg7[%get3A_1603, %get3A_1604, %get3A_1605] {strides = array<i32>} : memref<2x4x128xi32, #tpu.memory_space<vmem>>, vector<1x1x16xi32>,
        %get3A_1607 = vector.shape_cast %get3A_1606 : vector<1x1x16xi32> to vector<16xi32>
        %shift_right_arithmetic3A_1608 = arith.constant 14 : i32
        %shift_right_arithmetic3A_1609 = vector.broadcast %shift_right_arithmetic3A_1608 : i32 to vector<16xi32>
        %shift_right_arithmetic3A_1610 = arith.shrsi %get3A_1607, %shift_right_arithmetic3A_1609 : vector<16xi32>
        %swap3A_1611 = arith.constant 1 : i32
        %swap3A_1612 = arith.index_cast %sub3A_1263 : i32 to index
        %swap3A_1613 = arith.index_cast %swap3A_1611 : i32 to index
        %swap3A_1614 = arith.constant 80 : index
        %swap3A_1615 = tpu.vector_load %arg8[%swap3A_1612, %swap3A_1613, %swap3A_1614] {strides = array<i32>} : memref<2x4x128xi32, #tpu.memory_space<vmem>>, vector<1x1x16xi32>,
        %swap3A_1616 = vector.shape_cast %swap3A_1615 : vector<1x1x16xi32> to vector<16xi32>
        %swap3A_1617 = vector.shape_cast %shift_right_arithmetic3A_1610 : vector<16xi32> to vector<1x1x16xi32>
        tpu.vector_store %arg8[%swap3A_1612, %swap3A_1613, %swap3A_1614], %swap3A_1617 {strides = array<i32>} : memref<2x4x128xi32, #tpu.memory_space<vmem>>, vector<1x1x16xi32>,
        %and3A_1618 = arith.constant 16383 : i32
        %and3A_1619 = vector.broadcast %and3A_1618 : i32 to vector<16xi32>
        %and3A_1620 = arith.andi %get3A_1607, %and3A_1619 : vector<16xi32>
        %swap3A_1621 = arith.constant 1 : i32
        %swap3A_1622 = arith.index_cast %sub3A_1263 : i32 to index
        %swap3A_1623 = arith.index_cast %swap3A_1621 : i32 to index
        %swap3A_1624 = arith.constant 80 : index
        %swap3A_1625 = tpu.vector_load %arg7[%swap3A_1622, %swap3A_1623, %swap3A_1624] {strides = array<i32>} : memref<2x4x128xi32, #tpu.memory_space<vmem>>, vector<1x1x16xi32>,
        %swap3A_1626 = vector.shape_cast %swap3A_1625 : vector<1x1x16xi32> to vector<16xi32>
        %swap3A_1627 = vector.shape_cast %and3A_1620 : vector<16xi32> to vector<1x1x16xi32>
        tpu.vector_store %arg7[%swap3A_1622, %swap3A_1623, %swap3A_1624], %swap3A_1627 {strides = array<i32>} : memref<2x4x128xi32, #tpu.memory_space<vmem>>, vector<1x1x16xi32>,
        %get3A_1628 = arith.constant 1 : i32
        %get3A_1629 = arith.index_cast %sub3A_1263 : i32 to index
        %get3A_1630 = arith.index_cast %get3A_1628 : i32 to index
        %get3A_1631 = arith.constant 96 : index
        %get3A_1632 = tpu.vector_load %arg7[%get3A_1629, %get3A_1630, %get3A_1631] {strides = array<i32>} : memref<2x4x128xi32, #tpu.memory_space<vmem>>, vector<1x1x16xi32>,
        %get3A_1633 = vector.shape_cast %get3A_1632 : vector<1x1x16xi32> to vector<16xi32>
        %shift_right_arithmetic3A_1634 = arith.constant 14 : i32
        %shift_right_arithmetic3A_1635 = vector.broadcast %shift_right_arithmetic3A_1634 : i32 to vector<16xi32>
        %shift_right_arithmetic3A_1636 = arith.shrsi %get3A_1633, %shift_right_arithmetic3A_1635 : vector<16xi32>
        %swap3A_1637 = arith.constant 1 : i32
        %swap3A_1638 = arith.index_cast %sub3A_1263 : i32 to index
        %swap3A_1639 = arith.index_cast %swap3A_1637 : i32 to index
        %swap3A_1640 = arith.constant 96 : index
        %swap3A_1641 = tpu.vector_load %arg8[%swap3A_1638, %swap3A_1639, %swap3A_1640] {strides = array<i32>} : memref<2x4x128xi32, #tpu.memory_space<vmem>>, vector<1x1x16xi32>,
        %swap3A_1642 = vector.shape_cast %swap3A_1641 : vector<1x1x16xi32> to vector<16xi32>
        %swap3A_1643 = vector.shape_cast %shift_right_arithmetic3A_1636 : vector<16xi32> to vector<1x1x16xi32>
        tpu.vector_store %arg8[%swap3A_1638, %swap3A_1639, %swap3A_1640], %swap3A_1643 {strides = array<i32>} : memref<2x4x128xi32, #tpu.memory_space<vmem>>, vector<1x1x16xi32>,
        %and3A_1644 = arith.constant 16383 : i32
        %and3A_1645 = vector.broadcast %and3A_1644 : i32 to vector<16xi32>
        %and3A_1646 = arith.andi %get3A_1633, %and3A_1645 : vector<16xi32>
        %swap3A_1647 = arith.constant 1 : i32
        %swap3A_1648 = arith.index_cast %sub3A_1263 : i32 to index
        %swap3A_1649 = arith.index_cast %swap3A_1647 : i32 to index
        %swap3A_1650 = arith.constant 96 : index
        %swap3A_1651 = tpu.vector_load %arg7[%swap3A_1648, %swap3A_1649, %swap3A_1650] {strides = array<i32>} : memref<2x4x128xi32, #tpu.memory_space<vmem>>, vector<1x1x16xi32>,
        %swap3A_1652 = vector.shape_cast %swap3A_1651 : vector<1x1x16xi32> to vector<16xi32>
        %swap3A_1653 = vector.shape_cast %and3A_1646 : vector<16xi32> to vector<1x1x16xi32>
        tpu.vector_store %arg7[%swap3A_1648, %swap3A_1649, %swap3A_1650], %swap3A_1653 {strides = array<i32>} : memref<2x4x128xi32, #tpu.memory_space<vmem>>, vector<1x1x16xi32>,
        %get3A_1654 = arith.constant 1 : i32
        %get3A_1655 = arith.index_cast %sub3A_1263 : i32 to index
        %get3A_1656 = arith.index_cast %get3A_1654 : i32 to index
        %get3A_1657 = arith.constant 112 : index
        %get3A_1658 = tpu.vector_load %arg7[%get3A_1655, %get3A_1656, %get3A_1657] {strides = array<i32>} : memref<2x4x128xi32, #tpu.memory_space<vmem>>, vector<1x1x16xi32>,
        %get3A_1659 = vector.shape_cast %get3A_1658 : vector<1x1x16xi32> to vector<16xi32>
        %shift_right_arithmetic3A_1660 = arith.constant 14 : i32
        %shift_right_arithmetic3A_1661 = vector.broadcast %shift_right_arithmetic3A_1660 : i32 to vector<16xi32>
        %shift_right_arithmetic3A_1662 = arith.shrsi %get3A_1659, %shift_right_arithmetic3A_1661 : vector<16xi32>
        %swap3A_1663 = arith.constant 1 : i32
        %swap3A_1664 = arith.index_cast %sub3A_1263 : i32 to index
        %swap3A_1665 = arith.index_cast %swap3A_1663 : i32 to index
        %swap3A_1666 = arith.constant 112 : index
        %swap3A_1667 = tpu.vector_load %arg8[%swap3A_1664, %swap3A_1665, %swap3A_1666] {strides = array<i32>} : memref<2x4x128xi32, #tpu.memory_space<vmem>>, vector<1x1x16xi32>,
        %swap3A_1668 = vector.shape_cast %swap3A_1667 : vector<1x1x16xi32> to vector<16xi32>
        %swap3A_1669 = vector.shape_cast %shift_right_arithmetic3A_1662 : vector<16xi32> to vector<1x1x16xi32>
        tpu.vector_store %arg8[%swap3A_1664, %swap3A_1665, %swap3A_1666], %swap3A_1669 {strides = array<i32>} : memref<2x4x128xi32, #tpu.memory_space<vmem>>, vector<1x1x16xi32>,
        %and3A_1670 = arith.constant 16383 : i32
        %and3A_1671 = vector.broadcast %and3A_1670 : i32 to vector<16xi32>
        %and3A_1672 = arith.andi %get3A_1659, %and3A_1671 : vector<16xi32>
        %swap3A_1673 = arith.constant 1 : i32
        %swap3A_1674 = arith.index_cast %sub3A_1263 : i32 to index
        %swap3A_1675 = arith.index_cast %swap3A_1673 : i32 to index
        %swap3A_1676 = arith.constant 112 : index
        %swap3A_1677 = tpu.vector_load %arg7[%swap3A_1674, %swap3A_1675, %swap3A_1676] {strides = array<i32>} : memref<2x4x128xi32, #tpu.memory_space<vmem>>, vector<1x1x16xi32>,
        %swap3A_1678 = vector.shape_cast %swap3A_1677 : vector<1x1x16xi32> to vector<16xi32>
        %swap3A_1679 = vector.shape_cast %and3A_1672 : vector<16xi32> to vector<1x1x16xi32>
        tpu.vector_store %arg7[%swap3A_1674, %swap3A_1675, %swap3A_1676], %swap3A_1679 {strides = array<i32>} : memref<2x4x128xi32, #tpu.memory_space<vmem>>, vector<1x1x16xi32>,
        %get3A_1680 = arith.constant 2 : i32
        %get3A_1681 = arith.index_cast %sub3A_1263 : i32 to index
        %get3A_1682 = arith.index_cast %get3A_1680 : i32 to index
        %get3A_1683 = arith.constant 0 : index
        %get3A_1684 = tpu.vector_load %arg7[%get3A_1681, %get3A_1682, %get3A_1683] {strides = array<i32>} : memref<2x4x128xi32, #tpu.memory_space<vmem>>, vector<1x1x16xi32>,
        %get3A_1685 = vector.shape_cast %get3A_1684 : vector<1x1x16xi32> to vector<16xi32>
        %shift_right_arithmetic3A_1686 = arith.constant 14 : i32
        %shift_right_arithmetic3A_1687 = vector.broadcast %shift_right_arithmetic3A_1686 : i32 to vector<16xi32>
        %shift_right_arithmetic3A_1688 = arith.shrsi %get3A_1685, %shift_right_arithmetic3A_1687 : vector<16xi32>
        %swap3A_1689 = arith.constant 2 : i32
        %swap3A_1690 = arith.index_cast %sub3A_1263 : i32 to index
        %swap3A_1691 = arith.index_cast %swap3A_1689 : i32 to index
        %swap3A_1692 = arith.constant 0 : index
        %swap3A_1693 = tpu.vector_load %arg8[%swap3A_1690, %swap3A_1691, %swap3A_1692] {strides = array<i32>} : memref<2x4x128xi32, #tpu.memory_space<vmem>>, vector<1x1x16xi32>,
        %swap3A_1694 = vector.shape_cast %swap3A_1693 : vector<1x1x16xi32> to vector<16xi32>
        %swap3A_1695 = vector.shape_cast %shift_right_arithmetic3A_1688 : vector<16xi32> to vector<1x1x16xi32>
        tpu.vector_store %arg8[%swap3A_1690, %swap3A_1691, %swap3A_1692], %swap3A_1695 {strides = array<i32>} : memref<2x4x128xi32, #tpu.memory_space<vmem>>, vector<1x1x16xi32>,
        %and3A_1696 = arith.constant 16383 : i32
        %and3A_1697 = vector.broadcast %and3A_1696 : i32 to vector<16xi32>
        %and3A_1698 = arith.andi %get3A_1685, %and3A_1697 : vector<16xi32>
        %swap3A_1699 = arith.constant 2 : i32
        %swap3A_1700 = arith.index_cast %sub3A_1263 : i32 to index
        %swap3A_1701 = arith.index_cast %swap3A_1699 : i32 to index
        %swap3A_1702 = arith.constant 0 : index
        %swap3A_1703 = tpu.vector_load %arg7[%swap3A_1700, %swap3A_1701, %swap3A_1702] {strides = array<i32>} : memref<2x4x128xi32, #tpu.memory_space<vmem>>, vector<1x1x16xi32>,
        %swap3A_1704 = vector.shape_cast %swap3A_1703 : vector<1x1x16xi32> to vector<16xi32>
        %swap3A_1705 = vector.shape_cast %and3A_1698 : vector<16xi32> to vector<1x1x16xi32>
        tpu.vector_store %arg7[%swap3A_1700, %swap3A_1701, %swap3A_1702], %swap3A_1705 {strides = array<i32>} : memref<2x4x128xi32, #tpu.memory_space<vmem>>, vector<1x1x16xi32>,
        %get3A_1706 = arith.constant 2 : i32
        %get3A_1707 = arith.index_cast %sub3A_1263 : i32 to index
        %get3A_1708 = arith.index_cast %get3A_1706 : i32 to index
        %get3A_1709 = arith.constant 16 : index
        %get3A_1710 = tpu.vector_load %arg7[%get3A_1707, %get3A_1708, %get3A_1709] {strides = array<i32>} : memref<2x4x128xi32, #tpu.memory_space<vmem>>, vector<1x1x16xi32>,
        %get3A_1711 = vector.shape_cast %get3A_1710 : vector<1x1x16xi32> to vector<16xi32>
        %shift_right_arithmetic3A_1712 = arith.constant 14 : i32
        %shift_right_arithmetic3A_1713 = vector.broadcast %shift_right_arithmetic3A_1712 : i32 to vector<16xi32>
        %shift_right_arithmetic3A_1714 = arith.shrsi %get3A_1711, %shift_right_arithmetic3A_1713 : vector<16xi32>
        %swap3A_1715 = arith.constant 2 : i32
        %swap3A_1716 = arith.index_cast %sub3A_1263 : i32 to index
        %swap3A_1717 = arith.index_cast %swap3A_1715 : i32 to index
        %swap3A_1718 = arith.constant 16 : index
        %swap3A_1719 = tpu.vector_load %arg8[%swap3A_1716, %swap3A_1717, %swap3A_1718] {strides = array<i32>} : memref<2x4x128xi32, #tpu.memory_space<vmem>>, vector<1x1x16xi32>,
        %swap3A_1720 = vector.shape_cast %swap3A_1719 : vector<1x1x16xi32> to vector<16xi32>
        %swap3A_1721 = vector.shape_cast %shift_right_arithmetic3A_1714 : vector<16xi32> to vector<1x1x16xi32>
        tpu.vector_store %arg8[%swap3A_1716, %swap3A_1717, %swap3A_1718], %swap3A_1721 {strides = array<i32>} : memref<2x4x128xi32, #tpu.memory_space<vmem>>, vector<1x1x16xi32>,
        %and3A_1722 = arith.constant 16383 : i32
        %and3A_1723 = vector.broadcast %and3A_1722 : i32 to vector<16xi32>
        %and3A_1724 = arith.andi %get3A_1711, %and3A_1723 : vector<16xi32>
        %swap3A_1725 = arith.constant 2 : i32
        %swap3A_1726 = arith.index_cast %sub3A_1263 : i32 to index
        %swap3A_1727 = arith.index_cast %swap3A_1725 : i32 to index
        %swap3A_1728 = arith.constant 16 : index
        %swap3A_1729 = tpu.vector_load %arg7[%swap3A_1726, %swap3A_1727, %swap3A_1728] {strides = array<i32>} : memref<2x4x128xi32, #tpu.memory_space<vmem>>, vector<1x1x16xi32>,
        %swap3A_1730 = vector.shape_cast %swap3A_1729 : vector<1x1x16xi32> to vector<16xi32>
        %swap3A_1731 = vector.shape_cast %and3A_1724 : vector<16xi32> to vector<1x1x16xi32>
        tpu.vector_store %arg7[%swap3A_1726, %swap3A_1727, %swap3A_1728], %swap3A_1731 {strides = array<i32>} : memref<2x4x128xi32, #tpu.memory_space<vmem>>, vector<1x1x16xi32>,
        %get3A_1732 = arith.constant 2 : i32
        %get3A_1733 = arith.index_cast %sub3A_1263 : i32 to index
        %get3A_1734 = arith.index_cast %get3A_1732 : i32 to index
        %get3A_1735 = arith.constant 32 : index
        %get3A_1736 = tpu.vector_load %arg7[%get3A_1733, %get3A_1734, %get3A_1735] {strides = array<i32>} : memref<2x4x128xi32, #tpu.memory_space<vmem>>, vector<1x1x16xi32>,
        %get3A_1737 = vector.shape_cast %get3A_1736 : vector<1x1x16xi32> to vector<16xi32>
        %shift_right_arithmetic3A_1738 = arith.constant 14 : i32
        %shift_right_arithmetic3A_1739 = vector.broadcast %shift_right_arithmetic3A_1738 : i32 to vector<16xi32>
        %shift_right_arithmetic3A_1740 = arith.shrsi %get3A_1737, %shift_right_arithmetic3A_1739 : vector<16xi32>
        %swap3A_1741 = arith.constant 2 : i32
        %swap3A_1742 = arith.index_cast %sub3A_1263 : i32 to index
        %swap3A_1743 = arith.index_cast %swap3A_1741 : i32 to index
        %swap3A_1744 = arith.constant 32 : index
        %swap3A_1745 = tpu.vector_load %arg8[%swap3A_1742, %swap3A_1743, %swap3A_1744] {strides = array<i32>} : memref<2x4x128xi32, #tpu.memory_space<vmem>>, vector<1x1x16xi32>,
        %swap3A_1746 = vector.shape_cast %swap3A_1745 : vector<1x1x16xi32> to vector<16xi32>
        %swap3A_1747 = vector.shape_cast %shift_right_arithmetic3A_1740 : vector<16xi32> to vector<1x1x16xi32>
        tpu.vector_store %arg8[%swap3A_1742, %swap3A_1743, %swap3A_1744], %swap3A_1747 {strides = array<i32>} : memref<2x4x128xi32, #tpu.memory_space<vmem>>, vector<1x1x16xi32>,
        %and3A_1748 = arith.constant 16383 : i32
        %and3A_1749 = vector.broadcast %and3A_1748 : i32 to vector<16xi32>
        %and3A_1750 = arith.andi %get3A_1737, %and3A_1749 : vector<16xi32>
        %swap3A_1751 = arith.constant 2 : i32
        %swap3A_1752 = arith.index_cast %sub3A_1263 : i32 to index
        %swap3A_1753 = arith.index_cast %swap3A_1751 : i32 to index
        %swap3A_1754 = arith.constant 32 : index
        %swap3A_1755 = tpu.vector_load %arg7[%swap3A_1752, %swap3A_1753, %swap3A_1754] {strides = array<i32>} : memref<2x4x128xi32, #tpu.memory_space<vmem>>, vector<1x1x16xi32>,
        %swap3A_1756 = vector.shape_cast %swap3A_1755 : vector<1x1x16xi32> to vector<16xi32>
        %swap3A_1757 = vector.shape_cast %and3A_1750 : vector<16xi32> to vector<1x1x16xi32>
        tpu.vector_store %arg7[%swap3A_1752, %swap3A_1753, %swap3A_1754], %swap3A_1757 {strides = array<i32>} : memref<2x4x128xi32, #tpu.memory_space<vmem>>, vector<1x1x16xi32>,
        %get3A_1758 = arith.constant 2 : i32
        %get3A_1759 = arith.index_cast %sub3A_1263 : i32 to index
        %get3A_1760 = arith.index_cast %get3A_1758 : i32 to index
        %get3A_1761 = arith.constant 48 : index
        %get3A_1762 = tpu.vector_load %arg7[%get3A_1759, %get3A_1760, %get3A_1761] {strides = array<i32>} : memref<2x4x128xi32, #tpu.memory_space<vmem>>, vector<1x1x16xi32>,
        %get3A_1763 = vector.shape_cast %get3A_1762 : vector<1x1x16xi32> to vector<16xi32>
        %shift_right_arithmetic3A_1764 = arith.constant 14 : i32
        %shift_right_arithmetic3A_1765 = vector.broadcast %shift_right_arithmetic3A_1764 : i32 to vector<16xi32>
        %shift_right_arithmetic3A_1766 = arith.shrsi %get3A_1763, %shift_right_arithmetic3A_1765 : vector<16xi32>
        %swap3A_1767 = arith.constant 2 : i32
        %swap3A_1768 = arith.index_cast %sub3A_1263 : i32 to index
        %swap3A_1769 = arith.index_cast %swap3A_1767 : i32 to index
        %swap3A_1770 = arith.constant 48 : index
        %swap3A_1771 = tpu.vector_load %arg8[%swap3A_1768, %swap3A_1769, %swap3A_1770] {strides = array<i32>} : memref<2x4x128xi32, #tpu.memory_space<vmem>>, vector<1x1x16xi32>,
        %swap3A_1772 = vector.shape_cast %swap3A_1771 : vector<1x1x16xi32> to vector<16xi32>
        %swap3A_1773 = vector.shape_cast %shift_right_arithmetic3A_1766 : vector<16xi32> to vector<1x1x16xi32>
        tpu.vector_store %arg8[%swap3A_1768, %swap3A_1769, %swap3A_1770], %swap3A_1773 {strides = array<i32>} : memref<2x4x128xi32, #tpu.memory_space<vmem>>, vector<1x1x16xi32>,
        %and3A_1774 = arith.constant 16383 : i32
        %and3A_1775 = vector.broadcast %and3A_1774 : i32 to vector<16xi32>
        %and3A_1776 = arith.andi %get3A_1763, %and3A_1775 : vector<16xi32>
        %swap3A_1777 = arith.constant 2 : i32
        %swap3A_1778 = arith.index_cast %sub3A_1263 : i32 to index
        %swap3A_1779 = arith.index_cast %swap3A_1777 : i32 to index
        %swap3A_1780 = arith.constant 48 : index
        %swap3A_1781 = tpu.vector_load %arg7[%swap3A_1778, %swap3A_1779, %swap3A_1780] {strides = array<i32>} : memref<2x4x128xi32, #tpu.memory_space<vmem>>, vector<1x1x16xi32>,
        %swap3A_1782 = vector.shape_cast %swap3A_1781 : vector<1x1x16xi32> to vector<16xi32>
        %swap3A_1783 = vector.shape_cast %and3A_1776 : vector<16xi32> to vector<1x1x16xi32>
        tpu.vector_store %arg7[%swap3A_1778, %swap3A_1779, %swap3A_1780], %swap3A_1783 {strides = array<i32>} : memref<2x4x128xi32, #tpu.memory_space<vmem>>, vector<1x1x16xi32>,
        %get3A_1784 = arith.constant 2 : i32
        %get3A_1785 = arith.index_cast %sub3A_1263 : i32 to index
        %get3A_1786 = arith.index_cast %get3A_1784 : i32 to index
        %get3A_1787 = arith.constant 64 : index
        %get3A_1788 = tpu.vector_load %arg7[%get3A_1785, %get3A_1786, %get3A_1787] {strides = array<i32>} : memref<2x4x128xi32, #tpu.memory_space<vmem>>, vector<1x1x16xi32>,
        %get3A_1789 = vector.shape_cast %get3A_1788 : vector<1x1x16xi32> to vector<16xi32>
        %shift_right_arithmetic3A_1790 = arith.constant 14 : i32
        %shift_right_arithmetic3A_1791 = vector.broadcast %shift_right_arithmetic3A_1790 : i32 to vector<16xi32>
        %shift_right_arithmetic3A_1792 = arith.shrsi %get3A_1789, %shift_right_arithmetic3A_1791 : vector<16xi32>
        %swap3A_1793 = arith.constant 2 : i32
        %swap3A_1794 = arith.index_cast %sub3A_1263 : i32 to index
        %swap3A_1795 = arith.index_cast %swap3A_1793 : i32 to index
        %swap3A_1796 = arith.constant 64 : index
        %swap3A_1797 = tpu.vector_load %arg8[%swap3A_1794, %swap3A_1795, %swap3A_1796] {strides = array<i32>} : memref<2x4x128xi32, #tpu.memory_space<vmem>>, vector<1x1x16xi32>,
        %swap3A_1798 = vector.shape_cast %swap3A_1797 : vector<1x1x16xi32> to vector<16xi32>
        %swap3A_1799 = vector.shape_cast %shift_right_arithmetic3A_1792 : vector<16xi32> to vector<1x1x16xi32>
        tpu.vector_store %arg8[%swap3A_1794, %swap3A_1795, %swap3A_1796], %swap3A_1799 {strides = array<i32>} : memref<2x4x128xi32, #tpu.memory_space<vmem>>, vector<1x1x16xi32>,
        %and3A_1800 = arith.constant 16383 : i32
        %and3A_1801 = vector.broadcast %and3A_1800 : i32 to vector<16xi32>
        %and3A_1802 = arith.andi %get3A_1789, %and3A_1801 : vector<16xi32>
        %swap3A_1803 = arith.constant 2 : i32
        %swap3A_1804 = arith.index_cast %sub3A_1263 : i32 to index
        %swap3A_1805 = arith.index_cast %swap3A_1803 : i32 to index
        %swap3A_1806 = arith.constant 64 : index
        %swap3A_1807 = tpu.vector_load %arg7[%swap3A_1804, %swap3A_1805, %swap3A_1806] {strides = array<i32>} : memref<2x4x128xi32, #tpu.memory_space<vmem>>, vector<1x1x16xi32>,
        %swap3A_1808 = vector.shape_cast %swap3A_1807 : vector<1x1x16xi32> to vector<16xi32>
        %swap3A_1809 = vector.shape_cast %and3A_1802 : vector<16xi32> to vector<1x1x16xi32>
        tpu.vector_store %arg7[%swap3A_1804, %swap3A_1805, %swap3A_1806], %swap3A_1809 {strides = array<i32>} : memref<2x4x128xi32, #tpu.memory_space<vmem>>, vector<1x1x16xi32>,
        %get3A_1810 = arith.constant 2 : i32
        %get3A_1811 = arith.index_cast %sub3A_1263 : i32 to index
        %get3A_1812 = arith.index_cast %get3A_1810 : i32 to index
        %get3A_1813 = arith.constant 80 : index
        %get3A_1814 = tpu.vector_load %arg7[%get3A_1811, %get3A_1812, %get3A_1813] {strides = array<i32>} : memref<2x4x128xi32, #tpu.memory_space<vmem>>, vector<1x1x16xi32>,
        %get3A_1815 = vector.shape_cast %get3A_1814 : vector<1x1x16xi32> to vector<16xi32>
        %shift_right_arithmetic3A_1816 = arith.constant 14 : i32
        %shift_right_arithmetic3A_1817 = vector.broadcast %shift_right_arithmetic3A_1816 : i32 to vector<16xi32>
        %shift_right_arithmetic3A_1818 = arith.shrsi %get3A_1815, %shift_right_arithmetic3A_1817 : vector<16xi32>
        %swap3A_1819 = arith.constant 2 : i32
        %swap3A_1820 = arith.index_cast %sub3A_1263 : i32 to index
        %swap3A_1821 = arith.index_cast %swap3A_1819 : i32 to index
        %swap3A_1822 = arith.constant 80 : index
        %swap3A_1823 = tpu.vector_load %arg8[%swap3A_1820, %swap3A_1821, %swap3A_1822] {strides = array<i32>} : memref<2x4x128xi32, #tpu.memory_space<vmem>>, vector<1x1x16xi32>,
        %swap3A_1824 = vector.shape_cast %swap3A_1823 : vector<1x1x16xi32> to vector<16xi32>
        %swap3A_1825 = vector.shape_cast %shift_right_arithmetic3A_1818 : vector<16xi32> to vector<1x1x16xi32>
        tpu.vector_store %arg8[%swap3A_1820, %swap3A_1821, %swap3A_1822], %swap3A_1825 {strides = array<i32>} : memref<2x4x128xi32, #tpu.memory_space<vmem>>, vector<1x1x16xi32>,
        %and3A_1826 = arith.constant 16383 : i32
        %and3A_1827 = vector.broadcast %and3A_1826 : i32 to vector<16xi32>
        %and3A_1828 = arith.andi %get3A_1815, %and3A_1827 : vector<16xi32>
        %swap3A_1829 = arith.constant 2 : i32
        %swap3A_1830 = arith.index_cast %sub3A_1263 : i32 to index
        %swap3A_1831 = arith.index_cast %swap3A_1829 : i32 to index
        %swap3A_1832 = arith.constant 80 : index
        %swap3A_1833 = tpu.vector_load %arg7[%swap3A_1830, %swap3A_1831, %swap3A_1832] {strides = array<i32>} : memref<2x4x128xi32, #tpu.memory_space<vmem>>, vector<1x1x16xi32>,
        %swap3A_1834 = vector.shape_cast %swap3A_1833 : vector<1x1x16xi32> to vector<16xi32>
        %swap3A_1835 = vector.shape_cast %and3A_1828 : vector<16xi32> to vector<1x1x16xi32>
        tpu.vector_store %arg7[%swap3A_1830, %swap3A_1831, %swap3A_1832], %swap3A_1835 {strides = array<i32>} : memref<2x4x128xi32, #tpu.memory_space<vmem>>, vector<1x1x16xi32>,
        %get3A_1836 = arith.constant 2 : i32
        %get3A_1837 = arith.index_cast %sub3A_1263 : i32 to index
        %get3A_1838 = arith.index_cast %get3A_1836 : i32 to index
        %get3A_1839 = arith.constant 96 : index
        %get3A_1840 = tpu.vector_load %arg7[%get3A_1837, %get3A_1838, %get3A_1839] {strides = array<i32>} : memref<2x4x128xi32, #tpu.memory_space<vmem>>, vector<1x1x16xi32>,
        %get3A_1841 = vector.shape_cast %get3A_1840 : vector<1x1x16xi32> to vector<16xi32>
        %shift_right_arithmetic3A_1842 = arith.constant 14 : i32
        %shift_right_arithmetic3A_1843 = vector.broadcast %shift_right_arithmetic3A_1842 : i32 to vector<16xi32>
        %shift_right_arithmetic3A_1844 = arith.shrsi %get3A_1841, %shift_right_arithmetic3A_1843 : vector<16xi32>
        %swap3A_1845 = arith.constant 2 : i32
        %swap3A_1846 = arith.index_cast %sub3A_1263 : i32 to index
        %swap3A_1847 = arith.index_cast %swap3A_1845 : i32 to index
        %swap3A_1848 = arith.constant 96 : index
        %swap3A_1849 = tpu.vector_load %arg8[%swap3A_1846, %swap3A_1847, %swap3A_1848] {strides = array<i32>} : memref<2x4x128xi32, #tpu.memory_space<vmem>>, vector<1x1x16xi32>,
        %swap3A_1850 = vector.shape_cast %swap3A_1849 : vector<1x1x16xi32> to vector<16xi32>
        %swap3A_1851 = vector.shape_cast %shift_right_arithmetic3A_1844 : vector<16xi32> to vector<1x1x16xi32>
        tpu.vector_store %arg8[%swap3A_1846, %swap3A_1847, %swap3A_1848], %swap3A_1851 {strides = array<i32>} : memref<2x4x128xi32, #tpu.memory_space<vmem>>, vector<1x1x16xi32>,
        %and3A_1852 = arith.constant 16383 : i32
        %and3A_1853 = vector.broadcast %and3A_1852 : i32 to vector<16xi32>
        %and3A_1854 = arith.andi %get3A_1841, %and3A_1853 : vector<16xi32>
        %swap3A_1855 = arith.constant 2 : i32
        %swap3A_1856 = arith.index_cast %sub3A_1263 : i32 to index
        %swap3A_1857 = arith.index_cast %swap3A_1855 : i32 to index
        %swap3A_1858 = arith.constant 96 : index
        %swap3A_1859 = tpu.vector_load %arg7[%swap3A_1856, %swap3A_1857, %swap3A_1858] {strides = array<i32>} : memref<2x4x128xi32, #tpu.memory_space<vmem>>, vector<1x1x16xi32>,
        %swap3A_1860 = vector.shape_cast %swap3A_1859 : vector<1x1x16xi32> to vector<16xi32>
        %swap3A_1861 = vector.shape_cast %and3A_1854 : vector<16xi32> to vector<1x1x16xi32>
        tpu.vector_store %arg7[%swap3A_1856, %swap3A_1857, %swap3A_1858], %swap3A_1861 {strides = array<i32>} : memref<2x4x128xi32, #tpu.memory_space<vmem>>, vector<1x1x16xi32>,
        %get3A_1862 = arith.constant 2 : i32
        %get3A_1863 = arith.index_cast %sub3A_1263 : i32 to index
        %get3A_1864 = arith.index_cast %get3A_1862 : i32 to index
        %get3A_1865 = arith.constant 112 : index
        %get3A_1866 = tpu.vector_load %arg7[%get3A_1863, %get3A_1864, %get3A_1865] {strides = array<i32>} : memref<2x4x128xi32, #tpu.memory_space<vmem>>, vector<1x1x16xi32>,
        %get3A_1867 = vector.shape_cast %get3A_1866 : vector<1x1x16xi32> to vector<16xi32>
        %shift_right_arithmetic3A_1868 = arith.constant 14 : i32
        %shift_right_arithmetic3A_1869 = vector.broadcast %shift_right_arithmetic3A_1868 : i32 to vector<16xi32>
        %shift_right_arithmetic3A_1870 = arith.shrsi %get3A_1867, %shift_right_arithmetic3A_1869 : vector<16xi32>
        %swap3A_1871 = arith.constant 2 : i32
        %swap3A_1872 = arith.index_cast %sub3A_1263 : i32 to index
        %swap3A_1873 = arith.index_cast %swap3A_1871 : i32 to index
        %swap3A_1874 = arith.constant 112 : index
        %swap3A_1875 = tpu.vector_load %arg8[%swap3A_1872, %swap3A_1873, %swap3A_1874] {strides = array<i32>} : memref<2x4x128xi32, #tpu.memory_space<vmem>>, vector<1x1x16xi32>,
        %swap3A_1876 = vector.shape_cast %swap3A_1875 : vector<1x1x16xi32> to vector<16xi32>
        %swap3A_1877 = vector.shape_cast %shift_right_arithmetic3A_1870 : vector<16xi32> to vector<1x1x16xi32>
        tpu.vector_store %arg8[%swap3A_1872, %swap3A_1873, %swap3A_1874], %swap3A_1877 {strides = array<i32>} : memref<2x4x128xi32, #tpu.memory_space<vmem>>, vector<1x1x16xi32>,
        %and3A_1878 = arith.constant 16383 : i32
        %and3A_1879 = vector.broadcast %and3A_1878 : i32 to vector<16xi32>
        %and3A_1880 = arith.andi %get3A_1867, %and3A_1879 : vector<16xi32>
        %swap3A_1881 = arith.constant 2 : i32
        %swap3A_1882 = arith.index_cast %sub3A_1263 : i32 to index
        %swap3A_1883 = arith.index_cast %swap3A_1881 : i32 to index
        %swap3A_1884 = arith.constant 112 : index
        %swap3A_1885 = tpu.vector_load %arg7[%swap3A_1882, %swap3A_1883, %swap3A_1884] {strides = array<i32>} : memref<2x4x128xi32, #tpu.memory_space<vmem>>, vector<1x1x16xi32>,
        %swap3A_1886 = vector.shape_cast %swap3A_1885 : vector<1x1x16xi32> to vector<16xi32>
        %swap3A_1887 = vector.shape_cast %and3A_1880 : vector<16xi32> to vector<1x1x16xi32>
        tpu.vector_store %arg7[%swap3A_1882, %swap3A_1883, %swap3A_1884], %swap3A_1887 {strides = array<i32>} : memref<2x4x128xi32, #tpu.memory_space<vmem>>, vector<1x1x16xi32>,
        %get3A_1888 = arith.constant 3 : i32
        %get3A_1889 = arith.index_cast %sub3A_1263 : i32 to index
        %get3A_1890 = arith.index_cast %get3A_1888 : i32 to index
        %get3A_1891 = arith.constant 0 : index
        %get3A_1892 = tpu.vector_load %arg7[%get3A_1889, %get3A_1890, %get3A_1891] {strides = array<i32>} : memref<2x4x128xi32, #tpu.memory_space<vmem>>, vector<1x1x16xi32>,
        %get3A_1893 = vector.shape_cast %get3A_1892 : vector<1x1x16xi32> to vector<16xi32>
        %shift_right_arithmetic3A_1894 = arith.constant 14 : i32
        %shift_right_arithmetic3A_1895 = vector.broadcast %shift_right_arithmetic3A_1894 : i32 to vector<16xi32>
        %shift_right_arithmetic3A_1896 = arith.shrsi %get3A_1893, %shift_right_arithmetic3A_1895 : vector<16xi32>
        %swap3A_1897 = arith.constant 3 : i32
        %swap3A_1898 = arith.index_cast %sub3A_1263 : i32 to index
        %swap3A_1899 = arith.index_cast %swap3A_1897 : i32 to index
        %swap3A_1900 = arith.constant 0 : index
        %swap3A_1901 = tpu.vector_load %arg8[%swap3A_1898, %swap3A_1899, %swap3A_1900] {strides = array<i32>} : memref<2x4x128xi32, #tpu.memory_space<vmem>>, vector<1x1x16xi32>,
        %swap3A_1902 = vector.shape_cast %swap3A_1901 : vector<1x1x16xi32> to vector<16xi32>
        %swap3A_1903 = vector.shape_cast %shift_right_arithmetic3A_1896 : vector<16xi32> to vector<1x1x16xi32>
        tpu.vector_store %arg8[%swap3A_1898, %swap3A_1899, %swap3A_1900], %swap3A_1903 {strides = array<i32>} : memref<2x4x128xi32, #tpu.memory_space<vmem>>, vector<1x1x16xi32>,
        %and3A_1904 = arith.constant 16383 : i32
        %and3A_1905 = vector.broadcast %and3A_1904 : i32 to vector<16xi32>
        %and3A_1906 = arith.andi %get3A_1893, %and3A_1905 : vector<16xi32>
        %swap3A_1907 = arith.constant 3 : i32
        %swap3A_1908 = arith.index_cast %sub3A_1263 : i32 to index
        %swap3A_1909 = arith.index_cast %swap3A_1907 : i32 to index
        %swap3A_1910 = arith.constant 0 : index
        %swap3A_1911 = tpu.vector_load %arg7[%swap3A_1908, %swap3A_1909, %swap3A_1910] {strides = array<i32>} : memref<2x4x128xi32, #tpu.memory_space<vmem>>, vector<1x1x16xi32>,
        %swap3A_1912 = vector.shape_cast %swap3A_1911 : vector<1x1x16xi32> to vector<16xi32>
        %swap3A_1913 = vector.shape_cast %and3A_1906 : vector<16xi32> to vector<1x1x16xi32>
        tpu.vector_store %arg7[%swap3A_1908, %swap3A_1909, %swap3A_1910], %swap3A_1913 {strides = array<i32>} : memref<2x4x128xi32, #tpu.memory_space<vmem>>, vector<1x1x16xi32>,
        %get3A_1914 = arith.constant 3 : i32
        %get3A_1915 = arith.index_cast %sub3A_1263 : i32 to index
        %get3A_1916 = arith.index_cast %get3A_1914 : i32 to index
        %get3A_1917 = arith.constant 16 : index
        %get3A_1918 = tpu.vector_load %arg7[%get3A_1915, %get3A_1916, %get3A_1917] {strides = array<i32>} : memref<2x4x128xi32, #tpu.memory_space<vmem>>, vector<1x1x16xi32>,
        %get3A_1919 = vector.shape_cast %get3A_1918 : vector<1x1x16xi32> to vector<16xi32>
        %shift_right_arithmetic3A_1920 = arith.constant 14 : i32
        %shift_right_arithmetic3A_1921 = vector.broadcast %shift_right_arithmetic3A_1920 : i32 to vector<16xi32>
        %shift_right_arithmetic3A_1922 = arith.shrsi %get3A_1919, %shift_right_arithmetic3A_1921 : vector<16xi32>
        %swap3A_1923 = arith.constant 3 : i32
        %swap3A_1924 = arith.index_cast %sub3A_1263 : i32 to index
        %swap3A_1925 = arith.index_cast %swap3A_1923 : i32 to index
        %swap3A_1926 = arith.constant 16 : index
        %swap3A_1927 = tpu.vector_load %arg8[%swap3A_1924, %swap3A_1925, %swap3A_1926] {strides = array<i32>} : memref<2x4x128xi32, #tpu.memory_space<vmem>>, vector<1x1x16xi32>,
        %swap3A_1928 = vector.shape_cast %swap3A_1927 : vector<1x1x16xi32> to vector<16xi32>
        %swap3A_1929 = vector.shape_cast %shift_right_arithmetic3A_1922 : vector<16xi32> to vector<1x1x16xi32>
        tpu.vector_store %arg8[%swap3A_1924, %swap3A_1925, %swap3A_1926], %swap3A_1929 {strides = array<i32>} : memref<2x4x128xi32, #tpu.memory_space<vmem>>, vector<1x1x16xi32>,
        %and3A_1930 = arith.constant 16383 : i32
        %and3A_1931 = vector.broadcast %and3A_1930 : i32 to vector<16xi32>
        %and3A_1932 = arith.andi %get3A_1919, %and3A_1931 : vector<16xi32>
        %swap3A_1933 = arith.constant 3 : i32
        %swap3A_1934 = arith.index_cast %sub3A_1263 : i32 to index
        %swap3A_1935 = arith.index_cast %swap3A_1933 : i32 to index
        %swap3A_1936 = arith.constant 16 : index
        %swap3A_1937 = tpu.vector_load %arg7[%swap3A_1934, %swap3A_1935, %swap3A_1936] {strides = array<i32>} : memref<2x4x128xi32, #tpu.memory_space<vmem>>, vector<1x1x16xi32>,
        %swap3A_1938 = vector.shape_cast %swap3A_1937 : vector<1x1x16xi32> to vector<16xi32>
        %swap3A_1939 = vector.shape_cast %and3A_1932 : vector<16xi32> to vector<1x1x16xi32>
        tpu.vector_store %arg7[%swap3A_1934, %swap3A_1935, %swap3A_1936], %swap3A_1939 {strides = array<i32>} : memref<2x4x128xi32, #tpu.memory_space<vmem>>, vector<1x1x16xi32>,
        %get3A_1940 = arith.constant 3 : i32
        %get3A_1941 = arith.index_cast %sub3A_1263 : i32 to index
        %get3A_1942 = arith.index_cast %get3A_1940 : i32 to index
        %get3A_1943 = arith.constant 32 : index
        %get3A_1944 = tpu.vector_load %arg7[%get3A_1941, %get3A_1942, %get3A_1943] {strides = array<i32>} : memref<2x4x128xi32, #tpu.memory_space<vmem>>, vector<1x1x16xi32>,
        %get3A_1945 = vector.shape_cast %get3A_1944 : vector<1x1x16xi32> to vector<16xi32>
        %shift_right_arithmetic3A_1946 = arith.constant 14 : i32
        %shift_right_arithmetic3A_1947 = vector.broadcast %shift_right_arithmetic3A_1946 : i32 to vector<16xi32>
        %shift_right_arithmetic3A_1948 = arith.shrsi %get3A_1945, %shift_right_arithmetic3A_1947 : vector<16xi32>
        %swap3A_1949 = arith.constant 3 : i32
        %swap3A_1950 = arith.index_cast %sub3A_1263 : i32 to index
        %swap3A_1951 = arith.index_cast %swap3A_1949 : i32 to index
        %swap3A_1952 = arith.constant 32 : index
        %swap3A_1953 = tpu.vector_load %arg8[%swap3A_1950, %swap3A_1951, %swap3A_1952] {strides = array<i32>} : memref<2x4x128xi32, #tpu.memory_space<vmem>>, vector<1x1x16xi32>,
        %swap3A_1954 = vector.shape_cast %swap3A_1953 : vector<1x1x16xi32> to vector<16xi32>
        %swap3A_1955 = vector.shape_cast %shift_right_arithmetic3A_1948 : vector<16xi32> to vector<1x1x16xi32>
        tpu.vector_store %arg8[%swap3A_1950, %swap3A_1951, %swap3A_1952], %swap3A_1955 {strides = array<i32>} : memref<2x4x128xi32, #tpu.memory_space<vmem>>, vector<1x1x16xi32>,
        %and3A_1956 = arith.constant 16383 : i32
        %and3A_1957 = vector.broadcast %and3A_1956 : i32 to vector<16xi32>
        %and3A_1958 = arith.andi %get3A_1945, %and3A_1957 : vector<16xi32>
        %swap3A_1959 = arith.constant 3 : i32
        %swap3A_1960 = arith.index_cast %sub3A_1263 : i32 to index
        %swap3A_1961 = arith.index_cast %swap3A_1959 : i32 to index
        %swap3A_1962 = arith.constant 32 : index
        %swap3A_1963 = tpu.vector_load %arg7[%swap3A_1960, %swap3A_1961, %swap3A_1962] {strides = array<i32>} : memref<2x4x128xi32, #tpu.memory_space<vmem>>, vector<1x1x16xi32>,
        %swap3A_1964 = vector.shape_cast %swap3A_1963 : vector<1x1x16xi32> to vector<16xi32>
        %swap3A_1965 = vector.shape_cast %and3A_1958 : vector<16xi32> to vector<1x1x16xi32>
        tpu.vector_store %arg7[%swap3A_1960, %swap3A_1961, %swap3A_1962], %swap3A_1965 {strides = array<i32>} : memref<2x4x128xi32, #tpu.memory_space<vmem>>, vector<1x1x16xi32>,
        %get3A_1966 = arith.constant 3 : i32
        %get3A_1967 = arith.index_cast %sub3A_1263 : i32 to index
        %get3A_1968 = arith.index_cast %get3A_1966 : i32 to index
        %get3A_1969 = arith.constant 48 : index
        %get3A_1970 = tpu.vector_load %arg7[%get3A_1967, %get3A_1968, %get3A_1969] {strides = array<i32>} : memref<2x4x128xi32, #tpu.memory_space<vmem>>, vector<1x1x16xi32>,
        %get3A_1971 = vector.shape_cast %get3A_1970 : vector<1x1x16xi32> to vector<16xi32>
        %shift_right_arithmetic3A_1972 = arith.constant 14 : i32
        %shift_right_arithmetic3A_1973 = vector.broadcast %shift_right_arithmetic3A_1972 : i32 to vector<16xi32>
        %shift_right_arithmetic3A_1974 = arith.shrsi %get3A_1971, %shift_right_arithmetic3A_1973 : vector<16xi32>
        %swap3A_1975 = arith.constant 3 : i32
        %swap3A_1976 = arith.index_cast %sub3A_1263 : i32 to index
        %swap3A_1977 = arith.index_cast %swap3A_1975 : i32 to index
        %swap3A_1978 = arith.constant 48 : index
        %swap3A_1979 = tpu.vector_load %arg8[%swap3A_1976, %swap3A_1977, %swap3A_1978] {strides = array<i32>} : memref<2x4x128xi32, #tpu.memory_space<vmem>>, vector<1x1x16xi32>,
        %swap3A_1980 = vector.shape_cast %swap3A_1979 : vector<1x1x16xi32> to vector<16xi32>
        %swap3A_1981 = vector.shape_cast %shift_right_arithmetic3A_1974 : vector<16xi32> to vector<1x1x16xi32>
        tpu.vector_store %arg8[%swap3A_1976, %swap3A_1977, %swap3A_1978], %swap3A_1981 {strides = array<i32>} : memref<2x4x128xi32, #tpu.memory_space<vmem>>, vector<1x1x16xi32>,
        %and3A_1982 = arith.constant 16383 : i32
        %and3A_1983 = vector.broadcast %and3A_1982 : i32 to vector<16xi32>
        %and3A_1984 = arith.andi %get3A_1971, %and3A_1983 : vector<16xi32>
        %swap3A_1985 = arith.constant 3 : i32
        %swap3A_1986 = arith.index_cast %sub3A_1263 : i32 to index
        %swap3A_1987 = arith.index_cast %swap3A_1985 : i32 to index
        %swap3A_1988 = arith.constant 48 : index
        %swap3A_1989 = tpu.vector_load %arg7[%swap3A_1986, %swap3A_1987, %swap3A_1988] {strides = array<i32>} : memref<2x4x128xi32, #tpu.memory_space<vmem>>, vector<1x1x16xi32>,
        %swap3A_1990 = vector.shape_cast %swap3A_1989 : vector<1x1x16xi32> to vector<16xi32>
        %swap3A_1991 = vector.shape_cast %and3A_1984 : vector<16xi32> to vector<1x1x16xi32>
        tpu.vector_store %arg7[%swap3A_1986, %swap3A_1987, %swap3A_1988], %swap3A_1991 {strides = array<i32>} : memref<2x4x128xi32, #tpu.memory_space<vmem>>, vector<1x1x16xi32>,
        %get3A_1992 = arith.constant 3 : i32
        %get3A_1993 = arith.index_cast %sub3A_1263 : i32 to index
        %get3A_1994 = arith.index_cast %get3A_1992 : i32 to index
        %get3A_1995 = arith.constant 64 : index
        %get3A_1996 = tpu.vector_load %arg7[%get3A_1993, %get3A_1994, %get3A_1995] {strides = array<i32>} : memref<2x4x128xi32, #tpu.memory_space<vmem>>, vector<1x1x16xi32>,
        %get3A_1997 = vector.shape_cast %get3A_1996 : vector<1x1x16xi32> to vector<16xi32>
        %shift_right_arithmetic3A_1998 = arith.constant 14 : i32
        %shift_right_arithmetic3A_1999 = vector.broadcast %shift_right_arithmetic3A_1998 : i32 to vector<16xi32>
        %shift_right_arithmetic3A_2000 = arith.shrsi %get3A_1997, %shift_right_arithmetic3A_1999 : vector<16xi32>
        %swap3A_2001 = arith.constant 3 : i32
        %swap3A_2002 = arith.index_cast %sub3A_1263 : i32 to index
        %swap3A_2003 = arith.index_cast %swap3A_2001 : i32 to index
        %swap3A_2004 = arith.constant 64 : index
        %swap3A_2005 = tpu.vector_load %arg8[%swap3A_2002, %swap3A_2003, %swap3A_2004] {strides = array<i32>} : memref<2x4x128xi32, #tpu.memory_space<vmem>>, vector<1x1x16xi32>,
        %swap3A_2006 = vector.shape_cast %swap3A_2005 : vector<1x1x16xi32> to vector<16xi32>
        %swap3A_2007 = vector.shape_cast %shift_right_arithmetic3A_2000 : vector<16xi32> to vector<1x1x16xi32>
        tpu.vector_store %arg8[%swap3A_2002, %swap3A_2003, %swap3A_2004], %swap3A_2007 {strides = array<i32>} : memref<2x4x128xi32, #tpu.memory_space<vmem>>, vector<1x1x16xi32>,
        %and3A_2008 = arith.constant 16383 : i32
        %and3A_2009 = vector.broadcast %and3A_2008 : i32 to vector<16xi32>
        %and3A_2010 = arith.andi %get3A_1997, %and3A_2009 : vector<16xi32>
        %swap3A_2011 = arith.constant 3 : i32
        %swap3A_2012 = arith.index_cast %sub3A_1263 : i32 to index
        %swap3A_2013 = arith.index_cast %swap3A_2011 : i32 to index
        %swap3A_2014 = arith.constant 64 : index
        %swap3A_2015 = tpu.vector_load %arg7[%swap3A_2012, %swap3A_2013, %swap3A_2014] {strides = array<i32>} : memref<2x4x128xi32, #tpu.memory_space<vmem>>, vector<1x1x16xi32>,
        %swap3A_2016 = vector.shape_cast %swap3A_2015 : vector<1x1x16xi32> to vector<16xi32>
        %swap3A_2017 = vector.shape_cast %and3A_2010 : vector<16xi32> to vector<1x1x16xi32>
        tpu.vector_store %arg7[%swap3A_2012, %swap3A_2013, %swap3A_2014], %swap3A_2017 {strides = array<i32>} : memref<2x4x128xi32, #tpu.memory_space<vmem>>, vector<1x1x16xi32>,
        %get3A_2018 = arith.constant 3 : i32
        %get3A_2019 = arith.index_cast %sub3A_1263 : i32 to index
        %get3A_2020 = arith.index_cast %get3A_2018 : i32 to index
        %get3A_2021 = arith.constant 80 : index
        %get3A_2022 = tpu.vector_load %arg7[%get3A_2019, %get3A_2020, %get3A_2021] {strides = array<i32>} : memref<2x4x128xi32, #tpu.memory_space<vmem>>, vector<1x1x16xi32>,
        %get3A_2023 = vector.shape_cast %get3A_2022 : vector<1x1x16xi32> to vector<16xi32>
        %shift_right_arithmetic3A_2024 = arith.constant 14 : i32
        %shift_right_arithmetic3A_2025 = vector.broadcast %shift_right_arithmetic3A_2024 : i32 to vector<16xi32>
        %shift_right_arithmetic3A_2026 = arith.shrsi %get3A_2023, %shift_right_arithmetic3A_2025 : vector<16xi32>
        %swap3A_2027 = arith.constant 3 : i32
        %swap3A_2028 = arith.index_cast %sub3A_1263 : i32 to index
        %swap3A_2029 = arith.index_cast %swap3A_2027 : i32 to index
        %swap3A_2030 = arith.constant 80 : index
        %swap3A_2031 = tpu.vector_load %arg8[%swap3A_2028, %swap3A_2029, %swap3A_2030] {strides = array<i32>} : memref<2x4x128xi32, #tpu.memory_space<vmem>>, vector<1x1x16xi32>,
        %swap3A_2032 = vector.shape_cast %swap3A_2031 : vector<1x1x16xi32> to vector<16xi32>
        %swap3A_2033 = vector.shape_cast %shift_right_arithmetic3A_2026 : vector<16xi32> to vector<1x1x16xi32>
        tpu.vector_store %arg8[%swap3A_2028, %swap3A_2029, %swap3A_2030], %swap3A_2033 {strides = array<i32>} : memref<2x4x128xi32, #tpu.memory_space<vmem>>, vector<1x1x16xi32>,
        %and3A_2034 = arith.constant 16383 : i32
        %and3A_2035 = vector.broadcast %and3A_2034 : i32 to vector<16xi32>
        %and3A_2036 = arith.andi %get3A_2023, %and3A_2035 : vector<16xi32>
        %swap3A_2037 = arith.constant 3 : i32
        %swap3A_2038 = arith.index_cast %sub3A_1263 : i32 to index
        %swap3A_2039 = arith.index_cast %swap3A_2037 : i32 to index
        %swap3A_2040 = arith.constant 80 : index
        %swap3A_2041 = tpu.vector_load %arg7[%swap3A_2038, %swap3A_2039, %swap3A_2040] {strides = array<i32>} : memref<2x4x128xi32, #tpu.memory_space<vmem>>, vector<1x1x16xi32>,
        %swap3A_2042 = vector.shape_cast %swap3A_2041 : vector<1x1x16xi32> to vector<16xi32>
        %swap3A_2043 = vector.shape_cast %and3A_2036 : vector<16xi32> to vector<1x1x16xi32>
        tpu.vector_store %arg7[%swap3A_2038, %swap3A_2039, %swap3A_2040], %swap3A_2043 {strides = array<i32>} : memref<2x4x128xi32, #tpu.memory_space<vmem>>, vector<1x1x16xi32>,
        %get3A_2044 = arith.constant 3 : i32
        %get3A_2045 = arith.index_cast %sub3A_1263 : i32 to index
        %get3A_2046 = arith.index_cast %get3A_2044 : i32 to index
        %get3A_2047 = arith.constant 96 : index
        %get3A_2048 = tpu.vector_load %arg7[%get3A_2045, %get3A_2046, %get3A_2047] {strides = array<i32>} : memref<2x4x128xi32, #tpu.memory_space<vmem>>, vector<1x1x16xi32>,
        %get3A_2049 = vector.shape_cast %get3A_2048 : vector<1x1x16xi32> to vector<16xi32>
        %shift_right_arithmetic3A_2050 = arith.constant 14 : i32
        %shift_right_arithmetic3A_2051 = vector.broadcast %shift_right_arithmetic3A_2050 : i32 to vector<16xi32>
        %shift_right_arithmetic3A_2052 = arith.shrsi %get3A_2049, %shift_right_arithmetic3A_2051 : vector<16xi32>
        %swap3A_2053 = arith.constant 3 : i32
        %swap3A_2054 = arith.index_cast %sub3A_1263 : i32 to index
        %swap3A_2055 = arith.index_cast %swap3A_2053 : i32 to index
        %swap3A_2056 = arith.constant 96 : index
        %swap3A_2057 = tpu.vector_load %arg8[%swap3A_2054, %swap3A_2055, %swap3A_2056] {strides = array<i32>} : memref<2x4x128xi32, #tpu.memory_space<vmem>>, vector<1x1x16xi32>,
        %swap3A_2058 = vector.shape_cast %swap3A_2057 : vector<1x1x16xi32> to vector<16xi32>
        %swap3A_2059 = vector.shape_cast %shift_right_arithmetic3A_2052 : vector<16xi32> to vector<1x1x16xi32>
        tpu.vector_store %arg8[%swap3A_2054, %swap3A_2055, %swap3A_2056], %swap3A_2059 {strides = array<i32>} : memref<2x4x128xi32, #tpu.memory_space<vmem>>, vector<1x1x16xi32>,
        %and3A_2060 = arith.constant 16383 : i32
        %and3A_2061 = vector.broadcast %and3A_2060 : i32 to vector<16xi32>
        %and3A_2062 = arith.andi %get3A_2049, %and3A_2061 : vector<16xi32>
        %swap3A_2063 = arith.constant 3 : i32
        %swap3A_2064 = arith.index_cast %sub3A_1263 : i32 to index
        %swap3A_2065 = arith.index_cast %swap3A_2063 : i32 to index
        %swap3A_2066 = arith.constant 96 : index
        %swap3A_2067 = tpu.vector_load %arg7[%swap3A_2064, %swap3A_2065, %swap3A_2066] {strides = array<i32>} : memref<2x4x128xi32, #tpu.memory_space<vmem>>, vector<1x1x16xi32>,
        %swap3A_2068 = vector.shape_cast %swap3A_2067 : vector<1x1x16xi32> to vector<16xi32>
        %swap3A_2069 = vector.shape_cast %and3A_2062 : vector<16xi32> to vector<1x1x16xi32>
        tpu.vector_store %arg7[%swap3A_2064, %swap3A_2065, %swap3A_2066], %swap3A_2069 {strides = array<i32>} : memref<2x4x128xi32, #tpu.memory_space<vmem>>, vector<1x1x16xi32>,
        %get3A_2070 = arith.constant 3 : i32
        %get3A_2071 = arith.index_cast %sub3A_1263 : i32 to index
        %get3A_2072 = arith.index_cast %get3A_2070 : i32 to index
        %get3A_2073 = arith.constant 112 : index
        %get3A_2074 = tpu.vector_load %arg7[%get3A_2071, %get3A_2072, %get3A_2073] {strides = array<i32>} : memref<2x4x128xi32, #tpu.memory_space<vmem>>, vector<1x1x16xi32>,
        %get3A_2075 = vector.shape_cast %get3A_2074 : vector<1x1x16xi32> to vector<16xi32>
        %shift_right_arithmetic3A_2076 = arith.constant 14 : i32
        %shift_right_arithmetic3A_2077 = vector.broadcast %shift_right_arithmetic3A_2076 : i32 to vector<16xi32>
        %shift_right_arithmetic3A_2078 = arith.shrsi %get3A_2075, %shift_right_arithmetic3A_2077 : vector<16xi32>
        %swap3A_2079 = arith.constant 3 : i32
        %swap3A_2080 = arith.index_cast %sub3A_1263 : i32 to index
        %swap3A_2081 = arith.index_cast %swap3A_2079 : i32 to index
        %swap3A_2082 = arith.constant 112 : index
        %swap3A_2083 = tpu.vector_load %arg8[%swap3A_2080, %swap3A_2081, %swap3A_2082] {strides = array<i32>} : memref<2x4x128xi32, #tpu.memory_space<vmem>>, vector<1x1x16xi32>,
        %swap3A_2084 = vector.shape_cast %swap3A_2083 : vector<1x1x16xi32> to vector<16xi32>
        %swap3A_2085 = vector.shape_cast %shift_right_arithmetic3A_2078 : vector<16xi32> to vector<1x1x16xi32>
        tpu.vector_store %arg8[%swap3A_2080, %swap3A_2081, %swap3A_2082], %swap3A_2085 {strides = array<i32>} : memref<2x4x128xi32, #tpu.memory_space<vmem>>, vector<1x1x16xi32>,
        %and3A_2086 = arith.constant 16383 : i32
        %and3A_2087 = vector.broadcast %and3A_2086 : i32 to vector<16xi32>
        %and3A_2088 = arith.andi %get3A_2075, %and3A_2087 : vector<16xi32>
        %swap3A_2089 = arith.constant 3 : i32
        %swap3A_2090 = arith.index_cast %sub3A_1263 : i32 to index
        %swap3A_2091 = arith.index_cast %swap3A_2089 : i32 to index
        %swap3A_2092 = arith.constant 112 : index
        %swap3A_2093 = tpu.vector_load %arg7[%swap3A_2090, %swap3A_2091, %swap3A_2092] {strides = array<i32>} : memref<2x4x128xi32, #tpu.memory_space<vmem>>, vector<1x1x16xi32>,
        %swap3A_2094 = vector.shape_cast %swap3A_2093 : vector<1x1x16xi32> to vector<16xi32>
        %swap3A_2095 = vector.shape_cast %and3A_2088 : vector<16xi32> to vector<1x1x16xi32>
        tpu.vector_store %arg7[%swap3A_2090, %swap3A_2091, %swap3A_2092], %swap3A_2095 {strides = array<i32>} : memref<2x4x128xi32, #tpu.memory_space<vmem>>, vector<1x1x16xi32>,
      } else {
      }
      %dma_wait3A_1197 = arith.constant 3 : i32
      %dma_wait3A_1198 = arith.constant 1 : i32
      %dma_wait3A_1199 = arith.constant 0 : i32
      %dma_wait3A_1200 = arith.constant 0 : i32
      %dma_wait3A_1201 = tpu.memref_slice %arg9[%dma_wait3A_1198, %dma_wait3A_1199, %dma_wait3A_1200] : memref<2x128x64xf32, #tpu.memory_space<vmem>> -> memref<1x128x64xf32, #tpu.memory_space<vmem>>
      %dma_wait3A_1202 = tpu.memref_squeeze %dma_wait3A_1201 : memref<1x128x64xf32, #tpu.memory_space<vmem>> -> memref<128x64xf32, #tpu.memory_space<vmem>>
      %dma_wait3A_1203 = arith.constant 0 : i32
      %dma_wait3A_1204 = tpu.memref_slice %arg7[%select_n3A_1035, %dma_wait3A_1197, %dma_wait3A_1203] : memref<2x4x128xi32, #tpu.memory_space<vmem>> -> memref<1x1x128xi32, #tpu.memory_space<vmem>>
      %dma_wait3A_1205 = tpu.memref_squeeze %dma_wait3A_1204 : memref<1x1x128xi32, #tpu.memory_space<vmem>> -> memref<128xi32, #tpu.memory_space<vmem>>
      %dma_wait3A_1206 = arith.constant 0 : i32
      %dma_wait3A_1207 = arith.constant 0 : i32
      %dma_wait3A_1208 = tpu.memref_slice %arg12[%dma_wait3A_1206, %dma_wait3A_1207] : memref<10000x64xf32, #tpu.memory_space<vmem_shared>> -> memref<10000x64xf32, #tpu.memory_space<vmem_shared>>
      tpu.wait_indirect_dma semaphore(%arg15 : memref<!tpu.dma_semaphore, #tpu.memory_space<semaphore_mem>>) src(%dma_wait3A_1208 : memref<10000x64xf32, #tpu.memory_space<vmem_shared>>) dst(%dma_wait3A_1202 : memref<128x64xf32, #tpu.memory_space<vmem>>)
      %dma_wait3A_1209 = arith.constant 0 : i32
      %dma_wait3A_1210 = arith.constant 2 : i32
      %dma_wait3A_1211 = arith.constant 0 : i32
      %dma_wait3A_1212 = arith.constant 0 : i32
      %dma_wait3A_1213 = tpu.memref_slice %arg9[%dma_wait3A_1209, %dma_wait3A_1211, %dma_wait3A_1212] : memref<2x128x64xf32, #tpu.memory_space<vmem>> -> memref<1x128x64xf32, #tpu.memory_space<vmem>>
      %dma_wait3A_1214 = tpu.memref_squeeze %dma_wait3A_1213 : memref<1x128x64xf32, #tpu.memory_space<vmem>> -> memref<128x64xf32, #tpu.memory_space<vmem>>
      %dma_wait3A_1215 = arith.constant 0 : i32
      %dma_wait3A_1216 = tpu.memref_slice %arg8[%select_n3A_1035, %dma_wait3A_1210, %dma_wait3A_1215] : memref<2x4x128xi32, #tpu.memory_space<vmem>> -> memref<1x1x128xi32, #tpu.memory_space<vmem>>
      %dma_wait3A_1217 = tpu.memref_squeeze %dma_wait3A_1216 : memref<1x1x128xi32, #tpu.memory_space<vmem>> -> memref<128xi32, #tpu.memory_space<vmem>>
      %dma_wait3A_1218 = arith.constant 0 : i32
      %dma_wait3A_1219 = arith.constant 0 : i32
      %dma_wait3A_1220 = tpu.memref_slice %arg13[%dma_wait3A_1218, %dma_wait3A_1219] : memref<10240x64xf32, #tpu.memory_space<vmem_shared>> -> memref<10240x64xf32, #tpu.memory_space<vmem_shared>>
      tpu.wait_indirect_dma semaphore(%arg17 : memref<!tpu.dma_semaphore, #tpu.memory_space<semaphore_mem>>) src(%dma_wait3A_1214 : memref<128x64xf32, #tpu.memory_space<vmem>>) dst(%dma_wait3A_1220 : memref<10240x64xf32, #tpu.memory_space<vmem_shared>>)
      %dma_start3A_1221 = arith.constant 1 : i32
      %dma_start3A_1222 = arith.constant 3 : i32
      %dma_start3A_1223 = arith.constant 0 : i32
      %dma_start3A_1224 = arith.constant 0 : i32
      %dma_start3A_1225 = tpu.memref_slice %arg9[%dma_start3A_1221, %dma_start3A_1223, %dma_start3A_1224] : memref<2x128x64xf32, #tpu.memory_space<vmem>> -> memref<1x128x64xf32, #tpu.memory_space<vmem>>
      %dma_start3A_1226 = tpu.memref_squeeze %dma_start3A_1225 : memref<1x128x64xf32, #tpu.memory_space<vmem>> -> memref<128x64xf32, #tpu.memory_space<vmem>>
      %dma_start3A_1227 = arith.constant 0 : i32
      %dma_start3A_1228 = tpu.memref_slice %arg8[%select_n3A_1035, %dma_start3A_1222, %dma_start3A_1227] : memref<2x4x128xi32, #tpu.memory_space<vmem>> -> memref<1x1x128xi32, #tpu.memory_space<vmem>>
      %dma_start3A_1229 = tpu.memref_squeeze %dma_start3A_1228 : memref<1x1x128xi32, #tpu.memory_space<vmem>> -> memref<128xi32, #tpu.memory_space<vmem>>
      %dma_start3A_1230 = arith.constant 0 : i32
      %dma_start3A_1231 = arith.constant 0 : i32
      %dma_start3A_1232 = tpu.memref_slice %arg13[%dma_start3A_1230, %dma_start3A_1231] : memref<10240x64xf32, #tpu.memory_space<vmem_shared>> -> memref<10240x64xf32, #tpu.memory_space<vmem_shared>>
      tpu.enqueue_indirect_dma source(%dma_start3A_1226 : memref<128x64xf32, #tpu.memory_space<vmem>>) target(%dma_start3A_1232 : memref<10240x64xf32, #tpu.memory_space<vmem_shared>>) offsets(%dma_start3A_1229 : memref<128xi32, #tpu.memory_space<vmem>>) semaphore(%arg17 : memref<!tpu.dma_semaphore, #tpu.memory_space<semaphore_mem>>) {add = true}
      %eq3A_1233 = arith.constant 0 : i32
      %eq3A_1234 = arith.cmpi eq, %arg0, %eq3A_1233 : i32
      %convert_element_type3A_1235 = arith.extui %eq3A_1234 : i1 to i32
      %cond3A_1236 = arith.constant 0 : i32
      %cond3A_1237 = arith.cmpi ne, %convert_element_type3A_1235, %cond3A_1236 : i32
      scf.if %cond3A_1237 {
        %run_scoped3A_1243 = arith.constant 3 : i32
        "tpu.region"() ({
          %run_scoped3A_1244 = tpu.sem_alloc : memref<!tpu.dma_semaphore, #tpu.memory_space<semaphore_mem>>
          %dma_start3A_1245 = arith.constant 0 : i32
          %dma_start3A_1246 = tpu.memref_slice %arg8[%select_n3A_1035, %run_scoped3A_1243, %dma_start3A_1245] : memref<2x4x128xi32, #tpu.memory_space<vmem>> -> memref<1x1x128xi32, #tpu.memory_space<vmem>>
          %dma_start3A_1247 = tpu.memref_squeeze %dma_start3A_1246 : memref<1x1x128xi32, #tpu.memory_space<vmem>> -> memref<128xi32, #tpu.memory_space<vmem>>
          %dma_start3A_1248 = arith.constant 0 : i32
          %dma_start3A_1249 = arith.constant 0 : i32
          %dma_start3A_1250 = tpu.memref_slice %arg14[%dma_start3A_1248, %dma_start3A_1249] : memref<10240x16xf32, #tpu.memory_space<vmem_shared>> -> memref<10240x16xf32, #tpu.memory_space<vmem_shared>>
          tpu.enqueue_indirect_dma source(%arg10 : memref<128x16xf32, #tpu.memory_space<vmem>>) target(%dma_start3A_1250 : memref<10240x16xf32, #tpu.memory_space<vmem_shared>>) offsets(%dma_start3A_1247 : memref<128xi32, #tpu.memory_space<vmem>>) semaphore(%run_scoped3A_1244 : memref<!tpu.dma_semaphore, #tpu.memory_space<semaphore_mem>>) {add = true}
          %dma_wait3A_1251 = arith.constant 0 : i32
          %dma_wait3A_1252 = tpu.memref_slice %arg8[%select_n3A_1035, %run_scoped3A_1243, %dma_wait3A_1251] : memref<2x4x128xi32, #tpu.memory_space<vmem>> -> memref<1x1x128xi32, #tpu.memory_space<vmem>>
          %dma_wait3A_1253 = tpu.memref_squeeze %dma_wait3A_1252 : memref<1x1x128xi32, #tpu.memory_space<vmem>> -> memref<128xi32, #tpu.memory_space<vmem>>
          %dma_wait3A_1254 = arith.constant 0 : i32
          %dma_wait3A_1255 = arith.constant 0 : i32
          %dma_wait3A_1256 = tpu.memref_slice %arg14[%dma_wait3A_1254, %dma_wait3A_1255] : memref<10240x16xf32, #tpu.memory_space<vmem_shared>> -> memref<10240x16xf32, #tpu.memory_space<vmem_shared>>
          tpu.wait_indirect_dma semaphore(%run_scoped3A_1244 : memref<!tpu.dma_semaphore, #tpu.memory_space<semaphore_mem>>) src(%arg10 : memref<128x16xf32, #tpu.memory_space<vmem>>) dst(%dma_wait3A_1256 : memref<10240x16xf32, #tpu.memory_space<vmem_shared>>)
          tpu.yield
        }) : () -> ()
      } else {
      }
      %lt3A_1238 = arith.constant 39 : i32
      %lt3A_1239 = arith.cmpi slt, %scan3A_1024, %lt3A_1238 : i32
      %convert_element_type3A_1240 = arith.extui %lt3A_1239 : i1 to i32
      %cond3A_1241 = arith.constant 0 : i32
      %cond3A_1242 = arith.cmpi ne, %convert_element_type3A_1240, %cond3A_1241 : i32
      scf.if %cond3A_1242 {
        %sub3A = arith.constant 1 : i32
        %sub3A_1243 = arith.subi %sub3A, %select_n3A_1035 : i32
        %dma_start3A_1244 = arith.constant 0 : i32
        %dma_start3A_1245 = arith.constant 0 : i32
        %dma_start3A_1246 = arith.constant 0 : i32
        %dma_start3A_1247 = arith.constant 0 : i32
        %dma_start3A_1248 = tpu.memref_slice %arg9[%dma_start3A_1245, %dma_start3A_1246, %dma_start3A_1247] : memref<2x128x64xf32, #tpu.memory_space<vmem>> -> memref<1x128x64xf32, #tpu.memory_space<vmem>>
        %dma_start3A_1249 = tpu.memref_squeeze %dma_start3A_1248 : memref<1x128x64xf32, #tpu.memory_space<vmem>> -> memref<128x64xf32, #tpu.memory_space<vmem>>
        %dma_start3A_1250 = arith.constant 0 : i32
        %dma_start3A_1251 = tpu.memref_slice %arg7[%sub3A_1243, %dma_start3A_1244, %dma_start3A_1250] : memref<2x4x128xi32, #tpu.memory_space<vmem>> -> memref<1x1x128xi32, #tpu.memory_space<vmem>>
        %dma_start3A_1252 = tpu.memref_squeeze %dma_start3A_1251 : memref<1x1x128xi32, #tpu.memory_space<vmem>> -> memref<128xi32, #tpu.memory_space<vmem>>
        %dma_start3A_1253 = arith.constant 0 : i32
        %dma_start3A_1254 = arith.constant 0 : i32
        %dma_start3A_1255 = tpu.memref_slice %arg12[%dma_start3A_1253, %dma_start3A_1254] : memref<10000x64xf32, #tpu.memory_space<vmem_shared>> -> memref<10000x64xf32, #tpu.memory_space<vmem_shared>>
        tpu.enqueue_indirect_dma source(%dma_start3A_1255 : memref<10000x64xf32, #tpu.memory_space<vmem_shared>>) target(%dma_start3A_1249 : memref<128x64xf32, #tpu.memory_space<vmem>>) offsets(%dma_start3A_1252 : memref<128xi32, #tpu.memory_space<vmem>>) semaphore(%arg15 : memref<!tpu.dma_semaphore, #tpu.memory_space<semaphore_mem>>)
      } else {
      }
    }
    %scan3A_999 = arith.constant 40 : i32
    %dma_wait3A_1000 = arith.constant 1 : i32
    %dma_wait3A_1001 = arith.constant 1 : i32
    %dma_wait3A_1002 = arith.constant 3 : i32
    %dma_wait3A_1003 = arith.constant 0 : i32
    %dma_wait3A_1004 = arith.constant 0 : i32
    %dma_wait3A_1005 = tpu.memref_slice %arg9[%dma_wait3A_1000, %dma_wait3A_1003, %dma_wait3A_1004] : memref<2x128x64xf32, #tpu.memory_space<vmem>> -> memref<1x128x64xf32, #tpu.memory_space<vmem>>
    %dma_wait3A_1006 = tpu.memref_squeeze %dma_wait3A_1005 : memref<1x128x64xf32, #tpu.memory_space<vmem>> -> memref<128x64xf32, #tpu.memory_space<vmem>>
    %dma_wait3A_1007 = arith.constant 0 : i32
    %dma_wait3A_1008 = tpu.memref_slice %arg8[%dma_wait3A_1001, %dma_wait3A_1002, %dma_wait3A_1007] : memref<2x4x128xi32, #tpu.memory_space<vmem>> -> memref<1x1x128xi32, #tpu.memory_space<vmem>>
    %dma_wait3A_1009 = tpu.memref_squeeze %dma_wait3A_1008 : memref<1x1x128xi32, #tpu.memory_space<vmem>> -> memref<128xi32, #tpu.memory_space<vmem>>
    %dma_wait3A_1010 = arith.constant 0 : i32
    %dma_wait3A_1011 = arith.constant 0 : i32
    %dma_wait3A_1012 = tpu.memref_slice %arg13[%dma_wait3A_1010, %dma_wait3A_1011] : memref<10240x64xf32, #tpu.memory_space<vmem_shared>> -> memref<10240x64xf32, #tpu.memory_space<vmem_shared>>
    tpu.wait_indirect_dma semaphore(%arg17 : memref<!tpu.dma_semaphore, #tpu.memory_space<semaphore_mem>>) src(%dma_wait3A_1006 : memref<128x64xf32, #tpu.memory_space<vmem>>) dst(%dma_wait3A_1012 : memref<10240x64xf32, #tpu.memory_space<vmem_shared>>)
    %barrier3A_1013 = arith.constant 0 : index
    tpu.barrier barrier_id(%barrier3A_1013)
    %eq3A_1014 = arith.constant 0 : i32
    %eq3A_1015 = arith.cmpi eq, %arg0, %eq3A_1014 : i32
    %convert_element_type3A_1016 = arith.extui %eq3A_1015 : i1 to i32
    %cond3A_1017 = arith.constant 0 : i32
    %cond3A_1018 = arith.cmpi ne, %convert_element_type3A_1016, %cond3A_1017 : i32
    scf.if %cond3A_1018 {
      %lt3A = arith.constant 15 : i32
      %lt3A_1024 = arith.cmpi slt, %arg1, %lt3A : i32
      %convert_element_type3A_1025 = arith.extui %lt3A_1024 : i1 to i32
      %cond3A_1026 = arith.constant 0 : i32
      %cond3A_1027 = arith.cmpi ne, %convert_element_type3A_1025, %cond3A_1026 : i32
      scf.if %cond3A_1027 {
        "tpu.region"() ({
          %run_scoped3A_1043 = tpu.sem_alloc : memref<!tpu.dma_semaphore, #tpu.memory_space<semaphore_mem>>
          %dma_start3A_1044 = arith.constant 0 : i32
          %dma_start3A_1045 = tpu.memref_slice %arg4[%mul3A_0, %dma_start3A_1044] : memref<10000x64xf32, #tpu.memory_space<hbm>> -> memref<640x64xf32, #tpu.memory_space<hbm>>
          %dma_start3A_1046 = arith.constant 0 : i32
          %dma_start3A_1047 = tpu.memref_slice %arg13[%mul3A_0, %dma_start3A_1046] : memref<10240x64xf32, #tpu.memory_space<vmem_shared>> -> memref<640x64xf32, #tpu.memory_space<vmem_shared>>
          tpu.enqueue_dma source(%dma_start3A_1047 : memref<640x64xf32, #tpu.memory_space<vmem_shared>>) target(%dma_start3A_1045 : memref<640x64xf32, #tpu.memory_space<hbm>>) target_semaphore(%run_scoped3A_1043 : memref<!tpu.dma_semaphore, #tpu.memory_space<semaphore_mem>>)
          %dma_wait3A_1048 = arith.constant 0 : i32
          %dma_wait3A_1049 = tpu.memref_slice %arg4[%mul3A_0, %dma_wait3A_1048] : memref<10000x64xf32, #tpu.memory_space<hbm>> -> memref<640x64xf32, #tpu.memory_space<hbm>>
          %dma_wait3A_1050 = arith.constant 0 : i32
          %dma_wait3A_1051 = tpu.memref_slice %arg13[%mul3A_0, %dma_wait3A_1050] : memref<10240x64xf32, #tpu.memory_space<vmem_shared>> -> memref<640x64xf32, #tpu.memory_space<vmem_shared>>
          tpu.wait_dma2 semaphore(%run_scoped3A_1043 : memref<!tpu.dma_semaphore, #tpu.memory_space<semaphore_mem>>) src(%dma_wait3A_1051 : memref<640x64xf32, #tpu.memory_space<vmem_shared>>) dst(%dma_wait3A_1049 : memref<640x64xf32, #tpu.memory_space<hbm>>)
          tpu.yield
        }) : () -> ()
      } else {
      }
      %eq3A_1028 = arith.constant 15 : i32
      %eq3A_1029 = arith.cmpi eq, %arg1, %eq3A_1028 : i32
      %convert_element_type3A_1030 = arith.extui %eq3A_1029 : i1 to i32
      %cond3A_1031 = arith.constant 0 : i32
      %cond3A_1032 = arith.cmpi ne, %convert_element_type3A_1030, %cond3A_1031 : i32
      scf.if %cond3A_1032 {
        "tpu.region"() ({
          %run_scoped3A_1043 = tpu.sem_alloc : memref<!tpu.dma_semaphore, #tpu.memory_space<semaphore_mem>>
          %dma_start3A_1044 = arith.constant 9600 : i32
          %dma_start3A_1045 = arith.constant 0 : i32
          %dma_start3A_1046 = tpu.memref_slice %arg4[%dma_start3A_1044, %dma_start3A_1045] : memref<10000x64xf32, #tpu.memory_space<hbm>> -> memref<400x64xf32, #tpu.memory_space<hbm>>
          %dma_start3A_1047 = arith.constant 9600 : i32
          %dma_start3A_1048 = arith.constant 0 : i32
          %dma_start3A_1049 = tpu.memref_slice %arg13[%dma_start3A_1047, %dma_start3A_1048] : memref<10240x64xf32, #tpu.memory_space<vmem_shared>> -> memref<400x64xf32, #tpu.memory_space<vmem_shared>>
          tpu.enqueue_dma source(%dma_start3A_1049 : memref<400x64xf32, #tpu.memory_space<vmem_shared>>) target(%dma_start3A_1046 : memref<400x64xf32, #tpu.memory_space<hbm>>) target_semaphore(%run_scoped3A_1043 : memref<!tpu.dma_semaphore, #tpu.memory_space<semaphore_mem>>)
          %dma_wait3A_1050 = arith.constant 9600 : i32
          %dma_wait3A_1051 = arith.constant 0 : i32
          %dma_wait3A_1052 = tpu.memref_slice %arg4[%dma_wait3A_1050, %dma_wait3A_1051] : memref<10000x64xf32, #tpu.memory_space<hbm>> -> memref<400x64xf32, #tpu.memory_space<hbm>>
          %dma_wait3A_1053 = arith.constant 9600 : i32
          %dma_wait3A_1054 = arith.constant 0 : i32
          %dma_wait3A_1055 = tpu.memref_slice %arg13[%dma_wait3A_1053, %dma_wait3A_1054] : memref<10240x64xf32, #tpu.memory_space<vmem_shared>> -> memref<400x64xf32, #tpu.memory_space<vmem_shared>>
          tpu.wait_dma2 semaphore(%run_scoped3A_1043 : memref<!tpu.dma_semaphore, #tpu.memory_space<semaphore_mem>>) src(%dma_wait3A_1055 : memref<400x64xf32, #tpu.memory_space<vmem_shared>>) dst(%dma_wait3A_1052 : memref<400x64xf32, #tpu.memory_space<hbm>>)
          tpu.yield
        }) : () -> ()
      } else {
      }
      %lt3A_1033 = arith.constant 15 : i32
      %lt3A_1034 = arith.cmpi slt, %arg1, %lt3A_1033 : i32
      %convert_element_type3A_1035 = arith.extui %lt3A_1034 : i1 to i32
      %cond3A_1036 = arith.constant 0 : i32
      %cond3A_1037 = arith.cmpi ne, %convert_element_type3A_1035, %cond3A_1036 : i32
      scf.if %cond3A_1037 {
        "tpu.region"() ({
          %run_scoped3A_1043 = tpu.sem_alloc : memref<!tpu.dma_semaphore, #tpu.memory_space<semaphore_mem>>
          %dma_start3A_1044 = arith.constant 0 : i32
          %dma_start3A_1045 = tpu.memref_slice %arg6[%mul3A_0, %dma_start3A_1044] : memref<10000x16xf32, #tpu.memory_space<hbm>> -> memref<640x16xf32, #tpu.memory_space<hbm>>
          %dma_start3A_1046 = arith.constant 0 : i32
          %dma_start3A_1047 = tpu.memref_slice %arg14[%mul3A_0, %dma_start3A_1046] : memref<10240x16xf32, #tpu.memory_space<vmem_shared>> -> memref<640x16xf32, #tpu.memory_space<vmem_shared>>
          tpu.enqueue_dma source(%dma_start3A_1047 : memref<640x16xf32, #tpu.memory_space<vmem_shared>>) target(%dma_start3A_1045 : memref<640x16xf32, #tpu.memory_space<hbm>>) target_semaphore(%run_scoped3A_1043 : memref<!tpu.dma_semaphore, #tpu.memory_space<semaphore_mem>>)
          %dma_wait3A_1048 = arith.constant 0 : i32
          %dma_wait3A_1049 = tpu.memref_slice %arg6[%mul3A_0, %dma_wait3A_1048] : memref<10000x16xf32, #tpu.memory_space<hbm>> -> memref<640x16xf32, #tpu.memory_space<hbm>>
          %dma_wait3A_1050 = arith.constant 0 : i32
          %dma_wait3A_1051 = tpu.memref_slice %arg14[%mul3A_0, %dma_wait3A_1050] : memref<10240x16xf32, #tpu.memory_space<vmem_shared>> -> memref<640x16xf32, #tpu.memory_space<vmem_shared>>
          tpu.wait_dma2 semaphore(%run_scoped3A_1043 : memref<!tpu.dma_semaphore, #tpu.memory_space<semaphore_mem>>) src(%dma_wait3A_1051 : memref<640x16xf32, #tpu.memory_space<vmem_shared>>) dst(%dma_wait3A_1049 : memref<640x16xf32, #tpu.memory_space<hbm>>)
          tpu.yield
        }) : () -> ()
      } else {
      }
      %eq3A_1038 = arith.constant 15 : i32
      %eq3A_1039 = arith.cmpi eq, %arg1, %eq3A_1038 : i32
      %convert_element_type3A_1040 = arith.extui %eq3A_1039 : i1 to i32
      %cond3A_1041 = arith.constant 0 : i32
      %cond3A_1042 = arith.cmpi ne, %convert_element_type3A_1040, %cond3A_1041 : i32
      scf.if %cond3A_1042 {
        "tpu.region"() ({
          %run_scoped3A_1043 = tpu.sem_alloc : memref<!tpu.dma_semaphore, #tpu.memory_space<semaphore_mem>>
          %dma_start3A_1044 = arith.constant 9600 : i32
          %dma_start3A_1045 = arith.constant 0 : i32
          %dma_start3A_1046 = tpu.memref_slice %arg6[%dma_start3A_1044, %dma_start3A_1045] : memref<10000x16xf32, #tpu.memory_space<hbm>> -> memref<400x16xf32, #tpu.memory_space<hbm>>
          %dma_start3A_1047 = arith.constant 9600 : i32
          %dma_start3A_1048 = arith.constant 0 : i32
          %dma_start3A_1049 = tpu.memref_slice %arg14[%dma_start3A_1047, %dma_start3A_1048] : memref<10240x16xf32, #tpu.memory_space<vmem_shared>> -> memref<400x16xf32, #tpu.memory_space<vmem_shared>>
          tpu.enqueue_dma source(%dma_start3A_1049 : memref<400x16xf32, #tpu.memory_space<vmem_shared>>) target(%dma_start3A_1046 : memref<400x16xf32, #tpu.memory_space<hbm>>) target_semaphore(%run_scoped3A_1043 : memref<!tpu.dma_semaphore, #tpu.memory_space<semaphore_mem>>)
          %dma_wait3A_1050 = arith.constant 9600 : i32
          %dma_wait3A_1051 = arith.constant 0 : i32
          %dma_wait3A_1052 = tpu.memref_slice %arg6[%dma_wait3A_1050, %dma_wait3A_1051] : memref<10000x16xf32, #tpu.memory_space<hbm>> -> memref<400x16xf32, #tpu.memory_space<hbm>>
          %dma_wait3A_1053 = arith.constant 9600 : i32
          %dma_wait3A_1054 = arith.constant 0 : i32
          %dma_wait3A_1055 = tpu.memref_slice %arg14[%dma_wait3A_1053, %dma_wait3A_1054] : memref<10240x16xf32, #tpu.memory_space<vmem_shared>> -> memref<400x16xf32, #tpu.memory_space<vmem_shared>>
          tpu.wait_dma2 semaphore(%run_scoped3A_1043 : memref<!tpu.dma_semaphore, #tpu.memory_space<semaphore_mem>>) src(%dma_wait3A_1055 : memref<400x16xf32, #tpu.memory_space<vmem_shared>>) dst(%dma_wait3A_1052 : memref<400x16xf32, #tpu.memory_space<hbm>>)
          tpu.yield
        }) : () -> ()
      } else {
      }
    } else {
    }
    %eq3A_1019 = arith.constant 1 : i32
    %eq3A_1020 = arith.cmpi eq, %arg0, %eq3A_1019 : i32
    %convert_element_type3A_1021 = arith.extui %eq3A_1020 : i1 to i32
    %cond3A_1022 = arith.constant 0 : i32
    %cond3A_1023 = arith.cmpi ne, %convert_element_type3A_1021, %cond3A_1022 : i32
    scf.if %cond3A_1023 {
      %lt3A = arith.constant 15 : i32
      %lt3A_1024 = arith.cmpi slt, %arg1, %lt3A : i32
      %convert_element_type3A_1025 = arith.extui %lt3A_1024 : i1 to i32
      %cond3A_1026 = arith.constant 0 : i32
      %cond3A_1027 = arith.cmpi ne, %convert_element_type3A_1025, %cond3A_1026 : i32
      scf.if %cond3A_1027 {
        "tpu.region"() ({
          %run_scoped3A_1033 = tpu.sem_alloc : memref<!tpu.dma_semaphore, #tpu.memory_space<semaphore_mem>>
          %dma_start3A_1034 = arith.constant 0 : i32
          %dma_start3A_1035 = tpu.memref_slice %arg5[%mul3A_0, %dma_start3A_1034] : memref<10000x64xf32, #tpu.memory_space<hbm>> -> memref<640x64xf32, #tpu.memory_space<hbm>>
          %dma_start3A_1036 = arith.constant 0 : i32
          %dma_start3A_1037 = tpu.memref_slice %arg13[%mul3A_0, %dma_start3A_1036] : memref<10240x64xf32, #tpu.memory_space<vmem_shared>> -> memref<640x64xf32, #tpu.memory_space<vmem_shared>>
          tpu.enqueue_dma source(%dma_start3A_1037 : memref<640x64xf32, #tpu.memory_space<vmem_shared>>) target(%dma_start3A_1035 : memref<640x64xf32, #tpu.memory_space<hbm>>) target_semaphore(%run_scoped3A_1033 : memref<!tpu.dma_semaphore, #tpu.memory_space<semaphore_mem>>)
          %dma_wait3A_1038 = arith.constant 0 : i32
          %dma_wait3A_1039 = tpu.memref_slice %arg5[%mul3A_0, %dma_wait3A_1038] : memref<10000x64xf32, #tpu.memory_space<hbm>> -> memref<640x64xf32, #tpu.memory_space<hbm>>
          %dma_wait3A_1040 = arith.constant 0 : i32
          %dma_wait3A_1041 = tpu.memref_slice %arg13[%mul3A_0, %dma_wait3A_1040] : memref<10240x64xf32, #tpu.memory_space<vmem_shared>> -> memref<640x64xf32, #tpu.memory_space<vmem_shared>>
          tpu.wait_dma2 semaphore(%run_scoped3A_1033 : memref<!tpu.dma_semaphore, #tpu.memory_space<semaphore_mem>>) src(%dma_wait3A_1041 : memref<640x64xf32, #tpu.memory_space<vmem_shared>>) dst(%dma_wait3A_1039 : memref<640x64xf32, #tpu.memory_space<hbm>>)
          tpu.yield
        }) : () -> ()
      } else {
      }
      %eq3A_1028 = arith.constant 15 : i32
      %eq3A_1029 = arith.cmpi eq, %arg1, %eq3A_1028 : i32
      %convert_element_type3A_1030 = arith.extui %eq3A_1029 : i1 to i32
      %cond3A_1031 = arith.constant 0 : i32
      %cond3A_1032 = arith.cmpi ne, %convert_element_type3A_1030, %cond3A_1031 : i32
      scf.if %cond3A_1032 {
        "tpu.region"() ({
          %run_scoped3A_1033 = tpu.sem_alloc : memref<!tpu.dma_semaphore, #tpu.memory_space<semaphore_mem>>
          %dma_start3A_1034 = arith.constant 9600 : i32
          %dma_start3A_1035 = arith.constant 0 : i32
          %dma_start3A_1036 = tpu.memref_slice %arg5[%dma_start3A_1034, %dma_start3A_1035] : memref<10000x64xf32, #tpu.memory_space<hbm>> -> memref<400x64xf32, #tpu.memory_space<hbm>>
          %dma_start3A_1037 = arith.constant 9600 : i32
          %dma_start3A_1038 = arith.constant 0 : i32
          %dma_start3A_1039 = tpu.memref_slice %arg13[%dma_start3A_1037, %dma_start3A_1038] : memref<10240x64xf32, #tpu.memory_space<vmem_shared>> -> memref<400x64xf32, #tpu.memory_space<vmem_shared>>
          tpu.enqueue_dma source(%dma_start3A_1039 : memref<400x64xf32, #tpu.memory_space<vmem_shared>>) target(%dma_start3A_1036 : memref<400x64xf32, #tpu.memory_space<hbm>>) target_semaphore(%run_scoped3A_1033 : memref<!tpu.dma_semaphore, #tpu.memory_space<semaphore_mem>>)
          %dma_wait3A_1040 = arith.constant 9600 : i32
          %dma_wait3A_1041 = arith.constant 0 : i32
          %dma_wait3A_1042 = tpu.memref_slice %arg5[%dma_wait3A_1040, %dma_wait3A_1041] : memref<10000x64xf32, #tpu.memory_space<hbm>> -> memref<400x64xf32, #tpu.memory_space<hbm>>
          %dma_wait3A_1043 = arith.constant 9600 : i32
          %dma_wait3A_1044 = arith.constant 0 : i32
          %dma_wait3A_1045 = tpu.memref_slice %arg13[%dma_wait3A_1043, %dma_wait3A_1044] : memref<10240x64xf32, #tpu.memory_space<vmem_shared>> -> memref<400x64xf32, #tpu.memory_space<vmem_shared>>
          tpu.wait_dma2 semaphore(%run_scoped3A_1033 : memref<!tpu.dma_semaphore, #tpu.memory_space<semaphore_mem>>) src(%dma_wait3A_1045 : memref<400x64xf32, #tpu.memory_space<vmem_shared>>) dst(%dma_wait3A_1042 : memref<400x64xf32, #tpu.memory_space<hbm>>)
          tpu.yield
        }) : () -> ()
      } else {
      }
    } else {
    }
    return
  }
}

module attributes {stable_mosaic.version = 14 : i64} {
  func.func @body(%arg0: i32, %arg1: memref<1000x64xf32, #tpu.memory_space<vmem>>, %arg2: memref<1000x64xf32, #tpu.memory_space<vmem>>, %arg3: memref<1000x1xf32, #tpu.memory_space<vmem>>, %arg4: memref<2x1000x64xf32, #tpu.memory_space<vmem>>, %arg5: memref<128x128xf32, #tpu.memory_space<vmem>>, %arg6: memref<128x128xf32, #tpu.memory_space<vmem>>, %arg7: memref<1x128xf32, #tpu.memory_space<vmem>>, %arg8: memref<1x1xf32, #tpu.memory_space<vmem>>, %arg9: memref<2x1000x64xf32, #tpu.memory_space<vmem>>) attributes {dimension_semantics = [#tpu.dimension_semantics<arbitrary>], iteration_bounds = array<i64: 10>, scalar_prefetch = 0 : i64, scratch_operands = 0 : i64, tpu.core_type = #tpu.core_type<tc>, window_params = [{transform_indices = @transform_0, window_bounds = array<i64: 1000, 64>}, {transform_indices = @transform_1, window_bounds = array<i64: 1000, 64>}, {transform_indices = @transform_2, window_bounds = array<i64: 1000, 1>}, {transform_indices = @transform_3, window_bounds = array<i64: 2, 1000, 64>}, {pipeline_mode = #tpu.pipeline_mode<synchronous>, transform_indices = @transform_4, window_bounds = array<i64: 128, 128>}, {pipeline_mode = #tpu.pipeline_mode<synchronous>, transform_indices = @transform_5, window_bounds = array<i64: 128, 128>}, {pipeline_mode = #tpu.pipeline_mode<synchronous>, transform_indices = @transform_6, window_bounds = array<i64: 1, 128>}, {pipeline_mode = #tpu.pipeline_mode<synchronous>, transform_indices = @transform_7, window_bounds = array<i64: 1, 1>}, {transform_indices = @transform_8, window_bounds = array<i64: 2, 1000, 64>}]} {
    %get3A = arith.constant 0 : index
    %get3A_0 = arith.constant 0 : index
    %get3A_1 = vector.load %arg3[%get3A, %get3A_0] : memref<1000x1xf32, #tpu.memory_space<vmem>>, vector<1000x1xf32>
    %max3A = arith.constant 1.000000e+00 : f32
    %max3A_2 = vector.broadcast %max3A : f32 to vector<1000x1xf32>
    %max3A_3 = arith.maximumf %get3A_1, %max3A_2 : vector<1000x1xf32>
    %get3A_4 = arith.constant 0 : index
    %get3A_5 = arith.constant 0 : index
    %get3A_6 = vector.load %arg1[%get3A_4, %get3A_5] : memref<1000x64xf32, #tpu.memory_space<vmem>>, vector<1000x64xf32>
    %div3A = vector.broadcast %max3A_3 : vector<1000x1xf32> to vector<1000x64xf32>
    %div3A_7 = arith.divf %get3A_6, %div3A : vector<1000x64xf32>
    %get3A_8 = arith.constant 0 : index
    %get3A_9 = arith.constant 0 : index
    %get3A_10 = vector.load %arg2[%get3A_8, %get3A_9] : memref<1000x64xf32, #tpu.memory_space<vmem>>, vector<1000x64xf32>
    %div3A_11 = vector.broadcast %max3A_3 : vector<1000x1xf32> to vector<1000x64xf32>
    %div3A_12 = arith.divf %get3A_10, %div3A_11 : vector<1000x64xf32>
    %concatenate3A = tpu.concatenate %div3A_7, %div3A_12 in 1 : vector<1000x64xf32>, vector<1000x64xf32> -> vector<1000x128xf32>
    %get3A_13 = arith.constant 0 : index
    %get3A_14 = arith.constant 0 : index
    %get3A_15 = arith.constant 0 : index
    %get3A_16 = vector.load %arg4[%get3A_13, %get3A_14, %get3A_15] : memref<2x1000x64xf32, #tpu.memory_space<vmem>>, vector<1x1000x64xf32>
    %get3A_17 = vector.shape_cast %get3A_16 : vector<1x1000x64xf32> to vector<1000x64xf32>
    %get3A_18 = arith.constant 1 : index
    %get3A_19 = arith.constant 0 : index
    %get3A_20 = arith.constant 0 : index
    %get3A_21 = vector.load %arg4[%get3A_18, %get3A_19, %get3A_20] : memref<2x1000x64xf32, #tpu.memory_space<vmem>>, vector<1x1000x64xf32>
    %get3A_22 = vector.shape_cast %get3A_21 : vector<1x1000x64xf32> to vector<1000x64xf32>
    %concatenate3A_23 = tpu.concatenate %get3A_17, %get3A_22 in 1 : vector<1000x64xf32>, vector<1000x64xf32> -> vector<1000x128xf32>
    %get3A_24 = arith.constant 0 : index
    %get3A_25 = arith.constant 0 : index
    %get3A_26 = vector.load %arg5[%get3A_24, %get3A_25] : memref<128x128xf32, #tpu.memory_space<vmem>>, vector<128x128xf32>
    %dot_general3A = arith.constant dense<0.000000e+00> : vector<1000x128xf32>
    %dot_general3A_27 = tpu.matmul %concatenate3A, %get3A_26, %dot_general3A {dimension_numbers = #tpu.dot_dimension_numbers<[1], [1], [0], [0], [0, 0, 1, 0], [], []>, transpose_lhs_hint = false} : vector<1000x128xf32>, vector<128x128xf32>, vector<1000x128xf32> -> vector<1000x128xf32>
    %get3A_28 = arith.constant 0 : index
    %get3A_29 = arith.constant 0 : index
    %get3A_30 = vector.load %arg6[%get3A_28, %get3A_29] : memref<128x128xf32, #tpu.memory_space<vmem>>, vector<128x128xf32>
    %dot_general3A_31 = arith.constant dense<0.000000e+00> : vector<1000x128xf32>
    %dot_general3A_32 = tpu.matmul %concatenate3A_23, %get3A_30, %dot_general3A_31 {dimension_numbers = #tpu.dot_dimension_numbers<[1], [1], [0], [0], [0, 0, 1, 0], [], []>, transpose_lhs_hint = false} : vector<1000x128xf32>, vector<128x128xf32>, vector<1000x128xf32> -> vector<1000x128xf32>
    %add3A = arith.addf %dot_general3A_27, %dot_general3A_32 : vector<1000x128xf32>
    %get3A_33 = arith.constant 0 : index
    %get3A_34 = arith.constant 0 : index
    %get3A_35 = vector.load %arg7[%get3A_33, %get3A_34] : memref<1x128xf32, #tpu.memory_space<vmem>>, vector<1x128xf32>
    %add3A_36 = vector.broadcast %get3A_35 : vector<1x128xf32> to vector<1000x128xf32>
    %add3A_37 = arith.addf %add3A, %add3A_36 : vector<1000x128xf32>
    %get3A_38 = arith.constant 0 : index
    %get3A_39 = arith.constant 0 : index
    %get3A_40 = vector.load %arg8[%get3A_38, %get3A_39] : memref<1x1xf32, #tpu.memory_space<vmem>>, vector<1x1xf32>
    %gt3A = arith.constant 5.000000e-01 : f32
    %gt3A_41 = vector.broadcast %gt3A : f32 to vector<1x1xf32>
    %gt3A_42 = arith.cmpf ogt, %get3A_40, %gt3A_41 : vector<1x1xf32>
    %max3A_43 = arith.constant 0.000000e+00 : f32
    %max3A_44 = vector.broadcast %max3A_43 : f32 to vector<1000x128xf32>
    %max3A_45 = arith.maximumf %add3A_37, %max3A_44 : vector<1000x128xf32>
    %broadcast_in_dim3A = vector.shape_cast %gt3A_42 : vector<1x1xi1> to vector<1x1xi1>
    %broadcast_in_dim3A_46 = vector.broadcast %broadcast_in_dim3A : vector<1x1xi1> to vector<1000x128xi1>
    %select_n3A = arith.select %broadcast_in_dim3A_46, %max3A_45, %add3A_37 : vector<1000x128xi1>, vector<1000x128xf32>
    %slice3A = vector.extract_strided_slice %select_n3A {offsets = [0, 0], sizes = [1000, 64], strides = [1, 1]} : vector<1000x128xf32> to vector<1000x64xf32>
    %swap3A = arith.constant 0 : index
    %swap3A_47 = arith.constant 0 : index
    %swap3A_48 = arith.constant 0 : index
    %swap3A_49 = vector.load %arg9[%swap3A, %swap3A_47, %swap3A_48] : memref<2x1000x64xf32, #tpu.memory_space<vmem>>, vector<1x1000x64xf32>
    %swap3A_50 = vector.shape_cast %swap3A_49 : vector<1x1000x64xf32> to vector<1000x64xf32>
    %swap3A_51 = vector.shape_cast %slice3A : vector<1000x64xf32> to vector<1x1000x64xf32>
    tpu.vector_store %arg9[%swap3A, %swap3A_47, %swap3A_48], %swap3A_51 {strides = array<i32>} : memref<2x1000x64xf32, #tpu.memory_space<vmem>>, vector<1x1000x64xf32>,
    %slice3A_52 = vector.extract_strided_slice %select_n3A {offsets = [0, 64], sizes = [1000, 64], strides = [1, 1]} : vector<1000x128xf32> to vector<1000x64xf32>
    %swap3A_53 = arith.constant 1 : index
    %swap3A_54 = arith.constant 0 : index
    %swap3A_55 = arith.constant 0 : index
    %swap3A_56 = vector.load %arg9[%swap3A_53, %swap3A_54, %swap3A_55] : memref<2x1000x64xf32, #tpu.memory_space<vmem>>, vector<1x1000x64xf32>
    %swap3A_57 = vector.shape_cast %swap3A_56 : vector<1x1000x64xf32> to vector<1000x64xf32>
    %swap3A_58 = vector.shape_cast %slice3A_52 : vector<1000x64xf32> to vector<1x1000x64xf32>
    tpu.vector_store %arg9[%swap3A_53, %swap3A_54, %swap3A_55], %swap3A_58 {strides = array<i32>} : memref<2x1000x64xf32, #tpu.memory_space<vmem>>, vector<1x1000x64xf32>,
    return
  }
  func.func @transform_0(%arg0: i32) -> (i32, i32) {
    %c0_i32 = arith.constant 0 : i32
    %c0_i32_0 = arith.constant 0 : i32
    return %arg0, %c0_i32 : i32, i32
  }
  func.func @transform_1(%arg0: i32) -> (i32, i32) {
    %c0_i32 = arith.constant 0 : i32
    %c0_i32_0 = arith.constant 0 : i32
    return %arg0, %c0_i32 : i32, i32
  }
  func.func @transform_2(%arg0: i32) -> (i32, i32) {
    %c0_i32 = arith.constant 0 : i32
    %c0_i32_0 = arith.constant 0 : i32
    return %arg0, %c0_i32 : i32, i32
  }
  func.func @transform_3(%arg0: i32) -> (i32, i32, i32) {
    %c0_i32 = arith.constant 0 : i32
    %c0_i32_0 = arith.constant 0 : i32
    %c0_i32_1 = arith.constant 0 : i32
    return %c0_i32, %arg0, %c0_i32_0 : i32, i32, i32
  }
  func.func @transform_4(%arg0: i32) -> (i32, i32) {
    %c0_i32 = arith.constant 0 : i32
    %c0_i32_0 = arith.constant 0 : i32
    %c0_i32_1 = arith.constant 0 : i32
    return %c0_i32, %c0_i32_0 : i32, i32
  }
  func.func @transform_5(%arg0: i32) -> (i32, i32) {
    %c0_i32 = arith.constant 0 : i32
    %c0_i32_0 = arith.constant 0 : i32
    %c0_i32_1 = arith.constant 0 : i32
    return %c0_i32, %c0_i32_0 : i32, i32
  }
  func.func @transform_6(%arg0: i32) -> (i32, i32) {
    %c0_i32 = arith.constant 0 : i32
    %c0_i32_0 = arith.constant 0 : i32
    %c0_i32_1 = arith.constant 0 : i32
    return %c0_i32, %c0_i32_0 : i32, i32
  }
  func.func @transform_7(%arg0: i32) -> (i32, i32) {
    %c0_i32 = arith.constant 0 : i32
    %c0_i32_0 = arith.constant 0 : i32
    %c0_i32_1 = arith.constant 0 : i32
    return %c0_i32, %c0_i32_0 : i32, i32
  }
  func.func @transform_8(%arg0: i32) -> (i32, i32, i32) {
    %c0_i32 = arith.constant 0 : i32
    %c0_i32_0 = arith.constant 0 : i32
    %c0_i32_1 = arith.constant 0 : i32
    return %c0_i32, %arg0, %c0_i32_0 : i32, i32, i32
  }
}

</mosaic_0001>

<sc_bundles>
// kernel: closed_call.9.cloned.1.call-start
scs
__scs_entry_jumppad:
0x0: {  	(pc) =	sbr.rel $0x88, $3  }
0x1: {  	(tag) =	ssettag $0x0;
	lr =	simm.s32 $0x1  }
0x2: {  	[smem:$0x3F99] =	sst lr;
	_ =	strace $0xD0000000  }
0x3: {  	_ = 	snop  }
0x4: {  	_ = 	snop  }
0x5: {  	_ = 	snop  }
0x6: {  	_ = 	snop  }
0x7: {  	_ = 	snop  }
__scs_overlays_trampoline_lowered:
0x8: {  	[smem:$0x3FA8] =	sst s0  }
0x9: {  	[smem:$0x3FA9] =	sst s1  }
0xa: {  	[smem:$0x3FAA] =	sst s2  }
0xb: {  	[smem:$0x3FAB] =	sst s3  }
0xc: {  	[smem:$0x3FAC] =	sst s4  }
0xd: {  	[smem:$0x3FAD] =	sst s5  }
0xe: {  	[smem:$0x3FAE] =	sst s6  }
0xf: {  	[smem:$0x3FAF] =	sst s7  }
0x10: {  	[smem:$0x3FB0] =	sst s8  }
0x11: {  	[smem:$0x3FB1] =	sst s9;
	s0 =	simm.s32 @!p0 $0x0  }
0x12: {  	s1 =	sld [smem:$0x3F97];
	s0 =	simm.s32 @p0 $0x1  }
0x13: {  	[smem:$0x3FB2] =	sst s0;
	s0 =	simm.s32 @!p1 $0x0  }
0x14: {  	s2 =	sld [smem:$0x3F96];
	s0 =	simm.s32 @p1 $0x1  }
0x15: {  	[smem:$0x3FB3] =	sst s0;
	s0 =	simm.s32 @!p2 $0x0  }
0x16: {  	s3 =	sld [smem:$0x3FDB];
	s0 =	simm.s32 @p2 $0x1  }
0x17: {  	s4 =	simm.s32 $0x1BF5;
	[smem:$0x3FB5] =	sst s0  }
0x18: {  	s0 =	sld [smem:$0x3F98];
	_ =	swait.ge [sflag:s4], $0x0  }
0x19: {  	s7 =	sld [smem:$0x3F99]  }
0x1a: {  	s8 =	sadd.s32 $0xFFFFE003, lr  }
0x1b: {  	s9 =	sadd.s32 $0xFFFFFEF7, lr;
	s5 =	simm.s32 $0xFFFFFFFF;
	p2 =	slt.u32 s8, $0xFFFFF086  }
0x1c: {  	p1 =	slt.u32 s9, $0xF7A;
	s5 =	simm.s32 @!p2 $0x0  }
0x1d: {  	s5 =	simm.s32 @p1 $0x1;
	p0 =	seq.s32 s7, s2  }
0x1e: {  	s7 =	smul.u32 @!p0 $0xF7A, s2;
	p2 =	seq.s32 @!p0 s5, $0x0  }
0x1f: {  	s9 =	smul.u32 $0xF7A, s1;
	s8 =	simm.s32 @!p0 $0x1BF5;
	p2 =	por !p2, p0  }
0x20: {  	[sflag:s8] =	ssyncset.s32 @!p0 $0xFFFFF086;
	s6 =	sadd.s32 @!p0 s3, s7;
	s7 =	simm.s32 @!p0 $0x108  }
0x21: {  	s3 =	sadd.s32 s3, s9;
	s6 =	sadd.s32 @!p0 $0x88, s6;
	s7 =	simm.s32 @p2 $0x1082  }
0x22: {  	[simem:s7], [sflag:s8] =	dma.local @!p0 [hbm:s6], $0xF7A  }
0x23: {  	s9 =	sor.u32 $0xD0000000, s2;
	s6 =	simm.s32 $0x108;
	_ =	swait.ge @!p0 [sflag:s8], $0x0  }
0x24: {  	s3 =	sadd.s32 $0x88, s3;
	s6 =	simm.s32 @!p1 $0x1082;
	[sflag:s4] =	ssyncset.s32 $0xFFFFF086  }
0x25: {  	[simem:s6], [sflag:s4] =	dma.local [hbm:s3], $0xF7A  }
0x26: {  	[smem:$0x3F99] =	sst s1;
	(tag) =	ssettag s2;
	_ =	strace s9  }
0x27: {  	s1 =	sld [smem:$0x3FA9]  }
0x28: {  	s2 =	sld [smem:$0x3FAA]  }
0x29: {  	s4 =	sld [smem:$0x3FAC]  }
0x2a: {  	p0 =	seq.s32 s5, $0x0;
	s5 =	sld [smem:$0x3FAD]  }
0x2b: {  	s6 =	sld [smem:$0x3FAE]  }
0x2c: {  	s7 =	sld [smem:$0x3FAF]  }
0x2d: {  	s3 =	simm.s32 $0x108;
	s8 =	sld [smem:$0x3FB0]  }
0x2e: {  	s3 =	simm.s32 @!p0 $0x1082;
	s9 =	sld [smem:$0x3FB1]  }
0x2f: {  	lr =	sadd.s32 s0, s3;
	s0 =	sld [smem:$0x3FA8]  }
0x30: {  	s3 =	sld [smem:$0x3FAB]  }
0x31: {  	[smem:$0x3FB4] =	sst s10  }
0x32: {  	s10 =	sld [smem:$0x3FB2];
	_ =	sdelay $0x3  }
0x33: {  	p0 =	seq.s32 s10, $0x1;
	s10 =	sld [smem:$0x3FB4];
	_ =	sdelay $0x3  }
0x34: {  	[smem:$0x3FB4] =	sst s10  }
0x35: {  	s10 =	sld [smem:$0x3FB3];
	_ =	sdelay $0x3  }
0x36: {  	p1 =	seq.s32 s10, $0x1;
	s10 =	sld [smem:$0x3FB4];
	_ =	sdelay $0x3  }
0x37: {  	[smem:$0x3FB4] =	sst s10  }
0x38: {  	s10 =	sld [smem:$0x3FB5]  }
0x39: {  	_ = 	snop;
	(pc) =	sbr.ind lr, $3  }
0x3a: {  	_ = 	snop  }
0x3b: {  	_ = 	snop  }
0x3c: {  	p2 =	seq.s32 s10, $0x1;
	s10 =	sld [smem:$0x3FB4]  }
0x3d: {  	_ =	shalt  }
0x3e: {  	_ =	shalt  }
0x3f: {  	_ =	shalt  }
0x40: {  	_ =	shalt  }
0x41: {  	_ =	shalt  }
0x42: {  	_ =	shalt  }
0x43: {  	_ =	shalt  }
0x44: {  	_ =	shalt  }
0x45: {  	_ =	shalt  }
0x46: {  	_ =	shalt  }
0x47: {  	_ =	shalt  }
0x48: {  	_ =	shalt  }
0x49: {  	_ =	shalt  }
0x4a: {  	_ =	shalt  }
0x4b: {  	_ =	shalt  }
0x4c: {  	_ =	shalt  }
0x4d: {  	_ =	shalt  }
0x4e: {  	_ =	shalt  }
0x4f: {  	_ =	shalt  }
0x50: {  	_ =	shalt  }
0x51: {  	_ =	shalt  }
0x52: {  	_ =	shalt  }
0x53: {  	_ =	shalt  }
0x54: {  	_ =	shalt  }
0x55: {  	_ =	shalt  }
0x56: {  	_ =	shalt  }
0x57: {  	_ =	shalt  }
0x58: {  	_ =	shalt  }
0x59: {  	_ =	shalt  }
0x5a: {  	_ =	shalt  }
0x5b: {  	_ =	shalt  }
0x5c: {  	_ =	shalt  }
0x5d: {  	_ =	shalt  }
0x5e: {  	_ =	shalt  }
0x5f: {  	_ =	shalt  }
0x60: {  	_ =	shalt  }
0x61: {  	_ =	shalt  }
0x62: {  	_ =	shalt  }
0x63: {  	_ =	shalt  }
0x64: {  	_ =	shalt  }
0x65: {  	_ =	shalt  }
0x66: {  	_ =	shalt  }
0x67: {  	_ =	shalt  }
0x68: {  	_ =	shalt  }
0x69: {  	_ =	shalt  }
0x6a: {  	_ =	shalt  }
0x6b: {  	_ =	shalt  }
0x6c: {  	_ =	shalt  }
0x6d: {  	_ =	shalt  }
0x6e: {  	_ =	shalt  }
0x6f: {  	_ =	shalt  }
0x70: {  	_ =	shalt  }
0x71: {  	_ =	shalt  }
0x72: {  	_ =	shalt  }
0x73: {  	_ =	shalt  }
0x74: {  	_ =	shalt  }
0x75: {  	_ =	shalt  }
0x76: {  	_ =	shalt  }
0x77: {  	_ =	shalt  }
0x78: {  	_ =	shalt  }
0x79: {  	_ =	shalt  }
0x7a: {  	_ =	shalt  }
0x7b: {  	_ =	shalt  }
0x7c: {  	_ =	shalt  }
0x7d: {  	_ =	shalt  }
0x7e: {  	_ =	shalt  }
0x7f: {  	_ =	shalt  }
0x80: {  	_ =	shalt  }
0x81: {  	_ =	shalt  }
0x82: {  	_ =	shalt  }
0x83: {  	_ =	shalt  }
0x84: {  	_ =	shalt  }
0x85: {  	_ =	shalt  }
0x86: {  	_ =	shalt  }
0x87: {  	_ =	shalt  }
.Lfunc_end0:
.L_simem_size_0:
called_computation_lowered:
.L_overlay_start_0:
0x88: {  	s2 =	sld [smem:$0x3FD9]  }
0x89: {  	s3 =	sld [smem:$0x3FFE];
	_ =	sdelay $0x1  }
0x8a: {  	s1 =	srdreg.scid  }
0x8b: {  	s0 =	sand.u32 $0x1, s1  }
0x8c: {  	s17 =	sshll.u32 s0, $0xA;
	s2 =	sadd.s32 s3, s2  }
0x8d: {  	s2 =	sadd.s32 s2, s17  }
0x8e: {  	[smem:$0x3FC0] =	sst s2  }
0x8f: {  	_ = 	snop  }
0x90: {  	s2 =	sld [smem:$0x3FD0];
	(tm) =	ssettm $0x1  }
0x91: {  	s18 =	sld [smem:$0x3FFB];
	_ =	sdelay $0x3  }
0x92: {  	_ =	strace s18  }
0x93: {  	s3 =	sld [smem:$0x3FFC];
	_ =	sdelay $0x3  }
0x94: {  	_ =	strace s3  }
0x95: {  	s3 =	sld [smem:$0x3FFD];
	_ =	sdelay $0x3  }
0x96: {  	_ =	strace s3  }
0x97: {  	_ =	strace $0x8FFFFFFF  }
0x98: {  	s19 =	sld [smem:$0x3FDB];
	_ =	sdelay $0x1  }
0x99: {  	s4 =	simm.s32 $_scs_section_size  }
0x9a: {  	s5 =	simm.s32 $_size__tile_overlayer_lowered;
	s6 =	simm.s32 $_tile_overlayer_lowered  }
0x9b: {  	s22 =	simm.s32 $0x1BFF;
	s21 =	sshll.u32 s6, $0x1;
	s3 =	sadd.s32 s4, s19  }
0x9c: {  	s7 =	simm.s32 $0x0;
	s20 =	sshll.u32 s5, $0x1;
	s5 =	sadd.s32 s21, s3  }
0x9d: {  	[timem:s7], [sflag:s22] =	dma.local [hbm:s5], s20  }
0x9e: {  	_ =	swait.ge [sflag:s22], s20  }
0x9f: {  	s4 =	ssub.s32 $0x0, s20;
	[sflag:s22] =	ssyncset.done $0x0  }
0xa0: {  	[sflag:s22] =	ssyncadd.s32 s4;
	_ =	sdelay $0x1  }
0xa1: {  	s23 =	simm.s32 $0x1B8B  }
0xa2: {  	_ =	swait.ge [sflag:s23], $0x1  }
0xa3: {  	[sflag:s23] =	ssyncset.done $0x0  }
0xa4: {  	s25 =	simm.s32 $0x1B8E;
	s24 =	sld [smem:$0x3FFE];
	[sflag:s23] =	ssyncadd.s32 $0xFFFFFFFF  }
0xa5: {  	s26 =	simm.s32 $execute0_lowered;
	[smem:$0x3FD2] =	sst s25  }
0xa6: {  	s5 =	sshll.u32 s26, $0x1;
	_ =	strace $0x80000046;
	[dreg:$0x1] =	wrdreg $0xFFFFFFFF  }
0xa7: {  	s28 =	simm.s32 $_size_execute0_lowered;
	s3 =	sadd.s32 s3, s5;
	[dreg:$0x0] =	wrdreg $0x0  }
0xa8: {  	s5 =	sshll.u32 s28, $0x1;
	[dreg:$0x2] =	wrdreg s3  }
0xa9: {  	[dreg:$0x3] =	wrdreg s5  }
0xaa: {  	[dreg:$0x4] =	wrdreg $0xC0  }
0xab: {  	_ =	task [dreg:s7], $0x5FFFF  }
0xac: {  	[dreg:$0x1] =	wrdreg $0xFFFFFFFF  }
0xad: {  	[dreg:$0x0] =	wrdreg $0x60  }
0xae: {  	[dreg:$0x2] =	wrdreg s2  }
0xaf: {  	[dreg:$0x3] =	wrdreg s24  }
0xb0: {  	[dreg:$0x4] =	wrdreg $0x190400  }
0xb1: {  	[dreg:$0x5] =	wrdreg $0x54000  }
0xb2: {  	[dreg:$0x6] =	wrdreg $0xF0400  }
0xb3: {  	[dreg:$0x7] =	wrdreg $0x9  }
0xb4: {  	_ =	task.clear_ibuf [dreg:s7], $0x8FFFF;
	_ =	strace $0x90000046  }
0xb5: {  	s29 =	simm.s32 $0x9;
	_ =	strace $0x80000048  }
0xb6: {  	_ =	swait.ge [sflag:s29], $0x1  }
0xb7: {  	[sflag:s29] =	ssyncadd.s32 $0xFFFFFFFF  }
0xb8: {  	_ =	strace $0x90000048  }
0xb9: {  	_ =	sfence  }
0xba: {  	s30 =	sld [smem:$0x0];
	_ =	sdelay $0x2  }
0xbb: {  	s31 =	sshll.u32 s1, $0xD;
	s1 =	sshrl.u32 s1, $0x2  }
0xbc: {  	s3 =	sand.u32 $0x4000, s31;
	s1 =	sadd.s32 s1, s30  }
0xbd: {  	s0 =	sor.u32 s3, s0;
	s1 =	sshll.u32 s1, $0x11  }
0xbe: {  	s0 =	sor.u32 s1, s0  }
0xbf: {  	s0 =	sadd.s32 $0x8F2B, s0  }
0xc0: {  	[sflag:s0] =	ssyncadd.remote.s32 $0x1  }
0xc1: {  	_ =	sfence.sel $0xFFFF  }
0xc2: {  	[dreg:$0x0] =	wrdreg $0xFFFFFFFF;
	(pc) =	sbr.abs _section_cstart, $3  }
0xc3: {  	[dreg:$0x1] =	wrdreg $0xFFFFFFFF  }
0xc4: {  	_ =	task.clear_ibuf [dreg:s7], $0x2FFFF;
	_ =	strace $0x9FFFFFFF  }
0xc5: {  	(tm) =	ssettm $0x7FFFFFFF  }
tec
execute0_lowered:
.L_overlay_start_1:
0x0: {  	(tag) =	ssettag $0x1  }
0x1: {  	s0 =	rddreg [dreg:$0x0]  }
0x2: {  	s2 =	rddreg [dreg:$0x1]  }
0x3: {  	s1 =	rddreg [dreg:$0x2]  }
0x4: {  	s3 =	rddreg [dreg:$0x3];
	s18 =	stileid.u32  }
0x5: {  	s4 =	rddreg [dreg:$0x4];
	s5 =	simm.s32 $0x0;
	s6 =	smul.u32 $0xA000, s18  }
0x6: {  	s10 =	srdreg.scid;
	s29 =	simm.s32 $0x5000;
	s7 =	smul.u32 $0x2800, s18  }
0x7: {  	s30 =	simm.s32 $0x4;
	s31 =	simm.s32 $0x800;
	s16 =	smul.u32 $0x9C40, s18  }
0x8: {  	[smem:$0x7FF] =	sst s5;
	s8 =	sadd.s32 $0x50000, s2;
	s24 =	smul.u32 $0x28000, s18  }
0x9: {  	s10 =	sand.u32 $0x1, s10;
	s17 =	smul.u32 $0x5000, s18;
	s28 =	sadd.s32 $0x96000, s4  }
0xa: {  	_ =	strace $0x80000047;
	s23 =	ssub.s32 $0x2, s10;
	s13 =	smul.u32 $0x9C400, s10  }
0xb: {  	p0 =	sne.s32 s10, $0x0;
	s9 =	sshrl.u32 s6, $0x3;
	s22 =	sshrl.u32 s7, $0x3  }
0xc: {  	s14 =	sshrl.u32 s23, $0x1;
	s15 =	sshrl.u32 s6, $0x2;
	s25 =	sshrl.u32 s24, $0x2  }
0xd: {  	s19 =	sshrl.u32 s17, $0x3;
	s24 =	sadd.s32 $0xBAE00, s2;
	p3 =	seq.s32 @p0 s18, $0xF  }
0xe: {  	p4 =	seq.s32 @!p0 s18, $0xF;
	s11 =	sadd.s32 s9, s2;
	s12 =	sadd.s32 s22, s2  }
0xf: {  	s14 =	ssub.s32 s23, s14;
	s22 =	sadd.s32 s15, s1;
	s13 =	sadd.s32 s16, s13  }
0x10: {  	s9 =	sadd.s32 s6, s4;
	s21 =	sadd.s32 s8, s19;
	[dreg:$0xf] =	wrdreg s24  }
0x11: {  	s26 =	sadd.s32 s25, s4;
	s25 =	smul.u32 $0xA00, s18;
	[dreg:$0xd] =	wrdreg s21  }
0x12: {  	s6 =	sadd.s32 s7, s1;
	s15 =	sadd.s32 $0x400, s22;
	[dreg:$0x6] =	wrdreg s22  }
0x13: {  	s19 =	sadd.s32 $0xCE800, s2;
	s20 =	sadd.s32 $0x6000, s26;
	[dreg:$0x7] =	wrdreg s15  }
0x14: {  	p1 =	por !p3, !p0;
	s23 =	sadd.s32 $0xA8200, s11;
	[dreg:$0xb] =	wrdreg s20  }
0x15: {  	s21 =	smax.u32 s14, $0x1;
	s14 =	sadd.s32 $0x1000, s22;
	[dreg:$0xe] =	wrdreg s23  }
0x16: {  	p2 =	por !p4, p0;
	s17 =	sadd.s32 $0x1C00, s22;
	[dreg:$0x14] =	wrdreg s14  }
0x17: {  	s13 =	sshrl.u32 s13, $0x3;
	s18 =	sadd.s32 $0x2000, s22;
	[dreg:$0x17] =	wrdreg s17  }
0x18: {  	p3 =	por p3, !p0;
	s0 =	sadd.s32 s0, s13;
	[dreg:$0x18] =	wrdreg s18  }
0x19: {  	p4 =	por p4, p0;
	s13 =	sadd.s32 $0x2000, s26;
	[dreg:$0x8] =	wrdreg s0  }
0x1a: {  	s15 =	sadd.s32 s16, s3;
	s16 =	sadd.s32 $0x4000, s26;
	[dreg:$0x9] =	wrdreg s13  }
0x1b: {  	s7 =	simm.s32 $0x80;
	[dreg:$0xa] =	wrdreg s16;
	s0 =	sadd.s32 $0x8000, s26  }
0x1c: {  	s20 =	sadd.s32 $0xD4100, s2;
	s26 =	sadd.s32 $0xBBC00, s11;
	[dreg:$0xc] =	wrdreg s0  }
0x1d: {  	s2 =	sadd.s32 $0x25800, s1;
	s11 =	sadd.s32 $0xCF600, s12;
	[dreg:$0x10] =	wrdreg s26  }
0x1e: {  	s23 =	sshrl.u32 s15, $0x3;
	s12 =	sadd.s32 $0x800, s22;
	[dreg:$0x11] =	wrdreg s11  }
0x1f: {  	s24 =	sshrl.u32 @!p2 s2, $0x3;
	s13 =	sadd.s32 $0xC00, s22;
	[dreg:$0x12] =	wrdreg s12  }
.Ltmp0:
0x20: {  	s15 =	sadd.s32 $0x1400, s22;
	[dreg:$0x13] =	wrdreg s13;
	(pc) =	sbr.rel .LBB2_1-.Ltmp0, $4  }
0x21: {  	s16 =	sadd.s32 $0x1800, s22;
	s2 =	simm.s32 $0x2800;
	[dreg:$0x15] =	wrdreg s15  }
0x22: {  	s0 =	sadd.s32 s25, s8;
	s25 =	sshrl.u32 @!p4 s6, $0x3;
	[dreg:$0x16] =	wrdreg s16  }
0x23: {  	s26 =	sadd.s32 $0x2400, s22;
	s6 =	simm.s32 $0x3;
	s11 =	sadd.s32 $0x40, s0  }
0x24: {  	v0 =	vimm.f32 $0.0e+00;
	v1 =	vimm.f32 $1.000000000e+00;
	[dreg:$0x19] =	wrdreg s26;
	s0 =	simm.s32 $0x2;
	s26 =	simm.s32 $0x1  }
.LBB2_12:
0x25: {  	_ =	swait.ge [sflag:s6], $0x2000  }
0x26: {  	[sflag:s6] =	ssyncset.done $0x0  }
0x27: {  	[sflag:s6] =	ssyncadd.s32 $0xFFFFE000  }
0x28: {  	[bflag:$0x0] =	sbarrier.arrive $0xFFFF  }
0x29: {  	s8 =	sshrl.u32 @!p1 s28, $0x3;
	s12 =	rddreg [dreg:$0xf]  }
0x2a: {  	[hbm:s12], [sflag:s10] =	dma.local @!p1 [spmem:s8], $0xC80  }
0x2b: {  	s8 =	simm.s32 @!p1 $0x4  }
0x2c: {  	_ =	swait.ge @!p1 [sflag:s8], $0xC80  }
0x2d: {  	[sflag:s8] =	ssyncset.done @!p1 $0x0  }
0x2e: {  	s12 =	rddreg [dreg:$0xe];
	[sflag:s8] =	ssyncadd.s32 @!p1 $0xFFFFF380;
	s8 =	sshrl.u32 @!p3 s9, $0x3  }
0x2f: {  	[hbm:s12], [sflag:s10] =	dma.local @!p3 [spmem:s8], $0x1400  }
0x30: {  	s8 =	simm.s32 @!p3 $0x4  }
0x31: {  	_ =	swait.ge @!p3 [sflag:s8], $0x1400  }
0x32: {  	[sflag:s8] =	ssyncset.done @!p3 $0x0  }
0x33: {  	[sflag:s8] =	ssyncadd.s32 @!p3 $0xFFFFEC00;
	s8 =	sshrl.u32 @!p2 s28, $0x3  }
0x34: {  	[hbm:s19], [sflag:s10] =	dma.local @!p2 [spmem:s8], $0xC80  }
0x35: {  	s8 =	simm.s32 @!p2 $0x4  }
0x36: {  	_ =	swait.ge @!p2 [sflag:s8], $0xC80  }
0x37: {  	[sflag:s8] =	ssyncset.done @!p2 $0x0  }
0x38: {  	[sflag:s8] =	ssyncadd.s32 @!p2 $0xFFFFF380  }
0x39: {  	[hbm:s20], [sflag:s10] =	dma.local @!p2 [spmem:s24], $0x320  }
0x3a: {  	_ =	swait.ge @!p2 [sflag:s8], $0x320  }
0x3b: {  	[sflag:s8] =	ssyncset.done @!p2 $0x0  }
0x3c: {  	s12 =	rddreg [dreg:$0x10];
	[sflag:s8] =	ssyncadd.s32 @!p2 $0xFFFFFCE0;
	s8 =	sshrl.u32 @!p4 s9, $0x3  }
0x3d: {  	[hbm:s12], [sflag:s10] =	dma.local @!p4 [spmem:s8], $0x1400  }
0x3e: {  	s8 =	simm.s32 @!p4 $0x4  }
0x3f: {  	s5 =	sadd.s32 $0x1, s5;
	_ =	swait.ge @!p4 [sflag:s8], $0x1400  }
0x40: {  	p5 =	sne.s32 s5, s21;
	[sflag:s8] =	ssyncset.done @!p4 $0x0  }
.Ltmp1:
0x41: {  	s12 =	rddreg [dreg:$0x11];
	[sflag:s8] =	ssyncadd.s32 @!p4 $0xFFFFEC00;
	(pc) =	sbr.rel @!p5 .LBB2_13-.Ltmp1, $4  }
0x42: {  	[hbm:s12], [sflag:s10] =	dma.local @!p4 [spmem:s25], $0x500  }
0x43: {  	_ =	swait.ge @!p4 [sflag:s8], $0x500  }
0x44: {  	[sflag:s8] =	ssyncset.done @!p4 $0x0  }
0x45: {  	[sflag:s8] =	ssyncadd.s32 @!p4 $0xFFFFFB00  }
.LBB2_1:
0x46: {  	s8 =	simm.s32 $0x820  }
0x47: {  	[tilespmem:s8+$0x0] =	vst v0  }
0x48: {  	[tilespmem:s8+$0xFFFFFFE0] =	vst v0  }
0x49: {  	[tilespmem:s8+$0x10] =	vst v0  }
0x4a: {  	s10 =	simm.s32 $0x40;
	s12 =	simm.s32 $0x0;
	[tilespmem:s8+$0xFFFFFFF0] =	vst v0  }
.LBB2_2:
0x4b: {  	p5 =	sne.s32 s10, $0x1FC0  }
0x4c: {  	[tilespmem:s12+$0x4800] =	vst v1;
	s8 =	sadd.s32 $0x40, s8;
	s12 =	smov.u32 s10;
	s10 =	sadd.s32 $0x40, s10  }
.Ltmp2:
0x4d: {  	[tilespmem:s8+$0x0] =	vst v0;
	(pc) =	sbr.rel @p5 .LBB2_2-.Ltmp2, $4  }
0x4e: {  	_ = 	snop  }
0x4f: {  	[tilespmem:s8+$0xFFFFFFE0] =	vst v0  }
0x50: {  	[tilespmem:s8+$0x10] =	vst v0  }
0x51: {  	s12 =	sshra.s32 s12, $0x2;
	[tilespmem:s8+$0xFFFFFFF0] =	vst v0  }
.Ltmp3:
0x52: {  	(pc) =	sbr.rel @p0 .LBB2_7-.Ltmp3, $2  }
0x53: {  	_ =	sdelay $0x2  }
0x54: {  	[tilespmem:s12+$0x4800] =	vst v1;
	s8 =	simm.s32 $0x0  }
0x55: {  	s10 =	simm.s32 $0x40;
	s12 =	simm.s32 $0x0  }
.LBB2_5:
0x56: {  	p5 =	sne.s32 s10, $0xFC0;
	[tilespmem:s12+$0x5000] =	vst v0;
	s12 =	smov.u32 s10;
	s10 =	sadd.s32 $0x40, s10  }
.Ltmp4:
0x57: {  	(pc) =	sbr.rel @p5 .LBB2_5-.Ltmp4, $2  }
0x58: {  	_ =	sdelay $0x2  }
0x59: {  	s12 =	sshra.s32 s12, $0x2  }
0x5a: {  	[tilespmem:s12+$0x5000] =	vst v0;
	s10 =	rddreg [dreg:$0x6]  }
0x5b: {  	[spmem:s10] =	stream.linear.scatter [tilespmem:s29], [sflag:$0x4], $0x400, $0x38;
	[tilespmem:$0x1B840] =	vst v63  }
0x5c: {  	_ =	swait.ge [sflag:s30], $0x400  }
0x5d: {  	[sflag:s30] =	ssyncset.done $0x0  }
0x5e: {  	s22 =	rddreg [dreg:$0x7];
	[sflag:s30] =	ssyncadd.s32 $0xFFFFFC00  }
0x5f: {  	[spmem:s22] =	stream.linear.scatter [tilespmem:s29], [sflag:$0x4], $0x400, $0x38;
	[tilespmem:$0x1B840] =	vst v63  }
0x60: {  	_ =	swait.ge [sflag:s30], $0x400  }
0x61: {  	[sflag:s30] =	ssyncset.done $0x0  }
0x62: {  	s12 =	rddreg [dreg:$0x12];
	[sflag:s30] =	ssyncadd.s32 $0xFFFFFC00  }
0x63: {  	[spmem:s12] =	stream.linear.scatter [tilespmem:s29], [sflag:$0x4], $0x400, $0x38;
	[tilespmem:$0x1B840] =	vst v63  }
0x64: {  	_ =	swait.ge [sflag:s30], $0x400  }
0x65: {  	[sflag:s30] =	ssyncset.done $0x0  }
0x66: {  	s13 =	rddreg [dreg:$0x13];
	[sflag:s30] =	ssyncadd.s32 $0xFFFFFC00  }
0x67: {  	[spmem:s13] =	stream.linear.scatter [tilespmem:s29], [sflag:$0x4], $0x400, $0x38;
	[tilespmem:$0x1B840] =	vst v63  }
0x68: {  	_ =	swait.ge [sflag:s30], $0x400  }
0x69: {  	[sflag:s30] =	ssyncset.done $0x0  }
0x6a: {  	s14 =	rddreg [dreg:$0x14];
	[sflag:s30] =	ssyncadd.s32 $0xFFFFFC00  }
0x6b: {  	[spmem:s14] =	stream.linear.scatter [tilespmem:s29], [sflag:$0x4], $0x400, $0x38;
	[tilespmem:$0x1B840] =	vst v63  }
0x6c: {  	_ =	swait.ge [sflag:s30], $0x400  }
0x6d: {  	[sflag:s30] =	ssyncset.done $0x0  }
0x6e: {  	s15 =	rddreg [dreg:$0x15];
	[sflag:s30] =	ssyncadd.s32 $0xFFFFFC00  }
0x6f: {  	[spmem:s15] =	stream.linear.scatter [tilespmem:s29], [sflag:$0x4], $0x400, $0x38;
	[tilespmem:$0x1B840] =	vst v63  }
0x70: {  	_ =	swait.ge [sflag:s30], $0x400  }
0x71: {  	[sflag:s30] =	ssyncset.done $0x0  }
0x72: {  	s16 =	rddreg [dreg:$0x16];
	[sflag:s30] =	ssyncadd.s32 $0xFFFFFC00  }
0x73: {  	[spmem:s16] =	stream.linear.scatter [tilespmem:s29], [sflag:$0x4], $0x400, $0x38;
	[tilespmem:$0x1B840] =	vst v63  }
0x74: {  	_ =	swait.ge [sflag:s30], $0x400  }
0x75: {  	[sflag:s30] =	ssyncset.done $0x0  }
0x76: {  	s17 =	rddreg [dreg:$0x17];
	[sflag:s30] =	ssyncadd.s32 $0xFFFFFC00  }
0x77: {  	[spmem:s17] =	stream.linear.scatter [tilespmem:s29], [sflag:$0x4], $0x400, $0x38;
	[tilespmem:$0x1B840] =	vst v63  }
0x78: {  	_ =	swait.ge [sflag:s30], $0x400  }
0x79: {  	[sflag:s30] =	ssyncset.done $0x0  }
0x7a: {  	s18 =	rddreg [dreg:$0x18];
	[sflag:s30] =	ssyncadd.s32 $0xFFFFFC00  }
0x7b: {  	[spmem:s18] =	stream.linear.scatter [tilespmem:s29], [sflag:$0x4], $0x400, $0x38;
	[tilespmem:$0x1B840] =	vst v63  }
0x7c: {  	_ =	swait.ge [sflag:s30], $0x400  }
0x7d: {  	[sflag:s30] =	ssyncset.done $0x0  }
0x7e: {  	s22 =	rddreg [dreg:$0x19];
	[sflag:s30] =	ssyncadd.s32 $0xFFFFFC00  }
0x7f: {  	[spmem:s22] =	stream.linear.scatter [tilespmem:s29], [sflag:$0x4], $0x400, $0x38;
	[tilespmem:$0x1B840] =	vst v63  }
0x80: {  	_ =	swait.ge [sflag:s30], $0x400  }
0x81: {  	[sflag:s30] =	ssyncset.done $0x0  }
0x82: {  	[sflag:s30] =	ssyncadd.s32 $0xFFFFFC00  }
.LBB2_7:
0x83: {  	s10 =	stileid.u32  }
0x84: {  	s10 =	sshll.u32 s10, $0x6  }
0x85: {  	s12 =	rddreg [dreg:$0x8];
	s10 =	sor.u32 $0x1C04, s10  }
0x86: {  	[spmem:s23], [sflag:s10] =	dma.local [hbm:s12], $0x1388  }
0x87: {  	_ =	swait.ge [sflag:s30], $0x1388  }
0x88: {  	[sflag:s30] =	ssyncset.done $0x0  }
0x89: {  	[sflag:s30] =	ssyncadd.s32 $0xFFFFEC78  }
0x8a: {  	[spmem:s9] =	stream.linear.scatter [tilespmem:s31], [sflag:$0x4], $0x2000, $0x38;
	[tilespmem:$0x1B840] =	vst v63  }
0x8b: {  	_ =	swait.ge [sflag:s30], $0x2000  }
0x8c: {  	[sflag:s30] =	ssyncset.done $0x0  }
0x8d: {  	s15 =	rddreg [dreg:$0x9];
	[sflag:s30] =	ssyncadd.s32 $0xFFFFE000  }
0x8e: {  	[spmem:s15] =	stream.linear.scatter [tilespmem:s31], [sflag:$0x4], $0x2000, $0x38;
	[tilespmem:$0x1B840] =	vst v63  }
0x8f: {  	_ =	swait.ge [sflag:s30], $0x2000  }
0x90: {  	[sflag:s30] =	ssyncset.done $0x0  }
0x91: {  	s16 =	rddreg [dreg:$0xa];
	[sflag:s30] =	ssyncadd.s32 $0xFFFFE000  }
0x92: {  	[spmem:s16] =	stream.linear.scatter [tilespmem:s31], [sflag:$0x4], $0x2000, $0x38;
	[tilespmem:$0x1B840] =	vst v63  }
0x93: {  	_ =	swait.ge [sflag:s30], $0x2000  }
0x94: {  	[sflag:s30] =	ssyncset.done $0x0  }
0x95: {  	s17 =	rddreg [dreg:$0xb];
	[sflag:s30] =	ssyncadd.s32 $0xFFFFE000  }
0x96: {  	[spmem:s17] =	stream.linear.scatter [tilespmem:s31], [sflag:$0x4], $0x2000, $0x38;
	[tilespmem:$0x1B840] =	vst v63  }
0x97: {  	_ =	swait.ge [sflag:s30], $0x2000  }
0x98: {  	[sflag:s30] =	ssyncset.done $0x0  }
0x99: {  	s18 =	rddreg [dreg:$0xc];
	[sflag:s30] =	ssyncadd.s32 $0xFFFFE000  }
0x9a: {  	[spmem:s18] =	stream.linear.scatter [tilespmem:s31], [sflag:$0x4], $0x2000, $0x38;
	[tilespmem:$0x1B840] =	vst v63  }
0x9b: {  	_ =	swait.ge [sflag:s30], $0x2000  }
0x9c: {  	[sflag:s30] =	ssyncset.done $0x0  }
0x9d: {  	s22 =	rddreg [dreg:$0xd];
	[sflag:s30] =	ssyncadd.s32 $0xFFFFE000  }
0x9e: {  	[tilespmem:s8], [sflag:$0x2] =	stream.linear.gather [hbm4b:s22+s8], $0x200, $0x38;
	[tilespmem:$0x1B840] =	vst v63  }
0x9f: {  	_ =	swait.ge [sflag:s0], $0x200  }
0xa0: {  	[sflag:s0] =	ssyncset.done $0x0  }
0xa1: {  	[sflag:s0] =	ssyncadd.s32 $0xFFFFFE00  }
0xa2: {  	v2 =	vld [tilespmem:$0x0];
	_ =	sdelay $0x1  }
0xa3: {  	v3 =	vld [tilespmem:$0x10];
	_ =	sdelay $0x1  }
0xa4: {  	v4 =	vld [tilespmem:$0x20]  }
0xa5: {  	v5 =	vshra.s32 v2, $0xE  }
0xa6: {  	v45 =	vld [tilespmem:$0x30];
	v2 =	vand.u32 $0x3FFF, v2;
	[tilespmem:$0x400] =	vst v5  }
0xa7: {  	[tilespmem:$0x0] =	vst v2;
	v2 =	vshra.s32 v3, $0xE  }
0xa8: {  	[tilespmem:$0x410] =	vst v2;
	v2 =	vand.u32 $0x3FFF, v3;
	v3 =	vld [tilespmem:$0x40]  }
0xa9: {  	[tilespmem:$0x10] =	vst v2;
	v2 =	vshra.s32 v4, $0xE  }
0xaa: {  	v46 =	vld [tilespmem:$0x50];
	[tilespmem:$0x420] =	vst v2;
	v2 =	vand.u32 $0x3FFF, v4  }
0xab: {  	[tilespmem:$0x20] =	vst v2;
	v2 =	vshra.s32 v45, $0xE  }
0xac: {  	v47 =	vld [tilespmem:$0x60];
	[tilespmem:$0x430] =	vst v2;
	v2 =	vand.u32 $0x3FFF, v45  }
0xad: {  	[tilespmem:$0x30] =	vst v2;
	v2 =	vshra.s32 v3, $0xE  }
0xae: {  	[tilespmem:$0x440] =	vst v2;
	v2 =	vand.u32 $0x3FFF, v3;
	v3 =	vld [tilespmem:$0x70]  }
0xaf: {  	[tilespmem:$0x40] =	vst v2;
	v2 =	vshra.s32 v46, $0xE  }
0xb0: {  	v48 =	vld [tilespmem:$0x80];
	[tilespmem:$0x450] =	vst v2;
	v2 =	vand.u32 $0x3FFF, v46  }
0xb1: {  	[tilespmem:$0x50] =	vst v2;
	v2 =	vshra.s32 v47, $0xE  }
0xb2: {  	v49 =	vld [tilespmem:$0x90];
	[tilespmem:$0x460] =	vst v2;
	v2 =	vand.u32 $0x3FFF, v47  }
0xb3: {  	[tilespmem:$0x60] =	vst v2;
	v2 =	vshra.s32 v3, $0xE  }
0xb4: {  	[tilespmem:$0x470] =	vst v2;
	v2 =	vand.u32 $0x3FFF, v3;
	v3 =	vld [tilespmem:$0xA0]  }
0xb5: {  	[tilespmem:$0x70] =	vst v2;
	v2 =	vshra.s32 v48, $0xE  }
0xb6: {  	v50 =	vld [tilespmem:$0xB0];
	[tilespmem:$0x480] =	vst v2;
	v2 =	vand.u32 $0x3FFF, v48  }
0xb7: {  	[tilespmem:$0x80] =	vst v2;
	v2 =	vshra.s32 v49, $0xE  }
0xb8: {  	v51 =	vld [tilespmem:$0xC0];
	[tilespmem:$0x490] =	vst v2;
	v2 =	vand.u32 $0x3FFF, v49  }
0xb9: {  	[tilespmem:$0x90] =	vst v2;
	v2 =	vshra.s32 v3, $0xE  }
0xba: {  	[tilespmem:$0x4A0] =	vst v2;
	v2 =	vand.u32 $0x3FFF, v3;
	v3 =	vld [tilespmem:$0xD0]  }
0xbb: {  	[tilespmem:$0xA0] =	vst v2;
	v2 =	vshra.s32 v50, $0xE  }
0xbc: {  	v52 =	vld [tilespmem:$0xE0];
	[tilespmem:$0x4B0] =	vst v2;
	v2 =	vand.u32 $0x3FFF, v50  }
0xbd: {  	[tilespmem:$0xB0] =	vst v2;
	v2 =	vshra.s32 v51, $0xE  }
0xbe: {  	v53 =	vld [tilespmem:$0xF0];
	[tilespmem:$0x4C0] =	vst v2;
	v2 =	vand.u32 $0x3FFF, v51  }
0xbf: {  	[tilespmem:$0xC0] =	vst v2;
	v2 =	vshra.s32 v3, $0xE  }
0xc0: {  	[tilespmem:$0x4D0] =	vst v2;
	v2 =	vand.u32 $0x3FFF, v3;
	v3 =	vld [tilespmem:$0x100]  }
0xc1: {  	[tilespmem:$0xD0] =	vst v2;
	v2 =	vshra.s32 v52, $0xE  }
0xc2: {  	v54 =	vld [tilespmem:$0x110];
	[tilespmem:$0x4E0] =	vst v2;
	v2 =	vand.u32 $0x3FFF, v52  }
0xc3: {  	[tilespmem:$0xE0] =	vst v2;
	v2 =	vshra.s32 v53, $0xE  }
0xc4: {  	v55 =	vld [tilespmem:$0x120];
	[tilespmem:$0x4F0] =	vst v2;
	v2 =	vand.u32 $0x3FFF, v53  }
0xc5: {  	[tilespmem:$0xF0] =	vst v2;
	v2 =	vshra.s32 v3, $0xE  }
0xc6: {  	[tilespmem:$0x500] =	vst v2;
	v2 =	vand.u32 $0x3FFF, v3;
	v3 =	vld [tilespmem:$0x130]  }
0xc7: {  	[tilespmem:$0x100] =	vst v2;
	v2 =	vshra.s32 v54, $0xE  }
0xc8: {  	v56 =	vld [tilespmem:$0x140];
	[tilespmem:$0x510] =	vst v2;
	v2 =	vand.u32 $0x3FFF, v54  }
0xc9: {  	[tilespmem:$0x110] =	vst v2;
	v2 =	vshra.s32 v55, $0xE  }
0xca: {  	v57 =	vld [tilespmem:$0x150];
	[tilespmem:$0x520] =	vst v2;
	v2 =	vand.u32 $0x3FFF, v55  }
0xcb: {  	[tilespmem:$0x120] =	vst v2;
	v2 =	vshra.s32 v3, $0xE  }
0xcc: {  	[tilespmem:$0x530] =	vst v2;
	v2 =	vand.u32 $0x3FFF, v3;
	v3 =	vld [tilespmem:$0x160]  }
0xcd: {  	[tilespmem:$0x130] =	vst v2;
	v2 =	vshra.s32 v56, $0xE  }
0xce: {  	v58 =	vld [tilespmem:$0x170];
	[tilespmem:$0x540] =	vst v2;
	v2 =	vand.u32 $0x3FFF, v56  }
0xcf: {  	[tilespmem:$0x140] =	vst v2;
	v2 =	vshra.s32 v57, $0xE  }
0xd0: {  	v59 =	vld [tilespmem:$0x180];
	[tilespmem:$0x550] =	vst v2;
	v2 =	vand.u32 $0x3FFF, v57  }
0xd1: {  	[tilespmem:$0x150] =	vst v2;
	v2 =	vshra.s32 v3, $0xE  }
0xd2: {  	[tilespmem:$0x560] =	vst v2;
	v2 =	vand.u32 $0x3FFF, v3;
	v3 =	vld [tilespmem:$0x190]  }
0xd3: {  	[tilespmem:$0x160] =	vst v2;
	v2 =	vshra.s32 v58, $0xE  }
0xd4: {  	v60 =	vld [tilespmem:$0x1A0];
	[tilespmem:$0x570] =	vst v2;
	v2 =	vand.u32 $0x3FFF, v58  }
0xd5: {  	[tilespmem:$0x170] =	vst v2;
	v2 =	vshra.s32 v59, $0xE  }
0xd6: {  	v61 =	vld [tilespmem:$0x1B0];
	[tilespmem:$0x580] =	vst v2;
	v2 =	vand.u32 $0x3FFF, v59  }
0xd7: {  	[tilespmem:$0x180] =	vst v2;
	v2 =	vshra.s32 v3, $0xE  }
0xd8: {  	[tilespmem:$0x590] =	vst v2;
	v2 =	vand.u32 $0x3FFF, v3;
	v3 =	vld [tilespmem:$0x1C0]  }
0xd9: {  	[tilespmem:$0x190] =	vst v2;
	v2 =	vshra.s32 v60, $0xE  }
0xda: {  	v62 =	vld [tilespmem:$0x1D0];
	[tilespmem:$0x5A0] =	vst v2;
	v2 =	vand.u32 $0x3FFF, v60  }
0xdb: {  	[tilespmem:$0x1A0] =	vst v2;
	v2 =	vshra.s32 v61, $0xE  }
0xdc: {  	v63 =	vld [tilespmem:$0x1E0];
	[tilespmem:$0x5B0] =	vst v2;
	v2 =	vand.u32 $0x3FFF, v61  }
0xdd: {  	[tilespmem:$0x1B0] =	vst v2;
	v2 =	vshra.s32 v3, $0xE  }
0xde: {  	[tilespmem:$0x5C0] =	vst v2;
	v2 =	vand.u32 $0x3FFF, v3;
	v3 =	vld [tilespmem:$0x1F0]  }
0xdf: {  	[tilespmem:$0x1C0] =	vst v2;
	v2 =	vshra.s32 v62, $0xE  }
0xe0: {  	[tilespmem:$0x5D0] =	vst v2;
	v2 =	vand.u32 $0x3FFF, v62  }
0xe1: {  	[tilespmem:$0x1D0] =	vst v2;
	v2 =	vshra.s32 v63, $0xE  }
0xe2: {  	[tilespmem:$0x5E0] =	vst v2;
	v2 =	vand.u32 $0x3FFF, v63  }
0xe3: {  	[tilespmem:$0x1E0] =	vst v2;
	v2 =	vshra.s32 v3, $0xE  }
0xe4: {  	[tilespmem:$0x5F0] =	vst v2;
	v2 =	vand.u32 $0x3FFF, v3  }
0xe5: {  	[tilespmem:$0x1F0] =	vst v2  }
0xe6: {  	s22 =	smov.u32 s11;
	[bflag:$0x0] =	sbarrier.arrive $0xFFFF  }
0xe7: {  	[tilespmem:s31], [sflag:$0x1] =	stream.indirect.gather [spmem:s3], $0x40, s8, s7, $0xb8;
	[tilespmem:$0x1B840] =	vst v63  }
.LBB2_8:
0xe8: {  	s12 =	sand.u32 $0x1, s8;
	p5 =	seq.s32 s8, $0x27  }
0xe9: {  	s13 =	sshll.u32 @!p5 s12, $0x9  }
0xea: {  	s14 =	simm.s32 @!p5 $0x0;
	s13 =	sxor.u32 @!p5 $0x200, s13  }
0xeb: {  	[tilespmem:s13], [sflag:$0x2] =	stream.linear.gather @!p5 [hbm4b:s22+s14], $0x200, $0x38;
	[tilespmem:$0x1B840] =	vst v63  }
0xec: {  	_ =	swait.ge [sflag:s26], $0x2000  }
0xed: {  	p6 =	seq.s32 s8, $0x0;
	[sflag:s26] =	ssyncset.done $0x0  }
0xee: {  	s13 =	simm.s32 @!p6 $0x3;
	[sflag:s26] =	ssyncadd.s32 $0xFFFFE000  }
0xef: {  	_ =	swait.ge @!p6 [sflag:s13], $0x2000  }
0xf0: {  	s12 =	sshll.u32 s12, $0x9;
	[sflag:s13] =	ssyncset.done @!p6 $0x0  }
0xf1: {  	s14 =	sor.u32 $0x400, s12;
	[sflag:s13] =	ssyncadd.s32 @!p6 $0xFFFFE000  }
0xf2: {  	[spmem:s4] =	stream.indirect.scatter.add.f32 [tilespmem:s31], [sflag:$0x3], $0x40, s14, s7, $0xb8;
	[tilespmem:$0x1B840] =	vst v63  }
0xf3: {  	s15 =	simm.s32 @!p0 $0x4800;
	s13 =	simm.s32 @!p0 $0x80  }
0xf4: {  	[spmem:s1] =	stream.indirect.scatter.add.f32 @!p0 [tilespmem:s15], [sflag:$0x4], $0x10, s14, s13, $0xb8;
	[tilespmem:$0x1B840] =	vst v63  }
0xf5: {  	s14 =	simm.s32 @!p0 $0x4  }
0xf6: {  	_ =	swait.ge @!p0 [sflag:s14], $0x800  }
0xf7: {  	[sflag:s14] =	ssyncset.done @!p0 $0x0  }
0xf8: {  	s16 =	sor.u32 $0x80, s12;
	[sflag:s14] =	ssyncadd.s32 @!p0 $0xFFFFF800  }
0xf9: {  	[tilespmem:s2], [sflag:$0x1] =	stream.indirect.gather [spmem:s3], $0x40, s16, s7, $0xb8;
	[tilespmem:$0x1B840] =	vst v63  }
0xfa: {  	_ =	swait.ge [sflag:s26], $0x2000  }
0xfb: {  	[sflag:s26] =	ssyncset.done $0x0  }
0xfc: {  	[sflag:s26] =	ssyncadd.s32 $0xFFFFE000  }
0xfd: {  	_ =	swait.ge [sflag:s6], $0x2000  }
0xfe: {  	[sflag:s6] =	ssyncset.done $0x0  }
0xff: {  	s16 =	sor.u32 $0x480, s12;
	[sflag:s6] =	ssyncadd.s32 $0xFFFFE000  }
0x100: {  	[spmem:s4] =	stream.indirect.scatter.add.f32 [tilespmem:s2], [sflag:$0x3], $0x40, s16, s7, $0xb8;
	[tilespmem:$0x1B840] =	vst v63  }
0x101: {  	_ = 	snop  }
0x102: {  	[spmem:s1] =	stream.indirect.scatter.add.f32 @!p0 [tilespmem:s15], [sflag:$0x4], $0x10, s16, s13, $0xb8;
	[tilespmem:$0x1B840] =	vst v63  }
0x103: {  	_ =	swait.ge @!p0 [sflag:s14], $0x800  }
0x104: {  	[sflag:s14] =	ssyncset.done @!p0 $0x0  }
0x105: {  	s18 =	sor.u32 $0x100, s12;
	[sflag:s14] =	ssyncadd.s32 @!p0 $0xFFFFF800  }
0x106: {  	[tilespmem:s31], [sflag:$0x1] =	stream.indirect.gather [spmem:s3], $0x40, s18, s7, $0xb8;
	[tilespmem:$0x1B840] =	vst v63  }
0x107: {  	_ =	swait.ge [sflag:s26], $0x2000  }
0x108: {  	[sflag:s26] =	ssyncset.done $0x0  }
0x109: {  	[sflag:s26] =	ssyncadd.s32 $0xFFFFE000  }
0x10a: {  	_ =	swait.ge [sflag:s6], $0x2000  }
0x10b: {  	[sflag:s6] =	ssyncset.done $0x0  }
0x10c: {  	s16 =	sor.u32 $0x500, s12;
	[sflag:s6] =	ssyncadd.s32 $0xFFFFE000  }
0x10d: {  	[spmem:s4] =	stream.indirect.scatter.add.f32 [tilespmem:s31], [sflag:$0x3], $0x40, s16, s7, $0xb8;
	[tilespmem:$0x1B840] =	vst v63  }
0x10e: {  	_ = 	snop  }
0x10f: {  	[spmem:s1] =	stream.indirect.scatter.add.f32 @!p0 [tilespmem:s15], [sflag:$0x4], $0x10, s16, s13, $0xb8;
	[tilespmem:$0x1B840] =	vst v63  }
.Ltmp5:
0x110: {  	_ = 	snop;
	(pc) =	sbr.rel @p5 .LBB2_10-.Ltmp5, $4  }
0x111: {  	_ =	swait.ge @!p0 [sflag:s14], $0x800  }
0x112: {  	[sflag:s14] =	ssyncset.done @!p0 $0x0  }
0x113: {  	s16 =	sor.u32 $0x180, s12;
	[sflag:s14] =	ssyncadd.s32 @!p0 $0xFFFFF800  }
0x114: {  	[tilespmem:s2], [sflag:$0x1] =	stream.indirect.gather [spmem:s3], $0x40, s16, s7, $0xb8;
	[tilespmem:$0x1B840] =	vst v63  }
0x115: {  	_ =	swait.ge [sflag:s0], $0x200  }
0x116: {  	[sflag:s0] =	ssyncset.done $0x0  }
0x117: {  	s17 =	sxor.u32 $0x200, s12;
	[sflag:s0] =	ssyncadd.s32 $0xFFFFFE00  }
0x118: {  	v2 =	vld [tilespmem:s17+$0x0];
	_ =	sdelay $0x4  }
0x119: {  	v3 =	vshra.s32 v2, $0xE  }
0x11a: {  	v2 =	vand.u32 $0x3FFF, v2;
	[tilespmem:s17+$0x400] =	vst v3  }
0x11b: {  	[tilespmem:s17+$0x0] =	vst v2;
	s17 =	ssub.s32 $0x210, s12  }
0x11c: {  	v2 =	vld [tilespmem:s17+$0x0];
	_ =	sdelay $0x4  }
0x11d: {  	s18 =	ssub.s32 $0x610, s12;
	v3 =	vshra.s32 v2, $0xE  }
0x11e: {  	v2 =	vand.u32 $0x3FFF, v2;
	[tilespmem:s18+$0x0] =	vst v3  }
0x11f: {  	[tilespmem:s17+$0x0] =	vst v2;
	s17 =	ssub.s32 $0x220, s12  }
0x120: {  	v2 =	vld [tilespmem:s17+$0x0];
	_ =	sdelay $0x4  }
0x121: {  	s18 =	ssub.s32 $0x620, s12;
	v3 =	vshra.s32 v2, $0xE  }
0x122: {  	v2 =	vand.u32 $0x3FFF, v2;
	[tilespmem:s18+$0x0] =	vst v3  }
0x123: {  	[tilespmem:s17+$0x0] =	vst v2;
	s17 =	ssub.s32 $0x230, s12  }
0x124: {  	v2 =	vld [tilespmem:s17+$0x0];
	_ =	sdelay $0x4  }
0x125: {  	s18 =	ssub.s32 $0x630, s12;
	v3 =	vshra.s32 v2, $0xE  }
0x126: {  	v2 =	vand.u32 $0x3FFF, v2;
	[tilespmem:s18+$0x0] =	vst v3  }
0x127: {  	[tilespmem:s17+$0x0] =	vst v2;
	s17 =	ssub.s32 $0x240, s12  }
0x128: {  	v2 =	vld [tilespmem:s17+$0x0];
	_ =	sdelay $0x4  }
0x129: {  	s18 =	ssub.s32 $0x640, s12;
	v3 =	vshra.s32 v2, $0xE  }
0x12a: {  	v2 =	vand.u32 $0x3FFF, v2;
	[tilespmem:s18+$0x0] =	vst v3  }
0x12b: {  	[tilespmem:s17+$0x0] =	vst v2;
	s17 =	ssub.s32 $0x250, s12  }
0x12c: {  	v2 =	vld [tilespmem:s17+$0x0];
	_ =	sdelay $0x4  }
0x12d: {  	s18 =	ssub.s32 $0x650, s12;
	v3 =	vshra.s32 v2, $0xE  }
0x12e: {  	v2 =	vand.u32 $0x3FFF, v2;
	[tilespmem:s18+$0x0] =	vst v3  }
0x12f: {  	[tilespmem:s17+$0x0] =	vst v2;
	s17 =	ssub.s32 $0x260, s12  }
0x130: {  	v2 =	vld [tilespmem:s17+$0x0];
	_ =	sdelay $0x4  }
0x131: {  	s18 =	ssub.s32 $0x660, s12;
	v3 =	vshra.s32 v2, $0xE  }
0x132: {  	v2 =	vand.u32 $0x3FFF, v2;
	[tilespmem:s18+$0x0] =	vst v3  }
0x133: {  	[tilespmem:s17+$0x0] =	vst v2;
	s17 =	ssub.s32 $0x270, s12  }
0x134: {  	v2 =	vld [tilespmem:s17+$0x0];
	_ =	sdelay $0x4  }
0x135: {  	s18 =	ssub.s32 $0x670, s12;
	v3 =	vshra.s32 v2, $0xE  }
0x136: {  	v2 =	vand.u32 $0x3FFF, v2;
	[tilespmem:s18+$0x0] =	vst v3  }
0x137: {  	[tilespmem:s17+$0x0] =	vst v2;
	s17 =	ssub.s32 $0x280, s12  }
0x138: {  	v2 =	vld [tilespmem:s17+$0x0];
	_ =	sdelay $0x4  }
0x139: {  	s18 =	ssub.s32 $0x680, s12;
	v3 =	vshra.s32 v2, $0xE  }
0x13a: {  	v2 =	vand.u32 $0x3FFF, v2;
	[tilespmem:s18+$0x0] =	vst v3  }
0x13b: {  	[tilespmem:s17+$0x0] =	vst v2;
	s17 =	ssub.s32 $0x290, s12  }
0x13c: {  	v2 =	vld [tilespmem:s17+$0x0];
	_ =	sdelay $0x4  }
0x13d: {  	s18 =	ssub.s32 $0x690, s12;
	v3 =	vshra.s32 v2, $0xE  }
0x13e: {  	v2 =	vand.u32 $0x3FFF, v2;
	[tilespmem:s18+$0x0] =	vst v3  }
0x13f: {  	[tilespmem:s17+$0x0] =	vst v2;
	s17 =	ssub.s32 $0x2A0, s12  }
0x140: {  	v2 =	vld [tilespmem:s17+$0x0];
	_ =	sdelay $0x4  }
0x141: {  	s18 =	ssub.s32 $0x6A0, s12;
	v3 =	vshra.s32 v2, $0xE  }
0x142: {  	v2 =	vand.u32 $0x3FFF, v2;
	[tilespmem:s18+$0x0] =	vst v3  }
0x143: {  	[tilespmem:s17+$0x0] =	vst v2;
	s17 =	ssub.s32 $0x2B0, s12  }
0x144: {  	v2 =	vld [tilespmem:s17+$0x0];
	_ =	sdelay $0x4  }
0x145: {  	s18 =	ssub.s32 $0x6B0, s12;
	v3 =	vshra.s32 v2, $0xE  }
0x146: {  	v2 =	vand.u32 $0x3FFF, v2;
	[tilespmem:s18+$0x0] =	vst v3  }
0x147: {  	[tilespmem:s17+$0x0] =	vst v2;
	s17 =	ssub.s32 $0x2C0, s12  }
0x148: {  	v2 =	vld [tilespmem:s17+$0x0];
	_ =	sdelay $0x4  }
0x149: {  	s18 =	ssub.s32 $0x6C0, s12;
	v3 =	vshra.s32 v2, $0xE  }
0x14a: {  	v2 =	vand.u32 $0x3FFF, v2;
	[tilespmem:s18+$0x0] =	vst v3  }
0x14b: {  	[tilespmem:s17+$0x0] =	vst v2;
	s17 =	ssub.s32 $0x2D0, s12  }
0x14c: {  	v2 =	vld [tilespmem:s17+$0x0];
	_ =	sdelay $0x4  }
0x14d: {  	s18 =	ssub.s32 $0x6D0, s12;
	v3 =	vshra.s32 v2, $0xE  }
0x14e: {  	v2 =	vand.u32 $0x3FFF, v2;
	[tilespmem:s18+$0x0] =	vst v3  }
0x14f: {  	[tilespmem:s17+$0x0] =	vst v2;
	s17 =	ssub.s32 $0x2E0, s12  }
0x150: {  	v2 =	vld [tilespmem:s17+$0x0];
	_ =	sdelay $0x4  }
0x151: {  	s18 =	ssub.s32 $0x6E0, s12;
	v3 =	vshra.s32 v2, $0xE  }
0x152: {  	v2 =	vand.u32 $0x3FFF, v2;
	[tilespmem:s18+$0x0] =	vst v3  }
0x153: {  	[tilespmem:s17+$0x0] =	vst v2;
	s17 =	ssub.s32 $0x2F0, s12  }
0x154: {  	v2 =	vld [tilespmem:s17+$0x0];
	_ =	sdelay $0x4  }
0x155: {  	s18 =	ssub.s32 $0x6F0, s12;
	v3 =	vshra.s32 v2, $0xE  }
0x156: {  	v2 =	vand.u32 $0x3FFF, v2;
	[tilespmem:s18+$0x0] =	vst v3  }
0x157: {  	[tilespmem:s17+$0x0] =	vst v2;
	s17 =	ssub.s32 $0x300, s12  }
0x158: {  	v2 =	vld [tilespmem:s17+$0x0];
	_ =	sdelay $0x4  }
0x159: {  	s18 =	ssub.s32 $0x700, s12;
	v3 =	vshra.s32 v2, $0xE  }
0x15a: {  	v2 =	vand.u32 $0x3FFF, v2;
	[tilespmem:s18+$0x0] =	vst v3  }
0x15b: {  	[tilespmem:s17+$0x0] =	vst v2;
	s17 =	ssub.s32 $0x310, s12  }
0x15c: {  	v2 =	vld [tilespmem:s17+$0x0];
	_ =	sdelay $0x4  }
0x15d: {  	s18 =	ssub.s32 $0x710, s12;
	v3 =	vshra.s32 v2, $0xE  }
0x15e: {  	v2 =	vand.u32 $0x3FFF, v2;
	[tilespmem:s18+$0x0] =	vst v3  }
0x15f: {  	[tilespmem:s17+$0x0] =	vst v2;
	s17 =	ssub.s32 $0x320, s12  }
0x160: {  	v2 =	vld [tilespmem:s17+$0x0];
	_ =	sdelay $0x4  }
0x161: {  	s18 =	ssub.s32 $0x720, s12;
	v3 =	vshra.s32 v2, $0xE  }
0x162: {  	v2 =	vand.u32 $0x3FFF, v2;
	[tilespmem:s18+$0x0] =	vst v3  }
0x163: {  	[tilespmem:s17+$0x0] =	vst v2;
	s17 =	ssub.s32 $0x330, s12  }
0x164: {  	v2 =	vld [tilespmem:s17+$0x0];
	_ =	sdelay $0x4  }
0x165: {  	s18 =	ssub.s32 $0x730, s12;
	v3 =	vshra.s32 v2, $0xE  }
0x166: {  	v2 =	vand.u32 $0x3FFF, v2;
	[tilespmem:s18+$0x0] =	vst v3  }
0x167: {  	[tilespmem:s17+$0x0] =	vst v2;
	s17 =	ssub.s32 $0x340, s12  }
0x168: {  	v2 =	vld [tilespmem:s17+$0x0];
	_ =	sdelay $0x4  }
0x169: {  	s18 =	ssub.s32 $0x740, s12;
	v3 =	vshra.s32 v2, $0xE  }
0x16a: {  	v2 =	vand.u32 $0x3FFF, v2;
	[tilespmem:s18+$0x0] =	vst v3  }
0x16b: {  	[tilespmem:s17+$0x0] =	vst v2;
	s17 =	ssub.s32 $0x350, s12  }
0x16c: {  	v2 =	vld [tilespmem:s17+$0x0];
	_ =	sdelay $0x4  }
0x16d: {  	s18 =	ssub.s32 $0x750, s12;
	v3 =	vshra.s32 v2, $0xE  }
0x16e: {  	v2 =	vand.u32 $0x3FFF, v2;
	[tilespmem:s18+$0x0] =	vst v3  }
0x16f: {  	[tilespmem:s17+$0x0] =	vst v2;
	s17 =	ssub.s32 $0x360, s12  }
0x170: {  	v2 =	vld [tilespmem:s17+$0x0];
	_ =	sdelay $0x4  }
0x171: {  	s18 =	ssub.s32 $0x760, s12;
	v3 =	vshra.s32 v2, $0xE  }
0x172: {  	v2 =	vand.u32 $0x3FFF, v2;
	[tilespmem:s18+$0x0] =	vst v3  }
0x173: {  	[tilespmem:s17+$0x0] =	vst v2;
	s17 =	ssub.s32 $0x370, s12  }
0x174: {  	v2 =	vld [tilespmem:s17+$0x0];
	_ =	sdelay $0x4  }
0x175: {  	s18 =	ssub.s32 $0x770, s12;
	v3 =	vshra.s32 v2, $0xE  }
0x176: {  	v2 =	vand.u32 $0x3FFF, v2;
	[tilespmem:s18+$0x0] =	vst v3  }
0x177: {  	[tilespmem:s17+$0x0] =	vst v2;
	s17 =	ssub.s32 $0x380, s12  }
0x178: {  	v2 =	vld [tilespmem:s17+$0x0];
	_ =	sdelay $0x4  }
0x179: {  	s18 =	ssub.s32 $0x780, s12;
	v3 =	vshra.s32 v2, $0xE  }
0x17a: {  	v2 =	vand.u32 $0x3FFF, v2;
	[tilespmem:s18+$0x0] =	vst v3  }
0x17b: {  	[tilespmem:s17+$0x0] =	vst v2;
	s17 =	ssub.s32 $0x390, s12  }
0x17c: {  	v2 =	vld [tilespmem:s17+$0x0];
	_ =	sdelay $0x4  }
0x17d: {  	s18 =	ssub.s32 $0x790, s12;
	v3 =	vshra.s32 v2, $0xE  }
0x17e: {  	v2 =	vand.u32 $0x3FFF, v2;
	[tilespmem:s18+$0x0] =	vst v3  }
0x17f: {  	[tilespmem:s17+$0x0] =	vst v2;
	s17 =	ssub.s32 $0x3A0, s12  }
0x180: {  	v2 =	vld [tilespmem:s17+$0x0];
	_ =	sdelay $0x4  }
0x181: {  	s18 =	ssub.s32 $0x7A0, s12;
	v3 =	vshra.s32 v2, $0xE  }
0x182: {  	v2 =	vand.u32 $0x3FFF, v2;
	[tilespmem:s18+$0x0] =	vst v3  }
0x183: {  	[tilespmem:s17+$0x0] =	vst v2;
	s17 =	ssub.s32 $0x3B0, s12  }
0x184: {  	v2 =	vld [tilespmem:s17+$0x0];
	_ =	sdelay $0x4  }
0x185: {  	s18 =	ssub.s32 $0x7B0, s12;
	v3 =	vshra.s32 v2, $0xE  }
0x186: {  	v2 =	vand.u32 $0x3FFF, v2;
	[tilespmem:s18+$0x0] =	vst v3  }
0x187: {  	[tilespmem:s17+$0x0] =	vst v2;
	s17 =	ssub.s32 $0x3C0, s12  }
0x188: {  	v2 =	vld [tilespmem:s17+$0x0];
	_ =	sdelay $0x4  }
0x189: {  	s18 =	ssub.s32 $0x7C0, s12;
	v3 =	vshra.s32 v2, $0xE  }
0x18a: {  	v2 =	vand.u32 $0x3FFF, v2;
	[tilespmem:s18+$0x0] =	vst v3  }
0x18b: {  	[tilespmem:s17+$0x0] =	vst v2;
	s17 =	ssub.s32 $0x3D0, s12  }
0x18c: {  	v2 =	vld [tilespmem:s17+$0x0];
	_ =	sdelay $0x4  }
0x18d: {  	s18 =	ssub.s32 $0x7D0, s12;
	v3 =	vshra.s32 v2, $0xE  }
0x18e: {  	v2 =	vand.u32 $0x3FFF, v2;
	[tilespmem:s18+$0x0] =	vst v3  }
0x18f: {  	[tilespmem:s17+$0x0] =	vst v2;
	s17 =	ssub.s32 $0x3E0, s12  }
0x190: {  	v2 =	vld [tilespmem:s17+$0x0];
	_ =	sdelay $0x4  }
0x191: {  	s18 =	ssub.s32 $0x7E0, s12;
	v3 =	vshra.s32 v2, $0xE  }
0x192: {  	v2 =	vand.u32 $0x3FFF, v2;
	[tilespmem:s18+$0x0] =	vst v3  }
0x193: {  	[tilespmem:s17+$0x0] =	vst v2;
	s17 =	ssub.s32 $0x3F0, s12  }
0x194: {  	v2 =	vld [tilespmem:s17+$0x0];
	_ =	sdelay $0x4  }
0x195: {  	s18 =	ssub.s32 $0x7F0, s12;
	v3 =	vshra.s32 v2, $0xE  }
0x196: {  	v2 =	vand.u32 $0x3FFF, v2;
	[tilespmem:s18+$0x0] =	vst v3  }
0x197: {  	[tilespmem:s17+$0x0] =	vst v2  }
.LBB2_10:
0x198: {  	_ =	swait.ge [sflag:s26], $0x2000  }
0x199: {  	[sflag:s26] =	ssyncset.done $0x0  }
0x19a: {  	[sflag:s26] =	ssyncadd.s32 $0xFFFFE000  }
0x19b: {  	_ =	swait.ge [sflag:s6], $0x2000  }
0x19c: {  	[sflag:s6] =	ssyncset.done $0x0  }
0x19d: {  	s16 =	sor.u32 $0x400, s16;
	[sflag:s6] =	ssyncadd.s32 $0xFFFFE000  }
0x19e: {  	[spmem:s4] =	stream.indirect.scatter.add.f32 [tilespmem:s2], [sflag:$0x3], $0x40, s16, s7, $0xb8;
	[tilespmem:$0x1B840] =	vst v63  }
.Ltmp6:
0x19f: {  	_ = 	snop;
	(pc) =	sbr.rel @p5 .LBB2_12-.Ltmp6, $4  }
0x1a0: {  	[spmem:s1] =	stream.indirect.scatter.add.f32 @!p0 [tilespmem:s15], [sflag:$0x4], $0x10, s16, s13, $0xb8;
	[tilespmem:$0x1B840] =	vst v63  }
0x1a1: {  	_ =	swait.ge @!p0 [sflag:s14], $0x800  }
0x1a2: {  	[sflag:s14] =	ssyncset.done @!p0 $0x0  }
0x1a3: {  	[sflag:s14] =	ssyncadd.s32 @!p0 $0xFFFFF800  }
.Ltmp7:
0x1a4: {  	(pc) =	sbr.rel .LBB2_8-.Ltmp7, $3  }
0x1a5: {  	_ =	sdelay $0x1  }
0x1a6: {  	s12 =	sxor.u32 $0x200, s12;
	s8 =	sadd.s32 $0x1, s8;
	s22 =	sadd.s32 $0x40, s22  }
0x1a7: {  	[tilespmem:s31], [sflag:$0x1] =	stream.indirect.gather [spmem:s3], $0x40, s12, s7, $0xb8;
	[tilespmem:$0x1B840] =	vst v63  }
.LBB2_13:
0x1a8: {  	_ =	sfence.sel $0x180000  }
0x1a9: {  	[bflag:$0x0] =	sbarrier.arrive $0xFFFF  }
0x1aa: {  	_ =	strace $0x90000047  }
0x1ab: {  	s0 =	stileid.u32;
	[bflag:$0x2] =	sbarrier.arrive $0xFFFF  }
0x1ac: {  	p0 =	sne.s32 s0, $0x0;
	s0 =	rddreg [dreg:$0x5]  }
0x1ad: {  	s0 =	sadd.s32 @!p0 $0x100000, s0  }
0x1ae: {  	[sflag:s0] =	ssyncadd.tile.s32 @!p0 $0x1;
	_ =	shalt  }
.Lfunc_end2:
_tile_overlayer_lowered:
.L_overlay_start_2:
0x1af: {  	(tag) =	ssettag $0x2  }
0x1b0: {  	s0 =	rddreg [dreg:$0x0];
	s2 =	stileid.u32  }
0x1b1: {  	s1 =	rddreg [dreg:$0x1];
	p0 =	sne.s32 s2, $0x0  }
0x1b2: {  	s3 =	rddreg [dreg:$0x2];
	[bflag:$0x3] =	sbarrier.arrive $0xFFFF;
	s2 =	simm.s32 @!p0 $0x1C04  }
0x1b3: {  	[timem:s3], [sflag:s2] =	dma.local @!p0 [hbm:s0], s1  }
0x1b4: {  	s0 =	simm.s32 @!p0 $0x4  }
0x1b5: {  	_ =	swait.ge @!p0 [sflag:s0], s1  }
0x1b6: {  	s1 =	ssub.s32 @!p0 $0x0, s1;
	[sflag:s0] =	ssyncset.done @!p0 $0x0  }
0x1b7: {  	[sflag:s0] =	ssyncadd.s32 @!p0 s1  }
0x1b8: {  	[bflag:$0x3] =	sbarrier.arrive $0xFFFF  }
0x1b9: {  	_ =	shalt  }

</sc_bundles>
